<compile_context>
chip_gen: v7x
topology: tpu7x:2x2x1
jax: 0.10.2.dev20260603
libtpu: 0.0.44.dev20260713+nightly
codegen_flags: <defaults>
</compile_context>

<pallas_src>
import functools

import jax
import jax.numpy as jnp
from jax import lax
from jax.experimental import pallas as pl
from jax.experimental.pallas import tpu as pltpu
from jax.experimental.pallas import tpu_sc as plsc
from jax.experimental.layout import Layout, with_layout_constraint

BATCH = 16384
EMB = 16
WORD = 768
TROWS = 2_000_000
FIELD_OFFSET = 1_000_000

NC = 2
NS = 16
NW = NC * NS
BPW = BATCH // NW

_sc_mesh = plsc.VectorSubcoreMesh(core_axis_name="c", subcore_axis_name="s")


def _flat_emb_view(emb):
    x = emb.T.reshape(2, 8, TROWS // 128, 128)
    x = with_layout_constraint(
        x, Layout(major_to_minor=(0, 2, 1, 3), tiling=((8, 128),)))
    return x.transpose(0, 2, 1, 3).reshape(16 * TROWS)




@functools.partial(
    pl.kernel,
    out_type=jax.ShapeDtypeStruct((BATCH, 128), jnp.float32),
    mesh=_sc_mesh,
    compiler_params=pltpu.CompilerParams(use_tc_tiling_on_sc=False,
                                         needs_layout_passes=False),
    scratch_types=[
        pltpu.VMEM((2, BPW), jnp.int32),
        pltpu.VMEM((2, BPW * EMB), jnp.int32),
        pltpu.VMEM((2, BPW * EMB), jnp.float32),
        pltpu.VMEM((128,), jnp.int32),
        pltpu.VMEM((128, 128), jnp.float32),
        pltpu.VMEM((BPW, 128), jnp.float32),
        pltpu.SemaphoreType.DMA,
        pltpu.SemaphoreType.DMA,
    ],
)
def _sc_gather(idx_hbm, emb_flat, lin2d, out_hbm,
               idx_v, wv, rows, lridx, lrows, out_v, sem, sem2):
    wid = lax.axis_index("s") * NC + lax.axis_index("c")
    for f in range(2):
        pltpu.sync_copy(idx_hbm.at[f, wid], idx_v.at[f])

    iota16 = lax.iota(jnp.int32, 16)
    epat = [(e // 8) * (8 * TROWS) + (e % 8) * 128 for e in range(EMB)]

    def wbody(g, c):
        posbase = iota16 * EMB + g * (16 * EMB)
        for f in range(2):
            iv = idx_v[f, pl.ds(g * 16, 16)]
            base = (iv // 128) * 1024 + iv % 128
            for e in range(EMB):
                plsc.store_scatter(wv.at[f], [posbase + e], base + epat[e])
        return c

    lax.fori_loop(0, BPW // 16, wbody, 0)

    cps = [pltpu.async_copy(emb_flat.at[wv.at[f]], rows.at[f], sem)
           for f in range(2)]

    col32 = jnp.full((16,), 2 * EMB, jnp.int32)
    for f in range(2):
        for ch in range(BPW // 128):
            for g in range(8):
                iv = idx_v[f, pl.ds(ch * 128 + g * 16, 16)]
                plsc.store_scatter(lridx, [iota16 + g * 16], iv // 128)
            pltpu.async_copy(lin2d.at[lridx], lrows, sem2).wait()
            for g in range(8):
                iv = idx_v[f, pl.ds(ch * 128 + g * 16, 16)]
                lv = plsc.load_gather(lrows, [iota16 + g * 16, iv % 128])
                rws = iota16 + (ch * 128 + g * 16)
                if f == 0:
                    plsc.store_scatter(out_v, [rws, col32], lv)
                else:
                    plsc.addupdate_scatter(out_v, [rws, col32], lv)

    for c in cps:
        c.wait()

    def body(k, c):
        e1 = rows[0, pl.ds(k * EMB, EMB)]
        e2 = rows[1, pl.ds(k * EMB, EMB)]
        out_v[k, pl.ds(0, EMB)] = e1 + e2
        out_v[k, pl.ds(EMB, EMB)] = e1 * e1 + e2 * e2
        return c

    lax.fori_loop(0, BPW, body, 0)

    pltpu.sync_copy(out_v, out_hbm.at[pl.ds(wid * BPW, BPW)])


BB = 2048
BB2 = 2048


def _tc_text_body(u_ref, v_ref, w_ref, bt_ref, out_ref):
    w = w_ref[...]
    dn = (((1,), (1,)), ((), ()))
    t1 = lax.dot_general(u_ref[...], w, dn,
                         preferred_element_type=jnp.float32) + bt_ref[...]
    t2 = lax.dot_general(v_ref[...], w, dn,
                         preferred_element_type=jnp.float32) + bt_ref[...]
    out_ref[:, 0:EMB] = t1 + t2
    out_ref[:, EMB:2 * EMB] = t1 * t1 + t2 * t2


_tc_text = pl.pallas_call(
    _tc_text_body,
    grid=(BATCH // BB,),
    in_specs=[
        pl.BlockSpec((BB, WORD), lambda i: (i, 0)),
        pl.BlockSpec((BB, WORD), lambda i: (i, 0)),
        pl.BlockSpec((EMB, WORD), lambda i: (0, 0)),
        pl.BlockSpec((1, EMB), lambda i: (0, 0)),
    ],
    out_specs=pl.BlockSpec((BB, 128), lambda i: (i, 0)),
    out_shape=jax.ShapeDtypeStruct((BATCH, 128), jnp.float32),
)


def _tc_combine_body(sc_ref, tc_ref, bias_ref, out_ref):
    s = sc_ref[:, 0:EMB] + tc_ref[:, 0:EMB]
    q = sc_ref[:, EMB:2 * EMB] + tc_ref[:, EMB:2 * EMB]
    second = 0.5 * jnp.sum(s * s - q, axis=1, keepdims=True)
    out_ref[...] = second + sc_ref[:, 2 * EMB:2 * EMB + 1] + bias_ref[...]


_tc_combine = pl.pallas_call(
    _tc_combine_body,
    grid=(BATCH // BB2,),
    in_specs=[
        pl.BlockSpec((BB2, 128), lambda i: (i, 0)),
        pl.BlockSpec((BB2, 128), lambda i: (i, 0)),
        pl.BlockSpec((1, 1), lambda i: (0, 0)),
    ],
    out_specs=pl.BlockSpec((BB2, 1), lambda i: (i, 0)),
    out_shape=jax.ShapeDtypeStruct((BATCH, 1), jnp.float32),
)


def kernel(user_book_vector, user_text_vector, book_text_vector,
           emb_table, lin_table, lin_bias, W_text, b_text):
    offs = jnp.array([[0], [FIELD_OFFSET]], jnp.int32)
    idxs = (user_book_vector.T + offs).reshape(2, NW, BPW)

    emb_flat = _flat_emb_view(emb_table)

    lin2d = lin_table.reshape(TROWS // 128, 128)
    sc_fat = _sc_gather(idxs, emb_flat, lin2d)
    tc_fat = _tc_text(user_text_vector, book_text_vector, W_text,
                      b_text.reshape(1, EMB))
    out = _tc_combine(sc_fat, tc_fat, lin_bias.reshape(1, 1))
    return out.reshape(BATCH)

# --- scband reference (transcript-rebuilt; emitter-appended) ---
"""Pipeline reference for scband-text-fm-86440511799632 (READ-ONLY COPY).

The authoritative reference and input builder live on the scoring server;
editing this copy changes nothing except your own understanding.
"""

import jax, jax.numpy as jnp
import numpy as np

FIELD_DIMS = [1000000, 1000000]
TOTAL_ROWS = sum(FIELD_DIMS)
EMBED_DIM = 16
WORD_DIM = 768
BATCH = 16384
OFFSETS = np.array([0, 1000000], dtype=np.int32)


def setup_inputs(seed: int = 0) -> dict:
    key = jax.random.key(seed)
    ks = jax.random.split(key, 8)
    user_book_vector = jax.random.randint(ks[0], (BATCH, 2), 0, 1000000, dtype=jnp.int32)
    user_text_vector = jax.random.normal(ks[1], (BATCH, WORD_DIM), dtype=jnp.float32)
    book_text_vector = jax.random.normal(ks[2], (BATCH, WORD_DIM), dtype=jnp.float32)
    emb_table = jax.random.normal(ks[3], (TOTAL_ROWS, EMBED_DIM), dtype=jnp.float32) * 0.01
    lin_table = jax.random.normal(ks[4], (TOTAL_ROWS, 1), dtype=jnp.float32) * 0.01
    lin_bias = jnp.zeros((1,), dtype=jnp.float32)
    W_text = jax.random.normal(ks[5], (EMBED_DIM, WORD_DIM), dtype=jnp.float32) * (1.0 / np.sqrt(WORD_DIM))
    b_text = jnp.zeros((EMBED_DIM,), dtype=jnp.float32)
    return {
        'user_book_vector': user_book_vector,
        'user_text_vector': user_text_vector,
        'book_text_vector': book_text_vector,
        'emb_table': emb_table,
        'lin_table': lin_table,
        'lin_bias': lin_bias,
        'W_text': W_text,
        'b_text': b_text,
    }


def reference(user_book_vector, user_text_vector, book_text_vector, emb_table, lin_table, lin_bias, W_text, b_text):
    # FeaturesLinear: offset indices, gather scalar weights, sum over fields + bias
    idx = user_book_vector + jnp.asarray(OFFSETS)[None, :]  # [B, 2]
    first_order = jnp.sum(jnp.take(lin_table, idx, axis=0), axis=(1, 2)) + lin_bias[0]  # [B]
    # FeaturesEmbedding: gather embedding rows
    user_book_embedding = jnp.take(emb_table, idx, axis=0)  # [B, 2, E]
    # text_embedding: Linear(word_dim -> embed_dim)
    user_text_feature = user_text_vector @ W_text.T + b_text  # [B, E]
    item_text_feature = book_text_vector @ W_text.T + b_text  # [B, E]
    dense_feature = jnp.concatenate(
        [user_book_embedding, user_text_feature[:, None, :], item_text_feature[:, None, :]], axis=1
    )  # [B, 4, E]
    # FMLayer_Dense: 0.5 * sum((sum_f e)^2 - sum_f e^2, dim=embed)
    square_of_sum = jnp.square(jnp.sum(dense_feature, axis=1))  # [B, E]
    sum_of_square = jnp.sum(jnp.square(dense_feature), axis=1)  # [B, E]
    second_order = 0.5 * jnp.sum(square_of_sum - sum_of_square, axis=1)  # [B]
    return first_order + second_order

if __name__ == "__main__":
    import jax
    _d = setup_inputs()
    print(jax.jit(kernel)(*tuple(_d.values())))

</pallas_src>

<mosaic_0001>
#map = affine_map<(d0, d1) -> (0, 0, 0)>
#map1 = affine_map<(d0, d1) -> (0)>
#map2 = affine_map<(d0, d1) -> (0, 0)>
module attributes {stable_mosaic.version = 14 : i64} {
  func.func @_sc_gather(%arg0: i32, %arg1: i32, %arg2: memref<2x32x512xi32, #tpu.memory_space<hbm>>, %arg3: memref<32000000xf32, #tpu.memory_space<hbm>>, %arg4: memref<15625x128xf32, #tpu.memory_space<hbm>>, %arg5: memref<16384x128xf32, #tpu.memory_space<hbm>>, %arg6: memref<2x512xi32, #tpu.memory_space<vmem>>, %arg7: memref<2x8192xi32, #tpu.memory_space<vmem>>, %arg8: memref<2x8192xf32, #tpu.memory_space<vmem>>, %arg9: memref<128xi32, #tpu.memory_space<vmem>>, %arg10: memref<128x128xf32, #tpu.memory_space<vmem>>, %arg11: memref<512x128xf32, #tpu.memory_space<vmem>>, %arg12: memref<!tpu.dma_semaphore, #tpu.memory_space<semaphore_mem>>, %arg13: memref<!tpu.dma_semaphore, #tpu.memory_space<semaphore_mem>>) attributes {dimension_semantics = [#tpu.dimension_semantics<core_parallel>, #tpu.dimension_semantics<subcore_parallel>], iteration_bounds = array<i64: 2, 16>, scalar_prefetch = 0 : i64, scratch_operands = 8 : i64, tpu.core_type = #tpu.core_type<sc_vector_subcore>, window_params = [{transform_indices = #map}, {transform_indices = #map1}, {transform_indices = #map2}, {transform_indices = #map2}]} {
    %mul3A = arith.constant 2 : i32
    %mul3A_0 = arith.muli %arg1, %mul3A : i32
    %add3A = arith.addi %mul3A_0, %arg0 : i32
    %run_scoped3A = arith.constant 0 : i32
    %run_scoped3A_1 = arith.constant 0 : i32
    "tpu.region"() ({
      %run_scoped3A_4636 = tpu.sem_alloc : memref<!tpu.dma_semaphore, #tpu.memory_space<semaphore_mem>>
      %dma_start3A_4637 = arith.constant 0 : i32
      %dma_start3A_4638 = tpu.memref_slice %arg6[%run_scoped3A_1, %dma_start3A_4637] : memref<2x512xi32, #tpu.memory_space<vmem>> -> memref<1x512xi32, #tpu.memory_space<vmem>>
      %dma_start3A_4639 = tpu.memref_squeeze %dma_start3A_4638 : memref<1x512xi32, #tpu.memory_space<vmem>> -> memref<512xi32, #tpu.memory_space<vmem>>
      %dma_start3A_4640 = arith.constant 0 : i32
      %dma_start3A_4641 = tpu.memref_slice %arg2[%run_scoped3A, %add3A, %dma_start3A_4640] : memref<2x32x512xi32, #tpu.memory_space<hbm>> -> memref<1x1x512xi32, #tpu.memory_space<hbm>>
      %dma_start3A_4642 = tpu.memref_squeeze %dma_start3A_4641 : memref<1x1x512xi32, #tpu.memory_space<hbm>> -> memref<512xi32, #tpu.memory_space<hbm>>
      %dma_start3A_4643 = arith.constant 0 : i32
      %dma_start3A_4644 = tpu.memref_slice %arg6[%run_scoped3A_1, %dma_start3A_4643] : memref<2x512xi32, #tpu.memory_space<vmem>> -> memref<1x512xi32, #tpu.memory_space<vmem>>
      %dma_start3A_4645 = tpu.memref_squeeze %dma_start3A_4644 : memref<1x512xi32, #tpu.memory_space<vmem>> -> memref<512xi32, #tpu.memory_space<vmem>>
      %dma_start3A_4646 = arith.constant 0 : i32
      %dma_start3A_4647 = tpu.memref_slice %arg2[%run_scoped3A, %add3A, %dma_start3A_4646] : memref<2x32x512xi32, #tpu.memory_space<hbm>> -> memref<1x1x512xi32, #tpu.memory_space<hbm>>
      %dma_start3A_4648 = tpu.memref_squeeze %dma_start3A_4647 : memref<1x1x512xi32, #tpu.memory_space<hbm>> -> memref<512xi32, #tpu.memory_space<hbm>>
      tpu.enqueue_dma source(%dma_start3A_4648 : memref<512xi32, #tpu.memory_space<hbm>>) target(%dma_start3A_4645 : memref<512xi32, #tpu.memory_space<vmem>>) target_semaphore(%run_scoped3A_4636 : memref<!tpu.dma_semaphore, #tpu.memory_space<semaphore_mem>>)
      %dma_wait3A_4649 = arith.constant 0 : i32
      %dma_wait3A_4650 = tpu.memref_slice %arg6[%run_scoped3A_1, %dma_wait3A_4649] : memref<2x512xi32, #tpu.memory_space<vmem>> -> memref<1x512xi32, #tpu.memory_space<vmem>>
      %dma_wait3A_4651 = tpu.memref_squeeze %dma_wait3A_4650 : memref<1x512xi32, #tpu.memory_space<vmem>> -> memref<512xi32, #tpu.memory_space<vmem>>
      %dma_wait3A_4652 = arith.constant 0 : i32
      %dma_wait3A_4653 = tpu.memref_slice %arg2[%run_scoped3A, %add3A, %dma_wait3A_4652] : memref<2x32x512xi32, #tpu.memory_space<hbm>> -> memref<1x1x512xi32, #tpu.memory_space<hbm>>
      %dma_wait3A_4654 = tpu.memref_squeeze %dma_wait3A_4653 : memref<1x1x512xi32, #tpu.memory_space<hbm>> -> memref<512xi32, #tpu.memory_space<hbm>>
      %dma_wait3A_4655 = arith.constant 0 : i32
      %dma_wait3A_4656 = tpu.memref_slice %arg6[%run_scoped3A_1, %dma_wait3A_4655] : memref<2x512xi32, #tpu.memory_space<vmem>> -> memref<1x512xi32, #tpu.memory_space<vmem>>
      %dma_wait3A_4657 = tpu.memref_squeeze %dma_wait3A_4656 : memref<1x512xi32, #tpu.memory_space<vmem>> -> memref<512xi32, #tpu.memory_space<vmem>>
      %dma_wait3A_4658 = arith.constant 0 : i32
      %dma_wait3A_4659 = tpu.memref_slice %arg2[%run_scoped3A, %add3A, %dma_wait3A_4658] : memref<2x32x512xi32, #tpu.memory_space<hbm>> -> memref<1x1x512xi32, #tpu.memory_space<hbm>>
      %dma_wait3A_4660 = tpu.memref_squeeze %dma_wait3A_4659 : memref<1x1x512xi32, #tpu.memory_space<hbm>> -> memref<512xi32, #tpu.memory_space<hbm>>
      tpu.wait_dma2 semaphore(%run_scoped3A_4636 : memref<!tpu.dma_semaphore, #tpu.memory_space<semaphore_mem>>) src(%dma_wait3A_4660 : memref<512xi32, #tpu.memory_space<hbm>>) dst(%dma_wait3A_4657 : memref<512xi32, #tpu.memory_space<vmem>>)
      tpu.yield
    }) : () -> ()
    %run_scoped3A_2 = arith.constant 1 : i32
    %run_scoped3A_3 = arith.constant 1 : i32
    "tpu.region"() ({
      %run_scoped3A_4636 = tpu.sem_alloc : memref<!tpu.dma_semaphore, #tpu.memory_space<semaphore_mem>>
      %dma_start3A_4637 = arith.constant 0 : i32
      %dma_start3A_4638 = tpu.memref_slice %arg6[%run_scoped3A_3, %dma_start3A_4637] : memref<2x512xi32, #tpu.memory_space<vmem>> -> memref<1x512xi32, #tpu.memory_space<vmem>>
      %dma_start3A_4639 = tpu.memref_squeeze %dma_start3A_4638 : memref<1x512xi32, #tpu.memory_space<vmem>> -> memref<512xi32, #tpu.memory_space<vmem>>
      %dma_start3A_4640 = arith.constant 0 : i32
      %dma_start3A_4641 = tpu.memref_slice %arg2[%run_scoped3A_2, %add3A, %dma_start3A_4640] : memref<2x32x512xi32, #tpu.memory_space<hbm>> -> memref<1x1x512xi32, #tpu.memory_space<hbm>>
      %dma_start3A_4642 = tpu.memref_squeeze %dma_start3A_4641 : memref<1x1x512xi32, #tpu.memory_space<hbm>> -> memref<512xi32, #tpu.memory_space<hbm>>
      %dma_start3A_4643 = arith.constant 0 : i32
      %dma_start3A_4644 = tpu.memref_slice %arg6[%run_scoped3A_3, %dma_start3A_4643] : memref<2x512xi32, #tpu.memory_space<vmem>> -> memref<1x512xi32, #tpu.memory_space<vmem>>
      %dma_start3A_4645 = tpu.memref_squeeze %dma_start3A_4644 : memref<1x512xi32, #tpu.memory_space<vmem>> -> memref<512xi32, #tpu.memory_space<vmem>>
      %dma_start3A_4646 = arith.constant 0 : i32
      %dma_start3A_4647 = tpu.memref_slice %arg2[%run_scoped3A_2, %add3A, %dma_start3A_4646] : memref<2x32x512xi32, #tpu.memory_space<hbm>> -> memref<1x1x512xi32, #tpu.memory_space<hbm>>
      %dma_start3A_4648 = tpu.memref_squeeze %dma_start3A_4647 : memref<1x1x512xi32, #tpu.memory_space<hbm>> -> memref<512xi32, #tpu.memory_space<hbm>>
      tpu.enqueue_dma source(%dma_start3A_4648 : memref<512xi32, #tpu.memory_space<hbm>>) target(%dma_start3A_4645 : memref<512xi32, #tpu.memory_space<vmem>>) target_semaphore(%run_scoped3A_4636 : memref<!tpu.dma_semaphore, #tpu.memory_space<semaphore_mem>>)
      %dma_wait3A_4649 = arith.constant 0 : i32
      %dma_wait3A_4650 = tpu.memref_slice %arg6[%run_scoped3A_3, %dma_wait3A_4649] : memref<2x512xi32, #tpu.memory_space<vmem>> -> memref<1x512xi32, #tpu.memory_space<vmem>>
      %dma_wait3A_4651 = tpu.memref_squeeze %dma_wait3A_4650 : memref<1x512xi32, #tpu.memory_space<vmem>> -> memref<512xi32, #tpu.memory_space<vmem>>
      %dma_wait3A_4652 = arith.constant 0 : i32
      %dma_wait3A_4653 = tpu.memref_slice %arg2[%run_scoped3A_2, %add3A, %dma_wait3A_4652] : memref<2x32x512xi32, #tpu.memory_space<hbm>> -> memref<1x1x512xi32, #tpu.memory_space<hbm>>
      %dma_wait3A_4654 = tpu.memref_squeeze %dma_wait3A_4653 : memref<1x1x512xi32, #tpu.memory_space<hbm>> -> memref<512xi32, #tpu.memory_space<hbm>>
      %dma_wait3A_4655 = arith.constant 0 : i32
      %dma_wait3A_4656 = tpu.memref_slice %arg6[%run_scoped3A_3, %dma_wait3A_4655] : memref<2x512xi32, #tpu.memory_space<vmem>> -> memref<1x512xi32, #tpu.memory_space<vmem>>
      %dma_wait3A_4657 = tpu.memref_squeeze %dma_wait3A_4656 : memref<1x512xi32, #tpu.memory_space<vmem>> -> memref<512xi32, #tpu.memory_space<vmem>>
      %dma_wait3A_4658 = arith.constant 0 : i32
      %dma_wait3A_4659 = tpu.memref_slice %arg2[%run_scoped3A_2, %add3A, %dma_wait3A_4658] : memref<2x32x512xi32, #tpu.memory_space<hbm>> -> memref<1x1x512xi32, #tpu.memory_space<hbm>>
      %dma_wait3A_4660 = tpu.memref_squeeze %dma_wait3A_4659 : memref<1x1x512xi32, #tpu.memory_space<hbm>> -> memref<512xi32, #tpu.memory_space<hbm>>
      tpu.wait_dma2 semaphore(%run_scoped3A_4636 : memref<!tpu.dma_semaphore, #tpu.memory_space<semaphore_mem>>) src(%dma_wait3A_4660 : memref<512xi32, #tpu.memory_space<hbm>>) dst(%dma_wait3A_4657 : memref<512xi32, #tpu.memory_space<vmem>>)
      tpu.yield
    }) : () -> ()
    %iota3A = tpu.iota {dimensions = array<i32: 0>} : vector<16xi32>
    %scan3A = arith.constant 0 : i32
    %scan3A_4 = arith.constant 0 : i32
    %scan3A_5 = arith.constant 32 : i32
    %scan3A_6 = arith.addi %scan3A_4, %scan3A_5 : i32
    %scan3A_7 = arith.constant 1 : i32
    scf.for %scan3A_4636 = %scan3A_4 to %scan3A_6 step %scan3A_7  : i32 {
      %mul3A_4637 = arith.constant 16 : i32
      %mul3A_4638 = vector.broadcast %mul3A_4637 : i32 to vector<16xi32>
      %mul3A_4639 = arith.muli %iota3A, %mul3A_4638 : vector<16xi32>
      %mul3A_4640 = arith.constant 256 : i32
      %mul3A_4641 = arith.muli %scan3A_4636, %mul3A_4640 : i32
      %add3A_4642 = vector.broadcast %mul3A_4641 : i32 to vector<16xi32>
      %add3A_4643 = arith.addi %mul3A_4639, %add3A_4642 : vector<16xi32>
      %mul3A_4644 = arith.constant 16 : i32
      %mul3A_4645 = arith.muli %scan3A_4636, %mul3A_4644 : i32
      %get3A_4646 = arith.constant 0 : i32
      %get3A_4647 = arith.index_cast %get3A_4646 : i32 to index
      %get3A_4648 = arith.index_cast %mul3A_4645 : i32 to index
      %get3A_4649 = tpu.vector_load %arg6[%get3A_4647, %get3A_4648] {strides = array<i32>} : memref<2x512xi32, #tpu.memory_space<vmem>>, vector<16xi32>,
      %jit3A_4650 = arith.constant 128 : i32
      %div3A_4651 = vector.broadcast %jit3A_4650 : i32 to vector<16xi32>
      %div3A_4652 = arith.divsi %get3A_4649, %div3A_4651 : vector<16xi32>
      %sign3A_4653 = arith.constant 0 : i32
      %sign3A_4654 = vector.broadcast %sign3A_4653 : i32 to vector<16xi32>
      %sign3A_4655 = arith.cmpi sgt, %get3A_4649, %sign3A_4654 : vector<16xi32>
      %sign3A_4656 = arith.extui %sign3A_4655 : vector<16xi1> to vector<16xi32>
      %sign3A_4657 = arith.constant 0 : i32
      %sign3A_4658 = vector.broadcast %sign3A_4657 : i32 to vector<16xi32>
      %sign3A_4659 = arith.cmpi slt, %get3A_4649, %sign3A_4658 : vector<16xi32>
      %sign3A_4660 = arith.extui %sign3A_4659 : vector<16xi1> to vector<16xi32>
      %sign3A_4661 = arith.subi %sign3A_4656, %sign3A_4660 : vector<16xi32>
      %sign3A_4662 = arith.constant 0 : i32
      %sign3A_4663 = arith.cmpi sgt, %jit3A_4650, %sign3A_4662 : i32
      %sign3A_4664 = arith.extui %sign3A_4663 : i1 to i32
      %sign3A_4665 = arith.constant 0 : i32
      %sign3A_4666 = arith.cmpi slt, %jit3A_4650, %sign3A_4665 : i32
      %sign3A_4667 = arith.extui %sign3A_4666 : i1 to i32
      %sign3A_4668 = arith.subi %sign3A_4664, %sign3A_4667 : i32
      %ne3A_4669 = vector.broadcast %sign3A_4668 : i32 to vector<16xi32>
      %ne3A_4670 = arith.cmpi ne, %sign3A_4661, %ne3A_4669 : vector<16xi32>
      %rem3A_4671 = vector.broadcast %jit3A_4650 : i32 to vector<16xi32>
      %rem3A_4672 = arith.remsi %get3A_4649, %rem3A_4671 : vector<16xi32>
      %ne3A_4673 = arith.constant 0 : i32
      %ne3A_4674 = vector.broadcast %ne3A_4673 : i32 to vector<16xi32>
      %ne3A_4675 = arith.cmpi ne, %rem3A_4672, %ne3A_4674 : vector<16xi32>
      %and3A_4676 = arith.andi %ne3A_4670, %ne3A_4675 : vector<16xi1>
      %sub3A_4677 = arith.constant 1 : i32
      %sub3A_4678 = vector.broadcast %sub3A_4677 : i32 to vector<16xi32>
      %sub3A_4679 = arith.subi %div3A_4652, %sub3A_4678 : vector<16xi32>
      %select_n3A_4680 = arith.select %and3A_4676, %sub3A_4679, %div3A_4652 : vector<16xi1>, vector<16xi32>
      %mul3A_4681 = arith.constant 1024 : i32
      %mul3A_4682 = vector.broadcast %mul3A_4681 : i32 to vector<16xi32>
      %mul3A_4683 = arith.muli %select_n3A_4680, %mul3A_4682 : vector<16xi32>
      %jit3A_4684 = arith.constant 128 : i32
      %eq3A_4685 = arith.constant 0 : i32
      %eq3A_4686 = arith.cmpi eq, %jit3A_4684, %eq3A_4685 : i32
      %jit3A_4687 = arith.constant 1 : i32
      %select_n3A_4688 = arith.select %eq3A_4686, %jit3A_4687, %jit3A_4684 : i32
      %rem3A_4689 = vector.broadcast %select_n3A_4688 : i32 to vector<16xi32>
      %rem3A_4690 = arith.remsi %get3A_4649, %rem3A_4689 : vector<16xi32>
      %ne3A_4691 = arith.constant 0 : i32
      %ne3A_4692 = vector.broadcast %ne3A_4691 : i32 to vector<16xi32>
      %ne3A_4693 = arith.cmpi ne, %rem3A_4690, %ne3A_4692 : vector<16xi32>
      %lt3A_4694 = arith.constant 0 : i32
      %lt3A_4695 = vector.broadcast %lt3A_4694 : i32 to vector<16xi32>
      %lt3A_4696 = arith.cmpi slt, %rem3A_4690, %lt3A_4695 : vector<16xi32>
      %lt3A_4697 = arith.constant 0 : i32
      %lt3A_4698 = arith.cmpi slt, %select_n3A_4688, %lt3A_4697 : i32
      %ne3A_4699 = vector.broadcast %lt3A_4698 : i1 to vector<16xi1>
      %ne3A_4700 = vector.broadcast %ne3A_4699 : vector<16xi1> to vector<16xi1>
      %ne3A_4701 = arith.xori %lt3A_4696, %ne3A_4700 : vector<16xi1>
      %and3A_4702 = arith.andi %ne3A_4701, %ne3A_4693 : vector<16xi1>
      %add3A_4703 = vector.broadcast %select_n3A_4688 : i32 to vector<16xi32>
      %add3A_4704 = arith.addi %rem3A_4690, %add3A_4703 : vector<16xi32>
      %select_n3A_4705 = arith.select %and3A_4702, %add3A_4704, %rem3A_4690 : vector<16xi1>, vector<16xi32>
      %add3A_4706 = arith.addi %mul3A_4683, %select_n3A_4705 : vector<16xi32>
      %add3A_4707 = arith.constant 0 : i32
      %add3A_4708 = vector.broadcast %add3A_4707 : i32 to vector<16xi32>
      %add3A_4709 = arith.addi %add3A_4643, %add3A_4708 : vector<16xi32>
      %add3A_4710 = arith.constant 0 : i32
      %add3A_4711 = vector.broadcast %add3A_4710 : i32 to vector<16xi32>
      %add3A_4712 = arith.addi %add3A_4706, %add3A_4711 : vector<16xi32>
      %scatter3A = arith.constant 0 : i32
      %scatter3A_4713 = arith.constant 0 : i32
      %scatter3A_4714 = tpu.memref_slice %arg7[%scatter3A, %scatter3A_4713] : memref<2x8192xi32, #tpu.memory_space<vmem>> -> memref<1x8192xi32, #tpu.memory_space<vmem>>
      %scatter3A_4715 = tpu.memref_squeeze %scatter3A_4714 : memref<1x8192xi32, #tpu.memory_space<vmem>> -> memref<8192xi32, #tpu.memory_space<vmem>>
      tpu.vector_store_idx %scatter3A_4715[%add3A_4709], %add3A_4712 : memref<8192xi32, #tpu.memory_space<vmem>>[vector<16xi32>], vector<16xi32>,
      %add3A_4716 = arith.constant 1 : i32
      %add3A_4717 = vector.broadcast %add3A_4716 : i32 to vector<16xi32>
      %add3A_4718 = arith.addi %add3A_4643, %add3A_4717 : vector<16xi32>
      %add3A_4719 = arith.constant 128 : i32
      %add3A_4720 = vector.broadcast %add3A_4719 : i32 to vector<16xi32>
      %add3A_4721 = arith.addi %add3A_4706, %add3A_4720 : vector<16xi32>
      %scatter3A_4722 = arith.constant 0 : i32
      %scatter3A_4723 = arith.constant 0 : i32
      %scatter3A_4724 = tpu.memref_slice %arg7[%scatter3A_4722, %scatter3A_4723] : memref<2x8192xi32, #tpu.memory_space<vmem>> -> memref<1x8192xi32, #tpu.memory_space<vmem>>
      %scatter3A_4725 = tpu.memref_squeeze %scatter3A_4724 : memref<1x8192xi32, #tpu.memory_space<vmem>> -> memref<8192xi32, #tpu.memory_space<vmem>>
      tpu.vector_store_idx %scatter3A_4725[%add3A_4718], %add3A_4721 : memref<8192xi32, #tpu.memory_space<vmem>>[vector<16xi32>], vector<16xi32>,
      %add3A_4726 = arith.constant 2 : i32
      %add3A_4727 = vector.broadcast %add3A_4726 : i32 to vector<16xi32>
      %add3A_4728 = arith.addi %add3A_4643, %add3A_4727 : vector<16xi32>
      %add3A_4729 = arith.constant 256 : i32
      %add3A_4730 = vector.broadcast %add3A_4729 : i32 to vector<16xi32>
      %add3A_4731 = arith.addi %add3A_4706, %add3A_4730 : vector<16xi32>
      %scatter3A_4732 = arith.constant 0 : i32
      %scatter3A_4733 = arith.constant 0 : i32
      %scatter3A_4734 = tpu.memref_slice %arg7[%scatter3A_4732, %scatter3A_4733] : memref<2x8192xi32, #tpu.memory_space<vmem>> -> memref<1x8192xi32, #tpu.memory_space<vmem>>
      %scatter3A_4735 = tpu.memref_squeeze %scatter3A_4734 : memref<1x8192xi32, #tpu.memory_space<vmem>> -> memref<8192xi32, #tpu.memory_space<vmem>>
      tpu.vector_store_idx %scatter3A_4735[%add3A_4728], %add3A_4731 : memref<8192xi32, #tpu.memory_space<vmem>>[vector<16xi32>], vector<16xi32>,
      %add3A_4736 = arith.constant 3 : i32
      %add3A_4737 = vector.broadcast %add3A_4736 : i32 to vector<16xi32>
      %add3A_4738 = arith.addi %add3A_4643, %add3A_4737 : vector<16xi32>
      %add3A_4739 = arith.constant 384 : i32
      %add3A_4740 = vector.broadcast %add3A_4739 : i32 to vector<16xi32>
      %add3A_4741 = arith.addi %add3A_4706, %add3A_4740 : vector<16xi32>
      %scatter3A_4742 = arith.constant 0 : i32
      %scatter3A_4743 = arith.constant 0 : i32
      %scatter3A_4744 = tpu.memref_slice %arg7[%scatter3A_4742, %scatter3A_4743] : memref<2x8192xi32, #tpu.memory_space<vmem>> -> memref<1x8192xi32, #tpu.memory_space<vmem>>
      %scatter3A_4745 = tpu.memref_squeeze %scatter3A_4744 : memref<1x8192xi32, #tpu.memory_space<vmem>> -> memref<8192xi32, #tpu.memory_space<vmem>>
      tpu.vector_store_idx %scatter3A_4745[%add3A_4738], %add3A_4741 : memref<8192xi32, #tpu.memory_space<vmem>>[vector<16xi32>], vector<16xi32>,
      %add3A_4746 = arith.constant 4 : i32
      %add3A_4747 = vector.broadcast %add3A_4746 : i32 to vector<16xi32>
      %add3A_4748 = arith.addi %add3A_4643, %add3A_4747 : vector<16xi32>
      %add3A_4749 = arith.constant 512 : i32
      %add3A_4750 = vector.broadcast %add3A_4749 : i32 to vector<16xi32>
      %add3A_4751 = arith.addi %add3A_4706, %add3A_4750 : vector<16xi32>
      %scatter3A_4752 = arith.constant 0 : i32
      %scatter3A_4753 = arith.constant 0 : i32
      %scatter3A_4754 = tpu.memref_slice %arg7[%scatter3A_4752, %scatter3A_4753] : memref<2x8192xi32, #tpu.memory_space<vmem>> -> memref<1x8192xi32, #tpu.memory_space<vmem>>
      %scatter3A_4755 = tpu.memref_squeeze %scatter3A_4754 : memref<1x8192xi32, #tpu.memory_space<vmem>> -> memref<8192xi32, #tpu.memory_space<vmem>>
      tpu.vector_store_idx %scatter3A_4755[%add3A_4748], %add3A_4751 : memref<8192xi32, #tpu.memory_space<vmem>>[vector<16xi32>], vector<16xi32>,
      %add3A_4756 = arith.constant 5 : i32
      %add3A_4757 = vector.broadcast %add3A_4756 : i32 to vector<16xi32>
      %add3A_4758 = arith.addi %add3A_4643, %add3A_4757 : vector<16xi32>
      %add3A_4759 = arith.constant 640 : i32
      %add3A_4760 = vector.broadcast %add3A_4759 : i32 to vector<16xi32>
      %add3A_4761 = arith.addi %add3A_4706, %add3A_4760 : vector<16xi32>
      %scatter3A_4762 = arith.constant 0 : i32
      %scatter3A_4763 = arith.constant 0 : i32
      %scatter3A_4764 = tpu.memref_slice %arg7[%scatter3A_4762, %scatter3A_4763] : memref<2x8192xi32, #tpu.memory_space<vmem>> -> memref<1x8192xi32, #tpu.memory_space<vmem>>
      %scatter3A_4765 = tpu.memref_squeeze %scatter3A_4764 : memref<1x8192xi32, #tpu.memory_space<vmem>> -> memref<8192xi32, #tpu.memory_space<vmem>>
      tpu.vector_store_idx %scatter3A_4765[%add3A_4758], %add3A_4761 : memref<8192xi32, #tpu.memory_space<vmem>>[vector<16xi32>], vector<16xi32>,
      %add3A_4766 = arith.constant 6 : i32
      %add3A_4767 = vector.broadcast %add3A_4766 : i32 to vector<16xi32>
      %add3A_4768 = arith.addi %add3A_4643, %add3A_4767 : vector<16xi32>
      %add3A_4769 = arith.constant 768 : i32
      %add3A_4770 = vector.broadcast %add3A_4769 : i32 to vector<16xi32>
      %add3A_4771 = arith.addi %add3A_4706, %add3A_4770 : vector<16xi32>
      %scatter3A_4772 = arith.constant 0 : i32
      %scatter3A_4773 = arith.constant 0 : i32
      %scatter3A_4774 = tpu.memref_slice %arg7[%scatter3A_4772, %scatter3A_4773] : memref<2x8192xi32, #tpu.memory_space<vmem>> -> memref<1x8192xi32, #tpu.memory_space<vmem>>
      %scatter3A_4775 = tpu.memref_squeeze %scatter3A_4774 : memref<1x8192xi32, #tpu.memory_space<vmem>> -> memref<8192xi32, #tpu.memory_space<vmem>>
      tpu.vector_store_idx %scatter3A_4775[%add3A_4768], %add3A_4771 : memref<8192xi32, #tpu.memory_space<vmem>>[vector<16xi32>], vector<16xi32>,
      %add3A_4776 = arith.constant 7 : i32
      %add3A_4777 = vector.broadcast %add3A_4776 : i32 to vector<16xi32>
      %add3A_4778 = arith.addi %add3A_4643, %add3A_4777 : vector<16xi32>
      %add3A_4779 = arith.constant 896 : i32
      %add3A_4780 = vector.broadcast %add3A_4779 : i32 to vector<16xi32>
      %add3A_4781 = arith.addi %add3A_4706, %add3A_4780 : vector<16xi32>
      %scatter3A_4782 = arith.constant 0 : i32
      %scatter3A_4783 = arith.constant 0 : i32
      %scatter3A_4784 = tpu.memref_slice %arg7[%scatter3A_4782, %scatter3A_4783] : memref<2x8192xi32, #tpu.memory_space<vmem>> -> memref<1x8192xi32, #tpu.memory_space<vmem>>
      %scatter3A_4785 = tpu.memref_squeeze %scatter3A_4784 : memref<1x8192xi32, #tpu.memory_space<vmem>> -> memref<8192xi32, #tpu.memory_space<vmem>>
      tpu.vector_store_idx %scatter3A_4785[%add3A_4778], %add3A_4781 : memref<8192xi32, #tpu.memory_space<vmem>>[vector<16xi32>], vector<16xi32>,
      %add3A_4786 = arith.constant 8 : i32
      %add3A_4787 = vector.broadcast %add3A_4786 : i32 to vector<16xi32>
      %add3A_4788 = arith.addi %add3A_4643, %add3A_4787 : vector<16xi32>
      %add3A_4789 = arith.constant 16000000 : i32
      %add3A_4790 = vector.broadcast %add3A_4789 : i32 to vector<16xi32>
      %add3A_4791 = arith.addi %add3A_4706, %add3A_4790 : vector<16xi32>
      %scatter3A_4792 = arith.constant 0 : i32
      %scatter3A_4793 = arith.constant 0 : i32
      %scatter3A_4794 = tpu.memref_slice %arg7[%scatter3A_4792, %scatter3A_4793] : memref<2x8192xi32, #tpu.memory_space<vmem>> -> memref<1x8192xi32, #tpu.memory_space<vmem>>
      %scatter3A_4795 = tpu.memref_squeeze %scatter3A_4794 : memref<1x8192xi32, #tpu.memory_space<vmem>> -> memref<8192xi32, #tpu.memory_space<vmem>>
      tpu.vector_store_idx %scatter3A_4795[%add3A_4788], %add3A_4791 : memref<8192xi32, #tpu.memory_space<vmem>>[vector<16xi32>], vector<16xi32>,
      %add3A_4796 = arith.constant 9 : i32
      %add3A_4797 = vector.broadcast %add3A_4796 : i32 to vector<16xi32>
      %add3A_4798 = arith.addi %add3A_4643, %add3A_4797 : vector<16xi32>
      %add3A_4799 = arith.constant 16000128 : i32
      %add3A_4800 = vector.broadcast %add3A_4799 : i32 to vector<16xi32>
      %add3A_4801 = arith.addi %add3A_4706, %add3A_4800 : vector<16xi32>
      %scatter3A_4802 = arith.constant 0 : i32
      %scatter3A_4803 = arith.constant 0 : i32
      %scatter3A_4804 = tpu.memref_slice %arg7[%scatter3A_4802, %scatter3A_4803] : memref<2x8192xi32, #tpu.memory_space<vmem>> -> memref<1x8192xi32, #tpu.memory_space<vmem>>
      %scatter3A_4805 = tpu.memref_squeeze %scatter3A_4804 : memref<1x8192xi32, #tpu.memory_space<vmem>> -> memref<8192xi32, #tpu.memory_space<vmem>>
      tpu.vector_store_idx %scatter3A_4805[%add3A_4798], %add3A_4801 : memref<8192xi32, #tpu.memory_space<vmem>>[vector<16xi32>], vector<16xi32>,
      %add3A_4806 = arith.constant 10 : i32
      %add3A_4807 = vector.broadcast %add3A_4806 : i32 to vector<16xi32>
      %add3A_4808 = arith.addi %add3A_4643, %add3A_4807 : vector<16xi32>
      %add3A_4809 = arith.constant 16000256 : i32
      %add3A_4810 = vector.broadcast %add3A_4809 : i32 to vector<16xi32>
      %add3A_4811 = arith.addi %add3A_4706, %add3A_4810 : vector<16xi32>
      %scatter3A_4812 = arith.constant 0 : i32
      %scatter3A_4813 = arith.constant 0 : i32
      %scatter3A_4814 = tpu.memref_slice %arg7[%scatter3A_4812, %scatter3A_4813] : memref<2x8192xi32, #tpu.memory_space<vmem>> -> memref<1x8192xi32, #tpu.memory_space<vmem>>
      %scatter3A_4815 = tpu.memref_squeeze %scatter3A_4814 : memref<1x8192xi32, #tpu.memory_space<vmem>> -> memref<8192xi32, #tpu.memory_space<vmem>>
      tpu.vector_store_idx %scatter3A_4815[%add3A_4808], %add3A_4811 : memref<8192xi32, #tpu.memory_space<vmem>>[vector<16xi32>], vector<16xi32>,
      %add3A_4816 = arith.constant 11 : i32
      %add3A_4817 = vector.broadcast %add3A_4816 : i32 to vector<16xi32>
      %add3A_4818 = arith.addi %add3A_4643, %add3A_4817 : vector<16xi32>
      %add3A_4819 = arith.constant 16000384 : i32
      %add3A_4820 = vector.broadcast %add3A_4819 : i32 to vector<16xi32>
      %add3A_4821 = arith.addi %add3A_4706, %add3A_4820 : vector<16xi32>
      %scatter3A_4822 = arith.constant 0 : i32
      %scatter3A_4823 = arith.constant 0 : i32
      %scatter3A_4824 = tpu.memref_slice %arg7[%scatter3A_4822, %scatter3A_4823] : memref<2x8192xi32, #tpu.memory_space<vmem>> -> memref<1x8192xi32, #tpu.memory_space<vmem>>
      %scatter3A_4825 = tpu.memref_squeeze %scatter3A_4824 : memref<1x8192xi32, #tpu.memory_space<vmem>> -> memref<8192xi32, #tpu.memory_space<vmem>>
      tpu.vector_store_idx %scatter3A_4825[%add3A_4818], %add3A_4821 : memref<8192xi32, #tpu.memory_space<vmem>>[vector<16xi32>], vector<16xi32>,
      %add3A_4826 = arith.constant 12 : i32
      %add3A_4827 = vector.broadcast %add3A_4826 : i32 to vector<16xi32>
      %add3A_4828 = arith.addi %add3A_4643, %add3A_4827 : vector<16xi32>
      %add3A_4829 = arith.constant 16000512 : i32
      %add3A_4830 = vector.broadcast %add3A_4829 : i32 to vector<16xi32>
      %add3A_4831 = arith.addi %add3A_4706, %add3A_4830 : vector<16xi32>
      %scatter3A_4832 = arith.constant 0 : i32
      %scatter3A_4833 = arith.constant 0 : i32
      %scatter3A_4834 = tpu.memref_slice %arg7[%scatter3A_4832, %scatter3A_4833] : memref<2x8192xi32, #tpu.memory_space<vmem>> -> memref<1x8192xi32, #tpu.memory_space<vmem>>
      %scatter3A_4835 = tpu.memref_squeeze %scatter3A_4834 : memref<1x8192xi32, #tpu.memory_space<vmem>> -> memref<8192xi32, #tpu.memory_space<vmem>>
      tpu.vector_store_idx %scatter3A_4835[%add3A_4828], %add3A_4831 : memref<8192xi32, #tpu.memory_space<vmem>>[vector<16xi32>], vector<16xi32>,
      %add3A_4836 = arith.constant 13 : i32
      %add3A_4837 = vector.broadcast %add3A_4836 : i32 to vector<16xi32>
      %add3A_4838 = arith.addi %add3A_4643, %add3A_4837 : vector<16xi32>
      %add3A_4839 = arith.constant 16000640 : i32
      %add3A_4840 = vector.broadcast %add3A_4839 : i32 to vector<16xi32>
      %add3A_4841 = arith.addi %add3A_4706, %add3A_4840 : vector<16xi32>
      %scatter3A_4842 = arith.constant 0 : i32
      %scatter3A_4843 = arith.constant 0 : i32
      %scatter3A_4844 = tpu.memref_slice %arg7[%scatter3A_4842, %scatter3A_4843] : memref<2x8192xi32, #tpu.memory_space<vmem>> -> memref<1x8192xi32, #tpu.memory_space<vmem>>
      %scatter3A_4845 = tpu.memref_squeeze %scatter3A_4844 : memref<1x8192xi32, #tpu.memory_space<vmem>> -> memref<8192xi32, #tpu.memory_space<vmem>>
      tpu.vector_store_idx %scatter3A_4845[%add3A_4838], %add3A_4841 : memref<8192xi32, #tpu.memory_space<vmem>>[vector<16xi32>], vector<16xi32>,
      %add3A_4846 = arith.constant 14 : i32
      %add3A_4847 = vector.broadcast %add3A_4846 : i32 to vector<16xi32>
      %add3A_4848 = arith.addi %add3A_4643, %add3A_4847 : vector<16xi32>
      %add3A_4849 = arith.constant 16000768 : i32
      %add3A_4850 = vector.broadcast %add3A_4849 : i32 to vector<16xi32>
      %add3A_4851 = arith.addi %add3A_4706, %add3A_4850 : vector<16xi32>
      %scatter3A_4852 = arith.constant 0 : i32
      %scatter3A_4853 = arith.constant 0 : i32
      %scatter3A_4854 = tpu.memref_slice %arg7[%scatter3A_4852, %scatter3A_4853] : memref<2x8192xi32, #tpu.memory_space<vmem>> -> memref<1x8192xi32, #tpu.memory_space<vmem>>
      %scatter3A_4855 = tpu.memref_squeeze %scatter3A_4854 : memref<1x8192xi32, #tpu.memory_space<vmem>> -> memref<8192xi32, #tpu.memory_space<vmem>>
      tpu.vector_store_idx %scatter3A_4855[%add3A_4848], %add3A_4851 : memref<8192xi32, #tpu.memory_space<vmem>>[vector<16xi32>], vector<16xi32>,
      %add3A_4856 = arith.constant 15 : i32
      %add3A_4857 = vector.broadcast %add3A_4856 : i32 to vector<16xi32>
      %add3A_4858 = arith.addi %add3A_4643, %add3A_4857 : vector<16xi32>
      %add3A_4859 = arith.constant 16000896 : i32
      %add3A_4860 = vector.broadcast %add3A_4859 : i32 to vector<16xi32>
      %add3A_4861 = arith.addi %add3A_4706, %add3A_4860 : vector<16xi32>
      %scatter3A_4862 = arith.constant 0 : i32
      %scatter3A_4863 = arith.constant 0 : i32
      %scatter3A_4864 = tpu.memref_slice %arg7[%scatter3A_4862, %scatter3A_4863] : memref<2x8192xi32, #tpu.memory_space<vmem>> -> memref<1x8192xi32, #tpu.memory_space<vmem>>
      %scatter3A_4865 = tpu.memref_squeeze %scatter3A_4864 : memref<1x8192xi32, #tpu.memory_space<vmem>> -> memref<8192xi32, #tpu.memory_space<vmem>>
      tpu.vector_store_idx %scatter3A_4865[%add3A_4858], %add3A_4861 : memref<8192xi32, #tpu.memory_space<vmem>>[vector<16xi32>], vector<16xi32>,
      %mul3A_4866 = arith.constant 16 : i32
      %mul3A_4867 = arith.muli %scan3A_4636, %mul3A_4866 : i32
      %get3A_4868 = arith.constant 1 : i32
      %get3A_4869 = arith.index_cast %get3A_4868 : i32 to index
      %get3A_4870 = arith.index_cast %mul3A_4867 : i32 to index
      %get3A_4871 = tpu.vector_load %arg6[%get3A_4869, %get3A_4870] {strides = array<i32>} : memref<2x512xi32, #tpu.memory_space<vmem>>, vector<16xi32>,
      %jit3A_4872 = arith.constant 128 : i32
      %div3A_4873 = vector.broadcast %jit3A_4872 : i32 to vector<16xi32>
      %div3A_4874 = arith.divsi %get3A_4871, %div3A_4873 : vector<16xi32>
      %sign3A_4875 = arith.constant 0 : i32
      %sign3A_4876 = vector.broadcast %sign3A_4875 : i32 to vector<16xi32>
      %sign3A_4877 = arith.cmpi sgt, %get3A_4871, %sign3A_4876 : vector<16xi32>
      %sign3A_4878 = arith.extui %sign3A_4877 : vector<16xi1> to vector<16xi32>
      %sign3A_4879 = arith.constant 0 : i32
      %sign3A_4880 = vector.broadcast %sign3A_4879 : i32 to vector<16xi32>
      %sign3A_4881 = arith.cmpi slt, %get3A_4871, %sign3A_4880 : vector<16xi32>
      %sign3A_4882 = arith.extui %sign3A_4881 : vector<16xi1> to vector<16xi32>
      %sign3A_4883 = arith.subi %sign3A_4878, %sign3A_4882 : vector<16xi32>
      %sign3A_4884 = arith.constant 0 : i32
      %sign3A_4885 = arith.cmpi sgt, %jit3A_4872, %sign3A_4884 : i32
      %sign3A_4886 = arith.extui %sign3A_4885 : i1 to i32
      %sign3A_4887 = arith.constant 0 : i32
      %sign3A_4888 = arith.cmpi slt, %jit3A_4872, %sign3A_4887 : i32
      %sign3A_4889 = arith.extui %sign3A_4888 : i1 to i32
      %sign3A_4890 = arith.subi %sign3A_4886, %sign3A_4889 : i32
      %ne3A_4891 = vector.broadcast %sign3A_4890 : i32 to vector<16xi32>
      %ne3A_4892 = arith.cmpi ne, %sign3A_4883, %ne3A_4891 : vector<16xi32>
      %rem3A_4893 = vector.broadcast %jit3A_4872 : i32 to vector<16xi32>
      %rem3A_4894 = arith.remsi %get3A_4871, %rem3A_4893 : vector<16xi32>
      %ne3A_4895 = arith.constant 0 : i32
      %ne3A_4896 = vector.broadcast %ne3A_4895 : i32 to vector<16xi32>
      %ne3A_4897 = arith.cmpi ne, %rem3A_4894, %ne3A_4896 : vector<16xi32>
      %and3A_4898 = arith.andi %ne3A_4892, %ne3A_4897 : vector<16xi1>
      %sub3A_4899 = arith.constant 1 : i32
      %sub3A_4900 = vector.broadcast %sub3A_4899 : i32 to vector<16xi32>
      %sub3A_4901 = arith.subi %div3A_4874, %sub3A_4900 : vector<16xi32>
      %select_n3A_4902 = arith.select %and3A_4898, %sub3A_4901, %div3A_4874 : vector<16xi1>, vector<16xi32>
      %mul3A_4903 = arith.constant 1024 : i32
      %mul3A_4904 = vector.broadcast %mul3A_4903 : i32 to vector<16xi32>
      %mul3A_4905 = arith.muli %select_n3A_4902, %mul3A_4904 : vector<16xi32>
      %jit3A_4906 = arith.constant 128 : i32
      %eq3A_4907 = arith.constant 0 : i32
      %eq3A_4908 = arith.cmpi eq, %jit3A_4906, %eq3A_4907 : i32
      %jit3A_4909 = arith.constant 1 : i32
      %select_n3A_4910 = arith.select %eq3A_4908, %jit3A_4909, %jit3A_4906 : i32
      %rem3A_4911 = vector.broadcast %select_n3A_4910 : i32 to vector<16xi32>
      %rem3A_4912 = arith.remsi %get3A_4871, %rem3A_4911 : vector<16xi32>
      %ne3A_4913 = arith.constant 0 : i32
      %ne3A_4914 = vector.broadcast %ne3A_4913 : i32 to vector<16xi32>
      %ne3A_4915 = arith.cmpi ne, %rem3A_4912, %ne3A_4914 : vector<16xi32>
      %lt3A_4916 = arith.constant 0 : i32
      %lt3A_4917 = vector.broadcast %lt3A_4916 : i32 to vector<16xi32>
      %lt3A_4918 = arith.cmpi slt, %rem3A_4912, %lt3A_4917 : vector<16xi32>
      %lt3A_4919 = arith.constant 0 : i32
      %lt3A_4920 = arith.cmpi slt, %select_n3A_4910, %lt3A_4919 : i32
      %ne3A_4921 = vector.broadcast %lt3A_4920 : i1 to vector<16xi1>
      %ne3A_4922 = vector.broadcast %ne3A_4921 : vector<16xi1> to vector<16xi1>
      %ne3A_4923 = arith.xori %lt3A_4918, %ne3A_4922 : vector<16xi1>
      %and3A_4924 = arith.andi %ne3A_4923, %ne3A_4915 : vector<16xi1>
      %add3A_4925 = vector.broadcast %select_n3A_4910 : i32 to vector<16xi32>
      %add3A_4926 = arith.addi %rem3A_4912, %add3A_4925 : vector<16xi32>
      %select_n3A_4927 = arith.select %and3A_4924, %add3A_4926, %rem3A_4912 : vector<16xi1>, vector<16xi32>
      %add3A_4928 = arith.addi %mul3A_4905, %select_n3A_4927 : vector<16xi32>
      %add3A_4929 = arith.constant 0 : i32
      %add3A_4930 = vector.broadcast %add3A_4929 : i32 to vector<16xi32>
      %add3A_4931 = arith.addi %add3A_4643, %add3A_4930 : vector<16xi32>
      %add3A_4932 = arith.constant 0 : i32
      %add3A_4933 = vector.broadcast %add3A_4932 : i32 to vector<16xi32>
      %add3A_4934 = arith.addi %add3A_4928, %add3A_4933 : vector<16xi32>
      %scatter3A_4935 = arith.constant 1 : i32
      %scatter3A_4936 = arith.constant 0 : i32
      %scatter3A_4937 = tpu.memref_slice %arg7[%scatter3A_4935, %scatter3A_4936] : memref<2x8192xi32, #tpu.memory_space<vmem>> -> memref<1x8192xi32, #tpu.memory_space<vmem>>
      %scatter3A_4938 = tpu.memref_squeeze %scatter3A_4937 : memref<1x8192xi32, #tpu.memory_space<vmem>> -> memref<8192xi32, #tpu.memory_space<vmem>>
      tpu.vector_store_idx %scatter3A_4938[%add3A_4931], %add3A_4934 : memref<8192xi32, #tpu.memory_space<vmem>>[vector<16xi32>], vector<16xi32>,
      %add3A_4939 = arith.constant 1 : i32
      %add3A_4940 = vector.broadcast %add3A_4939 : i32 to vector<16xi32>
      %add3A_4941 = arith.addi %add3A_4643, %add3A_4940 : vector<16xi32>
      %add3A_4942 = arith.constant 128 : i32
      %add3A_4943 = vector.broadcast %add3A_4942 : i32 to vector<16xi32>
      %add3A_4944 = arith.addi %add3A_4928, %add3A_4943 : vector<16xi32>
      %scatter3A_4945 = arith.constant 1 : i32
      %scatter3A_4946 = arith.constant 0 : i32
      %scatter3A_4947 = tpu.memref_slice %arg7[%scatter3A_4945, %scatter3A_4946] : memref<2x8192xi32, #tpu.memory_space<vmem>> -> memref<1x8192xi32, #tpu.memory_space<vmem>>
      %scatter3A_4948 = tpu.memref_squeeze %scatter3A_4947 : memref<1x8192xi32, #tpu.memory_space<vmem>> -> memref<8192xi32, #tpu.memory_space<vmem>>
      tpu.vector_store_idx %scatter3A_4948[%add3A_4941], %add3A_4944 : memref<8192xi32, #tpu.memory_space<vmem>>[vector<16xi32>], vector<16xi32>,
      %add3A_4949 = arith.constant 2 : i32
      %add3A_4950 = vector.broadcast %add3A_4949 : i32 to vector<16xi32>
      %add3A_4951 = arith.addi %add3A_4643, %add3A_4950 : vector<16xi32>
      %add3A_4952 = arith.constant 256 : i32
      %add3A_4953 = vector.broadcast %add3A_4952 : i32 to vector<16xi32>
      %add3A_4954 = arith.addi %add3A_4928, %add3A_4953 : vector<16xi32>
      %scatter3A_4955 = arith.constant 1 : i32
      %scatter3A_4956 = arith.constant 0 : i32
      %scatter3A_4957 = tpu.memref_slice %arg7[%scatter3A_4955, %scatter3A_4956] : memref<2x8192xi32, #tpu.memory_space<vmem>> -> memref<1x8192xi32, #tpu.memory_space<vmem>>
      %scatter3A_4958 = tpu.memref_squeeze %scatter3A_4957 : memref<1x8192xi32, #tpu.memory_space<vmem>> -> memref<8192xi32, #tpu.memory_space<vmem>>
      tpu.vector_store_idx %scatter3A_4958[%add3A_4951], %add3A_4954 : memref<8192xi32, #tpu.memory_space<vmem>>[vector<16xi32>], vector<16xi32>,
      %add3A_4959 = arith.constant 3 : i32
      %add3A_4960 = vector.broadcast %add3A_4959 : i32 to vector<16xi32>
      %add3A_4961 = arith.addi %add3A_4643, %add3A_4960 : vector<16xi32>
      %add3A_4962 = arith.constant 384 : i32
      %add3A_4963 = vector.broadcast %add3A_4962 : i32 to vector<16xi32>
      %add3A_4964 = arith.addi %add3A_4928, %add3A_4963 : vector<16xi32>
      %scatter3A_4965 = arith.constant 1 : i32
      %scatter3A_4966 = arith.constant 0 : i32
      %scatter3A_4967 = tpu.memref_slice %arg7[%scatter3A_4965, %scatter3A_4966] : memref<2x8192xi32, #tpu.memory_space<vmem>> -> memref<1x8192xi32, #tpu.memory_space<vmem>>
      %scatter3A_4968 = tpu.memref_squeeze %scatter3A_4967 : memref<1x8192xi32, #tpu.memory_space<vmem>> -> memref<8192xi32, #tpu.memory_space<vmem>>
      tpu.vector_store_idx %scatter3A_4968[%add3A_4961], %add3A_4964 : memref<8192xi32, #tpu.memory_space<vmem>>[vector<16xi32>], vector<16xi32>,
      %add3A_4969 = arith.constant 4 : i32
      %add3A_4970 = vector.broadcast %add3A_4969 : i32 to vector<16xi32>
      %add3A_4971 = arith.addi %add3A_4643, %add3A_4970 : vector<16xi32>
      %add3A_4972 = arith.constant 512 : i32
      %add3A_4973 = vector.broadcast %add3A_4972 : i32 to vector<16xi32>
      %add3A_4974 = arith.addi %add3A_4928, %add3A_4973 : vector<16xi32>
      %scatter3A_4975 = arith.constant 1 : i32
      %scatter3A_4976 = arith.constant 0 : i32
      %scatter3A_4977 = tpu.memref_slice %arg7[%scatter3A_4975, %scatter3A_4976] : memref<2x8192xi32, #tpu.memory_space<vmem>> -> memref<1x8192xi32, #tpu.memory_space<vmem>>
      %scatter3A_4978 = tpu.memref_squeeze %scatter3A_4977 : memref<1x8192xi32, #tpu.memory_space<vmem>> -> memref<8192xi32, #tpu.memory_space<vmem>>
      tpu.vector_store_idx %scatter3A_4978[%add3A_4971], %add3A_4974 : memref<8192xi32, #tpu.memory_space<vmem>>[vector<16xi32>], vector<16xi32>,
      %add3A_4979 = arith.constant 5 : i32
      %add3A_4980 = vector.broadcast %add3A_4979 : i32 to vector<16xi32>
      %add3A_4981 = arith.addi %add3A_4643, %add3A_4980 : vector<16xi32>
      %add3A_4982 = arith.constant 640 : i32
      %add3A_4983 = vector.broadcast %add3A_4982 : i32 to vector<16xi32>
      %add3A_4984 = arith.addi %add3A_4928, %add3A_4983 : vector<16xi32>
      %scatter3A_4985 = arith.constant 1 : i32
      %scatter3A_4986 = arith.constant 0 : i32
      %scatter3A_4987 = tpu.memref_slice %arg7[%scatter3A_4985, %scatter3A_4986] : memref<2x8192xi32, #tpu.memory_space<vmem>> -> memref<1x8192xi32, #tpu.memory_space<vmem>>
      %scatter3A_4988 = tpu.memref_squeeze %scatter3A_4987 : memref<1x8192xi32, #tpu.memory_space<vmem>> -> memref<8192xi32, #tpu.memory_space<vmem>>
      tpu.vector_store_idx %scatter3A_4988[%add3A_4981], %add3A_4984 : memref<8192xi32, #tpu.memory_space<vmem>>[vector<16xi32>], vector<16xi32>,
      %add3A_4989 = arith.constant 6 : i32
      %add3A_4990 = vector.broadcast %add3A_4989 : i32 to vector<16xi32>
      %add3A_4991 = arith.addi %add3A_4643, %add3A_4990 : vector<16xi32>
      %add3A_4992 = arith.constant 768 : i32
      %add3A_4993 = vector.broadcast %add3A_4992 : i32 to vector<16xi32>
      %add3A_4994 = arith.addi %add3A_4928, %add3A_4993 : vector<16xi32>
      %scatter3A_4995 = arith.constant 1 : i32
      %scatter3A_4996 = arith.constant 0 : i32
      %scatter3A_4997 = tpu.memref_slice %arg7[%scatter3A_4995, %scatter3A_4996] : memref<2x8192xi32, #tpu.memory_space<vmem>> -> memref<1x8192xi32, #tpu.memory_space<vmem>>
      %scatter3A_4998 = tpu.memref_squeeze %scatter3A_4997 : memref<1x8192xi32, #tpu.memory_space<vmem>> -> memref<8192xi32, #tpu.memory_space<vmem>>
      tpu.vector_store_idx %scatter3A_4998[%add3A_4991], %add3A_4994 : memref<8192xi32, #tpu.memory_space<vmem>>[vector<16xi32>], vector<16xi32>,
      %add3A_4999 = arith.constant 7 : i32
      %add3A_5000 = vector.broadcast %add3A_4999 : i32 to vector<16xi32>
      %add3A_5001 = arith.addi %add3A_4643, %add3A_5000 : vector<16xi32>
      %add3A_5002 = arith.constant 896 : i32
      %add3A_5003 = vector.broadcast %add3A_5002 : i32 to vector<16xi32>
      %add3A_5004 = arith.addi %add3A_4928, %add3A_5003 : vector<16xi32>
      %scatter3A_5005 = arith.constant 1 : i32
      %scatter3A_5006 = arith.constant 0 : i32
      %scatter3A_5007 = tpu.memref_slice %arg7[%scatter3A_5005, %scatter3A_5006] : memref<2x8192xi32, #tpu.memory_space<vmem>> -> memref<1x8192xi32, #tpu.memory_space<vmem>>
      %scatter3A_5008 = tpu.memref_squeeze %scatter3A_5007 : memref<1x8192xi32, #tpu.memory_space<vmem>> -> memref<8192xi32, #tpu.memory_space<vmem>>
      tpu.vector_store_idx %scatter3A_5008[%add3A_5001], %add3A_5004 : memref<8192xi32, #tpu.memory_space<vmem>>[vector<16xi32>], vector<16xi32>,
      %add3A_5009 = arith.constant 8 : i32
      %add3A_5010 = vector.broadcast %add3A_5009 : i32 to vector<16xi32>
      %add3A_5011 = arith.addi %add3A_4643, %add3A_5010 : vector<16xi32>
      %add3A_5012 = arith.constant 16000000 : i32
      %add3A_5013 = vector.broadcast %add3A_5012 : i32 to vector<16xi32>
      %add3A_5014 = arith.addi %add3A_4928, %add3A_5013 : vector<16xi32>
      %scatter3A_5015 = arith.constant 1 : i32
      %scatter3A_5016 = arith.constant 0 : i32
      %scatter3A_5017 = tpu.memref_slice %arg7[%scatter3A_5015, %scatter3A_5016] : memref<2x8192xi32, #tpu.memory_space<vmem>> -> memref<1x8192xi32, #tpu.memory_space<vmem>>
      %scatter3A_5018 = tpu.memref_squeeze %scatter3A_5017 : memref<1x8192xi32, #tpu.memory_space<vmem>> -> memref<8192xi32, #tpu.memory_space<vmem>>
      tpu.vector_store_idx %scatter3A_5018[%add3A_5011], %add3A_5014 : memref<8192xi32, #tpu.memory_space<vmem>>[vector<16xi32>], vector<16xi32>,
      %add3A_5019 = arith.constant 9 : i32
      %add3A_5020 = vector.broadcast %add3A_5019 : i32 to vector<16xi32>
      %add3A_5021 = arith.addi %add3A_4643, %add3A_5020 : vector<16xi32>
      %add3A_5022 = arith.constant 16000128 : i32
      %add3A_5023 = vector.broadcast %add3A_5022 : i32 to vector<16xi32>
      %add3A_5024 = arith.addi %add3A_4928, %add3A_5023 : vector<16xi32>
      %scatter3A_5025 = arith.constant 1 : i32
      %scatter3A_5026 = arith.constant 0 : i32
      %scatter3A_5027 = tpu.memref_slice %arg7[%scatter3A_5025, %scatter3A_5026] : memref<2x8192xi32, #tpu.memory_space<vmem>> -> memref<1x8192xi32, #tpu.memory_space<vmem>>
      %scatter3A_5028 = tpu.memref_squeeze %scatter3A_5027 : memref<1x8192xi32, #tpu.memory_space<vmem>> -> memref<8192xi32, #tpu.memory_space<vmem>>
      tpu.vector_store_idx %scatter3A_5028[%add3A_5021], %add3A_5024 : memref<8192xi32, #tpu.memory_space<vmem>>[vector<16xi32>], vector<16xi32>,
      %add3A_5029 = arith.constant 10 : i32
      %add3A_5030 = vector.broadcast %add3A_5029 : i32 to vector<16xi32>
      %add3A_5031 = arith.addi %add3A_4643, %add3A_5030 : vector<16xi32>
      %add3A_5032 = arith.constant 16000256 : i32
      %add3A_5033 = vector.broadcast %add3A_5032 : i32 to vector<16xi32>
      %add3A_5034 = arith.addi %add3A_4928, %add3A_5033 : vector<16xi32>
      %scatter3A_5035 = arith.constant 1 : i32
      %scatter3A_5036 = arith.constant 0 : i32
      %scatter3A_5037 = tpu.memref_slice %arg7[%scatter3A_5035, %scatter3A_5036] : memref<2x8192xi32, #tpu.memory_space<vmem>> -> memref<1x8192xi32, #tpu.memory_space<vmem>>
      %scatter3A_5038 = tpu.memref_squeeze %scatter3A_5037 : memref<1x8192xi32, #tpu.memory_space<vmem>> -> memref<8192xi32, #tpu.memory_space<vmem>>
      tpu.vector_store_idx %scatter3A_5038[%add3A_5031], %add3A_5034 : memref<8192xi32, #tpu.memory_space<vmem>>[vector<16xi32>], vector<16xi32>,
      %add3A_5039 = arith.constant 11 : i32
      %add3A_5040 = vector.broadcast %add3A_5039 : i32 to vector<16xi32>
      %add3A_5041 = arith.addi %add3A_4643, %add3A_5040 : vector<16xi32>
      %add3A_5042 = arith.constant 16000384 : i32
      %add3A_5043 = vector.broadcast %add3A_5042 : i32 to vector<16xi32>
      %add3A_5044 = arith.addi %add3A_4928, %add3A_5043 : vector<16xi32>
      %scatter3A_5045 = arith.constant 1 : i32
      %scatter3A_5046 = arith.constant 0 : i32
      %scatter3A_5047 = tpu.memref_slice %arg7[%scatter3A_5045, %scatter3A_5046] : memref<2x8192xi32, #tpu.memory_space<vmem>> -> memref<1x8192xi32, #tpu.memory_space<vmem>>
      %scatter3A_5048 = tpu.memref_squeeze %scatter3A_5047 : memref<1x8192xi32, #tpu.memory_space<vmem>> -> memref<8192xi32, #tpu.memory_space<vmem>>
      tpu.vector_store_idx %scatter3A_5048[%add3A_5041], %add3A_5044 : memref<8192xi32, #tpu.memory_space<vmem>>[vector<16xi32>], vector<16xi32>,
      %add3A_5049 = arith.constant 12 : i32
      %add3A_5050 = vector.broadcast %add3A_5049 : i32 to vector<16xi32>
      %add3A_5051 = arith.addi %add3A_4643, %add3A_5050 : vector<16xi32>
      %add3A_5052 = arith.constant 16000512 : i32
      %add3A_5053 = vector.broadcast %add3A_5052 : i32 to vector<16xi32>
      %add3A_5054 = arith.addi %add3A_4928, %add3A_5053 : vector<16xi32>
      %scatter3A_5055 = arith.constant 1 : i32
      %scatter3A_5056 = arith.constant 0 : i32
      %scatter3A_5057 = tpu.memref_slice %arg7[%scatter3A_5055, %scatter3A_5056] : memref<2x8192xi32, #tpu.memory_space<vmem>> -> memref<1x8192xi32, #tpu.memory_space<vmem>>
      %scatter3A_5058 = tpu.memref_squeeze %scatter3A_5057 : memref<1x8192xi32, #tpu.memory_space<vmem>> -> memref<8192xi32, #tpu.memory_space<vmem>>
      tpu.vector_store_idx %scatter3A_5058[%add3A_5051], %add3A_5054 : memref<8192xi32, #tpu.memory_space<vmem>>[vector<16xi32>], vector<16xi32>,
      %add3A_5059 = arith.constant 13 : i32
      %add3A_5060 = vector.broadcast %add3A_5059 : i32 to vector<16xi32>
      %add3A_5061 = arith.addi %add3A_4643, %add3A_5060 : vector<16xi32>
      %add3A_5062 = arith.constant 16000640 : i32
      %add3A_5063 = vector.broadcast %add3A_5062 : i32 to vector<16xi32>
      %add3A_5064 = arith.addi %add3A_4928, %add3A_5063 : vector<16xi32>
      %scatter3A_5065 = arith.constant 1 : i32
      %scatter3A_5066 = arith.constant 0 : i32
      %scatter3A_5067 = tpu.memref_slice %arg7[%scatter3A_5065, %scatter3A_5066] : memref<2x8192xi32, #tpu.memory_space<vmem>> -> memref<1x8192xi32, #tpu.memory_space<vmem>>
      %scatter3A_5068 = tpu.memref_squeeze %scatter3A_5067 : memref<1x8192xi32, #tpu.memory_space<vmem>> -> memref<8192xi32, #tpu.memory_space<vmem>>
      tpu.vector_store_idx %scatter3A_5068[%add3A_5061], %add3A_5064 : memref<8192xi32, #tpu.memory_space<vmem>>[vector<16xi32>], vector<16xi32>,
      %add3A_5069 = arith.constant 14 : i32
      %add3A_5070 = vector.broadcast %add3A_5069 : i32 to vector<16xi32>
      %add3A_5071 = arith.addi %add3A_4643, %add3A_5070 : vector<16xi32>
      %add3A_5072 = arith.constant 16000768 : i32
      %add3A_5073 = vector.broadcast %add3A_5072 : i32 to vector<16xi32>
      %add3A_5074 = arith.addi %add3A_4928, %add3A_5073 : vector<16xi32>
      %scatter3A_5075 = arith.constant 1 : i32
      %scatter3A_5076 = arith.constant 0 : i32
      %scatter3A_5077 = tpu.memref_slice %arg7[%scatter3A_5075, %scatter3A_5076] : memref<2x8192xi32, #tpu.memory_space<vmem>> -> memref<1x8192xi32, #tpu.memory_space<vmem>>
      %scatter3A_5078 = tpu.memref_squeeze %scatter3A_5077 : memref<1x8192xi32, #tpu.memory_space<vmem>> -> memref<8192xi32, #tpu.memory_space<vmem>>
      tpu.vector_store_idx %scatter3A_5078[%add3A_5071], %add3A_5074 : memref<8192xi32, #tpu.memory_space<vmem>>[vector<16xi32>], vector<16xi32>,
      %add3A_5079 = arith.constant 15 : i32
      %add3A_5080 = vector.broadcast %add3A_5079 : i32 to vector<16xi32>
      %add3A_5081 = arith.addi %add3A_4643, %add3A_5080 : vector<16xi32>
      %add3A_5082 = arith.constant 16000896 : i32
      %add3A_5083 = vector.broadcast %add3A_5082 : i32 to vector<16xi32>
      %add3A_5084 = arith.addi %add3A_4928, %add3A_5083 : vector<16xi32>
      %scatter3A_5085 = arith.constant 1 : i32
      %scatter3A_5086 = arith.constant 0 : i32
      %scatter3A_5087 = tpu.memref_slice %arg7[%scatter3A_5085, %scatter3A_5086] : memref<2x8192xi32, #tpu.memory_space<vmem>> -> memref<1x8192xi32, #tpu.memory_space<vmem>>
      %scatter3A_5088 = tpu.memref_squeeze %scatter3A_5087 : memref<1x8192xi32, #tpu.memory_space<vmem>> -> memref<8192xi32, #tpu.memory_space<vmem>>
      tpu.vector_store_idx %scatter3A_5088[%add3A_5081], %add3A_5084 : memref<8192xi32, #tpu.memory_space<vmem>>[vector<16xi32>], vector<16xi32>,
    }
    %scan3A_8 = arith.constant 32 : i32
    %dma_start3A = arith.constant 0 : i32
    %dma_start3A_9 = arith.constant 0 : i32
    %dma_start3A_10 = arith.constant 0 : i32
    %dma_start3A_11 = tpu.memref_slice %arg8[%dma_start3A_9, %dma_start3A_10] : memref<2x8192xf32, #tpu.memory_space<vmem>> -> memref<1x8192xf32, #tpu.memory_space<vmem>>
    %dma_start3A_12 = tpu.memref_squeeze %dma_start3A_11 : memref<1x8192xf32, #tpu.memory_space<vmem>> -> memref<8192xf32, #tpu.memory_space<vmem>>
    %dma_start3A_13 = arith.constant 0 : i32
    %dma_start3A_14 = tpu.memref_slice %arg7[%dma_start3A, %dma_start3A_13] : memref<2x8192xi32, #tpu.memory_space<vmem>> -> memref<1x8192xi32, #tpu.memory_space<vmem>>
    %dma_start3A_15 = tpu.memref_squeeze %dma_start3A_14 : memref<1x8192xi32, #tpu.memory_space<vmem>> -> memref<8192xi32, #tpu.memory_space<vmem>>
    %dma_start3A_16 = arith.constant 0 : i32
    %dma_start3A_17 = tpu.memref_slice %arg3[%dma_start3A_16] : memref<32000000xf32, #tpu.memory_space<hbm>> -> memref<32000000xf32, #tpu.memory_space<hbm>>
    tpu.enqueue_indirect_dma source(%dma_start3A_17 : memref<32000000xf32, #tpu.memory_space<hbm>>) target(%dma_start3A_12 : memref<8192xf32, #tpu.memory_space<vmem>>) offsets(%dma_start3A_15 : memref<8192xi32, #tpu.memory_space<vmem>>) semaphore(%arg12 : memref<!tpu.dma_semaphore, #tpu.memory_space<semaphore_mem>>)
    %dma_start3A_18 = arith.constant 1 : i32
    %dma_start3A_19 = arith.constant 1 : i32
    %dma_start3A_20 = arith.constant 0 : i32
    %dma_start3A_21 = tpu.memref_slice %arg8[%dma_start3A_19, %dma_start3A_20] : memref<2x8192xf32, #tpu.memory_space<vmem>> -> memref<1x8192xf32, #tpu.memory_space<vmem>>
    %dma_start3A_22 = tpu.memref_squeeze %dma_start3A_21 : memref<1x8192xf32, #tpu.memory_space<vmem>> -> memref<8192xf32, #tpu.memory_space<vmem>>
    %dma_start3A_23 = arith.constant 0 : i32
    %dma_start3A_24 = tpu.memref_slice %arg7[%dma_start3A_18, %dma_start3A_23] : memref<2x8192xi32, #tpu.memory_space<vmem>> -> memref<1x8192xi32, #tpu.memory_space<vmem>>
    %dma_start3A_25 = tpu.memref_squeeze %dma_start3A_24 : memref<1x8192xi32, #tpu.memory_space<vmem>> -> memref<8192xi32, #tpu.memory_space<vmem>>
    %dma_start3A_26 = arith.constant 0 : i32
    %dma_start3A_27 = tpu.memref_slice %arg3[%dma_start3A_26] : memref<32000000xf32, #tpu.memory_space<hbm>> -> memref<32000000xf32, #tpu.memory_space<hbm>>
    tpu.enqueue_indirect_dma source(%dma_start3A_27 : memref<32000000xf32, #tpu.memory_space<hbm>>) target(%dma_start3A_22 : memref<8192xf32, #tpu.memory_space<vmem>>) offsets(%dma_start3A_25 : memref<8192xi32, #tpu.memory_space<vmem>>) semaphore(%arg12 : memref<!tpu.dma_semaphore, #tpu.memory_space<semaphore_mem>>)
    %broadcast_in_dim3A = arith.constant 32 : i32
    %broadcast_in_dim3A_28 = vector.broadcast %broadcast_in_dim3A : i32 to vector<16xi32>
    %get3A = arith.constant 0 : i32
    %get3A_29 = arith.index_cast %get3A : i32 to index
    %get3A_30 = arith.constant 0 : index
    %get3A_31 = tpu.vector_load %arg6[%get3A_29, %get3A_30] {strides = array<i32>} : memref<2x512xi32, #tpu.memory_space<vmem>>, vector<16xi32>,
    %add3A_32 = arith.constant 0 : i32
    %add3A_33 = vector.broadcast %add3A_32 : i32 to vector<16xi32>
    %add3A_34 = arith.addi %iota3A, %add3A_33 : vector<16xi32>
    %jit3A = arith.constant 128 : i32
    %div3A = vector.broadcast %jit3A : i32 to vector<16xi32>
    %div3A_35 = arith.divsi %get3A_31, %div3A : vector<16xi32>
    %sign3A = arith.constant 0 : i32
    %sign3A_36 = vector.broadcast %sign3A : i32 to vector<16xi32>
    %sign3A_37 = arith.cmpi sgt, %get3A_31, %sign3A_36 : vector<16xi32>
    %sign3A_38 = arith.extui %sign3A_37 : vector<16xi1> to vector<16xi32>
    %sign3A_39 = arith.constant 0 : i32
    %sign3A_40 = vector.broadcast %sign3A_39 : i32 to vector<16xi32>
    %sign3A_41 = arith.cmpi slt, %get3A_31, %sign3A_40 : vector<16xi32>
    %sign3A_42 = arith.extui %sign3A_41 : vector<16xi1> to vector<16xi32>
    %sign3A_43 = arith.subi %sign3A_38, %sign3A_42 : vector<16xi32>
    %sign3A_44 = arith.constant 0 : i32
    %sign3A_45 = arith.cmpi sgt, %jit3A, %sign3A_44 : i32
    %sign3A_46 = arith.extui %sign3A_45 : i1 to i32
    %sign3A_47 = arith.constant 0 : i32
    %sign3A_48 = arith.cmpi slt, %jit3A, %sign3A_47 : i32
    %sign3A_49 = arith.extui %sign3A_48 : i1 to i32
    %sign3A_50 = arith.subi %sign3A_46, %sign3A_49 : i32
    %ne3A = vector.broadcast %sign3A_50 : i32 to vector<16xi32>
    %ne3A_51 = arith.cmpi ne, %sign3A_43, %ne3A : vector<16xi32>
    %rem3A = vector.broadcast %jit3A : i32 to vector<16xi32>
    %rem3A_52 = arith.remsi %get3A_31, %rem3A : vector<16xi32>
    %ne3A_53 = arith.constant 0 : i32
    %ne3A_54 = vector.broadcast %ne3A_53 : i32 to vector<16xi32>
    %ne3A_55 = arith.cmpi ne, %rem3A_52, %ne3A_54 : vector<16xi32>
    %and3A = arith.andi %ne3A_51, %ne3A_55 : vector<16xi1>
    %sub3A = arith.constant 1 : i32
    %sub3A_56 = vector.broadcast %sub3A : i32 to vector<16xi32>
    %sub3A_57 = arith.subi %div3A_35, %sub3A_56 : vector<16xi32>
    %select_n3A = arith.select %and3A, %sub3A_57, %div3A_35 : vector<16xi1>, vector<16xi32>
    tpu.vector_store_idx %arg9[%add3A_34], %select_n3A : memref<128xi32, #tpu.memory_space<vmem>>[vector<16xi32>], vector<16xi32>,
    %get3A_58 = arith.constant 0 : i32
    %get3A_59 = arith.index_cast %get3A_58 : i32 to index
    %get3A_60 = arith.constant 16 : index
    %get3A_61 = tpu.vector_load %arg6[%get3A_59, %get3A_60] {strides = array<i32>} : memref<2x512xi32, #tpu.memory_space<vmem>>, vector<16xi32>,
    %add3A_62 = arith.constant 16 : i32
    %add3A_63 = vector.broadcast %add3A_62 : i32 to vector<16xi32>
    %add3A_64 = arith.addi %iota3A, %add3A_63 : vector<16xi32>
    %jit3A_65 = arith.constant 128 : i32
    %div3A_66 = vector.broadcast %jit3A_65 : i32 to vector<16xi32>
    %div3A_67 = arith.divsi %get3A_61, %div3A_66 : vector<16xi32>
    %sign3A_68 = arith.constant 0 : i32
    %sign3A_69 = vector.broadcast %sign3A_68 : i32 to vector<16xi32>
    %sign3A_70 = arith.cmpi sgt, %get3A_61, %sign3A_69 : vector<16xi32>
    %sign3A_71 = arith.extui %sign3A_70 : vector<16xi1> to vector<16xi32>
    %sign3A_72 = arith.constant 0 : i32
    %sign3A_73 = vector.broadcast %sign3A_72 : i32 to vector<16xi32>
    %sign3A_74 = arith.cmpi slt, %get3A_61, %sign3A_73 : vector<16xi32>
    %sign3A_75 = arith.extui %sign3A_74 : vector<16xi1> to vector<16xi32>
    %sign3A_76 = arith.subi %sign3A_71, %sign3A_75 : vector<16xi32>
    %sign3A_77 = arith.constant 0 : i32
    %sign3A_78 = arith.cmpi sgt, %jit3A_65, %sign3A_77 : i32
    %sign3A_79 = arith.extui %sign3A_78 : i1 to i32
    %sign3A_80 = arith.constant 0 : i32
    %sign3A_81 = arith.cmpi slt, %jit3A_65, %sign3A_80 : i32
    %sign3A_82 = arith.extui %sign3A_81 : i1 to i32
    %sign3A_83 = arith.subi %sign3A_79, %sign3A_82 : i32
    %ne3A_84 = vector.broadcast %sign3A_83 : i32 to vector<16xi32>
    %ne3A_85 = arith.cmpi ne, %sign3A_76, %ne3A_84 : vector<16xi32>
    %rem3A_86 = vector.broadcast %jit3A_65 : i32 to vector<16xi32>
    %rem3A_87 = arith.remsi %get3A_61, %rem3A_86 : vector<16xi32>
    %ne3A_88 = arith.constant 0 : i32
    %ne3A_89 = vector.broadcast %ne3A_88 : i32 to vector<16xi32>
    %ne3A_90 = arith.cmpi ne, %rem3A_87, %ne3A_89 : vector<16xi32>
    %and3A_91 = arith.andi %ne3A_85, %ne3A_90 : vector<16xi1>
    %sub3A_92 = arith.constant 1 : i32
    %sub3A_93 = vector.broadcast %sub3A_92 : i32 to vector<16xi32>
    %sub3A_94 = arith.subi %div3A_67, %sub3A_93 : vector<16xi32>
    %select_n3A_95 = arith.select %and3A_91, %sub3A_94, %div3A_67 : vector<16xi1>, vector<16xi32>
    tpu.vector_store_idx %arg9[%add3A_64], %select_n3A_95 : memref<128xi32, #tpu.memory_space<vmem>>[vector<16xi32>], vector<16xi32>,
    %get3A_96 = arith.constant 0 : i32
    %get3A_97 = arith.index_cast %get3A_96 : i32 to index
    %get3A_98 = arith.constant 32 : index
    %get3A_99 = tpu.vector_load %arg6[%get3A_97, %get3A_98] {strides = array<i32>} : memref<2x512xi32, #tpu.memory_space<vmem>>, vector<16xi32>,
    %add3A_100 = arith.constant 32 : i32
    %add3A_101 = vector.broadcast %add3A_100 : i32 to vector<16xi32>
    %add3A_102 = arith.addi %iota3A, %add3A_101 : vector<16xi32>
    %jit3A_103 = arith.constant 128 : i32
    %div3A_104 = vector.broadcast %jit3A_103 : i32 to vector<16xi32>
    %div3A_105 = arith.divsi %get3A_99, %div3A_104 : vector<16xi32>
    %sign3A_106 = arith.constant 0 : i32
    %sign3A_107 = vector.broadcast %sign3A_106 : i32 to vector<16xi32>
    %sign3A_108 = arith.cmpi sgt, %get3A_99, %sign3A_107 : vector<16xi32>
    %sign3A_109 = arith.extui %sign3A_108 : vector<16xi1> to vector<16xi32>
    %sign3A_110 = arith.constant 0 : i32
    %sign3A_111 = vector.broadcast %sign3A_110 : i32 to vector<16xi32>
    %sign3A_112 = arith.cmpi slt, %get3A_99, %sign3A_111 : vector<16xi32>
    %sign3A_113 = arith.extui %sign3A_112 : vector<16xi1> to vector<16xi32>
    %sign3A_114 = arith.subi %sign3A_109, %sign3A_113 : vector<16xi32>
    %sign3A_115 = arith.constant 0 : i32
    %sign3A_116 = arith.cmpi sgt, %jit3A_103, %sign3A_115 : i32
    %sign3A_117 = arith.extui %sign3A_116 : i1 to i32
    %sign3A_118 = arith.constant 0 : i32
    %sign3A_119 = arith.cmpi slt, %jit3A_103, %sign3A_118 : i32
    %sign3A_120 = arith.extui %sign3A_119 : i1 to i32
    %sign3A_121 = arith.subi %sign3A_117, %sign3A_120 : i32
    %ne3A_122 = vector.broadcast %sign3A_121 : i32 to vector<16xi32>
    %ne3A_123 = arith.cmpi ne, %sign3A_114, %ne3A_122 : vector<16xi32>
    %rem3A_124 = vector.broadcast %jit3A_103 : i32 to vector<16xi32>
    %rem3A_125 = arith.remsi %get3A_99, %rem3A_124 : vector<16xi32>
    %ne3A_126 = arith.constant 0 : i32
    %ne3A_127 = vector.broadcast %ne3A_126 : i32 to vector<16xi32>
    %ne3A_128 = arith.cmpi ne, %rem3A_125, %ne3A_127 : vector<16xi32>
    %and3A_129 = arith.andi %ne3A_123, %ne3A_128 : vector<16xi1>
    %sub3A_130 = arith.constant 1 : i32
    %sub3A_131 = vector.broadcast %sub3A_130 : i32 to vector<16xi32>
    %sub3A_132 = arith.subi %div3A_105, %sub3A_131 : vector<16xi32>
    %select_n3A_133 = arith.select %and3A_129, %sub3A_132, %div3A_105 : vector<16xi1>, vector<16xi32>
    tpu.vector_store_idx %arg9[%add3A_102], %select_n3A_133 : memref<128xi32, #tpu.memory_space<vmem>>[vector<16xi32>], vector<16xi32>,
    %get3A_134 = arith.constant 0 : i32
    %get3A_135 = arith.index_cast %get3A_134 : i32 to index
    %get3A_136 = arith.constant 48 : index
    %get3A_137 = tpu.vector_load %arg6[%get3A_135, %get3A_136] {strides = array<i32>} : memref<2x512xi32, #tpu.memory_space<vmem>>, vector<16xi32>,
    %add3A_138 = arith.constant 48 : i32
    %add3A_139 = vector.broadcast %add3A_138 : i32 to vector<16xi32>
    %add3A_140 = arith.addi %iota3A, %add3A_139 : vector<16xi32>
    %jit3A_141 = arith.constant 128 : i32
    %div3A_142 = vector.broadcast %jit3A_141 : i32 to vector<16xi32>
    %div3A_143 = arith.divsi %get3A_137, %div3A_142 : vector<16xi32>
    %sign3A_144 = arith.constant 0 : i32
    %sign3A_145 = vector.broadcast %sign3A_144 : i32 to vector<16xi32>
    %sign3A_146 = arith.cmpi sgt, %get3A_137, %sign3A_145 : vector<16xi32>
    %sign3A_147 = arith.extui %sign3A_146 : vector<16xi1> to vector<16xi32>
    %sign3A_148 = arith.constant 0 : i32
    %sign3A_149 = vector.broadcast %sign3A_148 : i32 to vector<16xi32>
    %sign3A_150 = arith.cmpi slt, %get3A_137, %sign3A_149 : vector<16xi32>
    %sign3A_151 = arith.extui %sign3A_150 : vector<16xi1> to vector<16xi32>
    %sign3A_152 = arith.subi %sign3A_147, %sign3A_151 : vector<16xi32>
    %sign3A_153 = arith.constant 0 : i32
    %sign3A_154 = arith.cmpi sgt, %jit3A_141, %sign3A_153 : i32
    %sign3A_155 = arith.extui %sign3A_154 : i1 to i32
    %sign3A_156 = arith.constant 0 : i32
    %sign3A_157 = arith.cmpi slt, %jit3A_141, %sign3A_156 : i32
    %sign3A_158 = arith.extui %sign3A_157 : i1 to i32
    %sign3A_159 = arith.subi %sign3A_155, %sign3A_158 : i32
    %ne3A_160 = vector.broadcast %sign3A_159 : i32 to vector<16xi32>
    %ne3A_161 = arith.cmpi ne, %sign3A_152, %ne3A_160 : vector<16xi32>
    %rem3A_162 = vector.broadcast %jit3A_141 : i32 to vector<16xi32>
    %rem3A_163 = arith.remsi %get3A_137, %rem3A_162 : vector<16xi32>
    %ne3A_164 = arith.constant 0 : i32
    %ne3A_165 = vector.broadcast %ne3A_164 : i32 to vector<16xi32>
    %ne3A_166 = arith.cmpi ne, %rem3A_163, %ne3A_165 : vector<16xi32>
    %and3A_167 = arith.andi %ne3A_161, %ne3A_166 : vector<16xi1>
    %sub3A_168 = arith.constant 1 : i32
    %sub3A_169 = vector.broadcast %sub3A_168 : i32 to vector<16xi32>
    %sub3A_170 = arith.subi %div3A_143, %sub3A_169 : vector<16xi32>
    %select_n3A_171 = arith.select %and3A_167, %sub3A_170, %div3A_143 : vector<16xi1>, vector<16xi32>
    tpu.vector_store_idx %arg9[%add3A_140], %select_n3A_171 : memref<128xi32, #tpu.memory_space<vmem>>[vector<16xi32>], vector<16xi32>,
    %get3A_172 = arith.constant 0 : i32
    %get3A_173 = arith.index_cast %get3A_172 : i32 to index
    %get3A_174 = arith.constant 64 : index
    %get3A_175 = tpu.vector_load %arg6[%get3A_173, %get3A_174] {strides = array<i32>} : memref<2x512xi32, #tpu.memory_space<vmem>>, vector<16xi32>,
    %add3A_176 = arith.constant 64 : i32
    %add3A_177 = vector.broadcast %add3A_176 : i32 to vector<16xi32>
    %add3A_178 = arith.addi %iota3A, %add3A_177 : vector<16xi32>
    %jit3A_179 = arith.constant 128 : i32
    %div3A_180 = vector.broadcast %jit3A_179 : i32 to vector<16xi32>
    %div3A_181 = arith.divsi %get3A_175, %div3A_180 : vector<16xi32>
    %sign3A_182 = arith.constant 0 : i32
    %sign3A_183 = vector.broadcast %sign3A_182 : i32 to vector<16xi32>
    %sign3A_184 = arith.cmpi sgt, %get3A_175, %sign3A_183 : vector<16xi32>
    %sign3A_185 = arith.extui %sign3A_184 : vector<16xi1> to vector<16xi32>
    %sign3A_186 = arith.constant 0 : i32
    %sign3A_187 = vector.broadcast %sign3A_186 : i32 to vector<16xi32>
    %sign3A_188 = arith.cmpi slt, %get3A_175, %sign3A_187 : vector<16xi32>
    %sign3A_189 = arith.extui %sign3A_188 : vector<16xi1> to vector<16xi32>
    %sign3A_190 = arith.subi %sign3A_185, %sign3A_189 : vector<16xi32>
    %sign3A_191 = arith.constant 0 : i32
    %sign3A_192 = arith.cmpi sgt, %jit3A_179, %sign3A_191 : i32
    %sign3A_193 = arith.extui %sign3A_192 : i1 to i32
    %sign3A_194 = arith.constant 0 : i32
    %sign3A_195 = arith.cmpi slt, %jit3A_179, %sign3A_194 : i32
    %sign3A_196 = arith.extui %sign3A_195 : i1 to i32
    %sign3A_197 = arith.subi %sign3A_193, %sign3A_196 : i32
    %ne3A_198 = vector.broadcast %sign3A_197 : i32 to vector<16xi32>
    %ne3A_199 = arith.cmpi ne, %sign3A_190, %ne3A_198 : vector<16xi32>
    %rem3A_200 = vector.broadcast %jit3A_179 : i32 to vector<16xi32>
    %rem3A_201 = arith.remsi %get3A_175, %rem3A_200 : vector<16xi32>
    %ne3A_202 = arith.constant 0 : i32
    %ne3A_203 = vector.broadcast %ne3A_202 : i32 to vector<16xi32>
    %ne3A_204 = arith.cmpi ne, %rem3A_201, %ne3A_203 : vector<16xi32>
    %and3A_205 = arith.andi %ne3A_199, %ne3A_204 : vector<16xi1>
    %sub3A_206 = arith.constant 1 : i32
    %sub3A_207 = vector.broadcast %sub3A_206 : i32 to vector<16xi32>
    %sub3A_208 = arith.subi %div3A_181, %sub3A_207 : vector<16xi32>
    %select_n3A_209 = arith.select %and3A_205, %sub3A_208, %div3A_181 : vector<16xi1>, vector<16xi32>
    tpu.vector_store_idx %arg9[%add3A_178], %select_n3A_209 : memref<128xi32, #tpu.memory_space<vmem>>[vector<16xi32>], vector<16xi32>,
    %get3A_210 = arith.constant 0 : i32
    %get3A_211 = arith.index_cast %get3A_210 : i32 to index
    %get3A_212 = arith.constant 80 : index
    %get3A_213 = tpu.vector_load %arg6[%get3A_211, %get3A_212] {strides = array<i32>} : memref<2x512xi32, #tpu.memory_space<vmem>>, vector<16xi32>,
    %add3A_214 = arith.constant 80 : i32
    %add3A_215 = vector.broadcast %add3A_214 : i32 to vector<16xi32>
    %add3A_216 = arith.addi %iota3A, %add3A_215 : vector<16xi32>
    %jit3A_217 = arith.constant 128 : i32
    %div3A_218 = vector.broadcast %jit3A_217 : i32 to vector<16xi32>
    %div3A_219 = arith.divsi %get3A_213, %div3A_218 : vector<16xi32>
    %sign3A_220 = arith.constant 0 : i32
    %sign3A_221 = vector.broadcast %sign3A_220 : i32 to vector<16xi32>
    %sign3A_222 = arith.cmpi sgt, %get3A_213, %sign3A_221 : vector<16xi32>
    %sign3A_223 = arith.extui %sign3A_222 : vector<16xi1> to vector<16xi32>
    %sign3A_224 = arith.constant 0 : i32
    %sign3A_225 = vector.broadcast %sign3A_224 : i32 to vector<16xi32>
    %sign3A_226 = arith.cmpi slt, %get3A_213, %sign3A_225 : vector<16xi32>
    %sign3A_227 = arith.extui %sign3A_226 : vector<16xi1> to vector<16xi32>
    %sign3A_228 = arith.subi %sign3A_223, %sign3A_227 : vector<16xi32>
    %sign3A_229 = arith.constant 0 : i32
    %sign3A_230 = arith.cmpi sgt, %jit3A_217, %sign3A_229 : i32
    %sign3A_231 = arith.extui %sign3A_230 : i1 to i32
    %sign3A_232 = arith.constant 0 : i32
    %sign3A_233 = arith.cmpi slt, %jit3A_217, %sign3A_232 : i32
    %sign3A_234 = arith.extui %sign3A_233 : i1 to i32
    %sign3A_235 = arith.subi %sign3A_231, %sign3A_234 : i32
    %ne3A_236 = vector.broadcast %sign3A_235 : i32 to vector<16xi32>
    %ne3A_237 = arith.cmpi ne, %sign3A_228, %ne3A_236 : vector<16xi32>
    %rem3A_238 = vector.broadcast %jit3A_217 : i32 to vector<16xi32>
    %rem3A_239 = arith.remsi %get3A_213, %rem3A_238 : vector<16xi32>
    %ne3A_240 = arith.constant 0 : i32
    %ne3A_241 = vector.broadcast %ne3A_240 : i32 to vector<16xi32>
    %ne3A_242 = arith.cmpi ne, %rem3A_239, %ne3A_241 : vector<16xi32>
    %and3A_243 = arith.andi %ne3A_237, %ne3A_242 : vector<16xi1>
    %sub3A_244 = arith.constant 1 : i32
    %sub3A_245 = vector.broadcast %sub3A_244 : i32 to vector<16xi32>
    %sub3A_246 = arith.subi %div3A_219, %sub3A_245 : vector<16xi32>
    %select_n3A_247 = arith.select %and3A_243, %sub3A_246, %div3A_219 : vector<16xi1>, vector<16xi32>
    tpu.vector_store_idx %arg9[%add3A_216], %select_n3A_247 : memref<128xi32, #tpu.memory_space<vmem>>[vector<16xi32>], vector<16xi32>,
    %get3A_248 = arith.constant 0 : i32
    %get3A_249 = arith.index_cast %get3A_248 : i32 to index
    %get3A_250 = arith.constant 96 : index
    %get3A_251 = tpu.vector_load %arg6[%get3A_249, %get3A_250] {strides = array<i32>} : memref<2x512xi32, #tpu.memory_space<vmem>>, vector<16xi32>,
    %add3A_252 = arith.constant 96 : i32
    %add3A_253 = vector.broadcast %add3A_252 : i32 to vector<16xi32>
    %add3A_254 = arith.addi %iota3A, %add3A_253 : vector<16xi32>
    %jit3A_255 = arith.constant 128 : i32
    %div3A_256 = vector.broadcast %jit3A_255 : i32 to vector<16xi32>
    %div3A_257 = arith.divsi %get3A_251, %div3A_256 : vector<16xi32>
    %sign3A_258 = arith.constant 0 : i32
    %sign3A_259 = vector.broadcast %sign3A_258 : i32 to vector<16xi32>
    %sign3A_260 = arith.cmpi sgt, %get3A_251, %sign3A_259 : vector<16xi32>
    %sign3A_261 = arith.extui %sign3A_260 : vector<16xi1> to vector<16xi32>
    %sign3A_262 = arith.constant 0 : i32
    %sign3A_263 = vector.broadcast %sign3A_262 : i32 to vector<16xi32>
    %sign3A_264 = arith.cmpi slt, %get3A_251, %sign3A_263 : vector<16xi32>
    %sign3A_265 = arith.extui %sign3A_264 : vector<16xi1> to vector<16xi32>
    %sign3A_266 = arith.subi %sign3A_261, %sign3A_265 : vector<16xi32>
    %sign3A_267 = arith.constant 0 : i32
    %sign3A_268 = arith.cmpi sgt, %jit3A_255, %sign3A_267 : i32
    %sign3A_269 = arith.extui %sign3A_268 : i1 to i32
    %sign3A_270 = arith.constant 0 : i32
    %sign3A_271 = arith.cmpi slt, %jit3A_255, %sign3A_270 : i32
    %sign3A_272 = arith.extui %sign3A_271 : i1 to i32
    %sign3A_273 = arith.subi %sign3A_269, %sign3A_272 : i32
    %ne3A_274 = vector.broadcast %sign3A_273 : i32 to vector<16xi32>
    %ne3A_275 = arith.cmpi ne, %sign3A_266, %ne3A_274 : vector<16xi32>
    %rem3A_276 = vector.broadcast %jit3A_255 : i32 to vector<16xi32>
    %rem3A_277 = arith.remsi %get3A_251, %rem3A_276 : vector<16xi32>
    %ne3A_278 = arith.constant 0 : i32
    %ne3A_279 = vector.broadcast %ne3A_278 : i32 to vector<16xi32>
    %ne3A_280 = arith.cmpi ne, %rem3A_277, %ne3A_279 : vector<16xi32>
    %and3A_281 = arith.andi %ne3A_275, %ne3A_280 : vector<16xi1>
    %sub3A_282 = arith.constant 1 : i32
    %sub3A_283 = vector.broadcast %sub3A_282 : i32 to vector<16xi32>
    %sub3A_284 = arith.subi %div3A_257, %sub3A_283 : vector<16xi32>
    %select_n3A_285 = arith.select %and3A_281, %sub3A_284, %div3A_257 : vector<16xi1>, vector<16xi32>
    tpu.vector_store_idx %arg9[%add3A_254], %select_n3A_285 : memref<128xi32, #tpu.memory_space<vmem>>[vector<16xi32>], vector<16xi32>,
    %get3A_286 = arith.constant 0 : i32
    %get3A_287 = arith.index_cast %get3A_286 : i32 to index
    %get3A_288 = arith.constant 112 : index
    %get3A_289 = tpu.vector_load %arg6[%get3A_287, %get3A_288] {strides = array<i32>} : memref<2x512xi32, #tpu.memory_space<vmem>>, vector<16xi32>,
    %add3A_290 = arith.constant 112 : i32
    %add3A_291 = vector.broadcast %add3A_290 : i32 to vector<16xi32>
    %add3A_292 = arith.addi %iota3A, %add3A_291 : vector<16xi32>
    %jit3A_293 = arith.constant 128 : i32
    %div3A_294 = vector.broadcast %jit3A_293 : i32 to vector<16xi32>
    %div3A_295 = arith.divsi %get3A_289, %div3A_294 : vector<16xi32>
    %sign3A_296 = arith.constant 0 : i32
    %sign3A_297 = vector.broadcast %sign3A_296 : i32 to vector<16xi32>
    %sign3A_298 = arith.cmpi sgt, %get3A_289, %sign3A_297 : vector<16xi32>
    %sign3A_299 = arith.extui %sign3A_298 : vector<16xi1> to vector<16xi32>
    %sign3A_300 = arith.constant 0 : i32
    %sign3A_301 = vector.broadcast %sign3A_300 : i32 to vector<16xi32>
    %sign3A_302 = arith.cmpi slt, %get3A_289, %sign3A_301 : vector<16xi32>
    %sign3A_303 = arith.extui %sign3A_302 : vector<16xi1> to vector<16xi32>
    %sign3A_304 = arith.subi %sign3A_299, %sign3A_303 : vector<16xi32>
    %sign3A_305 = arith.constant 0 : i32
    %sign3A_306 = arith.cmpi sgt, %jit3A_293, %sign3A_305 : i32
    %sign3A_307 = arith.extui %sign3A_306 : i1 to i32
    %sign3A_308 = arith.constant 0 : i32
    %sign3A_309 = arith.cmpi slt, %jit3A_293, %sign3A_308 : i32
    %sign3A_310 = arith.extui %sign3A_309 : i1 to i32
    %sign3A_311 = arith.subi %sign3A_307, %sign3A_310 : i32
    %ne3A_312 = vector.broadcast %sign3A_311 : i32 to vector<16xi32>
    %ne3A_313 = arith.cmpi ne, %sign3A_304, %ne3A_312 : vector<16xi32>
    %rem3A_314 = vector.broadcast %jit3A_293 : i32 to vector<16xi32>
    %rem3A_315 = arith.remsi %get3A_289, %rem3A_314 : vector<16xi32>
    %ne3A_316 = arith.constant 0 : i32
    %ne3A_317 = vector.broadcast %ne3A_316 : i32 to vector<16xi32>
    %ne3A_318 = arith.cmpi ne, %rem3A_315, %ne3A_317 : vector<16xi32>
    %and3A_319 = arith.andi %ne3A_313, %ne3A_318 : vector<16xi1>
    %sub3A_320 = arith.constant 1 : i32
    %sub3A_321 = vector.broadcast %sub3A_320 : i32 to vector<16xi32>
    %sub3A_322 = arith.subi %div3A_295, %sub3A_321 : vector<16xi32>
    %select_n3A_323 = arith.select %and3A_319, %sub3A_322, %div3A_295 : vector<16xi1>, vector<16xi32>
    tpu.vector_store_idx %arg9[%add3A_292], %select_n3A_323 : memref<128xi32, #tpu.memory_space<vmem>>[vector<16xi32>], vector<16xi32>,
    %dma_start3A_324 = arith.constant 0 : i32
    %dma_start3A_325 = arith.constant 0 : i32
    %dma_start3A_326 = tpu.memref_slice %arg4[%dma_start3A_324, %dma_start3A_325] : memref<15625x128xf32, #tpu.memory_space<hbm>> -> memref<15625x128xf32, #tpu.memory_space<hbm>>
    tpu.enqueue_indirect_dma source(%dma_start3A_326 : memref<15625x128xf32, #tpu.memory_space<hbm>>) target(%arg10 : memref<128x128xf32, #tpu.memory_space<vmem>>) offsets(%arg9 : memref<128xi32, #tpu.memory_space<vmem>>) semaphore(%arg13 : memref<!tpu.dma_semaphore, #tpu.memory_space<semaphore_mem>>)
    %dma_wait3A = arith.constant 0 : i32
    %dma_wait3A_327 = arith.constant 0 : i32
    %dma_wait3A_328 = tpu.memref_slice %arg4[%dma_wait3A, %dma_wait3A_327] : memref<15625x128xf32, #tpu.memory_space<hbm>> -> memref<15625x128xf32, #tpu.memory_space<hbm>>
    tpu.wait_indirect_dma semaphore(%arg13 : memref<!tpu.dma_semaphore, #tpu.memory_space<semaphore_mem>>) src(%dma_wait3A_328 : memref<15625x128xf32, #tpu.memory_space<hbm>>) dst(%arg10 : memref<128x128xf32, #tpu.memory_space<vmem>>)
    %get3A_329 = arith.constant 0 : i32
    %get3A_330 = arith.index_cast %get3A_329 : i32 to index
    %get3A_331 = arith.constant 0 : index
    %get3A_332 = tpu.vector_load %arg6[%get3A_330, %get3A_331] {strides = array<i32>} : memref<2x512xi32, #tpu.memory_space<vmem>>, vector<16xi32>,
    %add3A_333 = arith.constant 0 : i32
    %add3A_334 = vector.broadcast %add3A_333 : i32 to vector<16xi32>
    %add3A_335 = arith.addi %iota3A, %add3A_334 : vector<16xi32>
    %jit3A_336 = arith.constant 128 : i32
    %eq3A = arith.constant 0 : i32
    %eq3A_337 = arith.cmpi eq, %jit3A_336, %eq3A : i32
    %jit3A_338 = arith.constant 1 : i32
    %select_n3A_339 = arith.select %eq3A_337, %jit3A_338, %jit3A_336 : i32
    %rem3A_340 = vector.broadcast %select_n3A_339 : i32 to vector<16xi32>
    %rem3A_341 = arith.remsi %get3A_332, %rem3A_340 : vector<16xi32>
    %ne3A_342 = arith.constant 0 : i32
    %ne3A_343 = vector.broadcast %ne3A_342 : i32 to vector<16xi32>
    %ne3A_344 = arith.cmpi ne, %rem3A_341, %ne3A_343 : vector<16xi32>
    %lt3A = arith.constant 0 : i32
    %lt3A_345 = vector.broadcast %lt3A : i32 to vector<16xi32>
    %lt3A_346 = arith.cmpi slt, %rem3A_341, %lt3A_345 : vector<16xi32>
    %lt3A_347 = arith.constant 0 : i32
    %lt3A_348 = arith.cmpi slt, %select_n3A_339, %lt3A_347 : i32
    %ne3A_349 = vector.broadcast %lt3A_348 : i1 to vector<16xi1>
    %ne3A_350 = vector.broadcast %ne3A_349 : vector<16xi1> to vector<16xi1>
    %ne3A_351 = arith.xori %lt3A_346, %ne3A_350 : vector<16xi1>
    %and3A_352 = arith.andi %ne3A_351, %ne3A_344 : vector<16xi1>
    %add3A_353 = vector.broadcast %select_n3A_339 : i32 to vector<16xi32>
    %add3A_354 = arith.addi %rem3A_341, %add3A_353 : vector<16xi32>
    %select_n3A_355 = arith.select %and3A_352, %add3A_354, %rem3A_341 : vector<16xi1>, vector<16xi32>
    %gather3A = tpu.vector_load_idx %arg10[%add3A_335, %select_n3A_355] : memref<128x128xf32, #tpu.memory_space<vmem>>[vector<16xi32>, vector<16xi32>], vector<16xf32>,
    %add3A_356 = arith.constant 0 : i32
    %add3A_357 = vector.broadcast %add3A_356 : i32 to vector<16xi32>
    %add3A_358 = arith.addi %iota3A, %add3A_357 : vector<16xi32>
    tpu.vector_store_idx %arg11[%add3A_358, %broadcast_in_dim3A_28], %gather3A : memref<512x128xf32, #tpu.memory_space<vmem>>[vector<16xi32>, vector<16xi32>], vector<16xf32>,
    %get3A_359 = arith.constant 0 : i32
    %get3A_360 = arith.index_cast %get3A_359 : i32 to index
    %get3A_361 = arith.constant 16 : index
    %get3A_362 = tpu.vector_load %arg6[%get3A_360, %get3A_361] {strides = array<i32>} : memref<2x512xi32, #tpu.memory_space<vmem>>, vector<16xi32>,
    %add3A_363 = arith.constant 16 : i32
    %add3A_364 = vector.broadcast %add3A_363 : i32 to vector<16xi32>
    %add3A_365 = arith.addi %iota3A, %add3A_364 : vector<16xi32>
    %jit3A_366 = arith.constant 128 : i32
    %eq3A_367 = arith.constant 0 : i32
    %eq3A_368 = arith.cmpi eq, %jit3A_366, %eq3A_367 : i32
    %jit3A_369 = arith.constant 1 : i32
    %select_n3A_370 = arith.select %eq3A_368, %jit3A_369, %jit3A_366 : i32
    %rem3A_371 = vector.broadcast %select_n3A_370 : i32 to vector<16xi32>
    %rem3A_372 = arith.remsi %get3A_362, %rem3A_371 : vector<16xi32>
    %ne3A_373 = arith.constant 0 : i32
    %ne3A_374 = vector.broadcast %ne3A_373 : i32 to vector<16xi32>
    %ne3A_375 = arith.cmpi ne, %rem3A_372, %ne3A_374 : vector<16xi32>
    %lt3A_376 = arith.constant 0 : i32
    %lt3A_377 = vector.broadcast %lt3A_376 : i32 to vector<16xi32>
    %lt3A_378 = arith.cmpi slt, %rem3A_372, %lt3A_377 : vector<16xi32>
    %lt3A_379 = arith.constant 0 : i32
    %lt3A_380 = arith.cmpi slt, %select_n3A_370, %lt3A_379 : i32
    %ne3A_381 = vector.broadcast %lt3A_380 : i1 to vector<16xi1>
    %ne3A_382 = vector.broadcast %ne3A_381 : vector<16xi1> to vector<16xi1>
    %ne3A_383 = arith.xori %lt3A_378, %ne3A_382 : vector<16xi1>
    %and3A_384 = arith.andi %ne3A_383, %ne3A_375 : vector<16xi1>
    %add3A_385 = vector.broadcast %select_n3A_370 : i32 to vector<16xi32>
    %add3A_386 = arith.addi %rem3A_372, %add3A_385 : vector<16xi32>
    %select_n3A_387 = arith.select %and3A_384, %add3A_386, %rem3A_372 : vector<16xi1>, vector<16xi32>
    %gather3A_388 = tpu.vector_load_idx %arg10[%add3A_365, %select_n3A_387] : memref<128x128xf32, #tpu.memory_space<vmem>>[vector<16xi32>, vector<16xi32>], vector<16xf32>,
    %add3A_389 = arith.constant 16 : i32
    %add3A_390 = vector.broadcast %add3A_389 : i32 to vector<16xi32>
    %add3A_391 = arith.addi %iota3A, %add3A_390 : vector<16xi32>
    tpu.vector_store_idx %arg11[%add3A_391, %broadcast_in_dim3A_28], %gather3A_388 : memref<512x128xf32, #tpu.memory_space<vmem>>[vector<16xi32>, vector<16xi32>], vector<16xf32>,
    %get3A_392 = arith.constant 0 : i32
    %get3A_393 = arith.index_cast %get3A_392 : i32 to index
    %get3A_394 = arith.constant 32 : index
    %get3A_395 = tpu.vector_load %arg6[%get3A_393, %get3A_394] {strides = array<i32>} : memref<2x512xi32, #tpu.memory_space<vmem>>, vector<16xi32>,
    %add3A_396 = arith.constant 32 : i32
    %add3A_397 = vector.broadcast %add3A_396 : i32 to vector<16xi32>
    %add3A_398 = arith.addi %iota3A, %add3A_397 : vector<16xi32>
    %jit3A_399 = arith.constant 128 : i32
    %eq3A_400 = arith.constant 0 : i32
    %eq3A_401 = arith.cmpi eq, %jit3A_399, %eq3A_400 : i32
    %jit3A_402 = arith.constant 1 : i32
    %select_n3A_403 = arith.select %eq3A_401, %jit3A_402, %jit3A_399 : i32
    %rem3A_404 = vector.broadcast %select_n3A_403 : i32 to vector<16xi32>
    %rem3A_405 = arith.remsi %get3A_395, %rem3A_404 : vector<16xi32>
    %ne3A_406 = arith.constant 0 : i32
    %ne3A_407 = vector.broadcast %ne3A_406 : i32 to vector<16xi32>
    %ne3A_408 = arith.cmpi ne, %rem3A_405, %ne3A_407 : vector<16xi32>
    %lt3A_409 = arith.constant 0 : i32
    %lt3A_410 = vector.broadcast %lt3A_409 : i32 to vector<16xi32>
    %lt3A_411 = arith.cmpi slt, %rem3A_405, %lt3A_410 : vector<16xi32>
    %lt3A_412 = arith.constant 0 : i32
    %lt3A_413 = arith.cmpi slt, %select_n3A_403, %lt3A_412 : i32
    %ne3A_414 = vector.broadcast %lt3A_413 : i1 to vector<16xi1>
    %ne3A_415 = vector.broadcast %ne3A_414 : vector<16xi1> to vector<16xi1>
    %ne3A_416 = arith.xori %lt3A_411, %ne3A_415 : vector<16xi1>
    %and3A_417 = arith.andi %ne3A_416, %ne3A_408 : vector<16xi1>
    %add3A_418 = vector.broadcast %select_n3A_403 : i32 to vector<16xi32>
    %add3A_419 = arith.addi %rem3A_405, %add3A_418 : vector<16xi32>
    %select_n3A_420 = arith.select %and3A_417, %add3A_419, %rem3A_405 : vector<16xi1>, vector<16xi32>
    %gather3A_421 = tpu.vector_load_idx %arg10[%add3A_398, %select_n3A_420] : memref<128x128xf32, #tpu.memory_space<vmem>>[vector<16xi32>, vector<16xi32>], vector<16xf32>,
    %add3A_422 = arith.constant 32 : i32
    %add3A_423 = vector.broadcast %add3A_422 : i32 to vector<16xi32>
    %add3A_424 = arith.addi %iota3A, %add3A_423 : vector<16xi32>
    tpu.vector_store_idx %arg11[%add3A_424, %broadcast_in_dim3A_28], %gather3A_421 : memref<512x128xf32, #tpu.memory_space<vmem>>[vector<16xi32>, vector<16xi32>], vector<16xf32>,
    %get3A_425 = arith.constant 0 : i32
    %get3A_426 = arith.index_cast %get3A_425 : i32 to index
    %get3A_427 = arith.constant 48 : index
    %get3A_428 = tpu.vector_load %arg6[%get3A_426, %get3A_427] {strides = array<i32>} : memref<2x512xi32, #tpu.memory_space<vmem>>, vector<16xi32>,
    %add3A_429 = arith.constant 48 : i32
    %add3A_430 = vector.broadcast %add3A_429 : i32 to vector<16xi32>
    %add3A_431 = arith.addi %iota3A, %add3A_430 : vector<16xi32>
    %jit3A_432 = arith.constant 128 : i32
    %eq3A_433 = arith.constant 0 : i32
    %eq3A_434 = arith.cmpi eq, %jit3A_432, %eq3A_433 : i32
    %jit3A_435 = arith.constant 1 : i32
    %select_n3A_436 = arith.select %eq3A_434, %jit3A_435, %jit3A_432 : i32
    %rem3A_437 = vector.broadcast %select_n3A_436 : i32 to vector<16xi32>
    %rem3A_438 = arith.remsi %get3A_428, %rem3A_437 : vector<16xi32>
    %ne3A_439 = arith.constant 0 : i32
    %ne3A_440 = vector.broadcast %ne3A_439 : i32 to vector<16xi32>
    %ne3A_441 = arith.cmpi ne, %rem3A_438, %ne3A_440 : vector<16xi32>
    %lt3A_442 = arith.constant 0 : i32
    %lt3A_443 = vector.broadcast %lt3A_442 : i32 to vector<16xi32>
    %lt3A_444 = arith.cmpi slt, %rem3A_438, %lt3A_443 : vector<16xi32>
    %lt3A_445 = arith.constant 0 : i32
    %lt3A_446 = arith.cmpi slt, %select_n3A_436, %lt3A_445 : i32
    %ne3A_447 = vector.broadcast %lt3A_446 : i1 to vector<16xi1>
    %ne3A_448 = vector.broadcast %ne3A_447 : vector<16xi1> to vector<16xi1>
    %ne3A_449 = arith.xori %lt3A_444, %ne3A_448 : vector<16xi1>
    %and3A_450 = arith.andi %ne3A_449, %ne3A_441 : vector<16xi1>
    %add3A_451 = vector.broadcast %select_n3A_436 : i32 to vector<16xi32>
    %add3A_452 = arith.addi %rem3A_438, %add3A_451 : vector<16xi32>
    %select_n3A_453 = arith.select %and3A_450, %add3A_452, %rem3A_438 : vector<16xi1>, vector<16xi32>
    %gather3A_454 = tpu.vector_load_idx %arg10[%add3A_431, %select_n3A_453] : memref<128x128xf32, #tpu.memory_space<vmem>>[vector<16xi32>, vector<16xi32>], vector<16xf32>,
    %add3A_455 = arith.constant 48 : i32
    %add3A_456 = vector.broadcast %add3A_455 : i32 to vector<16xi32>
    %add3A_457 = arith.addi %iota3A, %add3A_456 : vector<16xi32>
    tpu.vector_store_idx %arg11[%add3A_457, %broadcast_in_dim3A_28], %gather3A_454 : memref<512x128xf32, #tpu.memory_space<vmem>>[vector<16xi32>, vector<16xi32>], vector<16xf32>,
    %get3A_458 = arith.constant 0 : i32
    %get3A_459 = arith.index_cast %get3A_458 : i32 to index
    %get3A_460 = arith.constant 64 : index
    %get3A_461 = tpu.vector_load %arg6[%get3A_459, %get3A_460] {strides = array<i32>} : memref<2x512xi32, #tpu.memory_space<vmem>>, vector<16xi32>,
    %add3A_462 = arith.constant 64 : i32
    %add3A_463 = vector.broadcast %add3A_462 : i32 to vector<16xi32>
    %add3A_464 = arith.addi %iota3A, %add3A_463 : vector<16xi32>
    %jit3A_465 = arith.constant 128 : i32
    %eq3A_466 = arith.constant 0 : i32
    %eq3A_467 = arith.cmpi eq, %jit3A_465, %eq3A_466 : i32
    %jit3A_468 = arith.constant 1 : i32
    %select_n3A_469 = arith.select %eq3A_467, %jit3A_468, %jit3A_465 : i32
    %rem3A_470 = vector.broadcast %select_n3A_469 : i32 to vector<16xi32>
    %rem3A_471 = arith.remsi %get3A_461, %rem3A_470 : vector<16xi32>
    %ne3A_472 = arith.constant 0 : i32
    %ne3A_473 = vector.broadcast %ne3A_472 : i32 to vector<16xi32>
    %ne3A_474 = arith.cmpi ne, %rem3A_471, %ne3A_473 : vector<16xi32>
    %lt3A_475 = arith.constant 0 : i32
    %lt3A_476 = vector.broadcast %lt3A_475 : i32 to vector<16xi32>
    %lt3A_477 = arith.cmpi slt, %rem3A_471, %lt3A_476 : vector<16xi32>
    %lt3A_478 = arith.constant 0 : i32
    %lt3A_479 = arith.cmpi slt, %select_n3A_469, %lt3A_478 : i32
    %ne3A_480 = vector.broadcast %lt3A_479 : i1 to vector<16xi1>
    %ne3A_481 = vector.broadcast %ne3A_480 : vector<16xi1> to vector<16xi1>
    %ne3A_482 = arith.xori %lt3A_477, %ne3A_481 : vector<16xi1>
    %and3A_483 = arith.andi %ne3A_482, %ne3A_474 : vector<16xi1>
    %add3A_484 = vector.broadcast %select_n3A_469 : i32 to vector<16xi32>
    %add3A_485 = arith.addi %rem3A_471, %add3A_484 : vector<16xi32>
    %select_n3A_486 = arith.select %and3A_483, %add3A_485, %rem3A_471 : vector<16xi1>, vector<16xi32>
    %gather3A_487 = tpu.vector_load_idx %arg10[%add3A_464, %select_n3A_486] : memref<128x128xf32, #tpu.memory_space<vmem>>[vector<16xi32>, vector<16xi32>], vector<16xf32>,
    %add3A_488 = arith.constant 64 : i32
    %add3A_489 = vector.broadcast %add3A_488 : i32 to vector<16xi32>
    %add3A_490 = arith.addi %iota3A, %add3A_489 : vector<16xi32>
    tpu.vector_store_idx %arg11[%add3A_490, %broadcast_in_dim3A_28], %gather3A_487 : memref<512x128xf32, #tpu.memory_space<vmem>>[vector<16xi32>, vector<16xi32>], vector<16xf32>,
    %get3A_491 = arith.constant 0 : i32
    %get3A_492 = arith.index_cast %get3A_491 : i32 to index
    %get3A_493 = arith.constant 80 : index
    %get3A_494 = tpu.vector_load %arg6[%get3A_492, %get3A_493] {strides = array<i32>} : memref<2x512xi32, #tpu.memory_space<vmem>>, vector<16xi32>,
    %add3A_495 = arith.constant 80 : i32
    %add3A_496 = vector.broadcast %add3A_495 : i32 to vector<16xi32>
    %add3A_497 = arith.addi %iota3A, %add3A_496 : vector<16xi32>
    %jit3A_498 = arith.constant 128 : i32
    %eq3A_499 = arith.constant 0 : i32
    %eq3A_500 = arith.cmpi eq, %jit3A_498, %eq3A_499 : i32
    %jit3A_501 = arith.constant 1 : i32
    %select_n3A_502 = arith.select %eq3A_500, %jit3A_501, %jit3A_498 : i32
    %rem3A_503 = vector.broadcast %select_n3A_502 : i32 to vector<16xi32>
    %rem3A_504 = arith.remsi %get3A_494, %rem3A_503 : vector<16xi32>
    %ne3A_505 = arith.constant 0 : i32
    %ne3A_506 = vector.broadcast %ne3A_505 : i32 to vector<16xi32>
    %ne3A_507 = arith.cmpi ne, %rem3A_504, %ne3A_506 : vector<16xi32>
    %lt3A_508 = arith.constant 0 : i32
    %lt3A_509 = vector.broadcast %lt3A_508 : i32 to vector<16xi32>
    %lt3A_510 = arith.cmpi slt, %rem3A_504, %lt3A_509 : vector<16xi32>
    %lt3A_511 = arith.constant 0 : i32
    %lt3A_512 = arith.cmpi slt, %select_n3A_502, %lt3A_511 : i32
    %ne3A_513 = vector.broadcast %lt3A_512 : i1 to vector<16xi1>
    %ne3A_514 = vector.broadcast %ne3A_513 : vector<16xi1> to vector<16xi1>
    %ne3A_515 = arith.xori %lt3A_510, %ne3A_514 : vector<16xi1>
    %and3A_516 = arith.andi %ne3A_515, %ne3A_507 : vector<16xi1>
    %add3A_517 = vector.broadcast %select_n3A_502 : i32 to vector<16xi32>
    %add3A_518 = arith.addi %rem3A_504, %add3A_517 : vector<16xi32>
    %select_n3A_519 = arith.select %and3A_516, %add3A_518, %rem3A_504 : vector<16xi1>, vector<16xi32>
    %gather3A_520 = tpu.vector_load_idx %arg10[%add3A_497, %select_n3A_519] : memref<128x128xf32, #tpu.memory_space<vmem>>[vector<16xi32>, vector<16xi32>], vector<16xf32>,
    %add3A_521 = arith.constant 80 : i32
    %add3A_522 = vector.broadcast %add3A_521 : i32 to vector<16xi32>
    %add3A_523 = arith.addi %iota3A, %add3A_522 : vector<16xi32>
    tpu.vector_store_idx %arg11[%add3A_523, %broadcast_in_dim3A_28], %gather3A_520 : memref<512x128xf32, #tpu.memory_space<vmem>>[vector<16xi32>, vector<16xi32>], vector<16xf32>,
    %get3A_524 = arith.constant 0 : i32
    %get3A_525 = arith.index_cast %get3A_524 : i32 to index
    %get3A_526 = arith.constant 96 : index
    %get3A_527 = tpu.vector_load %arg6[%get3A_525, %get3A_526] {strides = array<i32>} : memref<2x512xi32, #tpu.memory_space<vmem>>, vector<16xi32>,
    %add3A_528 = arith.constant 96 : i32
    %add3A_529 = vector.broadcast %add3A_528 : i32 to vector<16xi32>
    %add3A_530 = arith.addi %iota3A, %add3A_529 : vector<16xi32>
    %jit3A_531 = arith.constant 128 : i32
    %eq3A_532 = arith.constant 0 : i32
    %eq3A_533 = arith.cmpi eq, %jit3A_531, %eq3A_532 : i32
    %jit3A_534 = arith.constant 1 : i32
    %select_n3A_535 = arith.select %eq3A_533, %jit3A_534, %jit3A_531 : i32
    %rem3A_536 = vector.broadcast %select_n3A_535 : i32 to vector<16xi32>
    %rem3A_537 = arith.remsi %get3A_527, %rem3A_536 : vector<16xi32>
    %ne3A_538 = arith.constant 0 : i32
    %ne3A_539 = vector.broadcast %ne3A_538 : i32 to vector<16xi32>
    %ne3A_540 = arith.cmpi ne, %rem3A_537, %ne3A_539 : vector<16xi32>
    %lt3A_541 = arith.constant 0 : i32
    %lt3A_542 = vector.broadcast %lt3A_541 : i32 to vector<16xi32>
    %lt3A_543 = arith.cmpi slt, %rem3A_537, %lt3A_542 : vector<16xi32>
    %lt3A_544 = arith.constant 0 : i32
    %lt3A_545 = arith.cmpi slt, %select_n3A_535, %lt3A_544 : i32
    %ne3A_546 = vector.broadcast %lt3A_545 : i1 to vector<16xi1>
    %ne3A_547 = vector.broadcast %ne3A_546 : vector<16xi1> to vector<16xi1>
    %ne3A_548 = arith.xori %lt3A_543, %ne3A_547 : vector<16xi1>
    %and3A_549 = arith.andi %ne3A_548, %ne3A_540 : vector<16xi1>
    %add3A_550 = vector.broadcast %select_n3A_535 : i32 to vector<16xi32>
    %add3A_551 = arith.addi %rem3A_537, %add3A_550 : vector<16xi32>
    %select_n3A_552 = arith.select %and3A_549, %add3A_551, %rem3A_537 : vector<16xi1>, vector<16xi32>
    %gather3A_553 = tpu.vector_load_idx %arg10[%add3A_530, %select_n3A_552] : memref<128x128xf32, #tpu.memory_space<vmem>>[vector<16xi32>, vector<16xi32>], vector<16xf32>,
    %add3A_554 = arith.constant 96 : i32
    %add3A_555 = vector.broadcast %add3A_554 : i32 to vector<16xi32>
    %add3A_556 = arith.addi %iota3A, %add3A_555 : vector<16xi32>
    tpu.vector_store_idx %arg11[%add3A_556, %broadcast_in_dim3A_28], %gather3A_553 : memref<512x128xf32, #tpu.memory_space<vmem>>[vector<16xi32>, vector<16xi32>], vector<16xf32>,
    %get3A_557 = arith.constant 0 : i32
    %get3A_558 = arith.index_cast %get3A_557 : i32 to index
    %get3A_559 = arith.constant 112 : index
    %get3A_560 = tpu.vector_load %arg6[%get3A_558, %get3A_559] {strides = array<i32>} : memref<2x512xi32, #tpu.memory_space<vmem>>, vector<16xi32>,
    %add3A_561 = arith.constant 112 : i32
    %add3A_562 = vector.broadcast %add3A_561 : i32 to vector<16xi32>
    %add3A_563 = arith.addi %iota3A, %add3A_562 : vector<16xi32>
    %jit3A_564 = arith.constant 128 : i32
    %eq3A_565 = arith.constant 0 : i32
    %eq3A_566 = arith.cmpi eq, %jit3A_564, %eq3A_565 : i32
    %jit3A_567 = arith.constant 1 : i32
    %select_n3A_568 = arith.select %eq3A_566, %jit3A_567, %jit3A_564 : i32
    %rem3A_569 = vector.broadcast %select_n3A_568 : i32 to vector<16xi32>
    %rem3A_570 = arith.remsi %get3A_560, %rem3A_569 : vector<16xi32>
    %ne3A_571 = arith.constant 0 : i32
    %ne3A_572 = vector.broadcast %ne3A_571 : i32 to vector<16xi32>
    %ne3A_573 = arith.cmpi ne, %rem3A_570, %ne3A_572 : vector<16xi32>
    %lt3A_574 = arith.constant 0 : i32
    %lt3A_575 = vector.broadcast %lt3A_574 : i32 to vector<16xi32>
    %lt3A_576 = arith.cmpi slt, %rem3A_570, %lt3A_575 : vector<16xi32>
    %lt3A_577 = arith.constant 0 : i32
    %lt3A_578 = arith.cmpi slt, %select_n3A_568, %lt3A_577 : i32
    %ne3A_579 = vector.broadcast %lt3A_578 : i1 to vector<16xi1>
    %ne3A_580 = vector.broadcast %ne3A_579 : vector<16xi1> to vector<16xi1>
    %ne3A_581 = arith.xori %lt3A_576, %ne3A_580 : vector<16xi1>
    %and3A_582 = arith.andi %ne3A_581, %ne3A_573 : vector<16xi1>
    %add3A_583 = vector.broadcast %select_n3A_568 : i32 to vector<16xi32>
    %add3A_584 = arith.addi %rem3A_570, %add3A_583 : vector<16xi32>
    %select_n3A_585 = arith.select %and3A_582, %add3A_584, %rem3A_570 : vector<16xi1>, vector<16xi32>
    %gather3A_586 = tpu.vector_load_idx %arg10[%add3A_563, %select_n3A_585] : memref<128x128xf32, #tpu.memory_space<vmem>>[vector<16xi32>, vector<16xi32>], vector<16xf32>,
    %add3A_587 = arith.constant 112 : i32
    %add3A_588 = vector.broadcast %add3A_587 : i32 to vector<16xi32>
    %add3A_589 = arith.addi %iota3A, %add3A_588 : vector<16xi32>
    tpu.vector_store_idx %arg11[%add3A_589, %broadcast_in_dim3A_28], %gather3A_586 : memref<512x128xf32, #tpu.memory_space<vmem>>[vector<16xi32>, vector<16xi32>], vector<16xf32>,
    %get3A_590 = arith.constant 0 : i32
    %get3A_591 = arith.index_cast %get3A_590 : i32 to index
    %get3A_592 = arith.constant 128 : index
    %get3A_593 = tpu.vector_load %arg6[%get3A_591, %get3A_592] {strides = array<i32>} : memref<2x512xi32, #tpu.memory_space<vmem>>, vector<16xi32>,
    %add3A_594 = arith.constant 0 : i32
    %add3A_595 = vector.broadcast %add3A_594 : i32 to vector<16xi32>
    %add3A_596 = arith.addi %iota3A, %add3A_595 : vector<16xi32>
    %jit3A_597 = arith.constant 128 : i32
    %div3A_598 = vector.broadcast %jit3A_597 : i32 to vector<16xi32>
    %div3A_599 = arith.divsi %get3A_593, %div3A_598 : vector<16xi32>
    %sign3A_600 = arith.constant 0 : i32
    %sign3A_601 = vector.broadcast %sign3A_600 : i32 to vector<16xi32>
    %sign3A_602 = arith.cmpi sgt, %get3A_593, %sign3A_601 : vector<16xi32>
    %sign3A_603 = arith.extui %sign3A_602 : vector<16xi1> to vector<16xi32>
    %sign3A_604 = arith.constant 0 : i32
    %sign3A_605 = vector.broadcast %sign3A_604 : i32 to vector<16xi32>
    %sign3A_606 = arith.cmpi slt, %get3A_593, %sign3A_605 : vector<16xi32>
    %sign3A_607 = arith.extui %sign3A_606 : vector<16xi1> to vector<16xi32>
    %sign3A_608 = arith.subi %sign3A_603, %sign3A_607 : vector<16xi32>
    %sign3A_609 = arith.constant 0 : i32
    %sign3A_610 = arith.cmpi sgt, %jit3A_597, %sign3A_609 : i32
    %sign3A_611 = arith.extui %sign3A_610 : i1 to i32
    %sign3A_612 = arith.constant 0 : i32
    %sign3A_613 = arith.cmpi slt, %jit3A_597, %sign3A_612 : i32
    %sign3A_614 = arith.extui %sign3A_613 : i1 to i32
    %sign3A_615 = arith.subi %sign3A_611, %sign3A_614 : i32
    %ne3A_616 = vector.broadcast %sign3A_615 : i32 to vector<16xi32>
    %ne3A_617 = arith.cmpi ne, %sign3A_608, %ne3A_616 : vector<16xi32>
    %rem3A_618 = vector.broadcast %jit3A_597 : i32 to vector<16xi32>
    %rem3A_619 = arith.remsi %get3A_593, %rem3A_618 : vector<16xi32>
    %ne3A_620 = arith.constant 0 : i32
    %ne3A_621 = vector.broadcast %ne3A_620 : i32 to vector<16xi32>
    %ne3A_622 = arith.cmpi ne, %rem3A_619, %ne3A_621 : vector<16xi32>
    %and3A_623 = arith.andi %ne3A_617, %ne3A_622 : vector<16xi1>
    %sub3A_624 = arith.constant 1 : i32
    %sub3A_625 = vector.broadcast %sub3A_624 : i32 to vector<16xi32>
    %sub3A_626 = arith.subi %div3A_599, %sub3A_625 : vector<16xi32>
    %select_n3A_627 = arith.select %and3A_623, %sub3A_626, %div3A_599 : vector<16xi1>, vector<16xi32>
    tpu.vector_store_idx %arg9[%add3A_596], %select_n3A_627 : memref<128xi32, #tpu.memory_space<vmem>>[vector<16xi32>], vector<16xi32>,
    %get3A_628 = arith.constant 0 : i32
    %get3A_629 = arith.index_cast %get3A_628 : i32 to index
    %get3A_630 = arith.constant 144 : index
    %get3A_631 = tpu.vector_load %arg6[%get3A_629, %get3A_630] {strides = array<i32>} : memref<2x512xi32, #tpu.memory_space<vmem>>, vector<16xi32>,
    %add3A_632 = arith.constant 16 : i32
    %add3A_633 = vector.broadcast %add3A_632 : i32 to vector<16xi32>
    %add3A_634 = arith.addi %iota3A, %add3A_633 : vector<16xi32>
    %jit3A_635 = arith.constant 128 : i32
    %div3A_636 = vector.broadcast %jit3A_635 : i32 to vector<16xi32>
    %div3A_637 = arith.divsi %get3A_631, %div3A_636 : vector<16xi32>
    %sign3A_638 = arith.constant 0 : i32
    %sign3A_639 = vector.broadcast %sign3A_638 : i32 to vector<16xi32>
    %sign3A_640 = arith.cmpi sgt, %get3A_631, %sign3A_639 : vector<16xi32>
    %sign3A_641 = arith.extui %sign3A_640 : vector<16xi1> to vector<16xi32>
    %sign3A_642 = arith.constant 0 : i32
    %sign3A_643 = vector.broadcast %sign3A_642 : i32 to vector<16xi32>
    %sign3A_644 = arith.cmpi slt, %get3A_631, %sign3A_643 : vector<16xi32>
    %sign3A_645 = arith.extui %sign3A_644 : vector<16xi1> to vector<16xi32>
    %sign3A_646 = arith.subi %sign3A_641, %sign3A_645 : vector<16xi32>
    %sign3A_647 = arith.constant 0 : i32
    %sign3A_648 = arith.cmpi sgt, %jit3A_635, %sign3A_647 : i32
    %sign3A_649 = arith.extui %sign3A_648 : i1 to i32
    %sign3A_650 = arith.constant 0 : i32
    %sign3A_651 = arith.cmpi slt, %jit3A_635, %sign3A_650 : i32
    %sign3A_652 = arith.extui %sign3A_651 : i1 to i32
    %sign3A_653 = arith.subi %sign3A_649, %sign3A_652 : i32
    %ne3A_654 = vector.broadcast %sign3A_653 : i32 to vector<16xi32>
    %ne3A_655 = arith.cmpi ne, %sign3A_646, %ne3A_654 : vector<16xi32>
    %rem3A_656 = vector.broadcast %jit3A_635 : i32 to vector<16xi32>
    %rem3A_657 = arith.remsi %get3A_631, %rem3A_656 : vector<16xi32>
    %ne3A_658 = arith.constant 0 : i32
    %ne3A_659 = vector.broadcast %ne3A_658 : i32 to vector<16xi32>
    %ne3A_660 = arith.cmpi ne, %rem3A_657, %ne3A_659 : vector<16xi32>
    %and3A_661 = arith.andi %ne3A_655, %ne3A_660 : vector<16xi1>
    %sub3A_662 = arith.constant 1 : i32
    %sub3A_663 = vector.broadcast %sub3A_662 : i32 to vector<16xi32>
    %sub3A_664 = arith.subi %div3A_637, %sub3A_663 : vector<16xi32>
    %select_n3A_665 = arith.select %and3A_661, %sub3A_664, %div3A_637 : vector<16xi1>, vector<16xi32>
    tpu.vector_store_idx %arg9[%add3A_634], %select_n3A_665 : memref<128xi32, #tpu.memory_space<vmem>>[vector<16xi32>], vector<16xi32>,
    %get3A_666 = arith.constant 0 : i32
    %get3A_667 = arith.index_cast %get3A_666 : i32 to index
    %get3A_668 = arith.constant 160 : index
    %get3A_669 = tpu.vector_load %arg6[%get3A_667, %get3A_668] {strides = array<i32>} : memref<2x512xi32, #tpu.memory_space<vmem>>, vector<16xi32>,
    %add3A_670 = arith.constant 32 : i32
    %add3A_671 = vector.broadcast %add3A_670 : i32 to vector<16xi32>
    %add3A_672 = arith.addi %iota3A, %add3A_671 : vector<16xi32>
    %jit3A_673 = arith.constant 128 : i32
    %div3A_674 = vector.broadcast %jit3A_673 : i32 to vector<16xi32>
    %div3A_675 = arith.divsi %get3A_669, %div3A_674 : vector<16xi32>
    %sign3A_676 = arith.constant 0 : i32
    %sign3A_677 = vector.broadcast %sign3A_676 : i32 to vector<16xi32>
    %sign3A_678 = arith.cmpi sgt, %get3A_669, %sign3A_677 : vector<16xi32>
    %sign3A_679 = arith.extui %sign3A_678 : vector<16xi1> to vector<16xi32>
    %sign3A_680 = arith.constant 0 : i32
    %sign3A_681 = vector.broadcast %sign3A_680 : i32 to vector<16xi32>
    %sign3A_682 = arith.cmpi slt, %get3A_669, %sign3A_681 : vector<16xi32>
    %sign3A_683 = arith.extui %sign3A_682 : vector<16xi1> to vector<16xi32>
    %sign3A_684 = arith.subi %sign3A_679, %sign3A_683 : vector<16xi32>
    %sign3A_685 = arith.constant 0 : i32
    %sign3A_686 = arith.cmpi sgt, %jit3A_673, %sign3A_685 : i32
    %sign3A_687 = arith.extui %sign3A_686 : i1 to i32
    %sign3A_688 = arith.constant 0 : i32
    %sign3A_689 = arith.cmpi slt, %jit3A_673, %sign3A_688 : i32
    %sign3A_690 = arith.extui %sign3A_689 : i1 to i32
    %sign3A_691 = arith.subi %sign3A_687, %sign3A_690 : i32
    %ne3A_692 = vector.broadcast %sign3A_691 : i32 to vector<16xi32>
    %ne3A_693 = arith.cmpi ne, %sign3A_684, %ne3A_692 : vector<16xi32>
    %rem3A_694 = vector.broadcast %jit3A_673 : i32 to vector<16xi32>
    %rem3A_695 = arith.remsi %get3A_669, %rem3A_694 : vector<16xi32>
    %ne3A_696 = arith.constant 0 : i32
    %ne3A_697 = vector.broadcast %ne3A_696 : i32 to vector<16xi32>
    %ne3A_698 = arith.cmpi ne, %rem3A_695, %ne3A_697 : vector<16xi32>
    %and3A_699 = arith.andi %ne3A_693, %ne3A_698 : vector<16xi1>
    %sub3A_700 = arith.constant 1 : i32
    %sub3A_701 = vector.broadcast %sub3A_700 : i32 to vector<16xi32>
    %sub3A_702 = arith.subi %div3A_675, %sub3A_701 : vector<16xi32>
    %select_n3A_703 = arith.select %and3A_699, %sub3A_702, %div3A_675 : vector<16xi1>, vector<16xi32>
    tpu.vector_store_idx %arg9[%add3A_672], %select_n3A_703 : memref<128xi32, #tpu.memory_space<vmem>>[vector<16xi32>], vector<16xi32>,
    %get3A_704 = arith.constant 0 : i32
    %get3A_705 = arith.index_cast %get3A_704 : i32 to index
    %get3A_706 = arith.constant 176 : index
    %get3A_707 = tpu.vector_load %arg6[%get3A_705, %get3A_706] {strides = array<i32>} : memref<2x512xi32, #tpu.memory_space<vmem>>, vector<16xi32>,
    %add3A_708 = arith.constant 48 : i32
    %add3A_709 = vector.broadcast %add3A_708 : i32 to vector<16xi32>
    %add3A_710 = arith.addi %iota3A, %add3A_709 : vector<16xi32>
    %jit3A_711 = arith.constant 128 : i32
    %div3A_712 = vector.broadcast %jit3A_711 : i32 to vector<16xi32>
    %div3A_713 = arith.divsi %get3A_707, %div3A_712 : vector<16xi32>
    %sign3A_714 = arith.constant 0 : i32
    %sign3A_715 = vector.broadcast %sign3A_714 : i32 to vector<16xi32>
    %sign3A_716 = arith.cmpi sgt, %get3A_707, %sign3A_715 : vector<16xi32>
    %sign3A_717 = arith.extui %sign3A_716 : vector<16xi1> to vector<16xi32>
    %sign3A_718 = arith.constant 0 : i32
    %sign3A_719 = vector.broadcast %sign3A_718 : i32 to vector<16xi32>
    %sign3A_720 = arith.cmpi slt, %get3A_707, %sign3A_719 : vector<16xi32>
    %sign3A_721 = arith.extui %sign3A_720 : vector<16xi1> to vector<16xi32>
    %sign3A_722 = arith.subi %sign3A_717, %sign3A_721 : vector<16xi32>
    %sign3A_723 = arith.constant 0 : i32
    %sign3A_724 = arith.cmpi sgt, %jit3A_711, %sign3A_723 : i32
    %sign3A_725 = arith.extui %sign3A_724 : i1 to i32
    %sign3A_726 = arith.constant 0 : i32
    %sign3A_727 = arith.cmpi slt, %jit3A_711, %sign3A_726 : i32
    %sign3A_728 = arith.extui %sign3A_727 : i1 to i32
    %sign3A_729 = arith.subi %sign3A_725, %sign3A_728 : i32
    %ne3A_730 = vector.broadcast %sign3A_729 : i32 to vector<16xi32>
    %ne3A_731 = arith.cmpi ne, %sign3A_722, %ne3A_730 : vector<16xi32>
    %rem3A_732 = vector.broadcast %jit3A_711 : i32 to vector<16xi32>
    %rem3A_733 = arith.remsi %get3A_707, %rem3A_732 : vector<16xi32>
    %ne3A_734 = arith.constant 0 : i32
    %ne3A_735 = vector.broadcast %ne3A_734 : i32 to vector<16xi32>
    %ne3A_736 = arith.cmpi ne, %rem3A_733, %ne3A_735 : vector<16xi32>
    %and3A_737 = arith.andi %ne3A_731, %ne3A_736 : vector<16xi1>
    %sub3A_738 = arith.constant 1 : i32
    %sub3A_739 = vector.broadcast %sub3A_738 : i32 to vector<16xi32>
    %sub3A_740 = arith.subi %div3A_713, %sub3A_739 : vector<16xi32>
    %select_n3A_741 = arith.select %and3A_737, %sub3A_740, %div3A_713 : vector<16xi1>, vector<16xi32>
    tpu.vector_store_idx %arg9[%add3A_710], %select_n3A_741 : memref<128xi32, #tpu.memory_space<vmem>>[vector<16xi32>], vector<16xi32>,
    %get3A_742 = arith.constant 0 : i32
    %get3A_743 = arith.index_cast %get3A_742 : i32 to index
    %get3A_744 = arith.constant 192 : index
    %get3A_745 = tpu.vector_load %arg6[%get3A_743, %get3A_744] {strides = array<i32>} : memref<2x512xi32, #tpu.memory_space<vmem>>, vector<16xi32>,
    %add3A_746 = arith.constant 64 : i32
    %add3A_747 = vector.broadcast %add3A_746 : i32 to vector<16xi32>
    %add3A_748 = arith.addi %iota3A, %add3A_747 : vector<16xi32>
    %jit3A_749 = arith.constant 128 : i32
    %div3A_750 = vector.broadcast %jit3A_749 : i32 to vector<16xi32>
    %div3A_751 = arith.divsi %get3A_745, %div3A_750 : vector<16xi32>
    %sign3A_752 = arith.constant 0 : i32
    %sign3A_753 = vector.broadcast %sign3A_752 : i32 to vector<16xi32>
    %sign3A_754 = arith.cmpi sgt, %get3A_745, %sign3A_753 : vector<16xi32>
    %sign3A_755 = arith.extui %sign3A_754 : vector<16xi1> to vector<16xi32>
    %sign3A_756 = arith.constant 0 : i32
    %sign3A_757 = vector.broadcast %sign3A_756 : i32 to vector<16xi32>
    %sign3A_758 = arith.cmpi slt, %get3A_745, %sign3A_757 : vector<16xi32>
    %sign3A_759 = arith.extui %sign3A_758 : vector<16xi1> to vector<16xi32>
    %sign3A_760 = arith.subi %sign3A_755, %sign3A_759 : vector<16xi32>
    %sign3A_761 = arith.constant 0 : i32
    %sign3A_762 = arith.cmpi sgt, %jit3A_749, %sign3A_761 : i32
    %sign3A_763 = arith.extui %sign3A_762 : i1 to i32
    %sign3A_764 = arith.constant 0 : i32
    %sign3A_765 = arith.cmpi slt, %jit3A_749, %sign3A_764 : i32
    %sign3A_766 = arith.extui %sign3A_765 : i1 to i32
    %sign3A_767 = arith.subi %sign3A_763, %sign3A_766 : i32
    %ne3A_768 = vector.broadcast %sign3A_767 : i32 to vector<16xi32>
    %ne3A_769 = arith.cmpi ne, %sign3A_760, %ne3A_768 : vector<16xi32>
    %rem3A_770 = vector.broadcast %jit3A_749 : i32 to vector<16xi32>
    %rem3A_771 = arith.remsi %get3A_745, %rem3A_770 : vector<16xi32>
    %ne3A_772 = arith.constant 0 : i32
    %ne3A_773 = vector.broadcast %ne3A_772 : i32 to vector<16xi32>
    %ne3A_774 = arith.cmpi ne, %rem3A_771, %ne3A_773 : vector<16xi32>
    %and3A_775 = arith.andi %ne3A_769, %ne3A_774 : vector<16xi1>
    %sub3A_776 = arith.constant 1 : i32
    %sub3A_777 = vector.broadcast %sub3A_776 : i32 to vector<16xi32>
    %sub3A_778 = arith.subi %div3A_751, %sub3A_777 : vector<16xi32>
    %select_n3A_779 = arith.select %and3A_775, %sub3A_778, %div3A_751 : vector<16xi1>, vector<16xi32>
    tpu.vector_store_idx %arg9[%add3A_748], %select_n3A_779 : memref<128xi32, #tpu.memory_space<vmem>>[vector<16xi32>], vector<16xi32>,
    %get3A_780 = arith.constant 0 : i32
    %get3A_781 = arith.index_cast %get3A_780 : i32 to index
    %get3A_782 = arith.constant 208 : index
    %get3A_783 = tpu.vector_load %arg6[%get3A_781, %get3A_782] {strides = array<i32>} : memref<2x512xi32, #tpu.memory_space<vmem>>, vector<16xi32>,
    %add3A_784 = arith.constant 80 : i32
    %add3A_785 = vector.broadcast %add3A_784 : i32 to vector<16xi32>
    %add3A_786 = arith.addi %iota3A, %add3A_785 : vector<16xi32>
    %jit3A_787 = arith.constant 128 : i32
    %div3A_788 = vector.broadcast %jit3A_787 : i32 to vector<16xi32>
    %div3A_789 = arith.divsi %get3A_783, %div3A_788 : vector<16xi32>
    %sign3A_790 = arith.constant 0 : i32
    %sign3A_791 = vector.broadcast %sign3A_790 : i32 to vector<16xi32>
    %sign3A_792 = arith.cmpi sgt, %get3A_783, %sign3A_791 : vector<16xi32>
    %sign3A_793 = arith.extui %sign3A_792 : vector<16xi1> to vector<16xi32>
    %sign3A_794 = arith.constant 0 : i32
    %sign3A_795 = vector.broadcast %sign3A_794 : i32 to vector<16xi32>
    %sign3A_796 = arith.cmpi slt, %get3A_783, %sign3A_795 : vector<16xi32>
    %sign3A_797 = arith.extui %sign3A_796 : vector<16xi1> to vector<16xi32>
    %sign3A_798 = arith.subi %sign3A_793, %sign3A_797 : vector<16xi32>
    %sign3A_799 = arith.constant 0 : i32
    %sign3A_800 = arith.cmpi sgt, %jit3A_787, %sign3A_799 : i32
    %sign3A_801 = arith.extui %sign3A_800 : i1 to i32
    %sign3A_802 = arith.constant 0 : i32
    %sign3A_803 = arith.cmpi slt, %jit3A_787, %sign3A_802 : i32
    %sign3A_804 = arith.extui %sign3A_803 : i1 to i32
    %sign3A_805 = arith.subi %sign3A_801, %sign3A_804 : i32
    %ne3A_806 = vector.broadcast %sign3A_805 : i32 to vector<16xi32>
    %ne3A_807 = arith.cmpi ne, %sign3A_798, %ne3A_806 : vector<16xi32>
    %rem3A_808 = vector.broadcast %jit3A_787 : i32 to vector<16xi32>
    %rem3A_809 = arith.remsi %get3A_783, %rem3A_808 : vector<16xi32>
    %ne3A_810 = arith.constant 0 : i32
    %ne3A_811 = vector.broadcast %ne3A_810 : i32 to vector<16xi32>
    %ne3A_812 = arith.cmpi ne, %rem3A_809, %ne3A_811 : vector<16xi32>
    %and3A_813 = arith.andi %ne3A_807, %ne3A_812 : vector<16xi1>
    %sub3A_814 = arith.constant 1 : i32
    %sub3A_815 = vector.broadcast %sub3A_814 : i32 to vector<16xi32>
    %sub3A_816 = arith.subi %div3A_789, %sub3A_815 : vector<16xi32>
    %select_n3A_817 = arith.select %and3A_813, %sub3A_816, %div3A_789 : vector<16xi1>, vector<16xi32>
    tpu.vector_store_idx %arg9[%add3A_786], %select_n3A_817 : memref<128xi32, #tpu.memory_space<vmem>>[vector<16xi32>], vector<16xi32>,
    %get3A_818 = arith.constant 0 : i32
    %get3A_819 = arith.index_cast %get3A_818 : i32 to index
    %get3A_820 = arith.constant 224 : index
    %get3A_821 = tpu.vector_load %arg6[%get3A_819, %get3A_820] {strides = array<i32>} : memref<2x512xi32, #tpu.memory_space<vmem>>, vector<16xi32>,
    %add3A_822 = arith.constant 96 : i32
    %add3A_823 = vector.broadcast %add3A_822 : i32 to vector<16xi32>
    %add3A_824 = arith.addi %iota3A, %add3A_823 : vector<16xi32>
    %jit3A_825 = arith.constant 128 : i32
    %div3A_826 = vector.broadcast %jit3A_825 : i32 to vector<16xi32>
    %div3A_827 = arith.divsi %get3A_821, %div3A_826 : vector<16xi32>
    %sign3A_828 = arith.constant 0 : i32
    %sign3A_829 = vector.broadcast %sign3A_828 : i32 to vector<16xi32>
    %sign3A_830 = arith.cmpi sgt, %get3A_821, %sign3A_829 : vector<16xi32>
    %sign3A_831 = arith.extui %sign3A_830 : vector<16xi1> to vector<16xi32>
    %sign3A_832 = arith.constant 0 : i32
    %sign3A_833 = vector.broadcast %sign3A_832 : i32 to vector<16xi32>
    %sign3A_834 = arith.cmpi slt, %get3A_821, %sign3A_833 : vector<16xi32>
    %sign3A_835 = arith.extui %sign3A_834 : vector<16xi1> to vector<16xi32>
    %sign3A_836 = arith.subi %sign3A_831, %sign3A_835 : vector<16xi32>
    %sign3A_837 = arith.constant 0 : i32
    %sign3A_838 = arith.cmpi sgt, %jit3A_825, %sign3A_837 : i32
    %sign3A_839 = arith.extui %sign3A_838 : i1 to i32
    %sign3A_840 = arith.constant 0 : i32
    %sign3A_841 = arith.cmpi slt, %jit3A_825, %sign3A_840 : i32
    %sign3A_842 = arith.extui %sign3A_841 : i1 to i32
    %sign3A_843 = arith.subi %sign3A_839, %sign3A_842 : i32
    %ne3A_844 = vector.broadcast %sign3A_843 : i32 to vector<16xi32>
    %ne3A_845 = arith.cmpi ne, %sign3A_836, %ne3A_844 : vector<16xi32>
    %rem3A_846 = vector.broadcast %jit3A_825 : i32 to vector<16xi32>
    %rem3A_847 = arith.remsi %get3A_821, %rem3A_846 : vector<16xi32>
    %ne3A_848 = arith.constant 0 : i32
    %ne3A_849 = vector.broadcast %ne3A_848 : i32 to vector<16xi32>
    %ne3A_850 = arith.cmpi ne, %rem3A_847, %ne3A_849 : vector<16xi32>
    %and3A_851 = arith.andi %ne3A_845, %ne3A_850 : vector<16xi1>
    %sub3A_852 = arith.constant 1 : i32
    %sub3A_853 = vector.broadcast %sub3A_852 : i32 to vector<16xi32>
    %sub3A_854 = arith.subi %div3A_827, %sub3A_853 : vector<16xi32>
    %select_n3A_855 = arith.select %and3A_851, %sub3A_854, %div3A_827 : vector<16xi1>, vector<16xi32>
    tpu.vector_store_idx %arg9[%add3A_824], %select_n3A_855 : memref<128xi32, #tpu.memory_space<vmem>>[vector<16xi32>], vector<16xi32>,
    %get3A_856 = arith.constant 0 : i32
    %get3A_857 = arith.index_cast %get3A_856 : i32 to index
    %get3A_858 = arith.constant 240 : index
    %get3A_859 = tpu.vector_load %arg6[%get3A_857, %get3A_858] {strides = array<i32>} : memref<2x512xi32, #tpu.memory_space<vmem>>, vector<16xi32>,
    %add3A_860 = arith.constant 112 : i32
    %add3A_861 = vector.broadcast %add3A_860 : i32 to vector<16xi32>
    %add3A_862 = arith.addi %iota3A, %add3A_861 : vector<16xi32>
    %jit3A_863 = arith.constant 128 : i32
    %div3A_864 = vector.broadcast %jit3A_863 : i32 to vector<16xi32>
    %div3A_865 = arith.divsi %get3A_859, %div3A_864 : vector<16xi32>
    %sign3A_866 = arith.constant 0 : i32
    %sign3A_867 = vector.broadcast %sign3A_866 : i32 to vector<16xi32>
    %sign3A_868 = arith.cmpi sgt, %get3A_859, %sign3A_867 : vector<16xi32>
    %sign3A_869 = arith.extui %sign3A_868 : vector<16xi1> to vector<16xi32>
    %sign3A_870 = arith.constant 0 : i32
    %sign3A_871 = vector.broadcast %sign3A_870 : i32 to vector<16xi32>
    %sign3A_872 = arith.cmpi slt, %get3A_859, %sign3A_871 : vector<16xi32>
    %sign3A_873 = arith.extui %sign3A_872 : vector<16xi1> to vector<16xi32>
    %sign3A_874 = arith.subi %sign3A_869, %sign3A_873 : vector<16xi32>
    %sign3A_875 = arith.constant 0 : i32
    %sign3A_876 = arith.cmpi sgt, %jit3A_863, %sign3A_875 : i32
    %sign3A_877 = arith.extui %sign3A_876 : i1 to i32
    %sign3A_878 = arith.constant 0 : i32
    %sign3A_879 = arith.cmpi slt, %jit3A_863, %sign3A_878 : i32
    %sign3A_880 = arith.extui %sign3A_879 : i1 to i32
    %sign3A_881 = arith.subi %sign3A_877, %sign3A_880 : i32
    %ne3A_882 = vector.broadcast %sign3A_881 : i32 to vector<16xi32>
    %ne3A_883 = arith.cmpi ne, %sign3A_874, %ne3A_882 : vector<16xi32>
    %rem3A_884 = vector.broadcast %jit3A_863 : i32 to vector<16xi32>
    %rem3A_885 = arith.remsi %get3A_859, %rem3A_884 : vector<16xi32>
    %ne3A_886 = arith.constant 0 : i32
    %ne3A_887 = vector.broadcast %ne3A_886 : i32 to vector<16xi32>
    %ne3A_888 = arith.cmpi ne, %rem3A_885, %ne3A_887 : vector<16xi32>
    %and3A_889 = arith.andi %ne3A_883, %ne3A_888 : vector<16xi1>
    %sub3A_890 = arith.constant 1 : i32
    %sub3A_891 = vector.broadcast %sub3A_890 : i32 to vector<16xi32>
    %sub3A_892 = arith.subi %div3A_865, %sub3A_891 : vector<16xi32>
    %select_n3A_893 = arith.select %and3A_889, %sub3A_892, %div3A_865 : vector<16xi1>, vector<16xi32>
    tpu.vector_store_idx %arg9[%add3A_862], %select_n3A_893 : memref<128xi32, #tpu.memory_space<vmem>>[vector<16xi32>], vector<16xi32>,
    %dma_start3A_894 = arith.constant 0 : i32
    %dma_start3A_895 = arith.constant 0 : i32
    %dma_start3A_896 = tpu.memref_slice %arg4[%dma_start3A_894, %dma_start3A_895] : memref<15625x128xf32, #tpu.memory_space<hbm>> -> memref<15625x128xf32, #tpu.memory_space<hbm>>
    tpu.enqueue_indirect_dma source(%dma_start3A_896 : memref<15625x128xf32, #tpu.memory_space<hbm>>) target(%arg10 : memref<128x128xf32, #tpu.memory_space<vmem>>) offsets(%arg9 : memref<128xi32, #tpu.memory_space<vmem>>) semaphore(%arg13 : memref<!tpu.dma_semaphore, #tpu.memory_space<semaphore_mem>>)
    %dma_wait3A_897 = arith.constant 0 : i32
    %dma_wait3A_898 = arith.constant 0 : i32
    %dma_wait3A_899 = tpu.memref_slice %arg4[%dma_wait3A_897, %dma_wait3A_898] : memref<15625x128xf32, #tpu.memory_space<hbm>> -> memref<15625x128xf32, #tpu.memory_space<hbm>>
    tpu.wait_indirect_dma semaphore(%arg13 : memref<!tpu.dma_semaphore, #tpu.memory_space<semaphore_mem>>) src(%dma_wait3A_899 : memref<15625x128xf32, #tpu.memory_space<hbm>>) dst(%arg10 : memref<128x128xf32, #tpu.memory_space<vmem>>)
    %get3A_900 = arith.constant 0 : i32
    %get3A_901 = arith.index_cast %get3A_900 : i32 to index
    %get3A_902 = arith.constant 128 : index
    %get3A_903 = tpu.vector_load %arg6[%get3A_901, %get3A_902] {strides = array<i32>} : memref<2x512xi32, #tpu.memory_space<vmem>>, vector<16xi32>,
    %add3A_904 = arith.constant 0 : i32
    %add3A_905 = vector.broadcast %add3A_904 : i32 to vector<16xi32>
    %add3A_906 = arith.addi %iota3A, %add3A_905 : vector<16xi32>
    %jit3A_907 = arith.constant 128 : i32
    %eq3A_908 = arith.constant 0 : i32
    %eq3A_909 = arith.cmpi eq, %jit3A_907, %eq3A_908 : i32
    %jit3A_910 = arith.constant 1 : i32
    %select_n3A_911 = arith.select %eq3A_909, %jit3A_910, %jit3A_907 : i32
    %rem3A_912 = vector.broadcast %select_n3A_911 : i32 to vector<16xi32>
    %rem3A_913 = arith.remsi %get3A_903, %rem3A_912 : vector<16xi32>
    %ne3A_914 = arith.constant 0 : i32
    %ne3A_915 = vector.broadcast %ne3A_914 : i32 to vector<16xi32>
    %ne3A_916 = arith.cmpi ne, %rem3A_913, %ne3A_915 : vector<16xi32>
    %lt3A_917 = arith.constant 0 : i32
    %lt3A_918 = vector.broadcast %lt3A_917 : i32 to vector<16xi32>
    %lt3A_919 = arith.cmpi slt, %rem3A_913, %lt3A_918 : vector<16xi32>
    %lt3A_920 = arith.constant 0 : i32
    %lt3A_921 = arith.cmpi slt, %select_n3A_911, %lt3A_920 : i32
    %ne3A_922 = vector.broadcast %lt3A_921 : i1 to vector<16xi1>
    %ne3A_923 = vector.broadcast %ne3A_922 : vector<16xi1> to vector<16xi1>
    %ne3A_924 = arith.xori %lt3A_919, %ne3A_923 : vector<16xi1>
    %and3A_925 = arith.andi %ne3A_924, %ne3A_916 : vector<16xi1>
    %add3A_926 = vector.broadcast %select_n3A_911 : i32 to vector<16xi32>
    %add3A_927 = arith.addi %rem3A_913, %add3A_926 : vector<16xi32>
    %select_n3A_928 = arith.select %and3A_925, %add3A_927, %rem3A_913 : vector<16xi1>, vector<16xi32>
    %gather3A_929 = tpu.vector_load_idx %arg10[%add3A_906, %select_n3A_928] : memref<128x128xf32, #tpu.memory_space<vmem>>[vector<16xi32>, vector<16xi32>], vector<16xf32>,
    %add3A_930 = arith.constant 128 : i32
    %add3A_931 = vector.broadcast %add3A_930 : i32 to vector<16xi32>
    %add3A_932 = arith.addi %iota3A, %add3A_931 : vector<16xi32>
    tpu.vector_store_idx %arg11[%add3A_932, %broadcast_in_dim3A_28], %gather3A_929 : memref<512x128xf32, #tpu.memory_space<vmem>>[vector<16xi32>, vector<16xi32>], vector<16xf32>,
    %get3A_933 = arith.constant 0 : i32
    %get3A_934 = arith.index_cast %get3A_933 : i32 to index
    %get3A_935 = arith.constant 144 : index
    %get3A_936 = tpu.vector_load %arg6[%get3A_934, %get3A_935] {strides = array<i32>} : memref<2x512xi32, #tpu.memory_space<vmem>>, vector<16xi32>,
    %add3A_937 = arith.constant 16 : i32
    %add3A_938 = vector.broadcast %add3A_937 : i32 to vector<16xi32>
    %add3A_939 = arith.addi %iota3A, %add3A_938 : vector<16xi32>
    %jit3A_940 = arith.constant 128 : i32
    %eq3A_941 = arith.constant 0 : i32
    %eq3A_942 = arith.cmpi eq, %jit3A_940, %eq3A_941 : i32
    %jit3A_943 = arith.constant 1 : i32
    %select_n3A_944 = arith.select %eq3A_942, %jit3A_943, %jit3A_940 : i32
    %rem3A_945 = vector.broadcast %select_n3A_944 : i32 to vector<16xi32>
    %rem3A_946 = arith.remsi %get3A_936, %rem3A_945 : vector<16xi32>
    %ne3A_947 = arith.constant 0 : i32
    %ne3A_948 = vector.broadcast %ne3A_947 : i32 to vector<16xi32>
    %ne3A_949 = arith.cmpi ne, %rem3A_946, %ne3A_948 : vector<16xi32>
    %lt3A_950 = arith.constant 0 : i32
    %lt3A_951 = vector.broadcast %lt3A_950 : i32 to vector<16xi32>
    %lt3A_952 = arith.cmpi slt, %rem3A_946, %lt3A_951 : vector<16xi32>
    %lt3A_953 = arith.constant 0 : i32
    %lt3A_954 = arith.cmpi slt, %select_n3A_944, %lt3A_953 : i32
    %ne3A_955 = vector.broadcast %lt3A_954 : i1 to vector<16xi1>
    %ne3A_956 = vector.broadcast %ne3A_955 : vector<16xi1> to vector<16xi1>
    %ne3A_957 = arith.xori %lt3A_952, %ne3A_956 : vector<16xi1>
    %and3A_958 = arith.andi %ne3A_957, %ne3A_949 : vector<16xi1>
    %add3A_959 = vector.broadcast %select_n3A_944 : i32 to vector<16xi32>
    %add3A_960 = arith.addi %rem3A_946, %add3A_959 : vector<16xi32>
    %select_n3A_961 = arith.select %and3A_958, %add3A_960, %rem3A_946 : vector<16xi1>, vector<16xi32>
    %gather3A_962 = tpu.vector_load_idx %arg10[%add3A_939, %select_n3A_961] : memref<128x128xf32, #tpu.memory_space<vmem>>[vector<16xi32>, vector<16xi32>], vector<16xf32>,
    %add3A_963 = arith.constant 144 : i32
    %add3A_964 = vector.broadcast %add3A_963 : i32 to vector<16xi32>
    %add3A_965 = arith.addi %iota3A, %add3A_964 : vector<16xi32>
    tpu.vector_store_idx %arg11[%add3A_965, %broadcast_in_dim3A_28], %gather3A_962 : memref<512x128xf32, #tpu.memory_space<vmem>>[vector<16xi32>, vector<16xi32>], vector<16xf32>,
    %get3A_966 = arith.constant 0 : i32
    %get3A_967 = arith.index_cast %get3A_966 : i32 to index
    %get3A_968 = arith.constant 160 : index
    %get3A_969 = tpu.vector_load %arg6[%get3A_967, %get3A_968] {strides = array<i32>} : memref<2x512xi32, #tpu.memory_space<vmem>>, vector<16xi32>,
    %add3A_970 = arith.constant 32 : i32
    %add3A_971 = vector.broadcast %add3A_970 : i32 to vector<16xi32>
    %add3A_972 = arith.addi %iota3A, %add3A_971 : vector<16xi32>
    %jit3A_973 = arith.constant 128 : i32
    %eq3A_974 = arith.constant 0 : i32
    %eq3A_975 = arith.cmpi eq, %jit3A_973, %eq3A_974 : i32
    %jit3A_976 = arith.constant 1 : i32
    %select_n3A_977 = arith.select %eq3A_975, %jit3A_976, %jit3A_973 : i32
    %rem3A_978 = vector.broadcast %select_n3A_977 : i32 to vector<16xi32>
    %rem3A_979 = arith.remsi %get3A_969, %rem3A_978 : vector<16xi32>
    %ne3A_980 = arith.constant 0 : i32
    %ne3A_981 = vector.broadcast %ne3A_980 : i32 to vector<16xi32>
    %ne3A_982 = arith.cmpi ne, %rem3A_979, %ne3A_981 : vector<16xi32>
    %lt3A_983 = arith.constant 0 : i32
    %lt3A_984 = vector.broadcast %lt3A_983 : i32 to vector<16xi32>
    %lt3A_985 = arith.cmpi slt, %rem3A_979, %lt3A_984 : vector<16xi32>
    %lt3A_986 = arith.constant 0 : i32
    %lt3A_987 = arith.cmpi slt, %select_n3A_977, %lt3A_986 : i32
    %ne3A_988 = vector.broadcast %lt3A_987 : i1 to vector<16xi1>
    %ne3A_989 = vector.broadcast %ne3A_988 : vector<16xi1> to vector<16xi1>
    %ne3A_990 = arith.xori %lt3A_985, %ne3A_989 : vector<16xi1>
    %and3A_991 = arith.andi %ne3A_990, %ne3A_982 : vector<16xi1>
    %add3A_992 = vector.broadcast %select_n3A_977 : i32 to vector<16xi32>
    %add3A_993 = arith.addi %rem3A_979, %add3A_992 : vector<16xi32>
    %select_n3A_994 = arith.select %and3A_991, %add3A_993, %rem3A_979 : vector<16xi1>, vector<16xi32>
    %gather3A_995 = tpu.vector_load_idx %arg10[%add3A_972, %select_n3A_994] : memref<128x128xf32, #tpu.memory_space<vmem>>[vector<16xi32>, vector<16xi32>], vector<16xf32>,
    %add3A_996 = arith.constant 160 : i32
    %add3A_997 = vector.broadcast %add3A_996 : i32 to vector<16xi32>
    %add3A_998 = arith.addi %iota3A, %add3A_997 : vector<16xi32>
    tpu.vector_store_idx %arg11[%add3A_998, %broadcast_in_dim3A_28], %gather3A_995 : memref<512x128xf32, #tpu.memory_space<vmem>>[vector<16xi32>, vector<16xi32>], vector<16xf32>,
    %get3A_999 = arith.constant 0 : i32
    %get3A_1000 = arith.index_cast %get3A_999 : i32 to index
    %get3A_1001 = arith.constant 176 : index
    %get3A_1002 = tpu.vector_load %arg6[%get3A_1000, %get3A_1001] {strides = array<i32>} : memref<2x512xi32, #tpu.memory_space<vmem>>, vector<16xi32>,
    %add3A_1003 = arith.constant 48 : i32
    %add3A_1004 = vector.broadcast %add3A_1003 : i32 to vector<16xi32>
    %add3A_1005 = arith.addi %iota3A, %add3A_1004 : vector<16xi32>
    %jit3A_1006 = arith.constant 128 : i32
    %eq3A_1007 = arith.constant 0 : i32
    %eq3A_1008 = arith.cmpi eq, %jit3A_1006, %eq3A_1007 : i32
    %jit3A_1009 = arith.constant 1 : i32
    %select_n3A_1010 = arith.select %eq3A_1008, %jit3A_1009, %jit3A_1006 : i32
    %rem3A_1011 = vector.broadcast %select_n3A_1010 : i32 to vector<16xi32>
    %rem3A_1012 = arith.remsi %get3A_1002, %rem3A_1011 : vector<16xi32>
    %ne3A_1013 = arith.constant 0 : i32
    %ne3A_1014 = vector.broadcast %ne3A_1013 : i32 to vector<16xi32>
    %ne3A_1015 = arith.cmpi ne, %rem3A_1012, %ne3A_1014 : vector<16xi32>
    %lt3A_1016 = arith.constant 0 : i32
    %lt3A_1017 = vector.broadcast %lt3A_1016 : i32 to vector<16xi32>
    %lt3A_1018 = arith.cmpi slt, %rem3A_1012, %lt3A_1017 : vector<16xi32>
    %lt3A_1019 = arith.constant 0 : i32
    %lt3A_1020 = arith.cmpi slt, %select_n3A_1010, %lt3A_1019 : i32
    %ne3A_1021 = vector.broadcast %lt3A_1020 : i1 to vector<16xi1>
    %ne3A_1022 = vector.broadcast %ne3A_1021 : vector<16xi1> to vector<16xi1>
    %ne3A_1023 = arith.xori %lt3A_1018, %ne3A_1022 : vector<16xi1>
    %and3A_1024 = arith.andi %ne3A_1023, %ne3A_1015 : vector<16xi1>
    %add3A_1025 = vector.broadcast %select_n3A_1010 : i32 to vector<16xi32>
    %add3A_1026 = arith.addi %rem3A_1012, %add3A_1025 : vector<16xi32>
    %select_n3A_1027 = arith.select %and3A_1024, %add3A_1026, %rem3A_1012 : vector<16xi1>, vector<16xi32>
    %gather3A_1028 = tpu.vector_load_idx %arg10[%add3A_1005, %select_n3A_1027] : memref<128x128xf32, #tpu.memory_space<vmem>>[vector<16xi32>, vector<16xi32>], vector<16xf32>,
    %add3A_1029 = arith.constant 176 : i32
    %add3A_1030 = vector.broadcast %add3A_1029 : i32 to vector<16xi32>
    %add3A_1031 = arith.addi %iota3A, %add3A_1030 : vector<16xi32>
    tpu.vector_store_idx %arg11[%add3A_1031, %broadcast_in_dim3A_28], %gather3A_1028 : memref<512x128xf32, #tpu.memory_space<vmem>>[vector<16xi32>, vector<16xi32>], vector<16xf32>,
    %get3A_1032 = arith.constant 0 : i32
    %get3A_1033 = arith.index_cast %get3A_1032 : i32 to index
    %get3A_1034 = arith.constant 192 : index
    %get3A_1035 = tpu.vector_load %arg6[%get3A_1033, %get3A_1034] {strides = array<i32>} : memref<2x512xi32, #tpu.memory_space<vmem>>, vector<16xi32>,
    %add3A_1036 = arith.constant 64 : i32
    %add3A_1037 = vector.broadcast %add3A_1036 : i32 to vector<16xi32>
    %add3A_1038 = arith.addi %iota3A, %add3A_1037 : vector<16xi32>
    %jit3A_1039 = arith.constant 128 : i32
    %eq3A_1040 = arith.constant 0 : i32
    %eq3A_1041 = arith.cmpi eq, %jit3A_1039, %eq3A_1040 : i32
    %jit3A_1042 = arith.constant 1 : i32
    %select_n3A_1043 = arith.select %eq3A_1041, %jit3A_1042, %jit3A_1039 : i32
    %rem3A_1044 = vector.broadcast %select_n3A_1043 : i32 to vector<16xi32>
    %rem3A_1045 = arith.remsi %get3A_1035, %rem3A_1044 : vector<16xi32>
    %ne3A_1046 = arith.constant 0 : i32
    %ne3A_1047 = vector.broadcast %ne3A_1046 : i32 to vector<16xi32>
    %ne3A_1048 = arith.cmpi ne, %rem3A_1045, %ne3A_1047 : vector<16xi32>
    %lt3A_1049 = arith.constant 0 : i32
    %lt3A_1050 = vector.broadcast %lt3A_1049 : i32 to vector<16xi32>
    %lt3A_1051 = arith.cmpi slt, %rem3A_1045, %lt3A_1050 : vector<16xi32>
    %lt3A_1052 = arith.constant 0 : i32
    %lt3A_1053 = arith.cmpi slt, %select_n3A_1043, %lt3A_1052 : i32
    %ne3A_1054 = vector.broadcast %lt3A_1053 : i1 to vector<16xi1>
    %ne3A_1055 = vector.broadcast %ne3A_1054 : vector<16xi1> to vector<16xi1>
    %ne3A_1056 = arith.xori %lt3A_1051, %ne3A_1055 : vector<16xi1>
    %and3A_1057 = arith.andi %ne3A_1056, %ne3A_1048 : vector<16xi1>
    %add3A_1058 = vector.broadcast %select_n3A_1043 : i32 to vector<16xi32>
    %add3A_1059 = arith.addi %rem3A_1045, %add3A_1058 : vector<16xi32>
    %select_n3A_1060 = arith.select %and3A_1057, %add3A_1059, %rem3A_1045 : vector<16xi1>, vector<16xi32>
    %gather3A_1061 = tpu.vector_load_idx %arg10[%add3A_1038, %select_n3A_1060] : memref<128x128xf32, #tpu.memory_space<vmem>>[vector<16xi32>, vector<16xi32>], vector<16xf32>,
    %add3A_1062 = arith.constant 192 : i32
    %add3A_1063 = vector.broadcast %add3A_1062 : i32 to vector<16xi32>
    %add3A_1064 = arith.addi %iota3A, %add3A_1063 : vector<16xi32>
    tpu.vector_store_idx %arg11[%add3A_1064, %broadcast_in_dim3A_28], %gather3A_1061 : memref<512x128xf32, #tpu.memory_space<vmem>>[vector<16xi32>, vector<16xi32>], vector<16xf32>,
    %get3A_1065 = arith.constant 0 : i32
    %get3A_1066 = arith.index_cast %get3A_1065 : i32 to index
    %get3A_1067 = arith.constant 208 : index
    %get3A_1068 = tpu.vector_load %arg6[%get3A_1066, %get3A_1067] {strides = array<i32>} : memref<2x512xi32, #tpu.memory_space<vmem>>, vector<16xi32>,
    %add3A_1069 = arith.constant 80 : i32
    %add3A_1070 = vector.broadcast %add3A_1069 : i32 to vector<16xi32>
    %add3A_1071 = arith.addi %iota3A, %add3A_1070 : vector<16xi32>
    %jit3A_1072 = arith.constant 128 : i32
    %eq3A_1073 = arith.constant 0 : i32
    %eq3A_1074 = arith.cmpi eq, %jit3A_1072, %eq3A_1073 : i32
    %jit3A_1075 = arith.constant 1 : i32
    %select_n3A_1076 = arith.select %eq3A_1074, %jit3A_1075, %jit3A_1072 : i32
    %rem3A_1077 = vector.broadcast %select_n3A_1076 : i32 to vector<16xi32>
    %rem3A_1078 = arith.remsi %get3A_1068, %rem3A_1077 : vector<16xi32>
    %ne3A_1079 = arith.constant 0 : i32
    %ne3A_1080 = vector.broadcast %ne3A_1079 : i32 to vector<16xi32>
    %ne3A_1081 = arith.cmpi ne, %rem3A_1078, %ne3A_1080 : vector<16xi32>
    %lt3A_1082 = arith.constant 0 : i32
    %lt3A_1083 = vector.broadcast %lt3A_1082 : i32 to vector<16xi32>
    %lt3A_1084 = arith.cmpi slt, %rem3A_1078, %lt3A_1083 : vector<16xi32>
    %lt3A_1085 = arith.constant 0 : i32
    %lt3A_1086 = arith.cmpi slt, %select_n3A_1076, %lt3A_1085 : i32
    %ne3A_1087 = vector.broadcast %lt3A_1086 : i1 to vector<16xi1>
    %ne3A_1088 = vector.broadcast %ne3A_1087 : vector<16xi1> to vector<16xi1>
    %ne3A_1089 = arith.xori %lt3A_1084, %ne3A_1088 : vector<16xi1>
    %and3A_1090 = arith.andi %ne3A_1089, %ne3A_1081 : vector<16xi1>
    %add3A_1091 = vector.broadcast %select_n3A_1076 : i32 to vector<16xi32>
    %add3A_1092 = arith.addi %rem3A_1078, %add3A_1091 : vector<16xi32>
    %select_n3A_1093 = arith.select %and3A_1090, %add3A_1092, %rem3A_1078 : vector<16xi1>, vector<16xi32>
    %gather3A_1094 = tpu.vector_load_idx %arg10[%add3A_1071, %select_n3A_1093] : memref<128x128xf32, #tpu.memory_space<vmem>>[vector<16xi32>, vector<16xi32>], vector<16xf32>,
    %add3A_1095 = arith.constant 208 : i32
    %add3A_1096 = vector.broadcast %add3A_1095 : i32 to vector<16xi32>
    %add3A_1097 = arith.addi %iota3A, %add3A_1096 : vector<16xi32>
    tpu.vector_store_idx %arg11[%add3A_1097, %broadcast_in_dim3A_28], %gather3A_1094 : memref<512x128xf32, #tpu.memory_space<vmem>>[vector<16xi32>, vector<16xi32>], vector<16xf32>,
    %get3A_1098 = arith.constant 0 : i32
    %get3A_1099 = arith.index_cast %get3A_1098 : i32 to index
    %get3A_1100 = arith.constant 224 : index
    %get3A_1101 = tpu.vector_load %arg6[%get3A_1099, %get3A_1100] {strides = array<i32>} : memref<2x512xi32, #tpu.memory_space<vmem>>, vector<16xi32>,
    %add3A_1102 = arith.constant 96 : i32
    %add3A_1103 = vector.broadcast %add3A_1102 : i32 to vector<16xi32>
    %add3A_1104 = arith.addi %iota3A, %add3A_1103 : vector<16xi32>
    %jit3A_1105 = arith.constant 128 : i32
    %eq3A_1106 = arith.constant 0 : i32
    %eq3A_1107 = arith.cmpi eq, %jit3A_1105, %eq3A_1106 : i32
    %jit3A_1108 = arith.constant 1 : i32
    %select_n3A_1109 = arith.select %eq3A_1107, %jit3A_1108, %jit3A_1105 : i32
    %rem3A_1110 = vector.broadcast %select_n3A_1109 : i32 to vector<16xi32>
    %rem3A_1111 = arith.remsi %get3A_1101, %rem3A_1110 : vector<16xi32>
    %ne3A_1112 = arith.constant 0 : i32
    %ne3A_1113 = vector.broadcast %ne3A_1112 : i32 to vector<16xi32>
    %ne3A_1114 = arith.cmpi ne, %rem3A_1111, %ne3A_1113 : vector<16xi32>
    %lt3A_1115 = arith.constant 0 : i32
    %lt3A_1116 = vector.broadcast %lt3A_1115 : i32 to vector<16xi32>
    %lt3A_1117 = arith.cmpi slt, %rem3A_1111, %lt3A_1116 : vector<16xi32>
    %lt3A_1118 = arith.constant 0 : i32
    %lt3A_1119 = arith.cmpi slt, %select_n3A_1109, %lt3A_1118 : i32
    %ne3A_1120 = vector.broadcast %lt3A_1119 : i1 to vector<16xi1>
    %ne3A_1121 = vector.broadcast %ne3A_1120 : vector<16xi1> to vector<16xi1>
    %ne3A_1122 = arith.xori %lt3A_1117, %ne3A_1121 : vector<16xi1>
    %and3A_1123 = arith.andi %ne3A_1122, %ne3A_1114 : vector<16xi1>
    %add3A_1124 = vector.broadcast %select_n3A_1109 : i32 to vector<16xi32>
    %add3A_1125 = arith.addi %rem3A_1111, %add3A_1124 : vector<16xi32>
    %select_n3A_1126 = arith.select %and3A_1123, %add3A_1125, %rem3A_1111 : vector<16xi1>, vector<16xi32>
    %gather3A_1127 = tpu.vector_load_idx %arg10[%add3A_1104, %select_n3A_1126] : memref<128x128xf32, #tpu.memory_space<vmem>>[vector<16xi32>, vector<16xi32>], vector<16xf32>,
    %add3A_1128 = arith.constant 224 : i32
    %add3A_1129 = vector.broadcast %add3A_1128 : i32 to vector<16xi32>
    %add3A_1130 = arith.addi %iota3A, %add3A_1129 : vector<16xi32>
    tpu.vector_store_idx %arg11[%add3A_1130, %broadcast_in_dim3A_28], %gather3A_1127 : memref<512x128xf32, #tpu.memory_space<vmem>>[vector<16xi32>, vector<16xi32>], vector<16xf32>,
    %get3A_1131 = arith.constant 0 : i32
    %get3A_1132 = arith.index_cast %get3A_1131 : i32 to index
    %get3A_1133 = arith.constant 240 : index
    %get3A_1134 = tpu.vector_load %arg6[%get3A_1132, %get3A_1133] {strides = array<i32>} : memref<2x512xi32, #tpu.memory_space<vmem>>, vector<16xi32>,
    %add3A_1135 = arith.constant 112 : i32
    %add3A_1136 = vector.broadcast %add3A_1135 : i32 to vector<16xi32>
    %add3A_1137 = arith.addi %iota3A, %add3A_1136 : vector<16xi32>
    %jit3A_1138 = arith.constant 128 : i32
    %eq3A_1139 = arith.constant 0 : i32
    %eq3A_1140 = arith.cmpi eq, %jit3A_1138, %eq3A_1139 : i32
    %jit3A_1141 = arith.constant 1 : i32
    %select_n3A_1142 = arith.select %eq3A_1140, %jit3A_1141, %jit3A_1138 : i32
    %rem3A_1143 = vector.broadcast %select_n3A_1142 : i32 to vector<16xi32>
    %rem3A_1144 = arith.remsi %get3A_1134, %rem3A_1143 : vector<16xi32>
    %ne3A_1145 = arith.constant 0 : i32
    %ne3A_1146 = vector.broadcast %ne3A_1145 : i32 to vector<16xi32>
    %ne3A_1147 = arith.cmpi ne, %rem3A_1144, %ne3A_1146 : vector<16xi32>
    %lt3A_1148 = arith.constant 0 : i32
    %lt3A_1149 = vector.broadcast %lt3A_1148 : i32 to vector<16xi32>
    %lt3A_1150 = arith.cmpi slt, %rem3A_1144, %lt3A_1149 : vector<16xi32>
    %lt3A_1151 = arith.constant 0 : i32
    %lt3A_1152 = arith.cmpi slt, %select_n3A_1142, %lt3A_1151 : i32
    %ne3A_1153 = vector.broadcast %lt3A_1152 : i1 to vector<16xi1>
    %ne3A_1154 = vector.broadcast %ne3A_1153 : vector<16xi1> to vector<16xi1>
    %ne3A_1155 = arith.xori %lt3A_1150, %ne3A_1154 : vector<16xi1>
    %and3A_1156 = arith.andi %ne3A_1155, %ne3A_1147 : vector<16xi1>
    %add3A_1157 = vector.broadcast %select_n3A_1142 : i32 to vector<16xi32>
    %add3A_1158 = arith.addi %rem3A_1144, %add3A_1157 : vector<16xi32>
    %select_n3A_1159 = arith.select %and3A_1156, %add3A_1158, %rem3A_1144 : vector<16xi1>, vector<16xi32>
    %gather3A_1160 = tpu.vector_load_idx %arg10[%add3A_1137, %select_n3A_1159] : memref<128x128xf32, #tpu.memory_space<vmem>>[vector<16xi32>, vector<16xi32>], vector<16xf32>,
    %add3A_1161 = arith.constant 240 : i32
    %add3A_1162 = vector.broadcast %add3A_1161 : i32 to vector<16xi32>
    %add3A_1163 = arith.addi %iota3A, %add3A_1162 : vector<16xi32>
    tpu.vector_store_idx %arg11[%add3A_1163, %broadcast_in_dim3A_28], %gather3A_1160 : memref<512x128xf32, #tpu.memory_space<vmem>>[vector<16xi32>, vector<16xi32>], vector<16xf32>,
    %get3A_1164 = arith.constant 0 : i32
    %get3A_1165 = arith.index_cast %get3A_1164 : i32 to index
    %get3A_1166 = arith.constant 256 : index
    %get3A_1167 = tpu.vector_load %arg6[%get3A_1165, %get3A_1166] {strides = array<i32>} : memref<2x512xi32, #tpu.memory_space<vmem>>, vector<16xi32>,
    %add3A_1168 = arith.constant 0 : i32
    %add3A_1169 = vector.broadcast %add3A_1168 : i32 to vector<16xi32>
    %add3A_1170 = arith.addi %iota3A, %add3A_1169 : vector<16xi32>
    %jit3A_1171 = arith.constant 128 : i32
    %div3A_1172 = vector.broadcast %jit3A_1171 : i32 to vector<16xi32>
    %div3A_1173 = arith.divsi %get3A_1167, %div3A_1172 : vector<16xi32>
    %sign3A_1174 = arith.constant 0 : i32
    %sign3A_1175 = vector.broadcast %sign3A_1174 : i32 to vector<16xi32>
    %sign3A_1176 = arith.cmpi sgt, %get3A_1167, %sign3A_1175 : vector<16xi32>
    %sign3A_1177 = arith.extui %sign3A_1176 : vector<16xi1> to vector<16xi32>
    %sign3A_1178 = arith.constant 0 : i32
    %sign3A_1179 = vector.broadcast %sign3A_1178 : i32 to vector<16xi32>
    %sign3A_1180 = arith.cmpi slt, %get3A_1167, %sign3A_1179 : vector<16xi32>
    %sign3A_1181 = arith.extui %sign3A_1180 : vector<16xi1> to vector<16xi32>
    %sign3A_1182 = arith.subi %sign3A_1177, %sign3A_1181 : vector<16xi32>
    %sign3A_1183 = arith.constant 0 : i32
    %sign3A_1184 = arith.cmpi sgt, %jit3A_1171, %sign3A_1183 : i32
    %sign3A_1185 = arith.extui %sign3A_1184 : i1 to i32
    %sign3A_1186 = arith.constant 0 : i32
    %sign3A_1187 = arith.cmpi slt, %jit3A_1171, %sign3A_1186 : i32
    %sign3A_1188 = arith.extui %sign3A_1187 : i1 to i32
    %sign3A_1189 = arith.subi %sign3A_1185, %sign3A_1188 : i32
    %ne3A_1190 = vector.broadcast %sign3A_1189 : i32 to vector<16xi32>
    %ne3A_1191 = arith.cmpi ne, %sign3A_1182, %ne3A_1190 : vector<16xi32>
    %rem3A_1192 = vector.broadcast %jit3A_1171 : i32 to vector<16xi32>
    %rem3A_1193 = arith.remsi %get3A_1167, %rem3A_1192 : vector<16xi32>
    %ne3A_1194 = arith.constant 0 : i32
    %ne3A_1195 = vector.broadcast %ne3A_1194 : i32 to vector<16xi32>
    %ne3A_1196 = arith.cmpi ne, %rem3A_1193, %ne3A_1195 : vector<16xi32>
    %and3A_1197 = arith.andi %ne3A_1191, %ne3A_1196 : vector<16xi1>
    %sub3A_1198 = arith.constant 1 : i32
    %sub3A_1199 = vector.broadcast %sub3A_1198 : i32 to vector<16xi32>
    %sub3A_1200 = arith.subi %div3A_1173, %sub3A_1199 : vector<16xi32>
    %select_n3A_1201 = arith.select %and3A_1197, %sub3A_1200, %div3A_1173 : vector<16xi1>, vector<16xi32>
    tpu.vector_store_idx %arg9[%add3A_1170], %select_n3A_1201 : memref<128xi32, #tpu.memory_space<vmem>>[vector<16xi32>], vector<16xi32>,
    %get3A_1202 = arith.constant 0 : i32
    %get3A_1203 = arith.index_cast %get3A_1202 : i32 to index
    %get3A_1204 = arith.constant 272 : index
    %get3A_1205 = tpu.vector_load %arg6[%get3A_1203, %get3A_1204] {strides = array<i32>} : memref<2x512xi32, #tpu.memory_space<vmem>>, vector<16xi32>,
    %add3A_1206 = arith.constant 16 : i32
    %add3A_1207 = vector.broadcast %add3A_1206 : i32 to vector<16xi32>
    %add3A_1208 = arith.addi %iota3A, %add3A_1207 : vector<16xi32>
    %jit3A_1209 = arith.constant 128 : i32
    %div3A_1210 = vector.broadcast %jit3A_1209 : i32 to vector<16xi32>
    %div3A_1211 = arith.divsi %get3A_1205, %div3A_1210 : vector<16xi32>
    %sign3A_1212 = arith.constant 0 : i32
    %sign3A_1213 = vector.broadcast %sign3A_1212 : i32 to vector<16xi32>
    %sign3A_1214 = arith.cmpi sgt, %get3A_1205, %sign3A_1213 : vector<16xi32>
    %sign3A_1215 = arith.extui %sign3A_1214 : vector<16xi1> to vector<16xi32>
    %sign3A_1216 = arith.constant 0 : i32
    %sign3A_1217 = vector.broadcast %sign3A_1216 : i32 to vector<16xi32>
    %sign3A_1218 = arith.cmpi slt, %get3A_1205, %sign3A_1217 : vector<16xi32>
    %sign3A_1219 = arith.extui %sign3A_1218 : vector<16xi1> to vector<16xi32>
    %sign3A_1220 = arith.subi %sign3A_1215, %sign3A_1219 : vector<16xi32>
    %sign3A_1221 = arith.constant 0 : i32
    %sign3A_1222 = arith.cmpi sgt, %jit3A_1209, %sign3A_1221 : i32
    %sign3A_1223 = arith.extui %sign3A_1222 : i1 to i32
    %sign3A_1224 = arith.constant 0 : i32
    %sign3A_1225 = arith.cmpi slt, %jit3A_1209, %sign3A_1224 : i32
    %sign3A_1226 = arith.extui %sign3A_1225 : i1 to i32
    %sign3A_1227 = arith.subi %sign3A_1223, %sign3A_1226 : i32
    %ne3A_1228 = vector.broadcast %sign3A_1227 : i32 to vector<16xi32>
    %ne3A_1229 = arith.cmpi ne, %sign3A_1220, %ne3A_1228 : vector<16xi32>
    %rem3A_1230 = vector.broadcast %jit3A_1209 : i32 to vector<16xi32>
    %rem3A_1231 = arith.remsi %get3A_1205, %rem3A_1230 : vector<16xi32>
    %ne3A_1232 = arith.constant 0 : i32
    %ne3A_1233 = vector.broadcast %ne3A_1232 : i32 to vector<16xi32>
    %ne3A_1234 = arith.cmpi ne, %rem3A_1231, %ne3A_1233 : vector<16xi32>
    %and3A_1235 = arith.andi %ne3A_1229, %ne3A_1234 : vector<16xi1>
    %sub3A_1236 = arith.constant 1 : i32
    %sub3A_1237 = vector.broadcast %sub3A_1236 : i32 to vector<16xi32>
    %sub3A_1238 = arith.subi %div3A_1211, %sub3A_1237 : vector<16xi32>
    %select_n3A_1239 = arith.select %and3A_1235, %sub3A_1238, %div3A_1211 : vector<16xi1>, vector<16xi32>
    tpu.vector_store_idx %arg9[%add3A_1208], %select_n3A_1239 : memref<128xi32, #tpu.memory_space<vmem>>[vector<16xi32>], vector<16xi32>,
    %get3A_1240 = arith.constant 0 : i32
    %get3A_1241 = arith.index_cast %get3A_1240 : i32 to index
    %get3A_1242 = arith.constant 288 : index
    %get3A_1243 = tpu.vector_load %arg6[%get3A_1241, %get3A_1242] {strides = array<i32>} : memref<2x512xi32, #tpu.memory_space<vmem>>, vector<16xi32>,
    %add3A_1244 = arith.constant 32 : i32
    %add3A_1245 = vector.broadcast %add3A_1244 : i32 to vector<16xi32>
    %add3A_1246 = arith.addi %iota3A, %add3A_1245 : vector<16xi32>
    %jit3A_1247 = arith.constant 128 : i32
    %div3A_1248 = vector.broadcast %jit3A_1247 : i32 to vector<16xi32>
    %div3A_1249 = arith.divsi %get3A_1243, %div3A_1248 : vector<16xi32>
    %sign3A_1250 = arith.constant 0 : i32
    %sign3A_1251 = vector.broadcast %sign3A_1250 : i32 to vector<16xi32>
    %sign3A_1252 = arith.cmpi sgt, %get3A_1243, %sign3A_1251 : vector<16xi32>
    %sign3A_1253 = arith.extui %sign3A_1252 : vector<16xi1> to vector<16xi32>
    %sign3A_1254 = arith.constant 0 : i32
    %sign3A_1255 = vector.broadcast %sign3A_1254 : i32 to vector<16xi32>
    %sign3A_1256 = arith.cmpi slt, %get3A_1243, %sign3A_1255 : vector<16xi32>
    %sign3A_1257 = arith.extui %sign3A_1256 : vector<16xi1> to vector<16xi32>
    %sign3A_1258 = arith.subi %sign3A_1253, %sign3A_1257 : vector<16xi32>
    %sign3A_1259 = arith.constant 0 : i32
    %sign3A_1260 = arith.cmpi sgt, %jit3A_1247, %sign3A_1259 : i32
    %sign3A_1261 = arith.extui %sign3A_1260 : i1 to i32
    %sign3A_1262 = arith.constant 0 : i32
    %sign3A_1263 = arith.cmpi slt, %jit3A_1247, %sign3A_1262 : i32
    %sign3A_1264 = arith.extui %sign3A_1263 : i1 to i32
    %sign3A_1265 = arith.subi %sign3A_1261, %sign3A_1264 : i32
    %ne3A_1266 = vector.broadcast %sign3A_1265 : i32 to vector<16xi32>
    %ne3A_1267 = arith.cmpi ne, %sign3A_1258, %ne3A_1266 : vector<16xi32>
    %rem3A_1268 = vector.broadcast %jit3A_1247 : i32 to vector<16xi32>
    %rem3A_1269 = arith.remsi %get3A_1243, %rem3A_1268 : vector<16xi32>
    %ne3A_1270 = arith.constant 0 : i32
    %ne3A_1271 = vector.broadcast %ne3A_1270 : i32 to vector<16xi32>
    %ne3A_1272 = arith.cmpi ne, %rem3A_1269, %ne3A_1271 : vector<16xi32>
    %and3A_1273 = arith.andi %ne3A_1267, %ne3A_1272 : vector<16xi1>
    %sub3A_1274 = arith.constant 1 : i32
    %sub3A_1275 = vector.broadcast %sub3A_1274 : i32 to vector<16xi32>
    %sub3A_1276 = arith.subi %div3A_1249, %sub3A_1275 : vector<16xi32>
    %select_n3A_1277 = arith.select %and3A_1273, %sub3A_1276, %div3A_1249 : vector<16xi1>, vector<16xi32>
    tpu.vector_store_idx %arg9[%add3A_1246], %select_n3A_1277 : memref<128xi32, #tpu.memory_space<vmem>>[vector<16xi32>], vector<16xi32>,
    %get3A_1278 = arith.constant 0 : i32
    %get3A_1279 = arith.index_cast %get3A_1278 : i32 to index
    %get3A_1280 = arith.constant 304 : index
    %get3A_1281 = tpu.vector_load %arg6[%get3A_1279, %get3A_1280] {strides = array<i32>} : memref<2x512xi32, #tpu.memory_space<vmem>>, vector<16xi32>,
    %add3A_1282 = arith.constant 48 : i32
    %add3A_1283 = vector.broadcast %add3A_1282 : i32 to vector<16xi32>
    %add3A_1284 = arith.addi %iota3A, %add3A_1283 : vector<16xi32>
    %jit3A_1285 = arith.constant 128 : i32
    %div3A_1286 = vector.broadcast %jit3A_1285 : i32 to vector<16xi32>
    %div3A_1287 = arith.divsi %get3A_1281, %div3A_1286 : vector<16xi32>
    %sign3A_1288 = arith.constant 0 : i32
    %sign3A_1289 = vector.broadcast %sign3A_1288 : i32 to vector<16xi32>
    %sign3A_1290 = arith.cmpi sgt, %get3A_1281, %sign3A_1289 : vector<16xi32>
    %sign3A_1291 = arith.extui %sign3A_1290 : vector<16xi1> to vector<16xi32>
    %sign3A_1292 = arith.constant 0 : i32
    %sign3A_1293 = vector.broadcast %sign3A_1292 : i32 to vector<16xi32>
    %sign3A_1294 = arith.cmpi slt, %get3A_1281, %sign3A_1293 : vector<16xi32>
    %sign3A_1295 = arith.extui %sign3A_1294 : vector<16xi1> to vector<16xi32>
    %sign3A_1296 = arith.subi %sign3A_1291, %sign3A_1295 : vector<16xi32>
    %sign3A_1297 = arith.constant 0 : i32
    %sign3A_1298 = arith.cmpi sgt, %jit3A_1285, %sign3A_1297 : i32
    %sign3A_1299 = arith.extui %sign3A_1298 : i1 to i32
    %sign3A_1300 = arith.constant 0 : i32
    %sign3A_1301 = arith.cmpi slt, %jit3A_1285, %sign3A_1300 : i32
    %sign3A_1302 = arith.extui %sign3A_1301 : i1 to i32
    %sign3A_1303 = arith.subi %sign3A_1299, %sign3A_1302 : i32
    %ne3A_1304 = vector.broadcast %sign3A_1303 : i32 to vector<16xi32>
    %ne3A_1305 = arith.cmpi ne, %sign3A_1296, %ne3A_1304 : vector<16xi32>
    %rem3A_1306 = vector.broadcast %jit3A_1285 : i32 to vector<16xi32>
    %rem3A_1307 = arith.remsi %get3A_1281, %rem3A_1306 : vector<16xi32>
    %ne3A_1308 = arith.constant 0 : i32
    %ne3A_1309 = vector.broadcast %ne3A_1308 : i32 to vector<16xi32>
    %ne3A_1310 = arith.cmpi ne, %rem3A_1307, %ne3A_1309 : vector<16xi32>
    %and3A_1311 = arith.andi %ne3A_1305, %ne3A_1310 : vector<16xi1>
    %sub3A_1312 = arith.constant 1 : i32
    %sub3A_1313 = vector.broadcast %sub3A_1312 : i32 to vector<16xi32>
    %sub3A_1314 = arith.subi %div3A_1287, %sub3A_1313 : vector<16xi32>
    %select_n3A_1315 = arith.select %and3A_1311, %sub3A_1314, %div3A_1287 : vector<16xi1>, vector<16xi32>
    tpu.vector_store_idx %arg9[%add3A_1284], %select_n3A_1315 : memref<128xi32, #tpu.memory_space<vmem>>[vector<16xi32>], vector<16xi32>,
    %get3A_1316 = arith.constant 0 : i32
    %get3A_1317 = arith.index_cast %get3A_1316 : i32 to index
    %get3A_1318 = arith.constant 320 : index
    %get3A_1319 = tpu.vector_load %arg6[%get3A_1317, %get3A_1318] {strides = array<i32>} : memref<2x512xi32, #tpu.memory_space<vmem>>, vector<16xi32>,
    %add3A_1320 = arith.constant 64 : i32
    %add3A_1321 = vector.broadcast %add3A_1320 : i32 to vector<16xi32>
    %add3A_1322 = arith.addi %iota3A, %add3A_1321 : vector<16xi32>
    %jit3A_1323 = arith.constant 128 : i32
    %div3A_1324 = vector.broadcast %jit3A_1323 : i32 to vector<16xi32>
    %div3A_1325 = arith.divsi %get3A_1319, %div3A_1324 : vector<16xi32>
    %sign3A_1326 = arith.constant 0 : i32
    %sign3A_1327 = vector.broadcast %sign3A_1326 : i32 to vector<16xi32>
    %sign3A_1328 = arith.cmpi sgt, %get3A_1319, %sign3A_1327 : vector<16xi32>
    %sign3A_1329 = arith.extui %sign3A_1328 : vector<16xi1> to vector<16xi32>
    %sign3A_1330 = arith.constant 0 : i32
    %sign3A_1331 = vector.broadcast %sign3A_1330 : i32 to vector<16xi32>
    %sign3A_1332 = arith.cmpi slt, %get3A_1319, %sign3A_1331 : vector<16xi32>
    %sign3A_1333 = arith.extui %sign3A_1332 : vector<16xi1> to vector<16xi32>
    %sign3A_1334 = arith.subi %sign3A_1329, %sign3A_1333 : vector<16xi32>
    %sign3A_1335 = arith.constant 0 : i32
    %sign3A_1336 = arith.cmpi sgt, %jit3A_1323, %sign3A_1335 : i32
    %sign3A_1337 = arith.extui %sign3A_1336 : i1 to i32
    %sign3A_1338 = arith.constant 0 : i32
    %sign3A_1339 = arith.cmpi slt, %jit3A_1323, %sign3A_1338 : i32
    %sign3A_1340 = arith.extui %sign3A_1339 : i1 to i32
    %sign3A_1341 = arith.subi %sign3A_1337, %sign3A_1340 : i32
    %ne3A_1342 = vector.broadcast %sign3A_1341 : i32 to vector<16xi32>
    %ne3A_1343 = arith.cmpi ne, %sign3A_1334, %ne3A_1342 : vector<16xi32>
    %rem3A_1344 = vector.broadcast %jit3A_1323 : i32 to vector<16xi32>
    %rem3A_1345 = arith.remsi %get3A_1319, %rem3A_1344 : vector<16xi32>
    %ne3A_1346 = arith.constant 0 : i32
    %ne3A_1347 = vector.broadcast %ne3A_1346 : i32 to vector<16xi32>
    %ne3A_1348 = arith.cmpi ne, %rem3A_1345, %ne3A_1347 : vector<16xi32>
    %and3A_1349 = arith.andi %ne3A_1343, %ne3A_1348 : vector<16xi1>
    %sub3A_1350 = arith.constant 1 : i32
    %sub3A_1351 = vector.broadcast %sub3A_1350 : i32 to vector<16xi32>
    %sub3A_1352 = arith.subi %div3A_1325, %sub3A_1351 : vector<16xi32>
    %select_n3A_1353 = arith.select %and3A_1349, %sub3A_1352, %div3A_1325 : vector<16xi1>, vector<16xi32>
    tpu.vector_store_idx %arg9[%add3A_1322], %select_n3A_1353 : memref<128xi32, #tpu.memory_space<vmem>>[vector<16xi32>], vector<16xi32>,
    %get3A_1354 = arith.constant 0 : i32
    %get3A_1355 = arith.index_cast %get3A_1354 : i32 to index
    %get3A_1356 = arith.constant 336 : index
    %get3A_1357 = tpu.vector_load %arg6[%get3A_1355, %get3A_1356] {strides = array<i32>} : memref<2x512xi32, #tpu.memory_space<vmem>>, vector<16xi32>,
    %add3A_1358 = arith.constant 80 : i32
    %add3A_1359 = vector.broadcast %add3A_1358 : i32 to vector<16xi32>
    %add3A_1360 = arith.addi %iota3A, %add3A_1359 : vector<16xi32>
    %jit3A_1361 = arith.constant 128 : i32
    %div3A_1362 = vector.broadcast %jit3A_1361 : i32 to vector<16xi32>
    %div3A_1363 = arith.divsi %get3A_1357, %div3A_1362 : vector<16xi32>
    %sign3A_1364 = arith.constant 0 : i32
    %sign3A_1365 = vector.broadcast %sign3A_1364 : i32 to vector<16xi32>
    %sign3A_1366 = arith.cmpi sgt, %get3A_1357, %sign3A_1365 : vector<16xi32>
    %sign3A_1367 = arith.extui %sign3A_1366 : vector<16xi1> to vector<16xi32>
    %sign3A_1368 = arith.constant 0 : i32
    %sign3A_1369 = vector.broadcast %sign3A_1368 : i32 to vector<16xi32>
    %sign3A_1370 = arith.cmpi slt, %get3A_1357, %sign3A_1369 : vector<16xi32>
    %sign3A_1371 = arith.extui %sign3A_1370 : vector<16xi1> to vector<16xi32>
    %sign3A_1372 = arith.subi %sign3A_1367, %sign3A_1371 : vector<16xi32>
    %sign3A_1373 = arith.constant 0 : i32
    %sign3A_1374 = arith.cmpi sgt, %jit3A_1361, %sign3A_1373 : i32
    %sign3A_1375 = arith.extui %sign3A_1374 : i1 to i32
    %sign3A_1376 = arith.constant 0 : i32
    %sign3A_1377 = arith.cmpi slt, %jit3A_1361, %sign3A_1376 : i32
    %sign3A_1378 = arith.extui %sign3A_1377 : i1 to i32
    %sign3A_1379 = arith.subi %sign3A_1375, %sign3A_1378 : i32
    %ne3A_1380 = vector.broadcast %sign3A_1379 : i32 to vector<16xi32>
    %ne3A_1381 = arith.cmpi ne, %sign3A_1372, %ne3A_1380 : vector<16xi32>
    %rem3A_1382 = vector.broadcast %jit3A_1361 : i32 to vector<16xi32>
    %rem3A_1383 = arith.remsi %get3A_1357, %rem3A_1382 : vector<16xi32>
    %ne3A_1384 = arith.constant 0 : i32
    %ne3A_1385 = vector.broadcast %ne3A_1384 : i32 to vector<16xi32>
    %ne3A_1386 = arith.cmpi ne, %rem3A_1383, %ne3A_1385 : vector<16xi32>
    %and3A_1387 = arith.andi %ne3A_1381, %ne3A_1386 : vector<16xi1>
    %sub3A_1388 = arith.constant 1 : i32
    %sub3A_1389 = vector.broadcast %sub3A_1388 : i32 to vector<16xi32>
    %sub3A_1390 = arith.subi %div3A_1363, %sub3A_1389 : vector<16xi32>
    %select_n3A_1391 = arith.select %and3A_1387, %sub3A_1390, %div3A_1363 : vector<16xi1>, vector<16xi32>
    tpu.vector_store_idx %arg9[%add3A_1360], %select_n3A_1391 : memref<128xi32, #tpu.memory_space<vmem>>[vector<16xi32>], vector<16xi32>,
    %get3A_1392 = arith.constant 0 : i32
    %get3A_1393 = arith.index_cast %get3A_1392 : i32 to index
    %get3A_1394 = arith.constant 352 : index
    %get3A_1395 = tpu.vector_load %arg6[%get3A_1393, %get3A_1394] {strides = array<i32>} : memref<2x512xi32, #tpu.memory_space<vmem>>, vector<16xi32>,
    %add3A_1396 = arith.constant 96 : i32
    %add3A_1397 = vector.broadcast %add3A_1396 : i32 to vector<16xi32>
    %add3A_1398 = arith.addi %iota3A, %add3A_1397 : vector<16xi32>
    %jit3A_1399 = arith.constant 128 : i32
    %div3A_1400 = vector.broadcast %jit3A_1399 : i32 to vector<16xi32>
    %div3A_1401 = arith.divsi %get3A_1395, %div3A_1400 : vector<16xi32>
    %sign3A_1402 = arith.constant 0 : i32
    %sign3A_1403 = vector.broadcast %sign3A_1402 : i32 to vector<16xi32>
    %sign3A_1404 = arith.cmpi sgt, %get3A_1395, %sign3A_1403 : vector<16xi32>
    %sign3A_1405 = arith.extui %sign3A_1404 : vector<16xi1> to vector<16xi32>
    %sign3A_1406 = arith.constant 0 : i32
    %sign3A_1407 = vector.broadcast %sign3A_1406 : i32 to vector<16xi32>
    %sign3A_1408 = arith.cmpi slt, %get3A_1395, %sign3A_1407 : vector<16xi32>
    %sign3A_1409 = arith.extui %sign3A_1408 : vector<16xi1> to vector<16xi32>
    %sign3A_1410 = arith.subi %sign3A_1405, %sign3A_1409 : vector<16xi32>
    %sign3A_1411 = arith.constant 0 : i32
    %sign3A_1412 = arith.cmpi sgt, %jit3A_1399, %sign3A_1411 : i32
    %sign3A_1413 = arith.extui %sign3A_1412 : i1 to i32
    %sign3A_1414 = arith.constant 0 : i32
    %sign3A_1415 = arith.cmpi slt, %jit3A_1399, %sign3A_1414 : i32
    %sign3A_1416 = arith.extui %sign3A_1415 : i1 to i32
    %sign3A_1417 = arith.subi %sign3A_1413, %sign3A_1416 : i32
    %ne3A_1418 = vector.broadcast %sign3A_1417 : i32 to vector<16xi32>
    %ne3A_1419 = arith.cmpi ne, %sign3A_1410, %ne3A_1418 : vector<16xi32>
    %rem3A_1420 = vector.broadcast %jit3A_1399 : i32 to vector<16xi32>
    %rem3A_1421 = arith.remsi %get3A_1395, %rem3A_1420 : vector<16xi32>
    %ne3A_1422 = arith.constant 0 : i32
    %ne3A_1423 = vector.broadcast %ne3A_1422 : i32 to vector<16xi32>
    %ne3A_1424 = arith.cmpi ne, %rem3A_1421, %ne3A_1423 : vector<16xi32>
    %and3A_1425 = arith.andi %ne3A_1419, %ne3A_1424 : vector<16xi1>
    %sub3A_1426 = arith.constant 1 : i32
    %sub3A_1427 = vector.broadcast %sub3A_1426 : i32 to vector<16xi32>
    %sub3A_1428 = arith.subi %div3A_1401, %sub3A_1427 : vector<16xi32>
    %select_n3A_1429 = arith.select %and3A_1425, %sub3A_1428, %div3A_1401 : vector<16xi1>, vector<16xi32>
    tpu.vector_store_idx %arg9[%add3A_1398], %select_n3A_1429 : memref<128xi32, #tpu.memory_space<vmem>>[vector<16xi32>], vector<16xi32>,
    %get3A_1430 = arith.constant 0 : i32
    %get3A_1431 = arith.index_cast %get3A_1430 : i32 to index
    %get3A_1432 = arith.constant 368 : index
    %get3A_1433 = tpu.vector_load %arg6[%get3A_1431, %get3A_1432] {strides = array<i32>} : memref<2x512xi32, #tpu.memory_space<vmem>>, vector<16xi32>,
    %add3A_1434 = arith.constant 112 : i32
    %add3A_1435 = vector.broadcast %add3A_1434 : i32 to vector<16xi32>
    %add3A_1436 = arith.addi %iota3A, %add3A_1435 : vector<16xi32>
    %jit3A_1437 = arith.constant 128 : i32
    %div3A_1438 = vector.broadcast %jit3A_1437 : i32 to vector<16xi32>
    %div3A_1439 = arith.divsi %get3A_1433, %div3A_1438 : vector<16xi32>
    %sign3A_1440 = arith.constant 0 : i32
    %sign3A_1441 = vector.broadcast %sign3A_1440 : i32 to vector<16xi32>
    %sign3A_1442 = arith.cmpi sgt, %get3A_1433, %sign3A_1441 : vector<16xi32>
    %sign3A_1443 = arith.extui %sign3A_1442 : vector<16xi1> to vector<16xi32>
    %sign3A_1444 = arith.constant 0 : i32
    %sign3A_1445 = vector.broadcast %sign3A_1444 : i32 to vector<16xi32>
    %sign3A_1446 = arith.cmpi slt, %get3A_1433, %sign3A_1445 : vector<16xi32>
    %sign3A_1447 = arith.extui %sign3A_1446 : vector<16xi1> to vector<16xi32>
    %sign3A_1448 = arith.subi %sign3A_1443, %sign3A_1447 : vector<16xi32>
    %sign3A_1449 = arith.constant 0 : i32
    %sign3A_1450 = arith.cmpi sgt, %jit3A_1437, %sign3A_1449 : i32
    %sign3A_1451 = arith.extui %sign3A_1450 : i1 to i32
    %sign3A_1452 = arith.constant 0 : i32
    %sign3A_1453 = arith.cmpi slt, %jit3A_1437, %sign3A_1452 : i32
    %sign3A_1454 = arith.extui %sign3A_1453 : i1 to i32
    %sign3A_1455 = arith.subi %sign3A_1451, %sign3A_1454 : i32
    %ne3A_1456 = vector.broadcast %sign3A_1455 : i32 to vector<16xi32>
    %ne3A_1457 = arith.cmpi ne, %sign3A_1448, %ne3A_1456 : vector<16xi32>
    %rem3A_1458 = vector.broadcast %jit3A_1437 : i32 to vector<16xi32>
    %rem3A_1459 = arith.remsi %get3A_1433, %rem3A_1458 : vector<16xi32>
    %ne3A_1460 = arith.constant 0 : i32
    %ne3A_1461 = vector.broadcast %ne3A_1460 : i32 to vector<16xi32>
    %ne3A_1462 = arith.cmpi ne, %rem3A_1459, %ne3A_1461 : vector<16xi32>
    %and3A_1463 = arith.andi %ne3A_1457, %ne3A_1462 : vector<16xi1>
    %sub3A_1464 = arith.constant 1 : i32
    %sub3A_1465 = vector.broadcast %sub3A_1464 : i32 to vector<16xi32>
    %sub3A_1466 = arith.subi %div3A_1439, %sub3A_1465 : vector<16xi32>
    %select_n3A_1467 = arith.select %and3A_1463, %sub3A_1466, %div3A_1439 : vector<16xi1>, vector<16xi32>
    tpu.vector_store_idx %arg9[%add3A_1436], %select_n3A_1467 : memref<128xi32, #tpu.memory_space<vmem>>[vector<16xi32>], vector<16xi32>,
    %dma_start3A_1468 = arith.constant 0 : i32
    %dma_start3A_1469 = arith.constant 0 : i32
    %dma_start3A_1470 = tpu.memref_slice %arg4[%dma_start3A_1468, %dma_start3A_1469] : memref<15625x128xf32, #tpu.memory_space<hbm>> -> memref<15625x128xf32, #tpu.memory_space<hbm>>
    tpu.enqueue_indirect_dma source(%dma_start3A_1470 : memref<15625x128xf32, #tpu.memory_space<hbm>>) target(%arg10 : memref<128x128xf32, #tpu.memory_space<vmem>>) offsets(%arg9 : memref<128xi32, #tpu.memory_space<vmem>>) semaphore(%arg13 : memref<!tpu.dma_semaphore, #tpu.memory_space<semaphore_mem>>)
    %dma_wait3A_1471 = arith.constant 0 : i32
    %dma_wait3A_1472 = arith.constant 0 : i32
    %dma_wait3A_1473 = tpu.memref_slice %arg4[%dma_wait3A_1471, %dma_wait3A_1472] : memref<15625x128xf32, #tpu.memory_space<hbm>> -> memref<15625x128xf32, #tpu.memory_space<hbm>>
    tpu.wait_indirect_dma semaphore(%arg13 : memref<!tpu.dma_semaphore, #tpu.memory_space<semaphore_mem>>) src(%dma_wait3A_1473 : memref<15625x128xf32, #tpu.memory_space<hbm>>) dst(%arg10 : memref<128x128xf32, #tpu.memory_space<vmem>>)
    %get3A_1474 = arith.constant 0 : i32
    %get3A_1475 = arith.index_cast %get3A_1474 : i32 to index
    %get3A_1476 = arith.constant 256 : index
    %get3A_1477 = tpu.vector_load %arg6[%get3A_1475, %get3A_1476] {strides = array<i32>} : memref<2x512xi32, #tpu.memory_space<vmem>>, vector<16xi32>,
    %add3A_1478 = arith.constant 0 : i32
    %add3A_1479 = vector.broadcast %add3A_1478 : i32 to vector<16xi32>
    %add3A_1480 = arith.addi %iota3A, %add3A_1479 : vector<16xi32>
    %jit3A_1481 = arith.constant 128 : i32
    %eq3A_1482 = arith.constant 0 : i32
    %eq3A_1483 = arith.cmpi eq, %jit3A_1481, %eq3A_1482 : i32
    %jit3A_1484 = arith.constant 1 : i32
    %select_n3A_1485 = arith.select %eq3A_1483, %jit3A_1484, %jit3A_1481 : i32
    %rem3A_1486 = vector.broadcast %select_n3A_1485 : i32 to vector<16xi32>
    %rem3A_1487 = arith.remsi %get3A_1477, %rem3A_1486 : vector<16xi32>
    %ne3A_1488 = arith.constant 0 : i32
    %ne3A_1489 = vector.broadcast %ne3A_1488 : i32 to vector<16xi32>
    %ne3A_1490 = arith.cmpi ne, %rem3A_1487, %ne3A_1489 : vector<16xi32>
    %lt3A_1491 = arith.constant 0 : i32
    %lt3A_1492 = vector.broadcast %lt3A_1491 : i32 to vector<16xi32>
    %lt3A_1493 = arith.cmpi slt, %rem3A_1487, %lt3A_1492 : vector<16xi32>
    %lt3A_1494 = arith.constant 0 : i32
    %lt3A_1495 = arith.cmpi slt, %select_n3A_1485, %lt3A_1494 : i32
    %ne3A_1496 = vector.broadcast %lt3A_1495 : i1 to vector<16xi1>
    %ne3A_1497 = vector.broadcast %ne3A_1496 : vector<16xi1> to vector<16xi1>
    %ne3A_1498 = arith.xori %lt3A_1493, %ne3A_1497 : vector<16xi1>
    %and3A_1499 = arith.andi %ne3A_1498, %ne3A_1490 : vector<16xi1>
    %add3A_1500 = vector.broadcast %select_n3A_1485 : i32 to vector<16xi32>
    %add3A_1501 = arith.addi %rem3A_1487, %add3A_1500 : vector<16xi32>
    %select_n3A_1502 = arith.select %and3A_1499, %add3A_1501, %rem3A_1487 : vector<16xi1>, vector<16xi32>
    %gather3A_1503 = tpu.vector_load_idx %arg10[%add3A_1480, %select_n3A_1502] : memref<128x128xf32, #tpu.memory_space<vmem>>[vector<16xi32>, vector<16xi32>], vector<16xf32>,
    %add3A_1504 = arith.constant 256 : i32
    %add3A_1505 = vector.broadcast %add3A_1504 : i32 to vector<16xi32>
    %add3A_1506 = arith.addi %iota3A, %add3A_1505 : vector<16xi32>
    tpu.vector_store_idx %arg11[%add3A_1506, %broadcast_in_dim3A_28], %gather3A_1503 : memref<512x128xf32, #tpu.memory_space<vmem>>[vector<16xi32>, vector<16xi32>], vector<16xf32>,
    %get3A_1507 = arith.constant 0 : i32
    %get3A_1508 = arith.index_cast %get3A_1507 : i32 to index
    %get3A_1509 = arith.constant 272 : index
    %get3A_1510 = tpu.vector_load %arg6[%get3A_1508, %get3A_1509] {strides = array<i32>} : memref<2x512xi32, #tpu.memory_space<vmem>>, vector<16xi32>,
    %add3A_1511 = arith.constant 16 : i32
    %add3A_1512 = vector.broadcast %add3A_1511 : i32 to vector<16xi32>
    %add3A_1513 = arith.addi %iota3A, %add3A_1512 : vector<16xi32>
    %jit3A_1514 = arith.constant 128 : i32
    %eq3A_1515 = arith.constant 0 : i32
    %eq3A_1516 = arith.cmpi eq, %jit3A_1514, %eq3A_1515 : i32
    %jit3A_1517 = arith.constant 1 : i32
    %select_n3A_1518 = arith.select %eq3A_1516, %jit3A_1517, %jit3A_1514 : i32
    %rem3A_1519 = vector.broadcast %select_n3A_1518 : i32 to vector<16xi32>
    %rem3A_1520 = arith.remsi %get3A_1510, %rem3A_1519 : vector<16xi32>
    %ne3A_1521 = arith.constant 0 : i32
    %ne3A_1522 = vector.broadcast %ne3A_1521 : i32 to vector<16xi32>
    %ne3A_1523 = arith.cmpi ne, %rem3A_1520, %ne3A_1522 : vector<16xi32>
    %lt3A_1524 = arith.constant 0 : i32
    %lt3A_1525 = vector.broadcast %lt3A_1524 : i32 to vector<16xi32>
    %lt3A_1526 = arith.cmpi slt, %rem3A_1520, %lt3A_1525 : vector<16xi32>
    %lt3A_1527 = arith.constant 0 : i32
    %lt3A_1528 = arith.cmpi slt, %select_n3A_1518, %lt3A_1527 : i32
    %ne3A_1529 = vector.broadcast %lt3A_1528 : i1 to vector<16xi1>
    %ne3A_1530 = vector.broadcast %ne3A_1529 : vector<16xi1> to vector<16xi1>
    %ne3A_1531 = arith.xori %lt3A_1526, %ne3A_1530 : vector<16xi1>
    %and3A_1532 = arith.andi %ne3A_1531, %ne3A_1523 : vector<16xi1>
    %add3A_1533 = vector.broadcast %select_n3A_1518 : i32 to vector<16xi32>
    %add3A_1534 = arith.addi %rem3A_1520, %add3A_1533 : vector<16xi32>
    %select_n3A_1535 = arith.select %and3A_1532, %add3A_1534, %rem3A_1520 : vector<16xi1>, vector<16xi32>
    %gather3A_1536 = tpu.vector_load_idx %arg10[%add3A_1513, %select_n3A_1535] : memref<128x128xf32, #tpu.memory_space<vmem>>[vector<16xi32>, vector<16xi32>], vector<16xf32>,
    %add3A_1537 = arith.constant 272 : i32
    %add3A_1538 = vector.broadcast %add3A_1537 : i32 to vector<16xi32>
    %add3A_1539 = arith.addi %iota3A, %add3A_1538 : vector<16xi32>
    tpu.vector_store_idx %arg11[%add3A_1539, %broadcast_in_dim3A_28], %gather3A_1536 : memref<512x128xf32, #tpu.memory_space<vmem>>[vector<16xi32>, vector<16xi32>], vector<16xf32>,
    %get3A_1540 = arith.constant 0 : i32
    %get3A_1541 = arith.index_cast %get3A_1540 : i32 to index
    %get3A_1542 = arith.constant 288 : index
    %get3A_1543 = tpu.vector_load %arg6[%get3A_1541, %get3A_1542] {strides = array<i32>} : memref<2x512xi32, #tpu.memory_space<vmem>>, vector<16xi32>,
    %add3A_1544 = arith.constant 32 : i32
    %add3A_1545 = vector.broadcast %add3A_1544 : i32 to vector<16xi32>
    %add3A_1546 = arith.addi %iota3A, %add3A_1545 : vector<16xi32>
    %jit3A_1547 = arith.constant 128 : i32
    %eq3A_1548 = arith.constant 0 : i32
    %eq3A_1549 = arith.cmpi eq, %jit3A_1547, %eq3A_1548 : i32
    %jit3A_1550 = arith.constant 1 : i32
    %select_n3A_1551 = arith.select %eq3A_1549, %jit3A_1550, %jit3A_1547 : i32
    %rem3A_1552 = vector.broadcast %select_n3A_1551 : i32 to vector<16xi32>
    %rem3A_1553 = arith.remsi %get3A_1543, %rem3A_1552 : vector<16xi32>
    %ne3A_1554 = arith.constant 0 : i32
    %ne3A_1555 = vector.broadcast %ne3A_1554 : i32 to vector<16xi32>
    %ne3A_1556 = arith.cmpi ne, %rem3A_1553, %ne3A_1555 : vector<16xi32>
    %lt3A_1557 = arith.constant 0 : i32
    %lt3A_1558 = vector.broadcast %lt3A_1557 : i32 to vector<16xi32>
    %lt3A_1559 = arith.cmpi slt, %rem3A_1553, %lt3A_1558 : vector<16xi32>
    %lt3A_1560 = arith.constant 0 : i32
    %lt3A_1561 = arith.cmpi slt, %select_n3A_1551, %lt3A_1560 : i32
    %ne3A_1562 = vector.broadcast %lt3A_1561 : i1 to vector<16xi1>
    %ne3A_1563 = vector.broadcast %ne3A_1562 : vector<16xi1> to vector<16xi1>
    %ne3A_1564 = arith.xori %lt3A_1559, %ne3A_1563 : vector<16xi1>
    %and3A_1565 = arith.andi %ne3A_1564, %ne3A_1556 : vector<16xi1>
    %add3A_1566 = vector.broadcast %select_n3A_1551 : i32 to vector<16xi32>
    %add3A_1567 = arith.addi %rem3A_1553, %add3A_1566 : vector<16xi32>
    %select_n3A_1568 = arith.select %and3A_1565, %add3A_1567, %rem3A_1553 : vector<16xi1>, vector<16xi32>
    %gather3A_1569 = tpu.vector_load_idx %arg10[%add3A_1546, %select_n3A_1568] : memref<128x128xf32, #tpu.memory_space<vmem>>[vector<16xi32>, vector<16xi32>], vector<16xf32>,
    %add3A_1570 = arith.constant 288 : i32
    %add3A_1571 = vector.broadcast %add3A_1570 : i32 to vector<16xi32>
    %add3A_1572 = arith.addi %iota3A, %add3A_1571 : vector<16xi32>
    tpu.vector_store_idx %arg11[%add3A_1572, %broadcast_in_dim3A_28], %gather3A_1569 : memref<512x128xf32, #tpu.memory_space<vmem>>[vector<16xi32>, vector<16xi32>], vector<16xf32>,
    %get3A_1573 = arith.constant 0 : i32
    %get3A_1574 = arith.index_cast %get3A_1573 : i32 to index
    %get3A_1575 = arith.constant 304 : index
    %get3A_1576 = tpu.vector_load %arg6[%get3A_1574, %get3A_1575] {strides = array<i32>} : memref<2x512xi32, #tpu.memory_space<vmem>>, vector<16xi32>,
    %add3A_1577 = arith.constant 48 : i32
    %add3A_1578 = vector.broadcast %add3A_1577 : i32 to vector<16xi32>
    %add3A_1579 = arith.addi %iota3A, %add3A_1578 : vector<16xi32>
    %jit3A_1580 = arith.constant 128 : i32
    %eq3A_1581 = arith.constant 0 : i32
    %eq3A_1582 = arith.cmpi eq, %jit3A_1580, %eq3A_1581 : i32
    %jit3A_1583 = arith.constant 1 : i32
    %select_n3A_1584 = arith.select %eq3A_1582, %jit3A_1583, %jit3A_1580 : i32
    %rem3A_1585 = vector.broadcast %select_n3A_1584 : i32 to vector<16xi32>
    %rem3A_1586 = arith.remsi %get3A_1576, %rem3A_1585 : vector<16xi32>
    %ne3A_1587 = arith.constant 0 : i32
    %ne3A_1588 = vector.broadcast %ne3A_1587 : i32 to vector<16xi32>
    %ne3A_1589 = arith.cmpi ne, %rem3A_1586, %ne3A_1588 : vector<16xi32>
    %lt3A_1590 = arith.constant 0 : i32
    %lt3A_1591 = vector.broadcast %lt3A_1590 : i32 to vector<16xi32>
    %lt3A_1592 = arith.cmpi slt, %rem3A_1586, %lt3A_1591 : vector<16xi32>
    %lt3A_1593 = arith.constant 0 : i32
    %lt3A_1594 = arith.cmpi slt, %select_n3A_1584, %lt3A_1593 : i32
    %ne3A_1595 = vector.broadcast %lt3A_1594 : i1 to vector<16xi1>
    %ne3A_1596 = vector.broadcast %ne3A_1595 : vector<16xi1> to vector<16xi1>
    %ne3A_1597 = arith.xori %lt3A_1592, %ne3A_1596 : vector<16xi1>
    %and3A_1598 = arith.andi %ne3A_1597, %ne3A_1589 : vector<16xi1>
    %add3A_1599 = vector.broadcast %select_n3A_1584 : i32 to vector<16xi32>
    %add3A_1600 = arith.addi %rem3A_1586, %add3A_1599 : vector<16xi32>
    %select_n3A_1601 = arith.select %and3A_1598, %add3A_1600, %rem3A_1586 : vector<16xi1>, vector<16xi32>
    %gather3A_1602 = tpu.vector_load_idx %arg10[%add3A_1579, %select_n3A_1601] : memref<128x128xf32, #tpu.memory_space<vmem>>[vector<16xi32>, vector<16xi32>], vector<16xf32>,
    %add3A_1603 = arith.constant 304 : i32
    %add3A_1604 = vector.broadcast %add3A_1603 : i32 to vector<16xi32>
    %add3A_1605 = arith.addi %iota3A, %add3A_1604 : vector<16xi32>
    tpu.vector_store_idx %arg11[%add3A_1605, %broadcast_in_dim3A_28], %gather3A_1602 : memref<512x128xf32, #tpu.memory_space<vmem>>[vector<16xi32>, vector<16xi32>], vector<16xf32>,
    %get3A_1606 = arith.constant 0 : i32
    %get3A_1607 = arith.index_cast %get3A_1606 : i32 to index
    %get3A_1608 = arith.constant 320 : index
    %get3A_1609 = tpu.vector_load %arg6[%get3A_1607, %get3A_1608] {strides = array<i32>} : memref<2x512xi32, #tpu.memory_space<vmem>>, vector<16xi32>,
    %add3A_1610 = arith.constant 64 : i32
    %add3A_1611 = vector.broadcast %add3A_1610 : i32 to vector<16xi32>
    %add3A_1612 = arith.addi %iota3A, %add3A_1611 : vector<16xi32>
    %jit3A_1613 = arith.constant 128 : i32
    %eq3A_1614 = arith.constant 0 : i32
    %eq3A_1615 = arith.cmpi eq, %jit3A_1613, %eq3A_1614 : i32
    %jit3A_1616 = arith.constant 1 : i32
    %select_n3A_1617 = arith.select %eq3A_1615, %jit3A_1616, %jit3A_1613 : i32
    %rem3A_1618 = vector.broadcast %select_n3A_1617 : i32 to vector<16xi32>
    %rem3A_1619 = arith.remsi %get3A_1609, %rem3A_1618 : vector<16xi32>
    %ne3A_1620 = arith.constant 0 : i32
    %ne3A_1621 = vector.broadcast %ne3A_1620 : i32 to vector<16xi32>
    %ne3A_1622 = arith.cmpi ne, %rem3A_1619, %ne3A_1621 : vector<16xi32>
    %lt3A_1623 = arith.constant 0 : i32
    %lt3A_1624 = vector.broadcast %lt3A_1623 : i32 to vector<16xi32>
    %lt3A_1625 = arith.cmpi slt, %rem3A_1619, %lt3A_1624 : vector<16xi32>
    %lt3A_1626 = arith.constant 0 : i32
    %lt3A_1627 = arith.cmpi slt, %select_n3A_1617, %lt3A_1626 : i32
    %ne3A_1628 = vector.broadcast %lt3A_1627 : i1 to vector<16xi1>
    %ne3A_1629 = vector.broadcast %ne3A_1628 : vector<16xi1> to vector<16xi1>
    %ne3A_1630 = arith.xori %lt3A_1625, %ne3A_1629 : vector<16xi1>
    %and3A_1631 = arith.andi %ne3A_1630, %ne3A_1622 : vector<16xi1>
    %add3A_1632 = vector.broadcast %select_n3A_1617 : i32 to vector<16xi32>
    %add3A_1633 = arith.addi %rem3A_1619, %add3A_1632 : vector<16xi32>
    %select_n3A_1634 = arith.select %and3A_1631, %add3A_1633, %rem3A_1619 : vector<16xi1>, vector<16xi32>
    %gather3A_1635 = tpu.vector_load_idx %arg10[%add3A_1612, %select_n3A_1634] : memref<128x128xf32, #tpu.memory_space<vmem>>[vector<16xi32>, vector<16xi32>], vector<16xf32>,
    %add3A_1636 = arith.constant 320 : i32
    %add3A_1637 = vector.broadcast %add3A_1636 : i32 to vector<16xi32>
    %add3A_1638 = arith.addi %iota3A, %add3A_1637 : vector<16xi32>
    tpu.vector_store_idx %arg11[%add3A_1638, %broadcast_in_dim3A_28], %gather3A_1635 : memref<512x128xf32, #tpu.memory_space<vmem>>[vector<16xi32>, vector<16xi32>], vector<16xf32>,
    %get3A_1639 = arith.constant 0 : i32
    %get3A_1640 = arith.index_cast %get3A_1639 : i32 to index
    %get3A_1641 = arith.constant 336 : index
    %get3A_1642 = tpu.vector_load %arg6[%get3A_1640, %get3A_1641] {strides = array<i32>} : memref<2x512xi32, #tpu.memory_space<vmem>>, vector<16xi32>,
    %add3A_1643 = arith.constant 80 : i32
    %add3A_1644 = vector.broadcast %add3A_1643 : i32 to vector<16xi32>
    %add3A_1645 = arith.addi %iota3A, %add3A_1644 : vector<16xi32>
    %jit3A_1646 = arith.constant 128 : i32
    %eq3A_1647 = arith.constant 0 : i32
    %eq3A_1648 = arith.cmpi eq, %jit3A_1646, %eq3A_1647 : i32
    %jit3A_1649 = arith.constant 1 : i32
    %select_n3A_1650 = arith.select %eq3A_1648, %jit3A_1649, %jit3A_1646 : i32
    %rem3A_1651 = vector.broadcast %select_n3A_1650 : i32 to vector<16xi32>
    %rem3A_1652 = arith.remsi %get3A_1642, %rem3A_1651 : vector<16xi32>
    %ne3A_1653 = arith.constant 0 : i32
    %ne3A_1654 = vector.broadcast %ne3A_1653 : i32 to vector<16xi32>
    %ne3A_1655 = arith.cmpi ne, %rem3A_1652, %ne3A_1654 : vector<16xi32>
    %lt3A_1656 = arith.constant 0 : i32
    %lt3A_1657 = vector.broadcast %lt3A_1656 : i32 to vector<16xi32>
    %lt3A_1658 = arith.cmpi slt, %rem3A_1652, %lt3A_1657 : vector<16xi32>
    %lt3A_1659 = arith.constant 0 : i32
    %lt3A_1660 = arith.cmpi slt, %select_n3A_1650, %lt3A_1659 : i32
    %ne3A_1661 = vector.broadcast %lt3A_1660 : i1 to vector<16xi1>
    %ne3A_1662 = vector.broadcast %ne3A_1661 : vector<16xi1> to vector<16xi1>
    %ne3A_1663 = arith.xori %lt3A_1658, %ne3A_1662 : vector<16xi1>
    %and3A_1664 = arith.andi %ne3A_1663, %ne3A_1655 : vector<16xi1>
    %add3A_1665 = vector.broadcast %select_n3A_1650 : i32 to vector<16xi32>
    %add3A_1666 = arith.addi %rem3A_1652, %add3A_1665 : vector<16xi32>
    %select_n3A_1667 = arith.select %and3A_1664, %add3A_1666, %rem3A_1652 : vector<16xi1>, vector<16xi32>
    %gather3A_1668 = tpu.vector_load_idx %arg10[%add3A_1645, %select_n3A_1667] : memref<128x128xf32, #tpu.memory_space<vmem>>[vector<16xi32>, vector<16xi32>], vector<16xf32>,
    %add3A_1669 = arith.constant 336 : i32
    %add3A_1670 = vector.broadcast %add3A_1669 : i32 to vector<16xi32>
    %add3A_1671 = arith.addi %iota3A, %add3A_1670 : vector<16xi32>
    tpu.vector_store_idx %arg11[%add3A_1671, %broadcast_in_dim3A_28], %gather3A_1668 : memref<512x128xf32, #tpu.memory_space<vmem>>[vector<16xi32>, vector<16xi32>], vector<16xf32>,
    %get3A_1672 = arith.constant 0 : i32
    %get3A_1673 = arith.index_cast %get3A_1672 : i32 to index
    %get3A_1674 = arith.constant 352 : index
    %get3A_1675 = tpu.vector_load %arg6[%get3A_1673, %get3A_1674] {strides = array<i32>} : memref<2x512xi32, #tpu.memory_space<vmem>>, vector<16xi32>,
    %add3A_1676 = arith.constant 96 : i32
    %add3A_1677 = vector.broadcast %add3A_1676 : i32 to vector<16xi32>
    %add3A_1678 = arith.addi %iota3A, %add3A_1677 : vector<16xi32>
    %jit3A_1679 = arith.constant 128 : i32
    %eq3A_1680 = arith.constant 0 : i32
    %eq3A_1681 = arith.cmpi eq, %jit3A_1679, %eq3A_1680 : i32
    %jit3A_1682 = arith.constant 1 : i32
    %select_n3A_1683 = arith.select %eq3A_1681, %jit3A_1682, %jit3A_1679 : i32
    %rem3A_1684 = vector.broadcast %select_n3A_1683 : i32 to vector<16xi32>
    %rem3A_1685 = arith.remsi %get3A_1675, %rem3A_1684 : vector<16xi32>
    %ne3A_1686 = arith.constant 0 : i32
    %ne3A_1687 = vector.broadcast %ne3A_1686 : i32 to vector<16xi32>
    %ne3A_1688 = arith.cmpi ne, %rem3A_1685, %ne3A_1687 : vector<16xi32>
    %lt3A_1689 = arith.constant 0 : i32
    %lt3A_1690 = vector.broadcast %lt3A_1689 : i32 to vector<16xi32>
    %lt3A_1691 = arith.cmpi slt, %rem3A_1685, %lt3A_1690 : vector<16xi32>
    %lt3A_1692 = arith.constant 0 : i32
    %lt3A_1693 = arith.cmpi slt, %select_n3A_1683, %lt3A_1692 : i32
    %ne3A_1694 = vector.broadcast %lt3A_1693 : i1 to vector<16xi1>
    %ne3A_1695 = vector.broadcast %ne3A_1694 : vector<16xi1> to vector<16xi1>
    %ne3A_1696 = arith.xori %lt3A_1691, %ne3A_1695 : vector<16xi1>
    %and3A_1697 = arith.andi %ne3A_1696, %ne3A_1688 : vector<16xi1>
    %add3A_1698 = vector.broadcast %select_n3A_1683 : i32 to vector<16xi32>
    %add3A_1699 = arith.addi %rem3A_1685, %add3A_1698 : vector<16xi32>
    %select_n3A_1700 = arith.select %and3A_1697, %add3A_1699, %rem3A_1685 : vector<16xi1>, vector<16xi32>
    %gather3A_1701 = tpu.vector_load_idx %arg10[%add3A_1678, %select_n3A_1700] : memref<128x128xf32, #tpu.memory_space<vmem>>[vector<16xi32>, vector<16xi32>], vector<16xf32>,
    %add3A_1702 = arith.constant 352 : i32
    %add3A_1703 = vector.broadcast %add3A_1702 : i32 to vector<16xi32>
    %add3A_1704 = arith.addi %iota3A, %add3A_1703 : vector<16xi32>
    tpu.vector_store_idx %arg11[%add3A_1704, %broadcast_in_dim3A_28], %gather3A_1701 : memref<512x128xf32, #tpu.memory_space<vmem>>[vector<16xi32>, vector<16xi32>], vector<16xf32>,
    %get3A_1705 = arith.constant 0 : i32
    %get3A_1706 = arith.index_cast %get3A_1705 : i32 to index
    %get3A_1707 = arith.constant 368 : index
    %get3A_1708 = tpu.vector_load %arg6[%get3A_1706, %get3A_1707] {strides = array<i32>} : memref<2x512xi32, #tpu.memory_space<vmem>>, vector<16xi32>,
    %add3A_1709 = arith.constant 112 : i32
    %add3A_1710 = vector.broadcast %add3A_1709 : i32 to vector<16xi32>
    %add3A_1711 = arith.addi %iota3A, %add3A_1710 : vector<16xi32>
    %jit3A_1712 = arith.constant 128 : i32
    %eq3A_1713 = arith.constant 0 : i32
    %eq3A_1714 = arith.cmpi eq, %jit3A_1712, %eq3A_1713 : i32
    %jit3A_1715 = arith.constant 1 : i32
    %select_n3A_1716 = arith.select %eq3A_1714, %jit3A_1715, %jit3A_1712 : i32
    %rem3A_1717 = vector.broadcast %select_n3A_1716 : i32 to vector<16xi32>
    %rem3A_1718 = arith.remsi %get3A_1708, %rem3A_1717 : vector<16xi32>
    %ne3A_1719 = arith.constant 0 : i32
    %ne3A_1720 = vector.broadcast %ne3A_1719 : i32 to vector<16xi32>
    %ne3A_1721 = arith.cmpi ne, %rem3A_1718, %ne3A_1720 : vector<16xi32>
    %lt3A_1722 = arith.constant 0 : i32
    %lt3A_1723 = vector.broadcast %lt3A_1722 : i32 to vector<16xi32>
    %lt3A_1724 = arith.cmpi slt, %rem3A_1718, %lt3A_1723 : vector<16xi32>
    %lt3A_1725 = arith.constant 0 : i32
    %lt3A_1726 = arith.cmpi slt, %select_n3A_1716, %lt3A_1725 : i32
    %ne3A_1727 = vector.broadcast %lt3A_1726 : i1 to vector<16xi1>
    %ne3A_1728 = vector.broadcast %ne3A_1727 : vector<16xi1> to vector<16xi1>
    %ne3A_1729 = arith.xori %lt3A_1724, %ne3A_1728 : vector<16xi1>
    %and3A_1730 = arith.andi %ne3A_1729, %ne3A_1721 : vector<16xi1>
    %add3A_1731 = vector.broadcast %select_n3A_1716 : i32 to vector<16xi32>
    %add3A_1732 = arith.addi %rem3A_1718, %add3A_1731 : vector<16xi32>
    %select_n3A_1733 = arith.select %and3A_1730, %add3A_1732, %rem3A_1718 : vector<16xi1>, vector<16xi32>
    %gather3A_1734 = tpu.vector_load_idx %arg10[%add3A_1711, %select_n3A_1733] : memref<128x128xf32, #tpu.memory_space<vmem>>[vector<16xi32>, vector<16xi32>], vector<16xf32>,
    %add3A_1735 = arith.constant 368 : i32
    %add3A_1736 = vector.broadcast %add3A_1735 : i32 to vector<16xi32>
    %add3A_1737 = arith.addi %iota3A, %add3A_1736 : vector<16xi32>
    tpu.vector_store_idx %arg11[%add3A_1737, %broadcast_in_dim3A_28], %gather3A_1734 : memref<512x128xf32, #tpu.memory_space<vmem>>[vector<16xi32>, vector<16xi32>], vector<16xf32>,
    %get3A_1738 = arith.constant 0 : i32
    %get3A_1739 = arith.index_cast %get3A_1738 : i32 to index
    %get3A_1740 = arith.constant 384 : index
    %get3A_1741 = tpu.vector_load %arg6[%get3A_1739, %get3A_1740] {strides = array<i32>} : memref<2x512xi32, #tpu.memory_space<vmem>>, vector<16xi32>,
    %add3A_1742 = arith.constant 0 : i32
    %add3A_1743 = vector.broadcast %add3A_1742 : i32 to vector<16xi32>
    %add3A_1744 = arith.addi %iota3A, %add3A_1743 : vector<16xi32>
    %jit3A_1745 = arith.constant 128 : i32
    %div3A_1746 = vector.broadcast %jit3A_1745 : i32 to vector<16xi32>
    %div3A_1747 = arith.divsi %get3A_1741, %div3A_1746 : vector<16xi32>
    %sign3A_1748 = arith.constant 0 : i32
    %sign3A_1749 = vector.broadcast %sign3A_1748 : i32 to vector<16xi32>
    %sign3A_1750 = arith.cmpi sgt, %get3A_1741, %sign3A_1749 : vector<16xi32>
    %sign3A_1751 = arith.extui %sign3A_1750 : vector<16xi1> to vector<16xi32>
    %sign3A_1752 = arith.constant 0 : i32
    %sign3A_1753 = vector.broadcast %sign3A_1752 : i32 to vector<16xi32>
    %sign3A_1754 = arith.cmpi slt, %get3A_1741, %sign3A_1753 : vector<16xi32>
    %sign3A_1755 = arith.extui %sign3A_1754 : vector<16xi1> to vector<16xi32>
    %sign3A_1756 = arith.subi %sign3A_1751, %sign3A_1755 : vector<16xi32>
    %sign3A_1757 = arith.constant 0 : i32
    %sign3A_1758 = arith.cmpi sgt, %jit3A_1745, %sign3A_1757 : i32
    %sign3A_1759 = arith.extui %sign3A_1758 : i1 to i32
    %sign3A_1760 = arith.constant 0 : i32
    %sign3A_1761 = arith.cmpi slt, %jit3A_1745, %sign3A_1760 : i32
    %sign3A_1762 = arith.extui %sign3A_1761 : i1 to i32
    %sign3A_1763 = arith.subi %sign3A_1759, %sign3A_1762 : i32
    %ne3A_1764 = vector.broadcast %sign3A_1763 : i32 to vector<16xi32>
    %ne3A_1765 = arith.cmpi ne, %sign3A_1756, %ne3A_1764 : vector<16xi32>
    %rem3A_1766 = vector.broadcast %jit3A_1745 : i32 to vector<16xi32>
    %rem3A_1767 = arith.remsi %get3A_1741, %rem3A_1766 : vector<16xi32>
    %ne3A_1768 = arith.constant 0 : i32
    %ne3A_1769 = vector.broadcast %ne3A_1768 : i32 to vector<16xi32>
    %ne3A_1770 = arith.cmpi ne, %rem3A_1767, %ne3A_1769 : vector<16xi32>
    %and3A_1771 = arith.andi %ne3A_1765, %ne3A_1770 : vector<16xi1>
    %sub3A_1772 = arith.constant 1 : i32
    %sub3A_1773 = vector.broadcast %sub3A_1772 : i32 to vector<16xi32>
    %sub3A_1774 = arith.subi %div3A_1747, %sub3A_1773 : vector<16xi32>
    %select_n3A_1775 = arith.select %and3A_1771, %sub3A_1774, %div3A_1747 : vector<16xi1>, vector<16xi32>
    tpu.vector_store_idx %arg9[%add3A_1744], %select_n3A_1775 : memref<128xi32, #tpu.memory_space<vmem>>[vector<16xi32>], vector<16xi32>,
    %get3A_1776 = arith.constant 0 : i32
    %get3A_1777 = arith.index_cast %get3A_1776 : i32 to index
    %get3A_1778 = arith.constant 400 : index
    %get3A_1779 = tpu.vector_load %arg6[%get3A_1777, %get3A_1778] {strides = array<i32>} : memref<2x512xi32, #tpu.memory_space<vmem>>, vector<16xi32>,
    %add3A_1780 = arith.constant 16 : i32
    %add3A_1781 = vector.broadcast %add3A_1780 : i32 to vector<16xi32>
    %add3A_1782 = arith.addi %iota3A, %add3A_1781 : vector<16xi32>
    %jit3A_1783 = arith.constant 128 : i32
    %div3A_1784 = vector.broadcast %jit3A_1783 : i32 to vector<16xi32>
    %div3A_1785 = arith.divsi %get3A_1779, %div3A_1784 : vector<16xi32>
    %sign3A_1786 = arith.constant 0 : i32
    %sign3A_1787 = vector.broadcast %sign3A_1786 : i32 to vector<16xi32>
    %sign3A_1788 = arith.cmpi sgt, %get3A_1779, %sign3A_1787 : vector<16xi32>
    %sign3A_1789 = arith.extui %sign3A_1788 : vector<16xi1> to vector<16xi32>
    %sign3A_1790 = arith.constant 0 : i32
    %sign3A_1791 = vector.broadcast %sign3A_1790 : i32 to vector<16xi32>
    %sign3A_1792 = arith.cmpi slt, %get3A_1779, %sign3A_1791 : vector<16xi32>
    %sign3A_1793 = arith.extui %sign3A_1792 : vector<16xi1> to vector<16xi32>
    %sign3A_1794 = arith.subi %sign3A_1789, %sign3A_1793 : vector<16xi32>
    %sign3A_1795 = arith.constant 0 : i32
    %sign3A_1796 = arith.cmpi sgt, %jit3A_1783, %sign3A_1795 : i32
    %sign3A_1797 = arith.extui %sign3A_1796 : i1 to i32
    %sign3A_1798 = arith.constant 0 : i32
    %sign3A_1799 = arith.cmpi slt, %jit3A_1783, %sign3A_1798 : i32
    %sign3A_1800 = arith.extui %sign3A_1799 : i1 to i32
    %sign3A_1801 = arith.subi %sign3A_1797, %sign3A_1800 : i32
    %ne3A_1802 = vector.broadcast %sign3A_1801 : i32 to vector<16xi32>
    %ne3A_1803 = arith.cmpi ne, %sign3A_1794, %ne3A_1802 : vector<16xi32>
    %rem3A_1804 = vector.broadcast %jit3A_1783 : i32 to vector<16xi32>
    %rem3A_1805 = arith.remsi %get3A_1779, %rem3A_1804 : vector<16xi32>
    %ne3A_1806 = arith.constant 0 : i32
    %ne3A_1807 = vector.broadcast %ne3A_1806 : i32 to vector<16xi32>
    %ne3A_1808 = arith.cmpi ne, %rem3A_1805, %ne3A_1807 : vector<16xi32>
    %and3A_1809 = arith.andi %ne3A_1803, %ne3A_1808 : vector<16xi1>
    %sub3A_1810 = arith.constant 1 : i32
    %sub3A_1811 = vector.broadcast %sub3A_1810 : i32 to vector<16xi32>
    %sub3A_1812 = arith.subi %div3A_1785, %sub3A_1811 : vector<16xi32>
    %select_n3A_1813 = arith.select %and3A_1809, %sub3A_1812, %div3A_1785 : vector<16xi1>, vector<16xi32>
    tpu.vector_store_idx %arg9[%add3A_1782], %select_n3A_1813 : memref<128xi32, #tpu.memory_space<vmem>>[vector<16xi32>], vector<16xi32>,
    %get3A_1814 = arith.constant 0 : i32
    %get3A_1815 = arith.index_cast %get3A_1814 : i32 to index
    %get3A_1816 = arith.constant 416 : index
    %get3A_1817 = tpu.vector_load %arg6[%get3A_1815, %get3A_1816] {strides = array<i32>} : memref<2x512xi32, #tpu.memory_space<vmem>>, vector<16xi32>,
    %add3A_1818 = arith.constant 32 : i32
    %add3A_1819 = vector.broadcast %add3A_1818 : i32 to vector<16xi32>
    %add3A_1820 = arith.addi %iota3A, %add3A_1819 : vector<16xi32>
    %jit3A_1821 = arith.constant 128 : i32
    %div3A_1822 = vector.broadcast %jit3A_1821 : i32 to vector<16xi32>
    %div3A_1823 = arith.divsi %get3A_1817, %div3A_1822 : vector<16xi32>
    %sign3A_1824 = arith.constant 0 : i32
    %sign3A_1825 = vector.broadcast %sign3A_1824 : i32 to vector<16xi32>
    %sign3A_1826 = arith.cmpi sgt, %get3A_1817, %sign3A_1825 : vector<16xi32>
    %sign3A_1827 = arith.extui %sign3A_1826 : vector<16xi1> to vector<16xi32>
    %sign3A_1828 = arith.constant 0 : i32
    %sign3A_1829 = vector.broadcast %sign3A_1828 : i32 to vector<16xi32>
    %sign3A_1830 = arith.cmpi slt, %get3A_1817, %sign3A_1829 : vector<16xi32>
    %sign3A_1831 = arith.extui %sign3A_1830 : vector<16xi1> to vector<16xi32>
    %sign3A_1832 = arith.subi %sign3A_1827, %sign3A_1831 : vector<16xi32>
    %sign3A_1833 = arith.constant 0 : i32
    %sign3A_1834 = arith.cmpi sgt, %jit3A_1821, %sign3A_1833 : i32
    %sign3A_1835 = arith.extui %sign3A_1834 : i1 to i32
    %sign3A_1836 = arith.constant 0 : i32
    %sign3A_1837 = arith.cmpi slt, %jit3A_1821, %sign3A_1836 : i32
    %sign3A_1838 = arith.extui %sign3A_1837 : i1 to i32
    %sign3A_1839 = arith.subi %sign3A_1835, %sign3A_1838 : i32
    %ne3A_1840 = vector.broadcast %sign3A_1839 : i32 to vector<16xi32>
    %ne3A_1841 = arith.cmpi ne, %sign3A_1832, %ne3A_1840 : vector<16xi32>
    %rem3A_1842 = vector.broadcast %jit3A_1821 : i32 to vector<16xi32>
    %rem3A_1843 = arith.remsi %get3A_1817, %rem3A_1842 : vector<16xi32>
    %ne3A_1844 = arith.constant 0 : i32
    %ne3A_1845 = vector.broadcast %ne3A_1844 : i32 to vector<16xi32>
    %ne3A_1846 = arith.cmpi ne, %rem3A_1843, %ne3A_1845 : vector<16xi32>
    %and3A_1847 = arith.andi %ne3A_1841, %ne3A_1846 : vector<16xi1>
    %sub3A_1848 = arith.constant 1 : i32
    %sub3A_1849 = vector.broadcast %sub3A_1848 : i32 to vector<16xi32>
    %sub3A_1850 = arith.subi %div3A_1823, %sub3A_1849 : vector<16xi32>
    %select_n3A_1851 = arith.select %and3A_1847, %sub3A_1850, %div3A_1823 : vector<16xi1>, vector<16xi32>
    tpu.vector_store_idx %arg9[%add3A_1820], %select_n3A_1851 : memref<128xi32, #tpu.memory_space<vmem>>[vector<16xi32>], vector<16xi32>,
    %get3A_1852 = arith.constant 0 : i32
    %get3A_1853 = arith.index_cast %get3A_1852 : i32 to index
    %get3A_1854 = arith.constant 432 : index
    %get3A_1855 = tpu.vector_load %arg6[%get3A_1853, %get3A_1854] {strides = array<i32>} : memref<2x512xi32, #tpu.memory_space<vmem>>, vector<16xi32>,
    %add3A_1856 = arith.constant 48 : i32
    %add3A_1857 = vector.broadcast %add3A_1856 : i32 to vector<16xi32>
    %add3A_1858 = arith.addi %iota3A, %add3A_1857 : vector<16xi32>
    %jit3A_1859 = arith.constant 128 : i32
    %div3A_1860 = vector.broadcast %jit3A_1859 : i32 to vector<16xi32>
    %div3A_1861 = arith.divsi %get3A_1855, %div3A_1860 : vector<16xi32>
    %sign3A_1862 = arith.constant 0 : i32
    %sign3A_1863 = vector.broadcast %sign3A_1862 : i32 to vector<16xi32>
    %sign3A_1864 = arith.cmpi sgt, %get3A_1855, %sign3A_1863 : vector<16xi32>
    %sign3A_1865 = arith.extui %sign3A_1864 : vector<16xi1> to vector<16xi32>
    %sign3A_1866 = arith.constant 0 : i32
    %sign3A_1867 = vector.broadcast %sign3A_1866 : i32 to vector<16xi32>
    %sign3A_1868 = arith.cmpi slt, %get3A_1855, %sign3A_1867 : vector<16xi32>
    %sign3A_1869 = arith.extui %sign3A_1868 : vector<16xi1> to vector<16xi32>
    %sign3A_1870 = arith.subi %sign3A_1865, %sign3A_1869 : vector<16xi32>
    %sign3A_1871 = arith.constant 0 : i32
    %sign3A_1872 = arith.cmpi sgt, %jit3A_1859, %sign3A_1871 : i32
    %sign3A_1873 = arith.extui %sign3A_1872 : i1 to i32
    %sign3A_1874 = arith.constant 0 : i32
    %sign3A_1875 = arith.cmpi slt, %jit3A_1859, %sign3A_1874 : i32
    %sign3A_1876 = arith.extui %sign3A_1875 : i1 to i32
    %sign3A_1877 = arith.subi %sign3A_1873, %sign3A_1876 : i32
    %ne3A_1878 = vector.broadcast %sign3A_1877 : i32 to vector<16xi32>
    %ne3A_1879 = arith.cmpi ne, %sign3A_1870, %ne3A_1878 : vector<16xi32>
    %rem3A_1880 = vector.broadcast %jit3A_1859 : i32 to vector<16xi32>
    %rem3A_1881 = arith.remsi %get3A_1855, %rem3A_1880 : vector<16xi32>
    %ne3A_1882 = arith.constant 0 : i32
    %ne3A_1883 = vector.broadcast %ne3A_1882 : i32 to vector<16xi32>
    %ne3A_1884 = arith.cmpi ne, %rem3A_1881, %ne3A_1883 : vector<16xi32>
    %and3A_1885 = arith.andi %ne3A_1879, %ne3A_1884 : vector<16xi1>
    %sub3A_1886 = arith.constant 1 : i32
    %sub3A_1887 = vector.broadcast %sub3A_1886 : i32 to vector<16xi32>
    %sub3A_1888 = arith.subi %div3A_1861, %sub3A_1887 : vector<16xi32>
    %select_n3A_1889 = arith.select %and3A_1885, %sub3A_1888, %div3A_1861 : vector<16xi1>, vector<16xi32>
    tpu.vector_store_idx %arg9[%add3A_1858], %select_n3A_1889 : memref<128xi32, #tpu.memory_space<vmem>>[vector<16xi32>], vector<16xi32>,
    %get3A_1890 = arith.constant 0 : i32
    %get3A_1891 = arith.index_cast %get3A_1890 : i32 to index
    %get3A_1892 = arith.constant 448 : index
    %get3A_1893 = tpu.vector_load %arg6[%get3A_1891, %get3A_1892] {strides = array<i32>} : memref<2x512xi32, #tpu.memory_space<vmem>>, vector<16xi32>,
    %add3A_1894 = arith.constant 64 : i32
    %add3A_1895 = vector.broadcast %add3A_1894 : i32 to vector<16xi32>
    %add3A_1896 = arith.addi %iota3A, %add3A_1895 : vector<16xi32>
    %jit3A_1897 = arith.constant 128 : i32
    %div3A_1898 = vector.broadcast %jit3A_1897 : i32 to vector<16xi32>
    %div3A_1899 = arith.divsi %get3A_1893, %div3A_1898 : vector<16xi32>
    %sign3A_1900 = arith.constant 0 : i32
    %sign3A_1901 = vector.broadcast %sign3A_1900 : i32 to vector<16xi32>
    %sign3A_1902 = arith.cmpi sgt, %get3A_1893, %sign3A_1901 : vector<16xi32>
    %sign3A_1903 = arith.extui %sign3A_1902 : vector<16xi1> to vector<16xi32>
    %sign3A_1904 = arith.constant 0 : i32
    %sign3A_1905 = vector.broadcast %sign3A_1904 : i32 to vector<16xi32>
    %sign3A_1906 = arith.cmpi slt, %get3A_1893, %sign3A_1905 : vector<16xi32>
    %sign3A_1907 = arith.extui %sign3A_1906 : vector<16xi1> to vector<16xi32>
    %sign3A_1908 = arith.subi %sign3A_1903, %sign3A_1907 : vector<16xi32>
    %sign3A_1909 = arith.constant 0 : i32
    %sign3A_1910 = arith.cmpi sgt, %jit3A_1897, %sign3A_1909 : i32
    %sign3A_1911 = arith.extui %sign3A_1910 : i1 to i32
    %sign3A_1912 = arith.constant 0 : i32
    %sign3A_1913 = arith.cmpi slt, %jit3A_1897, %sign3A_1912 : i32
    %sign3A_1914 = arith.extui %sign3A_1913 : i1 to i32
    %sign3A_1915 = arith.subi %sign3A_1911, %sign3A_1914 : i32
    %ne3A_1916 = vector.broadcast %sign3A_1915 : i32 to vector<16xi32>
    %ne3A_1917 = arith.cmpi ne, %sign3A_1908, %ne3A_1916 : vector<16xi32>
    %rem3A_1918 = vector.broadcast %jit3A_1897 : i32 to vector<16xi32>
    %rem3A_1919 = arith.remsi %get3A_1893, %rem3A_1918 : vector<16xi32>
    %ne3A_1920 = arith.constant 0 : i32
    %ne3A_1921 = vector.broadcast %ne3A_1920 : i32 to vector<16xi32>
    %ne3A_1922 = arith.cmpi ne, %rem3A_1919, %ne3A_1921 : vector<16xi32>
    %and3A_1923 = arith.andi %ne3A_1917, %ne3A_1922 : vector<16xi1>
    %sub3A_1924 = arith.constant 1 : i32
    %sub3A_1925 = vector.broadcast %sub3A_1924 : i32 to vector<16xi32>
    %sub3A_1926 = arith.subi %div3A_1899, %sub3A_1925 : vector<16xi32>
    %select_n3A_1927 = arith.select %and3A_1923, %sub3A_1926, %div3A_1899 : vector<16xi1>, vector<16xi32>
    tpu.vector_store_idx %arg9[%add3A_1896], %select_n3A_1927 : memref<128xi32, #tpu.memory_space<vmem>>[vector<16xi32>], vector<16xi32>,
    %get3A_1928 = arith.constant 0 : i32
    %get3A_1929 = arith.index_cast %get3A_1928 : i32 to index
    %get3A_1930 = arith.constant 464 : index
    %get3A_1931 = tpu.vector_load %arg6[%get3A_1929, %get3A_1930] {strides = array<i32>} : memref<2x512xi32, #tpu.memory_space<vmem>>, vector<16xi32>,
    %add3A_1932 = arith.constant 80 : i32
    %add3A_1933 = vector.broadcast %add3A_1932 : i32 to vector<16xi32>
    %add3A_1934 = arith.addi %iota3A, %add3A_1933 : vector<16xi32>
    %jit3A_1935 = arith.constant 128 : i32
    %div3A_1936 = vector.broadcast %jit3A_1935 : i32 to vector<16xi32>
    %div3A_1937 = arith.divsi %get3A_1931, %div3A_1936 : vector<16xi32>
    %sign3A_1938 = arith.constant 0 : i32
    %sign3A_1939 = vector.broadcast %sign3A_1938 : i32 to vector<16xi32>
    %sign3A_1940 = arith.cmpi sgt, %get3A_1931, %sign3A_1939 : vector<16xi32>
    %sign3A_1941 = arith.extui %sign3A_1940 : vector<16xi1> to vector<16xi32>
    %sign3A_1942 = arith.constant 0 : i32
    %sign3A_1943 = vector.broadcast %sign3A_1942 : i32 to vector<16xi32>
    %sign3A_1944 = arith.cmpi slt, %get3A_1931, %sign3A_1943 : vector<16xi32>
    %sign3A_1945 = arith.extui %sign3A_1944 : vector<16xi1> to vector<16xi32>
    %sign3A_1946 = arith.subi %sign3A_1941, %sign3A_1945 : vector<16xi32>
    %sign3A_1947 = arith.constant 0 : i32
    %sign3A_1948 = arith.cmpi sgt, %jit3A_1935, %sign3A_1947 : i32
    %sign3A_1949 = arith.extui %sign3A_1948 : i1 to i32
    %sign3A_1950 = arith.constant 0 : i32
    %sign3A_1951 = arith.cmpi slt, %jit3A_1935, %sign3A_1950 : i32
    %sign3A_1952 = arith.extui %sign3A_1951 : i1 to i32
    %sign3A_1953 = arith.subi %sign3A_1949, %sign3A_1952 : i32
    %ne3A_1954 = vector.broadcast %sign3A_1953 : i32 to vector<16xi32>
    %ne3A_1955 = arith.cmpi ne, %sign3A_1946, %ne3A_1954 : vector<16xi32>
    %rem3A_1956 = vector.broadcast %jit3A_1935 : i32 to vector<16xi32>
    %rem3A_1957 = arith.remsi %get3A_1931, %rem3A_1956 : vector<16xi32>
    %ne3A_1958 = arith.constant 0 : i32
    %ne3A_1959 = vector.broadcast %ne3A_1958 : i32 to vector<16xi32>
    %ne3A_1960 = arith.cmpi ne, %rem3A_1957, %ne3A_1959 : vector<16xi32>
    %and3A_1961 = arith.andi %ne3A_1955, %ne3A_1960 : vector<16xi1>
    %sub3A_1962 = arith.constant 1 : i32
    %sub3A_1963 = vector.broadcast %sub3A_1962 : i32 to vector<16xi32>
    %sub3A_1964 = arith.subi %div3A_1937, %sub3A_1963 : vector<16xi32>
    %select_n3A_1965 = arith.select %and3A_1961, %sub3A_1964, %div3A_1937 : vector<16xi1>, vector<16xi32>
    tpu.vector_store_idx %arg9[%add3A_1934], %select_n3A_1965 : memref<128xi32, #tpu.memory_space<vmem>>[vector<16xi32>], vector<16xi32>,
    %get3A_1966 = arith.constant 0 : i32
    %get3A_1967 = arith.index_cast %get3A_1966 : i32 to index
    %get3A_1968 = arith.constant 480 : index
    %get3A_1969 = tpu.vector_load %arg6[%get3A_1967, %get3A_1968] {strides = array<i32>} : memref<2x512xi32, #tpu.memory_space<vmem>>, vector<16xi32>,
    %add3A_1970 = arith.constant 96 : i32
    %add3A_1971 = vector.broadcast %add3A_1970 : i32 to vector<16xi32>
    %add3A_1972 = arith.addi %iota3A, %add3A_1971 : vector<16xi32>
    %jit3A_1973 = arith.constant 128 : i32
    %div3A_1974 = vector.broadcast %jit3A_1973 : i32 to vector<16xi32>
    %div3A_1975 = arith.divsi %get3A_1969, %div3A_1974 : vector<16xi32>
    %sign3A_1976 = arith.constant 0 : i32
    %sign3A_1977 = vector.broadcast %sign3A_1976 : i32 to vector<16xi32>
    %sign3A_1978 = arith.cmpi sgt, %get3A_1969, %sign3A_1977 : vector<16xi32>
    %sign3A_1979 = arith.extui %sign3A_1978 : vector<16xi1> to vector<16xi32>
    %sign3A_1980 = arith.constant 0 : i32
    %sign3A_1981 = vector.broadcast %sign3A_1980 : i32 to vector<16xi32>
    %sign3A_1982 = arith.cmpi slt, %get3A_1969, %sign3A_1981 : vector<16xi32>
    %sign3A_1983 = arith.extui %sign3A_1982 : vector<16xi1> to vector<16xi32>
    %sign3A_1984 = arith.subi %sign3A_1979, %sign3A_1983 : vector<16xi32>
    %sign3A_1985 = arith.constant 0 : i32
    %sign3A_1986 = arith.cmpi sgt, %jit3A_1973, %sign3A_1985 : i32
    %sign3A_1987 = arith.extui %sign3A_1986 : i1 to i32
    %sign3A_1988 = arith.constant 0 : i32
    %sign3A_1989 = arith.cmpi slt, %jit3A_1973, %sign3A_1988 : i32
    %sign3A_1990 = arith.extui %sign3A_1989 : i1 to i32
    %sign3A_1991 = arith.subi %sign3A_1987, %sign3A_1990 : i32
    %ne3A_1992 = vector.broadcast %sign3A_1991 : i32 to vector<16xi32>
    %ne3A_1993 = arith.cmpi ne, %sign3A_1984, %ne3A_1992 : vector<16xi32>
    %rem3A_1994 = vector.broadcast %jit3A_1973 : i32 to vector<16xi32>
    %rem3A_1995 = arith.remsi %get3A_1969, %rem3A_1994 : vector<16xi32>
    %ne3A_1996 = arith.constant 0 : i32
    %ne3A_1997 = vector.broadcast %ne3A_1996 : i32 to vector<16xi32>
    %ne3A_1998 = arith.cmpi ne, %rem3A_1995, %ne3A_1997 : vector<16xi32>
    %and3A_1999 = arith.andi %ne3A_1993, %ne3A_1998 : vector<16xi1>
    %sub3A_2000 = arith.constant 1 : i32
    %sub3A_2001 = vector.broadcast %sub3A_2000 : i32 to vector<16xi32>
    %sub3A_2002 = arith.subi %div3A_1975, %sub3A_2001 : vector<16xi32>
    %select_n3A_2003 = arith.select %and3A_1999, %sub3A_2002, %div3A_1975 : vector<16xi1>, vector<16xi32>
    tpu.vector_store_idx %arg9[%add3A_1972], %select_n3A_2003 : memref<128xi32, #tpu.memory_space<vmem>>[vector<16xi32>], vector<16xi32>,
    %get3A_2004 = arith.constant 0 : i32
    %get3A_2005 = arith.index_cast %get3A_2004 : i32 to index
    %get3A_2006 = arith.constant 496 : index
    %get3A_2007 = tpu.vector_load %arg6[%get3A_2005, %get3A_2006] {strides = array<i32>} : memref<2x512xi32, #tpu.memory_space<vmem>>, vector<16xi32>,
    %add3A_2008 = arith.constant 112 : i32
    %add3A_2009 = vector.broadcast %add3A_2008 : i32 to vector<16xi32>
    %add3A_2010 = arith.addi %iota3A, %add3A_2009 : vector<16xi32>
    %jit3A_2011 = arith.constant 128 : i32
    %div3A_2012 = vector.broadcast %jit3A_2011 : i32 to vector<16xi32>
    %div3A_2013 = arith.divsi %get3A_2007, %div3A_2012 : vector<16xi32>
    %sign3A_2014 = arith.constant 0 : i32
    %sign3A_2015 = vector.broadcast %sign3A_2014 : i32 to vector<16xi32>
    %sign3A_2016 = arith.cmpi sgt, %get3A_2007, %sign3A_2015 : vector<16xi32>
    %sign3A_2017 = arith.extui %sign3A_2016 : vector<16xi1> to vector<16xi32>
    %sign3A_2018 = arith.constant 0 : i32
    %sign3A_2019 = vector.broadcast %sign3A_2018 : i32 to vector<16xi32>
    %sign3A_2020 = arith.cmpi slt, %get3A_2007, %sign3A_2019 : vector<16xi32>
    %sign3A_2021 = arith.extui %sign3A_2020 : vector<16xi1> to vector<16xi32>
    %sign3A_2022 = arith.subi %sign3A_2017, %sign3A_2021 : vector<16xi32>
    %sign3A_2023 = arith.constant 0 : i32
    %sign3A_2024 = arith.cmpi sgt, %jit3A_2011, %sign3A_2023 : i32
    %sign3A_2025 = arith.extui %sign3A_2024 : i1 to i32
    %sign3A_2026 = arith.constant 0 : i32
    %sign3A_2027 = arith.cmpi slt, %jit3A_2011, %sign3A_2026 : i32
    %sign3A_2028 = arith.extui %sign3A_2027 : i1 to i32
    %sign3A_2029 = arith.subi %sign3A_2025, %sign3A_2028 : i32
    %ne3A_2030 = vector.broadcast %sign3A_2029 : i32 to vector<16xi32>
    %ne3A_2031 = arith.cmpi ne, %sign3A_2022, %ne3A_2030 : vector<16xi32>
    %rem3A_2032 = vector.broadcast %jit3A_2011 : i32 to vector<16xi32>
    %rem3A_2033 = arith.remsi %get3A_2007, %rem3A_2032 : vector<16xi32>
    %ne3A_2034 = arith.constant 0 : i32
    %ne3A_2035 = vector.broadcast %ne3A_2034 : i32 to vector<16xi32>
    %ne3A_2036 = arith.cmpi ne, %rem3A_2033, %ne3A_2035 : vector<16xi32>
    %and3A_2037 = arith.andi %ne3A_2031, %ne3A_2036 : vector<16xi1>
    %sub3A_2038 = arith.constant 1 : i32
    %sub3A_2039 = vector.broadcast %sub3A_2038 : i32 to vector<16xi32>
    %sub3A_2040 = arith.subi %div3A_2013, %sub3A_2039 : vector<16xi32>
    %select_n3A_2041 = arith.select %and3A_2037, %sub3A_2040, %div3A_2013 : vector<16xi1>, vector<16xi32>
    tpu.vector_store_idx %arg9[%add3A_2010], %select_n3A_2041 : memref<128xi32, #tpu.memory_space<vmem>>[vector<16xi32>], vector<16xi32>,
    %dma_start3A_2042 = arith.constant 0 : i32
    %dma_start3A_2043 = arith.constant 0 : i32
    %dma_start3A_2044 = tpu.memref_slice %arg4[%dma_start3A_2042, %dma_start3A_2043] : memref<15625x128xf32, #tpu.memory_space<hbm>> -> memref<15625x128xf32, #tpu.memory_space<hbm>>
    tpu.enqueue_indirect_dma source(%dma_start3A_2044 : memref<15625x128xf32, #tpu.memory_space<hbm>>) target(%arg10 : memref<128x128xf32, #tpu.memory_space<vmem>>) offsets(%arg9 : memref<128xi32, #tpu.memory_space<vmem>>) semaphore(%arg13 : memref<!tpu.dma_semaphore, #tpu.memory_space<semaphore_mem>>)
    %dma_wait3A_2045 = arith.constant 0 : i32
    %dma_wait3A_2046 = arith.constant 0 : i32
    %dma_wait3A_2047 = tpu.memref_slice %arg4[%dma_wait3A_2045, %dma_wait3A_2046] : memref<15625x128xf32, #tpu.memory_space<hbm>> -> memref<15625x128xf32, #tpu.memory_space<hbm>>
    tpu.wait_indirect_dma semaphore(%arg13 : memref<!tpu.dma_semaphore, #tpu.memory_space<semaphore_mem>>) src(%dma_wait3A_2047 : memref<15625x128xf32, #tpu.memory_space<hbm>>) dst(%arg10 : memref<128x128xf32, #tpu.memory_space<vmem>>)
    %get3A_2048 = arith.constant 0 : i32
    %get3A_2049 = arith.index_cast %get3A_2048 : i32 to index
    %get3A_2050 = arith.constant 384 : index
    %get3A_2051 = tpu.vector_load %arg6[%get3A_2049, %get3A_2050] {strides = array<i32>} : memref<2x512xi32, #tpu.memory_space<vmem>>, vector<16xi32>,
    %add3A_2052 = arith.constant 0 : i32
    %add3A_2053 = vector.broadcast %add3A_2052 : i32 to vector<16xi32>
    %add3A_2054 = arith.addi %iota3A, %add3A_2053 : vector<16xi32>
    %jit3A_2055 = arith.constant 128 : i32
    %eq3A_2056 = arith.constant 0 : i32
    %eq3A_2057 = arith.cmpi eq, %jit3A_2055, %eq3A_2056 : i32
    %jit3A_2058 = arith.constant 1 : i32
    %select_n3A_2059 = arith.select %eq3A_2057, %jit3A_2058, %jit3A_2055 : i32
    %rem3A_2060 = vector.broadcast %select_n3A_2059 : i32 to vector<16xi32>
    %rem3A_2061 = arith.remsi %get3A_2051, %rem3A_2060 : vector<16xi32>
    %ne3A_2062 = arith.constant 0 : i32
    %ne3A_2063 = vector.broadcast %ne3A_2062 : i32 to vector<16xi32>
    %ne3A_2064 = arith.cmpi ne, %rem3A_2061, %ne3A_2063 : vector<16xi32>
    %lt3A_2065 = arith.constant 0 : i32
    %lt3A_2066 = vector.broadcast %lt3A_2065 : i32 to vector<16xi32>
    %lt3A_2067 = arith.cmpi slt, %rem3A_2061, %lt3A_2066 : vector<16xi32>
    %lt3A_2068 = arith.constant 0 : i32
    %lt3A_2069 = arith.cmpi slt, %select_n3A_2059, %lt3A_2068 : i32
    %ne3A_2070 = vector.broadcast %lt3A_2069 : i1 to vector<16xi1>
    %ne3A_2071 = vector.broadcast %ne3A_2070 : vector<16xi1> to vector<16xi1>
    %ne3A_2072 = arith.xori %lt3A_2067, %ne3A_2071 : vector<16xi1>
    %and3A_2073 = arith.andi %ne3A_2072, %ne3A_2064 : vector<16xi1>
    %add3A_2074 = vector.broadcast %select_n3A_2059 : i32 to vector<16xi32>
    %add3A_2075 = arith.addi %rem3A_2061, %add3A_2074 : vector<16xi32>
    %select_n3A_2076 = arith.select %and3A_2073, %add3A_2075, %rem3A_2061 : vector<16xi1>, vector<16xi32>
    %gather3A_2077 = tpu.vector_load_idx %arg10[%add3A_2054, %select_n3A_2076] : memref<128x128xf32, #tpu.memory_space<vmem>>[vector<16xi32>, vector<16xi32>], vector<16xf32>,
    %add3A_2078 = arith.constant 384 : i32
    %add3A_2079 = vector.broadcast %add3A_2078 : i32 to vector<16xi32>
    %add3A_2080 = arith.addi %iota3A, %add3A_2079 : vector<16xi32>
    tpu.vector_store_idx %arg11[%add3A_2080, %broadcast_in_dim3A_28], %gather3A_2077 : memref<512x128xf32, #tpu.memory_space<vmem>>[vector<16xi32>, vector<16xi32>], vector<16xf32>,
    %get3A_2081 = arith.constant 0 : i32
    %get3A_2082 = arith.index_cast %get3A_2081 : i32 to index
    %get3A_2083 = arith.constant 400 : index
    %get3A_2084 = tpu.vector_load %arg6[%get3A_2082, %get3A_2083] {strides = array<i32>} : memref<2x512xi32, #tpu.memory_space<vmem>>, vector<16xi32>,
    %add3A_2085 = arith.constant 16 : i32
    %add3A_2086 = vector.broadcast %add3A_2085 : i32 to vector<16xi32>
    %add3A_2087 = arith.addi %iota3A, %add3A_2086 : vector<16xi32>
    %jit3A_2088 = arith.constant 128 : i32
    %eq3A_2089 = arith.constant 0 : i32
    %eq3A_2090 = arith.cmpi eq, %jit3A_2088, %eq3A_2089 : i32
    %jit3A_2091 = arith.constant 1 : i32
    %select_n3A_2092 = arith.select %eq3A_2090, %jit3A_2091, %jit3A_2088 : i32
    %rem3A_2093 = vector.broadcast %select_n3A_2092 : i32 to vector<16xi32>
    %rem3A_2094 = arith.remsi %get3A_2084, %rem3A_2093 : vector<16xi32>
    %ne3A_2095 = arith.constant 0 : i32
    %ne3A_2096 = vector.broadcast %ne3A_2095 : i32 to vector<16xi32>
    %ne3A_2097 = arith.cmpi ne, %rem3A_2094, %ne3A_2096 : vector<16xi32>
    %lt3A_2098 = arith.constant 0 : i32
    %lt3A_2099 = vector.broadcast %lt3A_2098 : i32 to vector<16xi32>
    %lt3A_2100 = arith.cmpi slt, %rem3A_2094, %lt3A_2099 : vector<16xi32>
    %lt3A_2101 = arith.constant 0 : i32
    %lt3A_2102 = arith.cmpi slt, %select_n3A_2092, %lt3A_2101 : i32
    %ne3A_2103 = vector.broadcast %lt3A_2102 : i1 to vector<16xi1>
    %ne3A_2104 = vector.broadcast %ne3A_2103 : vector<16xi1> to vector<16xi1>
    %ne3A_2105 = arith.xori %lt3A_2100, %ne3A_2104 : vector<16xi1>
    %and3A_2106 = arith.andi %ne3A_2105, %ne3A_2097 : vector<16xi1>
    %add3A_2107 = vector.broadcast %select_n3A_2092 : i32 to vector<16xi32>
    %add3A_2108 = arith.addi %rem3A_2094, %add3A_2107 : vector<16xi32>
    %select_n3A_2109 = arith.select %and3A_2106, %add3A_2108, %rem3A_2094 : vector<16xi1>, vector<16xi32>
    %gather3A_2110 = tpu.vector_load_idx %arg10[%add3A_2087, %select_n3A_2109] : memref<128x128xf32, #tpu.memory_space<vmem>>[vector<16xi32>, vector<16xi32>], vector<16xf32>,
    %add3A_2111 = arith.constant 400 : i32
    %add3A_2112 = vector.broadcast %add3A_2111 : i32 to vector<16xi32>
    %add3A_2113 = arith.addi %iota3A, %add3A_2112 : vector<16xi32>
    tpu.vector_store_idx %arg11[%add3A_2113, %broadcast_in_dim3A_28], %gather3A_2110 : memref<512x128xf32, #tpu.memory_space<vmem>>[vector<16xi32>, vector<16xi32>], vector<16xf32>,
    %get3A_2114 = arith.constant 0 : i32
    %get3A_2115 = arith.index_cast %get3A_2114 : i32 to index
    %get3A_2116 = arith.constant 416 : index
    %get3A_2117 = tpu.vector_load %arg6[%get3A_2115, %get3A_2116] {strides = array<i32>} : memref<2x512xi32, #tpu.memory_space<vmem>>, vector<16xi32>,
    %add3A_2118 = arith.constant 32 : i32
    %add3A_2119 = vector.broadcast %add3A_2118 : i32 to vector<16xi32>
    %add3A_2120 = arith.addi %iota3A, %add3A_2119 : vector<16xi32>
    %jit3A_2121 = arith.constant 128 : i32
    %eq3A_2122 = arith.constant 0 : i32
    %eq3A_2123 = arith.cmpi eq, %jit3A_2121, %eq3A_2122 : i32
    %jit3A_2124 = arith.constant 1 : i32
    %select_n3A_2125 = arith.select %eq3A_2123, %jit3A_2124, %jit3A_2121 : i32
    %rem3A_2126 = vector.broadcast %select_n3A_2125 : i32 to vector<16xi32>
    %rem3A_2127 = arith.remsi %get3A_2117, %rem3A_2126 : vector<16xi32>
    %ne3A_2128 = arith.constant 0 : i32
    %ne3A_2129 = vector.broadcast %ne3A_2128 : i32 to vector<16xi32>
    %ne3A_2130 = arith.cmpi ne, %rem3A_2127, %ne3A_2129 : vector<16xi32>
    %lt3A_2131 = arith.constant 0 : i32
    %lt3A_2132 = vector.broadcast %lt3A_2131 : i32 to vector<16xi32>
    %lt3A_2133 = arith.cmpi slt, %rem3A_2127, %lt3A_2132 : vector<16xi32>
    %lt3A_2134 = arith.constant 0 : i32
    %lt3A_2135 = arith.cmpi slt, %select_n3A_2125, %lt3A_2134 : i32
    %ne3A_2136 = vector.broadcast %lt3A_2135 : i1 to vector<16xi1>
    %ne3A_2137 = vector.broadcast %ne3A_2136 : vector<16xi1> to vector<16xi1>
    %ne3A_2138 = arith.xori %lt3A_2133, %ne3A_2137 : vector<16xi1>
    %and3A_2139 = arith.andi %ne3A_2138, %ne3A_2130 : vector<16xi1>
    %add3A_2140 = vector.broadcast %select_n3A_2125 : i32 to vector<16xi32>
    %add3A_2141 = arith.addi %rem3A_2127, %add3A_2140 : vector<16xi32>
    %select_n3A_2142 = arith.select %and3A_2139, %add3A_2141, %rem3A_2127 : vector<16xi1>, vector<16xi32>
    %gather3A_2143 = tpu.vector_load_idx %arg10[%add3A_2120, %select_n3A_2142] : memref<128x128xf32, #tpu.memory_space<vmem>>[vector<16xi32>, vector<16xi32>], vector<16xf32>,
    %add3A_2144 = arith.constant 416 : i32
    %add3A_2145 = vector.broadcast %add3A_2144 : i32 to vector<16xi32>
    %add3A_2146 = arith.addi %iota3A, %add3A_2145 : vector<16xi32>
    tpu.vector_store_idx %arg11[%add3A_2146, %broadcast_in_dim3A_28], %gather3A_2143 : memref<512x128xf32, #tpu.memory_space<vmem>>[vector<16xi32>, vector<16xi32>], vector<16xf32>,
    %get3A_2147 = arith.constant 0 : i32
    %get3A_2148 = arith.index_cast %get3A_2147 : i32 to index
    %get3A_2149 = arith.constant 432 : index
    %get3A_2150 = tpu.vector_load %arg6[%get3A_2148, %get3A_2149] {strides = array<i32>} : memref<2x512xi32, #tpu.memory_space<vmem>>, vector<16xi32>,
    %add3A_2151 = arith.constant 48 : i32
    %add3A_2152 = vector.broadcast %add3A_2151 : i32 to vector<16xi32>
    %add3A_2153 = arith.addi %iota3A, %add3A_2152 : vector<16xi32>
    %jit3A_2154 = arith.constant 128 : i32
    %eq3A_2155 = arith.constant 0 : i32
    %eq3A_2156 = arith.cmpi eq, %jit3A_2154, %eq3A_2155 : i32
    %jit3A_2157 = arith.constant 1 : i32
    %select_n3A_2158 = arith.select %eq3A_2156, %jit3A_2157, %jit3A_2154 : i32
    %rem3A_2159 = vector.broadcast %select_n3A_2158 : i32 to vector<16xi32>
    %rem3A_2160 = arith.remsi %get3A_2150, %rem3A_2159 : vector<16xi32>
    %ne3A_2161 = arith.constant 0 : i32
    %ne3A_2162 = vector.broadcast %ne3A_2161 : i32 to vector<16xi32>
    %ne3A_2163 = arith.cmpi ne, %rem3A_2160, %ne3A_2162 : vector<16xi32>
    %lt3A_2164 = arith.constant 0 : i32
    %lt3A_2165 = vector.broadcast %lt3A_2164 : i32 to vector<16xi32>
    %lt3A_2166 = arith.cmpi slt, %rem3A_2160, %lt3A_2165 : vector<16xi32>
    %lt3A_2167 = arith.constant 0 : i32
    %lt3A_2168 = arith.cmpi slt, %select_n3A_2158, %lt3A_2167 : i32
    %ne3A_2169 = vector.broadcast %lt3A_2168 : i1 to vector<16xi1>
    %ne3A_2170 = vector.broadcast %ne3A_2169 : vector<16xi1> to vector<16xi1>
    %ne3A_2171 = arith.xori %lt3A_2166, %ne3A_2170 : vector<16xi1>
    %and3A_2172 = arith.andi %ne3A_2171, %ne3A_2163 : vector<16xi1>
    %add3A_2173 = vector.broadcast %select_n3A_2158 : i32 to vector<16xi32>
    %add3A_2174 = arith.addi %rem3A_2160, %add3A_2173 : vector<16xi32>
    %select_n3A_2175 = arith.select %and3A_2172, %add3A_2174, %rem3A_2160 : vector<16xi1>, vector<16xi32>
    %gather3A_2176 = tpu.vector_load_idx %arg10[%add3A_2153, %select_n3A_2175] : memref<128x128xf32, #tpu.memory_space<vmem>>[vector<16xi32>, vector<16xi32>], vector<16xf32>,
    %add3A_2177 = arith.constant 432 : i32
    %add3A_2178 = vector.broadcast %add3A_2177 : i32 to vector<16xi32>
    %add3A_2179 = arith.addi %iota3A, %add3A_2178 : vector<16xi32>
    tpu.vector_store_idx %arg11[%add3A_2179, %broadcast_in_dim3A_28], %gather3A_2176 : memref<512x128xf32, #tpu.memory_space<vmem>>[vector<16xi32>, vector<16xi32>], vector<16xf32>,
    %get3A_2180 = arith.constant 0 : i32
    %get3A_2181 = arith.index_cast %get3A_2180 : i32 to index
    %get3A_2182 = arith.constant 448 : index
    %get3A_2183 = tpu.vector_load %arg6[%get3A_2181, %get3A_2182] {strides = array<i32>} : memref<2x512xi32, #tpu.memory_space<vmem>>, vector<16xi32>,
    %add3A_2184 = arith.constant 64 : i32
    %add3A_2185 = vector.broadcast %add3A_2184 : i32 to vector<16xi32>
    %add3A_2186 = arith.addi %iota3A, %add3A_2185 : vector<16xi32>
    %jit3A_2187 = arith.constant 128 : i32
    %eq3A_2188 = arith.constant 0 : i32
    %eq3A_2189 = arith.cmpi eq, %jit3A_2187, %eq3A_2188 : i32
    %jit3A_2190 = arith.constant 1 : i32
    %select_n3A_2191 = arith.select %eq3A_2189, %jit3A_2190, %jit3A_2187 : i32
    %rem3A_2192 = vector.broadcast %select_n3A_2191 : i32 to vector<16xi32>
    %rem3A_2193 = arith.remsi %get3A_2183, %rem3A_2192 : vector<16xi32>
    %ne3A_2194 = arith.constant 0 : i32
    %ne3A_2195 = vector.broadcast %ne3A_2194 : i32 to vector<16xi32>
    %ne3A_2196 = arith.cmpi ne, %rem3A_2193, %ne3A_2195 : vector<16xi32>
    %lt3A_2197 = arith.constant 0 : i32
    %lt3A_2198 = vector.broadcast %lt3A_2197 : i32 to vector<16xi32>
    %lt3A_2199 = arith.cmpi slt, %rem3A_2193, %lt3A_2198 : vector<16xi32>
    %lt3A_2200 = arith.constant 0 : i32
    %lt3A_2201 = arith.cmpi slt, %select_n3A_2191, %lt3A_2200 : i32
    %ne3A_2202 = vector.broadcast %lt3A_2201 : i1 to vector<16xi1>
    %ne3A_2203 = vector.broadcast %ne3A_2202 : vector<16xi1> to vector<16xi1>
    %ne3A_2204 = arith.xori %lt3A_2199, %ne3A_2203 : vector<16xi1>
    %and3A_2205 = arith.andi %ne3A_2204, %ne3A_2196 : vector<16xi1>
    %add3A_2206 = vector.broadcast %select_n3A_2191 : i32 to vector<16xi32>
    %add3A_2207 = arith.addi %rem3A_2193, %add3A_2206 : vector<16xi32>
    %select_n3A_2208 = arith.select %and3A_2205, %add3A_2207, %rem3A_2193 : vector<16xi1>, vector<16xi32>
    %gather3A_2209 = tpu.vector_load_idx %arg10[%add3A_2186, %select_n3A_2208] : memref<128x128xf32, #tpu.memory_space<vmem>>[vector<16xi32>, vector<16xi32>], vector<16xf32>,
    %add3A_2210 = arith.constant 448 : i32
    %add3A_2211 = vector.broadcast %add3A_2210 : i32 to vector<16xi32>
    %add3A_2212 = arith.addi %iota3A, %add3A_2211 : vector<16xi32>
    tpu.vector_store_idx %arg11[%add3A_2212, %broadcast_in_dim3A_28], %gather3A_2209 : memref<512x128xf32, #tpu.memory_space<vmem>>[vector<16xi32>, vector<16xi32>], vector<16xf32>,
    %get3A_2213 = arith.constant 0 : i32
    %get3A_2214 = arith.index_cast %get3A_2213 : i32 to index
    %get3A_2215 = arith.constant 464 : index
    %get3A_2216 = tpu.vector_load %arg6[%get3A_2214, %get3A_2215] {strides = array<i32>} : memref<2x512xi32, #tpu.memory_space<vmem>>, vector<16xi32>,
    %add3A_2217 = arith.constant 80 : i32
    %add3A_2218 = vector.broadcast %add3A_2217 : i32 to vector<16xi32>
    %add3A_2219 = arith.addi %iota3A, %add3A_2218 : vector<16xi32>
    %jit3A_2220 = arith.constant 128 : i32
    %eq3A_2221 = arith.constant 0 : i32
    %eq3A_2222 = arith.cmpi eq, %jit3A_2220, %eq3A_2221 : i32
    %jit3A_2223 = arith.constant 1 : i32
    %select_n3A_2224 = arith.select %eq3A_2222, %jit3A_2223, %jit3A_2220 : i32
    %rem3A_2225 = vector.broadcast %select_n3A_2224 : i32 to vector<16xi32>
    %rem3A_2226 = arith.remsi %get3A_2216, %rem3A_2225 : vector<16xi32>
    %ne3A_2227 = arith.constant 0 : i32
    %ne3A_2228 = vector.broadcast %ne3A_2227 : i32 to vector<16xi32>
    %ne3A_2229 = arith.cmpi ne, %rem3A_2226, %ne3A_2228 : vector<16xi32>
    %lt3A_2230 = arith.constant 0 : i32
    %lt3A_2231 = vector.broadcast %lt3A_2230 : i32 to vector<16xi32>
    %lt3A_2232 = arith.cmpi slt, %rem3A_2226, %lt3A_2231 : vector<16xi32>
    %lt3A_2233 = arith.constant 0 : i32
    %lt3A_2234 = arith.cmpi slt, %select_n3A_2224, %lt3A_2233 : i32
    %ne3A_2235 = vector.broadcast %lt3A_2234 : i1 to vector<16xi1>
    %ne3A_2236 = vector.broadcast %ne3A_2235 : vector<16xi1> to vector<16xi1>
    %ne3A_2237 = arith.xori %lt3A_2232, %ne3A_2236 : vector<16xi1>
    %and3A_2238 = arith.andi %ne3A_2237, %ne3A_2229 : vector<16xi1>
    %add3A_2239 = vector.broadcast %select_n3A_2224 : i32 to vector<16xi32>
    %add3A_2240 = arith.addi %rem3A_2226, %add3A_2239 : vector<16xi32>
    %select_n3A_2241 = arith.select %and3A_2238, %add3A_2240, %rem3A_2226 : vector<16xi1>, vector<16xi32>
    %gather3A_2242 = tpu.vector_load_idx %arg10[%add3A_2219, %select_n3A_2241] : memref<128x128xf32, #tpu.memory_space<vmem>>[vector<16xi32>, vector<16xi32>], vector<16xf32>,
    %add3A_2243 = arith.constant 464 : i32
    %add3A_2244 = vector.broadcast %add3A_2243 : i32 to vector<16xi32>
    %add3A_2245 = arith.addi %iota3A, %add3A_2244 : vector<16xi32>
    tpu.vector_store_idx %arg11[%add3A_2245, %broadcast_in_dim3A_28], %gather3A_2242 : memref<512x128xf32, #tpu.memory_space<vmem>>[vector<16xi32>, vector<16xi32>], vector<16xf32>,
    %get3A_2246 = arith.constant 0 : i32
    %get3A_2247 = arith.index_cast %get3A_2246 : i32 to index
    %get3A_2248 = arith.constant 480 : index
    %get3A_2249 = tpu.vector_load %arg6[%get3A_2247, %get3A_2248] {strides = array<i32>} : memref<2x512xi32, #tpu.memory_space<vmem>>, vector<16xi32>,
    %add3A_2250 = arith.constant 96 : i32
    %add3A_2251 = vector.broadcast %add3A_2250 : i32 to vector<16xi32>
    %add3A_2252 = arith.addi %iota3A, %add3A_2251 : vector<16xi32>
    %jit3A_2253 = arith.constant 128 : i32
    %eq3A_2254 = arith.constant 0 : i32
    %eq3A_2255 = arith.cmpi eq, %jit3A_2253, %eq3A_2254 : i32
    %jit3A_2256 = arith.constant 1 : i32
    %select_n3A_2257 = arith.select %eq3A_2255, %jit3A_2256, %jit3A_2253 : i32
    %rem3A_2258 = vector.broadcast %select_n3A_2257 : i32 to vector<16xi32>
    %rem3A_2259 = arith.remsi %get3A_2249, %rem3A_2258 : vector<16xi32>
    %ne3A_2260 = arith.constant 0 : i32
    %ne3A_2261 = vector.broadcast %ne3A_2260 : i32 to vector<16xi32>
    %ne3A_2262 = arith.cmpi ne, %rem3A_2259, %ne3A_2261 : vector<16xi32>
    %lt3A_2263 = arith.constant 0 : i32
    %lt3A_2264 = vector.broadcast %lt3A_2263 : i32 to vector<16xi32>
    %lt3A_2265 = arith.cmpi slt, %rem3A_2259, %lt3A_2264 : vector<16xi32>
    %lt3A_2266 = arith.constant 0 : i32
    %lt3A_2267 = arith.cmpi slt, %select_n3A_2257, %lt3A_2266 : i32
    %ne3A_2268 = vector.broadcast %lt3A_2267 : i1 to vector<16xi1>
    %ne3A_2269 = vector.broadcast %ne3A_2268 : vector<16xi1> to vector<16xi1>
    %ne3A_2270 = arith.xori %lt3A_2265, %ne3A_2269 : vector<16xi1>
    %and3A_2271 = arith.andi %ne3A_2270, %ne3A_2262 : vector<16xi1>
    %add3A_2272 = vector.broadcast %select_n3A_2257 : i32 to vector<16xi32>
    %add3A_2273 = arith.addi %rem3A_2259, %add3A_2272 : vector<16xi32>
    %select_n3A_2274 = arith.select %and3A_2271, %add3A_2273, %rem3A_2259 : vector<16xi1>, vector<16xi32>
    %gather3A_2275 = tpu.vector_load_idx %arg10[%add3A_2252, %select_n3A_2274] : memref<128x128xf32, #tpu.memory_space<vmem>>[vector<16xi32>, vector<16xi32>], vector<16xf32>,
    %add3A_2276 = arith.constant 480 : i32
    %add3A_2277 = vector.broadcast %add3A_2276 : i32 to vector<16xi32>
    %add3A_2278 = arith.addi %iota3A, %add3A_2277 : vector<16xi32>
    tpu.vector_store_idx %arg11[%add3A_2278, %broadcast_in_dim3A_28], %gather3A_2275 : memref<512x128xf32, #tpu.memory_space<vmem>>[vector<16xi32>, vector<16xi32>], vector<16xf32>,
    %get3A_2279 = arith.constant 0 : i32
    %get3A_2280 = arith.index_cast %get3A_2279 : i32 to index
    %get3A_2281 = arith.constant 496 : index
    %get3A_2282 = tpu.vector_load %arg6[%get3A_2280, %get3A_2281] {strides = array<i32>} : memref<2x512xi32, #tpu.memory_space<vmem>>, vector<16xi32>,
    %add3A_2283 = arith.constant 112 : i32
    %add3A_2284 = vector.broadcast %add3A_2283 : i32 to vector<16xi32>
    %add3A_2285 = arith.addi %iota3A, %add3A_2284 : vector<16xi32>
    %jit3A_2286 = arith.constant 128 : i32
    %eq3A_2287 = arith.constant 0 : i32
    %eq3A_2288 = arith.cmpi eq, %jit3A_2286, %eq3A_2287 : i32
    %jit3A_2289 = arith.constant 1 : i32
    %select_n3A_2290 = arith.select %eq3A_2288, %jit3A_2289, %jit3A_2286 : i32
    %rem3A_2291 = vector.broadcast %select_n3A_2290 : i32 to vector<16xi32>
    %rem3A_2292 = arith.remsi %get3A_2282, %rem3A_2291 : vector<16xi32>
    %ne3A_2293 = arith.constant 0 : i32
    %ne3A_2294 = vector.broadcast %ne3A_2293 : i32 to vector<16xi32>
    %ne3A_2295 = arith.cmpi ne, %rem3A_2292, %ne3A_2294 : vector<16xi32>
    %lt3A_2296 = arith.constant 0 : i32
    %lt3A_2297 = vector.broadcast %lt3A_2296 : i32 to vector<16xi32>
    %lt3A_2298 = arith.cmpi slt, %rem3A_2292, %lt3A_2297 : vector<16xi32>
    %lt3A_2299 = arith.constant 0 : i32
    %lt3A_2300 = arith.cmpi slt, %select_n3A_2290, %lt3A_2299 : i32
    %ne3A_2301 = vector.broadcast %lt3A_2300 : i1 to vector<16xi1>
    %ne3A_2302 = vector.broadcast %ne3A_2301 : vector<16xi1> to vector<16xi1>
    %ne3A_2303 = arith.xori %lt3A_2298, %ne3A_2302 : vector<16xi1>
    %and3A_2304 = arith.andi %ne3A_2303, %ne3A_2295 : vector<16xi1>
    %add3A_2305 = vector.broadcast %select_n3A_2290 : i32 to vector<16xi32>
    %add3A_2306 = arith.addi %rem3A_2292, %add3A_2305 : vector<16xi32>
    %select_n3A_2307 = arith.select %and3A_2304, %add3A_2306, %rem3A_2292 : vector<16xi1>, vector<16xi32>
    %gather3A_2308 = tpu.vector_load_idx %arg10[%add3A_2285, %select_n3A_2307] : memref<128x128xf32, #tpu.memory_space<vmem>>[vector<16xi32>, vector<16xi32>], vector<16xf32>,
    %add3A_2309 = arith.constant 496 : i32
    %add3A_2310 = vector.broadcast %add3A_2309 : i32 to vector<16xi32>
    %add3A_2311 = arith.addi %iota3A, %add3A_2310 : vector<16xi32>
    tpu.vector_store_idx %arg11[%add3A_2311, %broadcast_in_dim3A_28], %gather3A_2308 : memref<512x128xf32, #tpu.memory_space<vmem>>[vector<16xi32>, vector<16xi32>], vector<16xf32>,
    %get3A_2312 = arith.constant 1 : i32
    %get3A_2313 = arith.index_cast %get3A_2312 : i32 to index
    %get3A_2314 = arith.constant 0 : index
    %get3A_2315 = tpu.vector_load %arg6[%get3A_2313, %get3A_2314] {strides = array<i32>} : memref<2x512xi32, #tpu.memory_space<vmem>>, vector<16xi32>,
    %add3A_2316 = arith.constant 0 : i32
    %add3A_2317 = vector.broadcast %add3A_2316 : i32 to vector<16xi32>
    %add3A_2318 = arith.addi %iota3A, %add3A_2317 : vector<16xi32>
    %jit3A_2319 = arith.constant 128 : i32
    %div3A_2320 = vector.broadcast %jit3A_2319 : i32 to vector<16xi32>
    %div3A_2321 = arith.divsi %get3A_2315, %div3A_2320 : vector<16xi32>
    %sign3A_2322 = arith.constant 0 : i32
    %sign3A_2323 = vector.broadcast %sign3A_2322 : i32 to vector<16xi32>
    %sign3A_2324 = arith.cmpi sgt, %get3A_2315, %sign3A_2323 : vector<16xi32>
    %sign3A_2325 = arith.extui %sign3A_2324 : vector<16xi1> to vector<16xi32>
    %sign3A_2326 = arith.constant 0 : i32
    %sign3A_2327 = vector.broadcast %sign3A_2326 : i32 to vector<16xi32>
    %sign3A_2328 = arith.cmpi slt, %get3A_2315, %sign3A_2327 : vector<16xi32>
    %sign3A_2329 = arith.extui %sign3A_2328 : vector<16xi1> to vector<16xi32>
    %sign3A_2330 = arith.subi %sign3A_2325, %sign3A_2329 : vector<16xi32>
    %sign3A_2331 = arith.constant 0 : i32
    %sign3A_2332 = arith.cmpi sgt, %jit3A_2319, %sign3A_2331 : i32
    %sign3A_2333 = arith.extui %sign3A_2332 : i1 to i32
    %sign3A_2334 = arith.constant 0 : i32
    %sign3A_2335 = arith.cmpi slt, %jit3A_2319, %sign3A_2334 : i32
    %sign3A_2336 = arith.extui %sign3A_2335 : i1 to i32
    %sign3A_2337 = arith.subi %sign3A_2333, %sign3A_2336 : i32
    %ne3A_2338 = vector.broadcast %sign3A_2337 : i32 to vector<16xi32>
    %ne3A_2339 = arith.cmpi ne, %sign3A_2330, %ne3A_2338 : vector<16xi32>
    %rem3A_2340 = vector.broadcast %jit3A_2319 : i32 to vector<16xi32>
    %rem3A_2341 = arith.remsi %get3A_2315, %rem3A_2340 : vector<16xi32>
    %ne3A_2342 = arith.constant 0 : i32
    %ne3A_2343 = vector.broadcast %ne3A_2342 : i32 to vector<16xi32>
    %ne3A_2344 = arith.cmpi ne, %rem3A_2341, %ne3A_2343 : vector<16xi32>
    %and3A_2345 = arith.andi %ne3A_2339, %ne3A_2344 : vector<16xi1>
    %sub3A_2346 = arith.constant 1 : i32
    %sub3A_2347 = vector.broadcast %sub3A_2346 : i32 to vector<16xi32>
    %sub3A_2348 = arith.subi %div3A_2321, %sub3A_2347 : vector<16xi32>
    %select_n3A_2349 = arith.select %and3A_2345, %sub3A_2348, %div3A_2321 : vector<16xi1>, vector<16xi32>
    tpu.vector_store_idx %arg9[%add3A_2318], %select_n3A_2349 : memref<128xi32, #tpu.memory_space<vmem>>[vector<16xi32>], vector<16xi32>,
    %get3A_2350 = arith.constant 1 : i32
    %get3A_2351 = arith.index_cast %get3A_2350 : i32 to index
    %get3A_2352 = arith.constant 16 : index
    %get3A_2353 = tpu.vector_load %arg6[%get3A_2351, %get3A_2352] {strides = array<i32>} : memref<2x512xi32, #tpu.memory_space<vmem>>, vector<16xi32>,
    %add3A_2354 = arith.constant 16 : i32
    %add3A_2355 = vector.broadcast %add3A_2354 : i32 to vector<16xi32>
    %add3A_2356 = arith.addi %iota3A, %add3A_2355 : vector<16xi32>
    %jit3A_2357 = arith.constant 128 : i32
    %div3A_2358 = vector.broadcast %jit3A_2357 : i32 to vector<16xi32>
    %div3A_2359 = arith.divsi %get3A_2353, %div3A_2358 : vector<16xi32>
    %sign3A_2360 = arith.constant 0 : i32
    %sign3A_2361 = vector.broadcast %sign3A_2360 : i32 to vector<16xi32>
    %sign3A_2362 = arith.cmpi sgt, %get3A_2353, %sign3A_2361 : vector<16xi32>
    %sign3A_2363 = arith.extui %sign3A_2362 : vector<16xi1> to vector<16xi32>
    %sign3A_2364 = arith.constant 0 : i32
    %sign3A_2365 = vector.broadcast %sign3A_2364 : i32 to vector<16xi32>
    %sign3A_2366 = arith.cmpi slt, %get3A_2353, %sign3A_2365 : vector<16xi32>
    %sign3A_2367 = arith.extui %sign3A_2366 : vector<16xi1> to vector<16xi32>
    %sign3A_2368 = arith.subi %sign3A_2363, %sign3A_2367 : vector<16xi32>
    %sign3A_2369 = arith.constant 0 : i32
    %sign3A_2370 = arith.cmpi sgt, %jit3A_2357, %sign3A_2369 : i32
    %sign3A_2371 = arith.extui %sign3A_2370 : i1 to i32
    %sign3A_2372 = arith.constant 0 : i32
    %sign3A_2373 = arith.cmpi slt, %jit3A_2357, %sign3A_2372 : i32
    %sign3A_2374 = arith.extui %sign3A_2373 : i1 to i32
    %sign3A_2375 = arith.subi %sign3A_2371, %sign3A_2374 : i32
    %ne3A_2376 = vector.broadcast %sign3A_2375 : i32 to vector<16xi32>
    %ne3A_2377 = arith.cmpi ne, %sign3A_2368, %ne3A_2376 : vector<16xi32>
    %rem3A_2378 = vector.broadcast %jit3A_2357 : i32 to vector<16xi32>
    %rem3A_2379 = arith.remsi %get3A_2353, %rem3A_2378 : vector<16xi32>
    %ne3A_2380 = arith.constant 0 : i32
    %ne3A_2381 = vector.broadcast %ne3A_2380 : i32 to vector<16xi32>
    %ne3A_2382 = arith.cmpi ne, %rem3A_2379, %ne3A_2381 : vector<16xi32>
    %and3A_2383 = arith.andi %ne3A_2377, %ne3A_2382 : vector<16xi1>
    %sub3A_2384 = arith.constant 1 : i32
    %sub3A_2385 = vector.broadcast %sub3A_2384 : i32 to vector<16xi32>
    %sub3A_2386 = arith.subi %div3A_2359, %sub3A_2385 : vector<16xi32>
    %select_n3A_2387 = arith.select %and3A_2383, %sub3A_2386, %div3A_2359 : vector<16xi1>, vector<16xi32>
    tpu.vector_store_idx %arg9[%add3A_2356], %select_n3A_2387 : memref<128xi32, #tpu.memory_space<vmem>>[vector<16xi32>], vector<16xi32>,
    %get3A_2388 = arith.constant 1 : i32
    %get3A_2389 = arith.index_cast %get3A_2388 : i32 to index
    %get3A_2390 = arith.constant 32 : index
    %get3A_2391 = tpu.vector_load %arg6[%get3A_2389, %get3A_2390] {strides = array<i32>} : memref<2x512xi32, #tpu.memory_space<vmem>>, vector<16xi32>,
    %add3A_2392 = arith.constant 32 : i32
    %add3A_2393 = vector.broadcast %add3A_2392 : i32 to vector<16xi32>
    %add3A_2394 = arith.addi %iota3A, %add3A_2393 : vector<16xi32>
    %jit3A_2395 = arith.constant 128 : i32
    %div3A_2396 = vector.broadcast %jit3A_2395 : i32 to vector<16xi32>
    %div3A_2397 = arith.divsi %get3A_2391, %div3A_2396 : vector<16xi32>
    %sign3A_2398 = arith.constant 0 : i32
    %sign3A_2399 = vector.broadcast %sign3A_2398 : i32 to vector<16xi32>
    %sign3A_2400 = arith.cmpi sgt, %get3A_2391, %sign3A_2399 : vector<16xi32>
    %sign3A_2401 = arith.extui %sign3A_2400 : vector<16xi1> to vector<16xi32>
    %sign3A_2402 = arith.constant 0 : i32
    %sign3A_2403 = vector.broadcast %sign3A_2402 : i32 to vector<16xi32>
    %sign3A_2404 = arith.cmpi slt, %get3A_2391, %sign3A_2403 : vector<16xi32>
    %sign3A_2405 = arith.extui %sign3A_2404 : vector<16xi1> to vector<16xi32>
    %sign3A_2406 = arith.subi %sign3A_2401, %sign3A_2405 : vector<16xi32>
    %sign3A_2407 = arith.constant 0 : i32
    %sign3A_2408 = arith.cmpi sgt, %jit3A_2395, %sign3A_2407 : i32
    %sign3A_2409 = arith.extui %sign3A_2408 : i1 to i32
    %sign3A_2410 = arith.constant 0 : i32
    %sign3A_2411 = arith.cmpi slt, %jit3A_2395, %sign3A_2410 : i32
    %sign3A_2412 = arith.extui %sign3A_2411 : i1 to i32
    %sign3A_2413 = arith.subi %sign3A_2409, %sign3A_2412 : i32
    %ne3A_2414 = vector.broadcast %sign3A_2413 : i32 to vector<16xi32>
    %ne3A_2415 = arith.cmpi ne, %sign3A_2406, %ne3A_2414 : vector<16xi32>
    %rem3A_2416 = vector.broadcast %jit3A_2395 : i32 to vector<16xi32>
    %rem3A_2417 = arith.remsi %get3A_2391, %rem3A_2416 : vector<16xi32>
    %ne3A_2418 = arith.constant 0 : i32
    %ne3A_2419 = vector.broadcast %ne3A_2418 : i32 to vector<16xi32>
    %ne3A_2420 = arith.cmpi ne, %rem3A_2417, %ne3A_2419 : vector<16xi32>
    %and3A_2421 = arith.andi %ne3A_2415, %ne3A_2420 : vector<16xi1>
    %sub3A_2422 = arith.constant 1 : i32
    %sub3A_2423 = vector.broadcast %sub3A_2422 : i32 to vector<16xi32>
    %sub3A_2424 = arith.subi %div3A_2397, %sub3A_2423 : vector<16xi32>
    %select_n3A_2425 = arith.select %and3A_2421, %sub3A_2424, %div3A_2397 : vector<16xi1>, vector<16xi32>
    tpu.vector_store_idx %arg9[%add3A_2394], %select_n3A_2425 : memref<128xi32, #tpu.memory_space<vmem>>[vector<16xi32>], vector<16xi32>,
    %get3A_2426 = arith.constant 1 : i32
    %get3A_2427 = arith.index_cast %get3A_2426 : i32 to index
    %get3A_2428 = arith.constant 48 : index
    %get3A_2429 = tpu.vector_load %arg6[%get3A_2427, %get3A_2428] {strides = array<i32>} : memref<2x512xi32, #tpu.memory_space<vmem>>, vector<16xi32>,
    %add3A_2430 = arith.constant 48 : i32
    %add3A_2431 = vector.broadcast %add3A_2430 : i32 to vector<16xi32>
    %add3A_2432 = arith.addi %iota3A, %add3A_2431 : vector<16xi32>
    %jit3A_2433 = arith.constant 128 : i32
    %div3A_2434 = vector.broadcast %jit3A_2433 : i32 to vector<16xi32>
    %div3A_2435 = arith.divsi %get3A_2429, %div3A_2434 : vector<16xi32>
    %sign3A_2436 = arith.constant 0 : i32
    %sign3A_2437 = vector.broadcast %sign3A_2436 : i32 to vector<16xi32>
    %sign3A_2438 = arith.cmpi sgt, %get3A_2429, %sign3A_2437 : vector<16xi32>
    %sign3A_2439 = arith.extui %sign3A_2438 : vector<16xi1> to vector<16xi32>
    %sign3A_2440 = arith.constant 0 : i32
    %sign3A_2441 = vector.broadcast %sign3A_2440 : i32 to vector<16xi32>
    %sign3A_2442 = arith.cmpi slt, %get3A_2429, %sign3A_2441 : vector<16xi32>
    %sign3A_2443 = arith.extui %sign3A_2442 : vector<16xi1> to vector<16xi32>
    %sign3A_2444 = arith.subi %sign3A_2439, %sign3A_2443 : vector<16xi32>
    %sign3A_2445 = arith.constant 0 : i32
    %sign3A_2446 = arith.cmpi sgt, %jit3A_2433, %sign3A_2445 : i32
    %sign3A_2447 = arith.extui %sign3A_2446 : i1 to i32
    %sign3A_2448 = arith.constant 0 : i32
    %sign3A_2449 = arith.cmpi slt, %jit3A_2433, %sign3A_2448 : i32
    %sign3A_2450 = arith.extui %sign3A_2449 : i1 to i32
    %sign3A_2451 = arith.subi %sign3A_2447, %sign3A_2450 : i32
    %ne3A_2452 = vector.broadcast %sign3A_2451 : i32 to vector<16xi32>
    %ne3A_2453 = arith.cmpi ne, %sign3A_2444, %ne3A_2452 : vector<16xi32>
    %rem3A_2454 = vector.broadcast %jit3A_2433 : i32 to vector<16xi32>
    %rem3A_2455 = arith.remsi %get3A_2429, %rem3A_2454 : vector<16xi32>
    %ne3A_2456 = arith.constant 0 : i32
    %ne3A_2457 = vector.broadcast %ne3A_2456 : i32 to vector<16xi32>
    %ne3A_2458 = arith.cmpi ne, %rem3A_2455, %ne3A_2457 : vector<16xi32>
    %and3A_2459 = arith.andi %ne3A_2453, %ne3A_2458 : vector<16xi1>
    %sub3A_2460 = arith.constant 1 : i32
    %sub3A_2461 = vector.broadcast %sub3A_2460 : i32 to vector<16xi32>
    %sub3A_2462 = arith.subi %div3A_2435, %sub3A_2461 : vector<16xi32>
    %select_n3A_2463 = arith.select %and3A_2459, %sub3A_2462, %div3A_2435 : vector<16xi1>, vector<16xi32>
    tpu.vector_store_idx %arg9[%add3A_2432], %select_n3A_2463 : memref<128xi32, #tpu.memory_space<vmem>>[vector<16xi32>], vector<16xi32>,
    %get3A_2464 = arith.constant 1 : i32
    %get3A_2465 = arith.index_cast %get3A_2464 : i32 to index
    %get3A_2466 = arith.constant 64 : index
    %get3A_2467 = tpu.vector_load %arg6[%get3A_2465, %get3A_2466] {strides = array<i32>} : memref<2x512xi32, #tpu.memory_space<vmem>>, vector<16xi32>,
    %add3A_2468 = arith.constant 64 : i32
    %add3A_2469 = vector.broadcast %add3A_2468 : i32 to vector<16xi32>
    %add3A_2470 = arith.addi %iota3A, %add3A_2469 : vector<16xi32>
    %jit3A_2471 = arith.constant 128 : i32
    %div3A_2472 = vector.broadcast %jit3A_2471 : i32 to vector<16xi32>
    %div3A_2473 = arith.divsi %get3A_2467, %div3A_2472 : vector<16xi32>
    %sign3A_2474 = arith.constant 0 : i32
    %sign3A_2475 = vector.broadcast %sign3A_2474 : i32 to vector<16xi32>
    %sign3A_2476 = arith.cmpi sgt, %get3A_2467, %sign3A_2475 : vector<16xi32>
    %sign3A_2477 = arith.extui %sign3A_2476 : vector<16xi1> to vector<16xi32>
    %sign3A_2478 = arith.constant 0 : i32
    %sign3A_2479 = vector.broadcast %sign3A_2478 : i32 to vector<16xi32>
    %sign3A_2480 = arith.cmpi slt, %get3A_2467, %sign3A_2479 : vector<16xi32>
    %sign3A_2481 = arith.extui %sign3A_2480 : vector<16xi1> to vector<16xi32>
    %sign3A_2482 = arith.subi %sign3A_2477, %sign3A_2481 : vector<16xi32>
    %sign3A_2483 = arith.constant 0 : i32
    %sign3A_2484 = arith.cmpi sgt, %jit3A_2471, %sign3A_2483 : i32
    %sign3A_2485 = arith.extui %sign3A_2484 : i1 to i32
    %sign3A_2486 = arith.constant 0 : i32
    %sign3A_2487 = arith.cmpi slt, %jit3A_2471, %sign3A_2486 : i32
    %sign3A_2488 = arith.extui %sign3A_2487 : i1 to i32
    %sign3A_2489 = arith.subi %sign3A_2485, %sign3A_2488 : i32
    %ne3A_2490 = vector.broadcast %sign3A_2489 : i32 to vector<16xi32>
    %ne3A_2491 = arith.cmpi ne, %sign3A_2482, %ne3A_2490 : vector<16xi32>
    %rem3A_2492 = vector.broadcast %jit3A_2471 : i32 to vector<16xi32>
    %rem3A_2493 = arith.remsi %get3A_2467, %rem3A_2492 : vector<16xi32>
    %ne3A_2494 = arith.constant 0 : i32
    %ne3A_2495 = vector.broadcast %ne3A_2494 : i32 to vector<16xi32>
    %ne3A_2496 = arith.cmpi ne, %rem3A_2493, %ne3A_2495 : vector<16xi32>
    %and3A_2497 = arith.andi %ne3A_2491, %ne3A_2496 : vector<16xi1>
    %sub3A_2498 = arith.constant 1 : i32
    %sub3A_2499 = vector.broadcast %sub3A_2498 : i32 to vector<16xi32>
    %sub3A_2500 = arith.subi %div3A_2473, %sub3A_2499 : vector<16xi32>
    %select_n3A_2501 = arith.select %and3A_2497, %sub3A_2500, %div3A_2473 : vector<16xi1>, vector<16xi32>
    tpu.vector_store_idx %arg9[%add3A_2470], %select_n3A_2501 : memref<128xi32, #tpu.memory_space<vmem>>[vector<16xi32>], vector<16xi32>,
    %get3A_2502 = arith.constant 1 : i32
    %get3A_2503 = arith.index_cast %get3A_2502 : i32 to index
    %get3A_2504 = arith.constant 80 : index
    %get3A_2505 = tpu.vector_load %arg6[%get3A_2503, %get3A_2504] {strides = array<i32>} : memref<2x512xi32, #tpu.memory_space<vmem>>, vector<16xi32>,
    %add3A_2506 = arith.constant 80 : i32
    %add3A_2507 = vector.broadcast %add3A_2506 : i32 to vector<16xi32>
    %add3A_2508 = arith.addi %iota3A, %add3A_2507 : vector<16xi32>
    %jit3A_2509 = arith.constant 128 : i32
    %div3A_2510 = vector.broadcast %jit3A_2509 : i32 to vector<16xi32>
    %div3A_2511 = arith.divsi %get3A_2505, %div3A_2510 : vector<16xi32>
    %sign3A_2512 = arith.constant 0 : i32
    %sign3A_2513 = vector.broadcast %sign3A_2512 : i32 to vector<16xi32>
    %sign3A_2514 = arith.cmpi sgt, %get3A_2505, %sign3A_2513 : vector<16xi32>
    %sign3A_2515 = arith.extui %sign3A_2514 : vector<16xi1> to vector<16xi32>
    %sign3A_2516 = arith.constant 0 : i32
    %sign3A_2517 = vector.broadcast %sign3A_2516 : i32 to vector<16xi32>
    %sign3A_2518 = arith.cmpi slt, %get3A_2505, %sign3A_2517 : vector<16xi32>
    %sign3A_2519 = arith.extui %sign3A_2518 : vector<16xi1> to vector<16xi32>
    %sign3A_2520 = arith.subi %sign3A_2515, %sign3A_2519 : vector<16xi32>
    %sign3A_2521 = arith.constant 0 : i32
    %sign3A_2522 = arith.cmpi sgt, %jit3A_2509, %sign3A_2521 : i32
    %sign3A_2523 = arith.extui %sign3A_2522 : i1 to i32
    %sign3A_2524 = arith.constant 0 : i32
    %sign3A_2525 = arith.cmpi slt, %jit3A_2509, %sign3A_2524 : i32
    %sign3A_2526 = arith.extui %sign3A_2525 : i1 to i32
    %sign3A_2527 = arith.subi %sign3A_2523, %sign3A_2526 : i32
    %ne3A_2528 = vector.broadcast %sign3A_2527 : i32 to vector<16xi32>
    %ne3A_2529 = arith.cmpi ne, %sign3A_2520, %ne3A_2528 : vector<16xi32>
    %rem3A_2530 = vector.broadcast %jit3A_2509 : i32 to vector<16xi32>
    %rem3A_2531 = arith.remsi %get3A_2505, %rem3A_2530 : vector<16xi32>
    %ne3A_2532 = arith.constant 0 : i32
    %ne3A_2533 = vector.broadcast %ne3A_2532 : i32 to vector<16xi32>
    %ne3A_2534 = arith.cmpi ne, %rem3A_2531, %ne3A_2533 : vector<16xi32>
    %and3A_2535 = arith.andi %ne3A_2529, %ne3A_2534 : vector<16xi1>
    %sub3A_2536 = arith.constant 1 : i32
    %sub3A_2537 = vector.broadcast %sub3A_2536 : i32 to vector<16xi32>
    %sub3A_2538 = arith.subi %div3A_2511, %sub3A_2537 : vector<16xi32>
    %select_n3A_2539 = arith.select %and3A_2535, %sub3A_2538, %div3A_2511 : vector<16xi1>, vector<16xi32>
    tpu.vector_store_idx %arg9[%add3A_2508], %select_n3A_2539 : memref<128xi32, #tpu.memory_space<vmem>>[vector<16xi32>], vector<16xi32>,
    %get3A_2540 = arith.constant 1 : i32
    %get3A_2541 = arith.index_cast %get3A_2540 : i32 to index
    %get3A_2542 = arith.constant 96 : index
    %get3A_2543 = tpu.vector_load %arg6[%get3A_2541, %get3A_2542] {strides = array<i32>} : memref<2x512xi32, #tpu.memory_space<vmem>>, vector<16xi32>,
    %add3A_2544 = arith.constant 96 : i32
    %add3A_2545 = vector.broadcast %add3A_2544 : i32 to vector<16xi32>
    %add3A_2546 = arith.addi %iota3A, %add3A_2545 : vector<16xi32>
    %jit3A_2547 = arith.constant 128 : i32
    %div3A_2548 = vector.broadcast %jit3A_2547 : i32 to vector<16xi32>
    %div3A_2549 = arith.divsi %get3A_2543, %div3A_2548 : vector<16xi32>
    %sign3A_2550 = arith.constant 0 : i32
    %sign3A_2551 = vector.broadcast %sign3A_2550 : i32 to vector<16xi32>
    %sign3A_2552 = arith.cmpi sgt, %get3A_2543, %sign3A_2551 : vector<16xi32>
    %sign3A_2553 = arith.extui %sign3A_2552 : vector<16xi1> to vector<16xi32>
    %sign3A_2554 = arith.constant 0 : i32
    %sign3A_2555 = vector.broadcast %sign3A_2554 : i32 to vector<16xi32>
    %sign3A_2556 = arith.cmpi slt, %get3A_2543, %sign3A_2555 : vector<16xi32>
    %sign3A_2557 = arith.extui %sign3A_2556 : vector<16xi1> to vector<16xi32>
    %sign3A_2558 = arith.subi %sign3A_2553, %sign3A_2557 : vector<16xi32>
    %sign3A_2559 = arith.constant 0 : i32
    %sign3A_2560 = arith.cmpi sgt, %jit3A_2547, %sign3A_2559 : i32
    %sign3A_2561 = arith.extui %sign3A_2560 : i1 to i32
    %sign3A_2562 = arith.constant 0 : i32
    %sign3A_2563 = arith.cmpi slt, %jit3A_2547, %sign3A_2562 : i32
    %sign3A_2564 = arith.extui %sign3A_2563 : i1 to i32
    %sign3A_2565 = arith.subi %sign3A_2561, %sign3A_2564 : i32
    %ne3A_2566 = vector.broadcast %sign3A_2565 : i32 to vector<16xi32>
    %ne3A_2567 = arith.cmpi ne, %sign3A_2558, %ne3A_2566 : vector<16xi32>
    %rem3A_2568 = vector.broadcast %jit3A_2547 : i32 to vector<16xi32>
    %rem3A_2569 = arith.remsi %get3A_2543, %rem3A_2568 : vector<16xi32>
    %ne3A_2570 = arith.constant 0 : i32
    %ne3A_2571 = vector.broadcast %ne3A_2570 : i32 to vector<16xi32>
    %ne3A_2572 = arith.cmpi ne, %rem3A_2569, %ne3A_2571 : vector<16xi32>
    %and3A_2573 = arith.andi %ne3A_2567, %ne3A_2572 : vector<16xi1>
    %sub3A_2574 = arith.constant 1 : i32
    %sub3A_2575 = vector.broadcast %sub3A_2574 : i32 to vector<16xi32>
    %sub3A_2576 = arith.subi %div3A_2549, %sub3A_2575 : vector<16xi32>
    %select_n3A_2577 = arith.select %and3A_2573, %sub3A_2576, %div3A_2549 : vector<16xi1>, vector<16xi32>
    tpu.vector_store_idx %arg9[%add3A_2546], %select_n3A_2577 : memref<128xi32, #tpu.memory_space<vmem>>[vector<16xi32>], vector<16xi32>,
    %get3A_2578 = arith.constant 1 : i32
    %get3A_2579 = arith.index_cast %get3A_2578 : i32 to index
    %get3A_2580 = arith.constant 112 : index
    %get3A_2581 = tpu.vector_load %arg6[%get3A_2579, %get3A_2580] {strides = array<i32>} : memref<2x512xi32, #tpu.memory_space<vmem>>, vector<16xi32>,
    %add3A_2582 = arith.constant 112 : i32
    %add3A_2583 = vector.broadcast %add3A_2582 : i32 to vector<16xi32>
    %add3A_2584 = arith.addi %iota3A, %add3A_2583 : vector<16xi32>
    %jit3A_2585 = arith.constant 128 : i32
    %div3A_2586 = vector.broadcast %jit3A_2585 : i32 to vector<16xi32>
    %div3A_2587 = arith.divsi %get3A_2581, %div3A_2586 : vector<16xi32>
    %sign3A_2588 = arith.constant 0 : i32
    %sign3A_2589 = vector.broadcast %sign3A_2588 : i32 to vector<16xi32>
    %sign3A_2590 = arith.cmpi sgt, %get3A_2581, %sign3A_2589 : vector<16xi32>
    %sign3A_2591 = arith.extui %sign3A_2590 : vector<16xi1> to vector<16xi32>
    %sign3A_2592 = arith.constant 0 : i32
    %sign3A_2593 = vector.broadcast %sign3A_2592 : i32 to vector<16xi32>
    %sign3A_2594 = arith.cmpi slt, %get3A_2581, %sign3A_2593 : vector<16xi32>
    %sign3A_2595 = arith.extui %sign3A_2594 : vector<16xi1> to vector<16xi32>
    %sign3A_2596 = arith.subi %sign3A_2591, %sign3A_2595 : vector<16xi32>
    %sign3A_2597 = arith.constant 0 : i32
    %sign3A_2598 = arith.cmpi sgt, %jit3A_2585, %sign3A_2597 : i32
    %sign3A_2599 = arith.extui %sign3A_2598 : i1 to i32
    %sign3A_2600 = arith.constant 0 : i32
    %sign3A_2601 = arith.cmpi slt, %jit3A_2585, %sign3A_2600 : i32
    %sign3A_2602 = arith.extui %sign3A_2601 : i1 to i32
    %sign3A_2603 = arith.subi %sign3A_2599, %sign3A_2602 : i32
    %ne3A_2604 = vector.broadcast %sign3A_2603 : i32 to vector<16xi32>
    %ne3A_2605 = arith.cmpi ne, %sign3A_2596, %ne3A_2604 : vector<16xi32>
    %rem3A_2606 = vector.broadcast %jit3A_2585 : i32 to vector<16xi32>
    %rem3A_2607 = arith.remsi %get3A_2581, %rem3A_2606 : vector<16xi32>
    %ne3A_2608 = arith.constant 0 : i32
    %ne3A_2609 = vector.broadcast %ne3A_2608 : i32 to vector<16xi32>
    %ne3A_2610 = arith.cmpi ne, %rem3A_2607, %ne3A_2609 : vector<16xi32>
    %and3A_2611 = arith.andi %ne3A_2605, %ne3A_2610 : vector<16xi1>
    %sub3A_2612 = arith.constant 1 : i32
    %sub3A_2613 = vector.broadcast %sub3A_2612 : i32 to vector<16xi32>
    %sub3A_2614 = arith.subi %div3A_2587, %sub3A_2613 : vector<16xi32>
    %select_n3A_2615 = arith.select %and3A_2611, %sub3A_2614, %div3A_2587 : vector<16xi1>, vector<16xi32>
    tpu.vector_store_idx %arg9[%add3A_2584], %select_n3A_2615 : memref<128xi32, #tpu.memory_space<vmem>>[vector<16xi32>], vector<16xi32>,
    %dma_start3A_2616 = arith.constant 0 : i32
    %dma_start3A_2617 = arith.constant 0 : i32
    %dma_start3A_2618 = tpu.memref_slice %arg4[%dma_start3A_2616, %dma_start3A_2617] : memref<15625x128xf32, #tpu.memory_space<hbm>> -> memref<15625x128xf32, #tpu.memory_space<hbm>>
    tpu.enqueue_indirect_dma source(%dma_start3A_2618 : memref<15625x128xf32, #tpu.memory_space<hbm>>) target(%arg10 : memref<128x128xf32, #tpu.memory_space<vmem>>) offsets(%arg9 : memref<128xi32, #tpu.memory_space<vmem>>) semaphore(%arg13 : memref<!tpu.dma_semaphore, #tpu.memory_space<semaphore_mem>>)
    %dma_wait3A_2619 = arith.constant 0 : i32
    %dma_wait3A_2620 = arith.constant 0 : i32
    %dma_wait3A_2621 = tpu.memref_slice %arg4[%dma_wait3A_2619, %dma_wait3A_2620] : memref<15625x128xf32, #tpu.memory_space<hbm>> -> memref<15625x128xf32, #tpu.memory_space<hbm>>
    tpu.wait_indirect_dma semaphore(%arg13 : memref<!tpu.dma_semaphore, #tpu.memory_space<semaphore_mem>>) src(%dma_wait3A_2621 : memref<15625x128xf32, #tpu.memory_space<hbm>>) dst(%arg10 : memref<128x128xf32, #tpu.memory_space<vmem>>)
    %get3A_2622 = arith.constant 1 : i32
    %get3A_2623 = arith.index_cast %get3A_2622 : i32 to index
    %get3A_2624 = arith.constant 0 : index
    %get3A_2625 = tpu.vector_load %arg6[%get3A_2623, %get3A_2624] {strides = array<i32>} : memref<2x512xi32, #tpu.memory_space<vmem>>, vector<16xi32>,
    %add3A_2626 = arith.constant 0 : i32
    %add3A_2627 = vector.broadcast %add3A_2626 : i32 to vector<16xi32>
    %add3A_2628 = arith.addi %iota3A, %add3A_2627 : vector<16xi32>
    %jit3A_2629 = arith.constant 128 : i32
    %eq3A_2630 = arith.constant 0 : i32
    %eq3A_2631 = arith.cmpi eq, %jit3A_2629, %eq3A_2630 : i32
    %jit3A_2632 = arith.constant 1 : i32
    %select_n3A_2633 = arith.select %eq3A_2631, %jit3A_2632, %jit3A_2629 : i32
    %rem3A_2634 = vector.broadcast %select_n3A_2633 : i32 to vector<16xi32>
    %rem3A_2635 = arith.remsi %get3A_2625, %rem3A_2634 : vector<16xi32>
    %ne3A_2636 = arith.constant 0 : i32
    %ne3A_2637 = vector.broadcast %ne3A_2636 : i32 to vector<16xi32>
    %ne3A_2638 = arith.cmpi ne, %rem3A_2635, %ne3A_2637 : vector<16xi32>
    %lt3A_2639 = arith.constant 0 : i32
    %lt3A_2640 = vector.broadcast %lt3A_2639 : i32 to vector<16xi32>
    %lt3A_2641 = arith.cmpi slt, %rem3A_2635, %lt3A_2640 : vector<16xi32>
    %lt3A_2642 = arith.constant 0 : i32
    %lt3A_2643 = arith.cmpi slt, %select_n3A_2633, %lt3A_2642 : i32
    %ne3A_2644 = vector.broadcast %lt3A_2643 : i1 to vector<16xi1>
    %ne3A_2645 = vector.broadcast %ne3A_2644 : vector<16xi1> to vector<16xi1>
    %ne3A_2646 = arith.xori %lt3A_2641, %ne3A_2645 : vector<16xi1>
    %and3A_2647 = arith.andi %ne3A_2646, %ne3A_2638 : vector<16xi1>
    %add3A_2648 = vector.broadcast %select_n3A_2633 : i32 to vector<16xi32>
    %add3A_2649 = arith.addi %rem3A_2635, %add3A_2648 : vector<16xi32>
    %select_n3A_2650 = arith.select %and3A_2647, %add3A_2649, %rem3A_2635 : vector<16xi1>, vector<16xi32>
    %gather3A_2651 = tpu.vector_load_idx %arg10[%add3A_2628, %select_n3A_2650] : memref<128x128xf32, #tpu.memory_space<vmem>>[vector<16xi32>, vector<16xi32>], vector<16xf32>,
    %add3A_2652 = arith.constant 0 : i32
    %add3A_2653 = vector.broadcast %add3A_2652 : i32 to vector<16xi32>
    %add3A_2654 = arith.addi %iota3A, %add3A_2653 : vector<16xi32>
    tpu.vector_store_idx %arg11[%add3A_2654, %broadcast_in_dim3A_28], %gather3A_2651 {add = true} : memref<512x128xf32, #tpu.memory_space<vmem>>[vector<16xi32>, vector<16xi32>], vector<16xf32>,
    %get3A_2655 = arith.constant 1 : i32
    %get3A_2656 = arith.index_cast %get3A_2655 : i32 to index
    %get3A_2657 = arith.constant 16 : index
    %get3A_2658 = tpu.vector_load %arg6[%get3A_2656, %get3A_2657] {strides = array<i32>} : memref<2x512xi32, #tpu.memory_space<vmem>>, vector<16xi32>,
    %add3A_2659 = arith.constant 16 : i32
    %add3A_2660 = vector.broadcast %add3A_2659 : i32 to vector<16xi32>
    %add3A_2661 = arith.addi %iota3A, %add3A_2660 : vector<16xi32>
    %jit3A_2662 = arith.constant 128 : i32
    %eq3A_2663 = arith.constant 0 : i32
    %eq3A_2664 = arith.cmpi eq, %jit3A_2662, %eq3A_2663 : i32
    %jit3A_2665 = arith.constant 1 : i32
    %select_n3A_2666 = arith.select %eq3A_2664, %jit3A_2665, %jit3A_2662 : i32
    %rem3A_2667 = vector.broadcast %select_n3A_2666 : i32 to vector<16xi32>
    %rem3A_2668 = arith.remsi %get3A_2658, %rem3A_2667 : vector<16xi32>
    %ne3A_2669 = arith.constant 0 : i32
    %ne3A_2670 = vector.broadcast %ne3A_2669 : i32 to vector<16xi32>
    %ne3A_2671 = arith.cmpi ne, %rem3A_2668, %ne3A_2670 : vector<16xi32>
    %lt3A_2672 = arith.constant 0 : i32
    %lt3A_2673 = vector.broadcast %lt3A_2672 : i32 to vector<16xi32>
    %lt3A_2674 = arith.cmpi slt, %rem3A_2668, %lt3A_2673 : vector<16xi32>
    %lt3A_2675 = arith.constant 0 : i32
    %lt3A_2676 = arith.cmpi slt, %select_n3A_2666, %lt3A_2675 : i32
    %ne3A_2677 = vector.broadcast %lt3A_2676 : i1 to vector<16xi1>
    %ne3A_2678 = vector.broadcast %ne3A_2677 : vector<16xi1> to vector<16xi1>
    %ne3A_2679 = arith.xori %lt3A_2674, %ne3A_2678 : vector<16xi1>
    %and3A_2680 = arith.andi %ne3A_2679, %ne3A_2671 : vector<16xi1>
    %add3A_2681 = vector.broadcast %select_n3A_2666 : i32 to vector<16xi32>
    %add3A_2682 = arith.addi %rem3A_2668, %add3A_2681 : vector<16xi32>
    %select_n3A_2683 = arith.select %and3A_2680, %add3A_2682, %rem3A_2668 : vector<16xi1>, vector<16xi32>
    %gather3A_2684 = tpu.vector_load_idx %arg10[%add3A_2661, %select_n3A_2683] : memref<128x128xf32, #tpu.memory_space<vmem>>[vector<16xi32>, vector<16xi32>], vector<16xf32>,
    %add3A_2685 = arith.constant 16 : i32
    %add3A_2686 = vector.broadcast %add3A_2685 : i32 to vector<16xi32>
    %add3A_2687 = arith.addi %iota3A, %add3A_2686 : vector<16xi32>
    tpu.vector_store_idx %arg11[%add3A_2687, %broadcast_in_dim3A_28], %gather3A_2684 {add = true} : memref<512x128xf32, #tpu.memory_space<vmem>>[vector<16xi32>, vector<16xi32>], vector<16xf32>,
    %get3A_2688 = arith.constant 1 : i32
    %get3A_2689 = arith.index_cast %get3A_2688 : i32 to index
    %get3A_2690 = arith.constant 32 : index
    %get3A_2691 = tpu.vector_load %arg6[%get3A_2689, %get3A_2690] {strides = array<i32>} : memref<2x512xi32, #tpu.memory_space<vmem>>, vector<16xi32>,
    %add3A_2692 = arith.constant 32 : i32
    %add3A_2693 = vector.broadcast %add3A_2692 : i32 to vector<16xi32>
    %add3A_2694 = arith.addi %iota3A, %add3A_2693 : vector<16xi32>
    %jit3A_2695 = arith.constant 128 : i32
    %eq3A_2696 = arith.constant 0 : i32
    %eq3A_2697 = arith.cmpi eq, %jit3A_2695, %eq3A_2696 : i32
    %jit3A_2698 = arith.constant 1 : i32
    %select_n3A_2699 = arith.select %eq3A_2697, %jit3A_2698, %jit3A_2695 : i32
    %rem3A_2700 = vector.broadcast %select_n3A_2699 : i32 to vector<16xi32>
    %rem3A_2701 = arith.remsi %get3A_2691, %rem3A_2700 : vector<16xi32>
    %ne3A_2702 = arith.constant 0 : i32
    %ne3A_2703 = vector.broadcast %ne3A_2702 : i32 to vector<16xi32>
    %ne3A_2704 = arith.cmpi ne, %rem3A_2701, %ne3A_2703 : vector<16xi32>
    %lt3A_2705 = arith.constant 0 : i32
    %lt3A_2706 = vector.broadcast %lt3A_2705 : i32 to vector<16xi32>
    %lt3A_2707 = arith.cmpi slt, %rem3A_2701, %lt3A_2706 : vector<16xi32>
    %lt3A_2708 = arith.constant 0 : i32
    %lt3A_2709 = arith.cmpi slt, %select_n3A_2699, %lt3A_2708 : i32
    %ne3A_2710 = vector.broadcast %lt3A_2709 : i1 to vector<16xi1>
    %ne3A_2711 = vector.broadcast %ne3A_2710 : vector<16xi1> to vector<16xi1>
    %ne3A_2712 = arith.xori %lt3A_2707, %ne3A_2711 : vector<16xi1>
    %and3A_2713 = arith.andi %ne3A_2712, %ne3A_2704 : vector<16xi1>
    %add3A_2714 = vector.broadcast %select_n3A_2699 : i32 to vector<16xi32>
    %add3A_2715 = arith.addi %rem3A_2701, %add3A_2714 : vector<16xi32>
    %select_n3A_2716 = arith.select %and3A_2713, %add3A_2715, %rem3A_2701 : vector<16xi1>, vector<16xi32>
    %gather3A_2717 = tpu.vector_load_idx %arg10[%add3A_2694, %select_n3A_2716] : memref<128x128xf32, #tpu.memory_space<vmem>>[vector<16xi32>, vector<16xi32>], vector<16xf32>,
    %add3A_2718 = arith.constant 32 : i32
    %add3A_2719 = vector.broadcast %add3A_2718 : i32 to vector<16xi32>
    %add3A_2720 = arith.addi %iota3A, %add3A_2719 : vector<16xi32>
    tpu.vector_store_idx %arg11[%add3A_2720, %broadcast_in_dim3A_28], %gather3A_2717 {add = true} : memref<512x128xf32, #tpu.memory_space<vmem>>[vector<16xi32>, vector<16xi32>], vector<16xf32>,
    %get3A_2721 = arith.constant 1 : i32
    %get3A_2722 = arith.index_cast %get3A_2721 : i32 to index
    %get3A_2723 = arith.constant 48 : index
    %get3A_2724 = tpu.vector_load %arg6[%get3A_2722, %get3A_2723] {strides = array<i32>} : memref<2x512xi32, #tpu.memory_space<vmem>>, vector<16xi32>,
    %add3A_2725 = arith.constant 48 : i32
    %add3A_2726 = vector.broadcast %add3A_2725 : i32 to vector<16xi32>
    %add3A_2727 = arith.addi %iota3A, %add3A_2726 : vector<16xi32>
    %jit3A_2728 = arith.constant 128 : i32
    %eq3A_2729 = arith.constant 0 : i32
    %eq3A_2730 = arith.cmpi eq, %jit3A_2728, %eq3A_2729 : i32
    %jit3A_2731 = arith.constant 1 : i32
    %select_n3A_2732 = arith.select %eq3A_2730, %jit3A_2731, %jit3A_2728 : i32
    %rem3A_2733 = vector.broadcast %select_n3A_2732 : i32 to vector<16xi32>
    %rem3A_2734 = arith.remsi %get3A_2724, %rem3A_2733 : vector<16xi32>
    %ne3A_2735 = arith.constant 0 : i32
    %ne3A_2736 = vector.broadcast %ne3A_2735 : i32 to vector<16xi32>
    %ne3A_2737 = arith.cmpi ne, %rem3A_2734, %ne3A_2736 : vector<16xi32>
    %lt3A_2738 = arith.constant 0 : i32
    %lt3A_2739 = vector.broadcast %lt3A_2738 : i32 to vector<16xi32>
    %lt3A_2740 = arith.cmpi slt, %rem3A_2734, %lt3A_2739 : vector<16xi32>
    %lt3A_2741 = arith.constant 0 : i32
    %lt3A_2742 = arith.cmpi slt, %select_n3A_2732, %lt3A_2741 : i32
    %ne3A_2743 = vector.broadcast %lt3A_2742 : i1 to vector<16xi1>
    %ne3A_2744 = vector.broadcast %ne3A_2743 : vector<16xi1> to vector<16xi1>
    %ne3A_2745 = arith.xori %lt3A_2740, %ne3A_2744 : vector<16xi1>
    %and3A_2746 = arith.andi %ne3A_2745, %ne3A_2737 : vector<16xi1>
    %add3A_2747 = vector.broadcast %select_n3A_2732 : i32 to vector<16xi32>
    %add3A_2748 = arith.addi %rem3A_2734, %add3A_2747 : vector<16xi32>
    %select_n3A_2749 = arith.select %and3A_2746, %add3A_2748, %rem3A_2734 : vector<16xi1>, vector<16xi32>
    %gather3A_2750 = tpu.vector_load_idx %arg10[%add3A_2727, %select_n3A_2749] : memref<128x128xf32, #tpu.memory_space<vmem>>[vector<16xi32>, vector<16xi32>], vector<16xf32>,
    %add3A_2751 = arith.constant 48 : i32
    %add3A_2752 = vector.broadcast %add3A_2751 : i32 to vector<16xi32>
    %add3A_2753 = arith.addi %iota3A, %add3A_2752 : vector<16xi32>
    tpu.vector_store_idx %arg11[%add3A_2753, %broadcast_in_dim3A_28], %gather3A_2750 {add = true} : memref<512x128xf32, #tpu.memory_space<vmem>>[vector<16xi32>, vector<16xi32>], vector<16xf32>,
    %get3A_2754 = arith.constant 1 : i32
    %get3A_2755 = arith.index_cast %get3A_2754 : i32 to index
    %get3A_2756 = arith.constant 64 : index
    %get3A_2757 = tpu.vector_load %arg6[%get3A_2755, %get3A_2756] {strides = array<i32>} : memref<2x512xi32, #tpu.memory_space<vmem>>, vector<16xi32>,
    %add3A_2758 = arith.constant 64 : i32
    %add3A_2759 = vector.broadcast %add3A_2758 : i32 to vector<16xi32>
    %add3A_2760 = arith.addi %iota3A, %add3A_2759 : vector<16xi32>
    %jit3A_2761 = arith.constant 128 : i32
    %eq3A_2762 = arith.constant 0 : i32
    %eq3A_2763 = arith.cmpi eq, %jit3A_2761, %eq3A_2762 : i32
    %jit3A_2764 = arith.constant 1 : i32
    %select_n3A_2765 = arith.select %eq3A_2763, %jit3A_2764, %jit3A_2761 : i32
    %rem3A_2766 = vector.broadcast %select_n3A_2765 : i32 to vector<16xi32>
    %rem3A_2767 = arith.remsi %get3A_2757, %rem3A_2766 : vector<16xi32>
    %ne3A_2768 = arith.constant 0 : i32
    %ne3A_2769 = vector.broadcast %ne3A_2768 : i32 to vector<16xi32>
    %ne3A_2770 = arith.cmpi ne, %rem3A_2767, %ne3A_2769 : vector<16xi32>
    %lt3A_2771 = arith.constant 0 : i32
    %lt3A_2772 = vector.broadcast %lt3A_2771 : i32 to vector<16xi32>
    %lt3A_2773 = arith.cmpi slt, %rem3A_2767, %lt3A_2772 : vector<16xi32>
    %lt3A_2774 = arith.constant 0 : i32
    %lt3A_2775 = arith.cmpi slt, %select_n3A_2765, %lt3A_2774 : i32
    %ne3A_2776 = vector.broadcast %lt3A_2775 : i1 to vector<16xi1>
    %ne3A_2777 = vector.broadcast %ne3A_2776 : vector<16xi1> to vector<16xi1>
    %ne3A_2778 = arith.xori %lt3A_2773, %ne3A_2777 : vector<16xi1>
    %and3A_2779 = arith.andi %ne3A_2778, %ne3A_2770 : vector<16xi1>
    %add3A_2780 = vector.broadcast %select_n3A_2765 : i32 to vector<16xi32>
    %add3A_2781 = arith.addi %rem3A_2767, %add3A_2780 : vector<16xi32>
    %select_n3A_2782 = arith.select %and3A_2779, %add3A_2781, %rem3A_2767 : vector<16xi1>, vector<16xi32>
    %gather3A_2783 = tpu.vector_load_idx %arg10[%add3A_2760, %select_n3A_2782] : memref<128x128xf32, #tpu.memory_space<vmem>>[vector<16xi32>, vector<16xi32>], vector<16xf32>,
    %add3A_2784 = arith.constant 64 : i32
    %add3A_2785 = vector.broadcast %add3A_2784 : i32 to vector<16xi32>
    %add3A_2786 = arith.addi %iota3A, %add3A_2785 : vector<16xi32>
    tpu.vector_store_idx %arg11[%add3A_2786, %broadcast_in_dim3A_28], %gather3A_2783 {add = true} : memref<512x128xf32, #tpu.memory_space<vmem>>[vector<16xi32>, vector<16xi32>], vector<16xf32>,
    %get3A_2787 = arith.constant 1 : i32
    %get3A_2788 = arith.index_cast %get3A_2787 : i32 to index
    %get3A_2789 = arith.constant 80 : index
    %get3A_2790 = tpu.vector_load %arg6[%get3A_2788, %get3A_2789] {strides = array<i32>} : memref<2x512xi32, #tpu.memory_space<vmem>>, vector<16xi32>,
    %add3A_2791 = arith.constant 80 : i32
    %add3A_2792 = vector.broadcast %add3A_2791 : i32 to vector<16xi32>
    %add3A_2793 = arith.addi %iota3A, %add3A_2792 : vector<16xi32>
    %jit3A_2794 = arith.constant 128 : i32
    %eq3A_2795 = arith.constant 0 : i32
    %eq3A_2796 = arith.cmpi eq, %jit3A_2794, %eq3A_2795 : i32
    %jit3A_2797 = arith.constant 1 : i32
    %select_n3A_2798 = arith.select %eq3A_2796, %jit3A_2797, %jit3A_2794 : i32
    %rem3A_2799 = vector.broadcast %select_n3A_2798 : i32 to vector<16xi32>
    %rem3A_2800 = arith.remsi %get3A_2790, %rem3A_2799 : vector<16xi32>
    %ne3A_2801 = arith.constant 0 : i32
    %ne3A_2802 = vector.broadcast %ne3A_2801 : i32 to vector<16xi32>
    %ne3A_2803 = arith.cmpi ne, %rem3A_2800, %ne3A_2802 : vector<16xi32>
    %lt3A_2804 = arith.constant 0 : i32
    %lt3A_2805 = vector.broadcast %lt3A_2804 : i32 to vector<16xi32>
    %lt3A_2806 = arith.cmpi slt, %rem3A_2800, %lt3A_2805 : vector<16xi32>
    %lt3A_2807 = arith.constant 0 : i32
    %lt3A_2808 = arith.cmpi slt, %select_n3A_2798, %lt3A_2807 : i32
    %ne3A_2809 = vector.broadcast %lt3A_2808 : i1 to vector<16xi1>
    %ne3A_2810 = vector.broadcast %ne3A_2809 : vector<16xi1> to vector<16xi1>
    %ne3A_2811 = arith.xori %lt3A_2806, %ne3A_2810 : vector<16xi1>
    %and3A_2812 = arith.andi %ne3A_2811, %ne3A_2803 : vector<16xi1>
    %add3A_2813 = vector.broadcast %select_n3A_2798 : i32 to vector<16xi32>
    %add3A_2814 = arith.addi %rem3A_2800, %add3A_2813 : vector<16xi32>
    %select_n3A_2815 = arith.select %and3A_2812, %add3A_2814, %rem3A_2800 : vector<16xi1>, vector<16xi32>
    %gather3A_2816 = tpu.vector_load_idx %arg10[%add3A_2793, %select_n3A_2815] : memref<128x128xf32, #tpu.memory_space<vmem>>[vector<16xi32>, vector<16xi32>], vector<16xf32>,
    %add3A_2817 = arith.constant 80 : i32
    %add3A_2818 = vector.broadcast %add3A_2817 : i32 to vector<16xi32>
    %add3A_2819 = arith.addi %iota3A, %add3A_2818 : vector<16xi32>
    tpu.vector_store_idx %arg11[%add3A_2819, %broadcast_in_dim3A_28], %gather3A_2816 {add = true} : memref<512x128xf32, #tpu.memory_space<vmem>>[vector<16xi32>, vector<16xi32>], vector<16xf32>,
    %get3A_2820 = arith.constant 1 : i32
    %get3A_2821 = arith.index_cast %get3A_2820 : i32 to index
    %get3A_2822 = arith.constant 96 : index
    %get3A_2823 = tpu.vector_load %arg6[%get3A_2821, %get3A_2822] {strides = array<i32>} : memref<2x512xi32, #tpu.memory_space<vmem>>, vector<16xi32>,
    %add3A_2824 = arith.constant 96 : i32
    %add3A_2825 = vector.broadcast %add3A_2824 : i32 to vector<16xi32>
    %add3A_2826 = arith.addi %iota3A, %add3A_2825 : vector<16xi32>
    %jit3A_2827 = arith.constant 128 : i32
    %eq3A_2828 = arith.constant 0 : i32
    %eq3A_2829 = arith.cmpi eq, %jit3A_2827, %eq3A_2828 : i32
    %jit3A_2830 = arith.constant 1 : i32
    %select_n3A_2831 = arith.select %eq3A_2829, %jit3A_2830, %jit3A_2827 : i32
    %rem3A_2832 = vector.broadcast %select_n3A_2831 : i32 to vector<16xi32>
    %rem3A_2833 = arith.remsi %get3A_2823, %rem3A_2832 : vector<16xi32>
    %ne3A_2834 = arith.constant 0 : i32
    %ne3A_2835 = vector.broadcast %ne3A_2834 : i32 to vector<16xi32>
    %ne3A_2836 = arith.cmpi ne, %rem3A_2833, %ne3A_2835 : vector<16xi32>
    %lt3A_2837 = arith.constant 0 : i32
    %lt3A_2838 = vector.broadcast %lt3A_2837 : i32 to vector<16xi32>
    %lt3A_2839 = arith.cmpi slt, %rem3A_2833, %lt3A_2838 : vector<16xi32>
    %lt3A_2840 = arith.constant 0 : i32
    %lt3A_2841 = arith.cmpi slt, %select_n3A_2831, %lt3A_2840 : i32
    %ne3A_2842 = vector.broadcast %lt3A_2841 : i1 to vector<16xi1>
    %ne3A_2843 = vector.broadcast %ne3A_2842 : vector<16xi1> to vector<16xi1>
    %ne3A_2844 = arith.xori %lt3A_2839, %ne3A_2843 : vector<16xi1>
    %and3A_2845 = arith.andi %ne3A_2844, %ne3A_2836 : vector<16xi1>
    %add3A_2846 = vector.broadcast %select_n3A_2831 : i32 to vector<16xi32>
    %add3A_2847 = arith.addi %rem3A_2833, %add3A_2846 : vector<16xi32>
    %select_n3A_2848 = arith.select %and3A_2845, %add3A_2847, %rem3A_2833 : vector<16xi1>, vector<16xi32>
    %gather3A_2849 = tpu.vector_load_idx %arg10[%add3A_2826, %select_n3A_2848] : memref<128x128xf32, #tpu.memory_space<vmem>>[vector<16xi32>, vector<16xi32>], vector<16xf32>,
    %add3A_2850 = arith.constant 96 : i32
    %add3A_2851 = vector.broadcast %add3A_2850 : i32 to vector<16xi32>
    %add3A_2852 = arith.addi %iota3A, %add3A_2851 : vector<16xi32>
    tpu.vector_store_idx %arg11[%add3A_2852, %broadcast_in_dim3A_28], %gather3A_2849 {add = true} : memref<512x128xf32, #tpu.memory_space<vmem>>[vector<16xi32>, vector<16xi32>], vector<16xf32>,
    %get3A_2853 = arith.constant 1 : i32
    %get3A_2854 = arith.index_cast %get3A_2853 : i32 to index
    %get3A_2855 = arith.constant 112 : index
    %get3A_2856 = tpu.vector_load %arg6[%get3A_2854, %get3A_2855] {strides = array<i32>} : memref<2x512xi32, #tpu.memory_space<vmem>>, vector<16xi32>,
    %add3A_2857 = arith.constant 112 : i32
    %add3A_2858 = vector.broadcast %add3A_2857 : i32 to vector<16xi32>
    %add3A_2859 = arith.addi %iota3A, %add3A_2858 : vector<16xi32>
    %jit3A_2860 = arith.constant 128 : i32
    %eq3A_2861 = arith.constant 0 : i32
    %eq3A_2862 = arith.cmpi eq, %jit3A_2860, %eq3A_2861 : i32
    %jit3A_2863 = arith.constant 1 : i32
    %select_n3A_2864 = arith.select %eq3A_2862, %jit3A_2863, %jit3A_2860 : i32
    %rem3A_2865 = vector.broadcast %select_n3A_2864 : i32 to vector<16xi32>
    %rem3A_2866 = arith.remsi %get3A_2856, %rem3A_2865 : vector<16xi32>
    %ne3A_2867 = arith.constant 0 : i32
    %ne3A_2868 = vector.broadcast %ne3A_2867 : i32 to vector<16xi32>
    %ne3A_2869 = arith.cmpi ne, %rem3A_2866, %ne3A_2868 : vector<16xi32>
    %lt3A_2870 = arith.constant 0 : i32
    %lt3A_2871 = vector.broadcast %lt3A_2870 : i32 to vector<16xi32>
    %lt3A_2872 = arith.cmpi slt, %rem3A_2866, %lt3A_2871 : vector<16xi32>
    %lt3A_2873 = arith.constant 0 : i32
    %lt3A_2874 = arith.cmpi slt, %select_n3A_2864, %lt3A_2873 : i32
    %ne3A_2875 = vector.broadcast %lt3A_2874 : i1 to vector<16xi1>
    %ne3A_2876 = vector.broadcast %ne3A_2875 : vector<16xi1> to vector<16xi1>
    %ne3A_2877 = arith.xori %lt3A_2872, %ne3A_2876 : vector<16xi1>
    %and3A_2878 = arith.andi %ne3A_2877, %ne3A_2869 : vector<16xi1>
    %add3A_2879 = vector.broadcast %select_n3A_2864 : i32 to vector<16xi32>
    %add3A_2880 = arith.addi %rem3A_2866, %add3A_2879 : vector<16xi32>
    %select_n3A_2881 = arith.select %and3A_2878, %add3A_2880, %rem3A_2866 : vector<16xi1>, vector<16xi32>
    %gather3A_2882 = tpu.vector_load_idx %arg10[%add3A_2859, %select_n3A_2881] : memref<128x128xf32, #tpu.memory_space<vmem>>[vector<16xi32>, vector<16xi32>], vector<16xf32>,
    %add3A_2883 = arith.constant 112 : i32
    %add3A_2884 = vector.broadcast %add3A_2883 : i32 to vector<16xi32>
    %add3A_2885 = arith.addi %iota3A, %add3A_2884 : vector<16xi32>
    tpu.vector_store_idx %arg11[%add3A_2885, %broadcast_in_dim3A_28], %gather3A_2882 {add = true} : memref<512x128xf32, #tpu.memory_space<vmem>>[vector<16xi32>, vector<16xi32>], vector<16xf32>,
    %get3A_2886 = arith.constant 1 : i32
    %get3A_2887 = arith.index_cast %get3A_2886 : i32 to index
    %get3A_2888 = arith.constant 128 : index
    %get3A_2889 = tpu.vector_load %arg6[%get3A_2887, %get3A_2888] {strides = array<i32>} : memref<2x512xi32, #tpu.memory_space<vmem>>, vector<16xi32>,
    %add3A_2890 = arith.constant 0 : i32
    %add3A_2891 = vector.broadcast %add3A_2890 : i32 to vector<16xi32>
    %add3A_2892 = arith.addi %iota3A, %add3A_2891 : vector<16xi32>
    %jit3A_2893 = arith.constant 128 : i32
    %div3A_2894 = vector.broadcast %jit3A_2893 : i32 to vector<16xi32>
    %div3A_2895 = arith.divsi %get3A_2889, %div3A_2894 : vector<16xi32>
    %sign3A_2896 = arith.constant 0 : i32
    %sign3A_2897 = vector.broadcast %sign3A_2896 : i32 to vector<16xi32>
    %sign3A_2898 = arith.cmpi sgt, %get3A_2889, %sign3A_2897 : vector<16xi32>
    %sign3A_2899 = arith.extui %sign3A_2898 : vector<16xi1> to vector<16xi32>
    %sign3A_2900 = arith.constant 0 : i32
    %sign3A_2901 = vector.broadcast %sign3A_2900 : i32 to vector<16xi32>
    %sign3A_2902 = arith.cmpi slt, %get3A_2889, %sign3A_2901 : vector<16xi32>
    %sign3A_2903 = arith.extui %sign3A_2902 : vector<16xi1> to vector<16xi32>
    %sign3A_2904 = arith.subi %sign3A_2899, %sign3A_2903 : vector<16xi32>
    %sign3A_2905 = arith.constant 0 : i32
    %sign3A_2906 = arith.cmpi sgt, %jit3A_2893, %sign3A_2905 : i32
    %sign3A_2907 = arith.extui %sign3A_2906 : i1 to i32
    %sign3A_2908 = arith.constant 0 : i32
    %sign3A_2909 = arith.cmpi slt, %jit3A_2893, %sign3A_2908 : i32
    %sign3A_2910 = arith.extui %sign3A_2909 : i1 to i32
    %sign3A_2911 = arith.subi %sign3A_2907, %sign3A_2910 : i32
    %ne3A_2912 = vector.broadcast %sign3A_2911 : i32 to vector<16xi32>
    %ne3A_2913 = arith.cmpi ne, %sign3A_2904, %ne3A_2912 : vector<16xi32>
    %rem3A_2914 = vector.broadcast %jit3A_2893 : i32 to vector<16xi32>
    %rem3A_2915 = arith.remsi %get3A_2889, %rem3A_2914 : vector<16xi32>
    %ne3A_2916 = arith.constant 0 : i32
    %ne3A_2917 = vector.broadcast %ne3A_2916 : i32 to vector<16xi32>
    %ne3A_2918 = arith.cmpi ne, %rem3A_2915, %ne3A_2917 : vector<16xi32>
    %and3A_2919 = arith.andi %ne3A_2913, %ne3A_2918 : vector<16xi1>
    %sub3A_2920 = arith.constant 1 : i32
    %sub3A_2921 = vector.broadcast %sub3A_2920 : i32 to vector<16xi32>
    %sub3A_2922 = arith.subi %div3A_2895, %sub3A_2921 : vector<16xi32>
    %select_n3A_2923 = arith.select %and3A_2919, %sub3A_2922, %div3A_2895 : vector<16xi1>, vector<16xi32>
    tpu.vector_store_idx %arg9[%add3A_2892], %select_n3A_2923 : memref<128xi32, #tpu.memory_space<vmem>>[vector<16xi32>], vector<16xi32>,
    %get3A_2924 = arith.constant 1 : i32
    %get3A_2925 = arith.index_cast %get3A_2924 : i32 to index
    %get3A_2926 = arith.constant 144 : index
    %get3A_2927 = tpu.vector_load %arg6[%get3A_2925, %get3A_2926] {strides = array<i32>} : memref<2x512xi32, #tpu.memory_space<vmem>>, vector<16xi32>,
    %add3A_2928 = arith.constant 16 : i32
    %add3A_2929 = vector.broadcast %add3A_2928 : i32 to vector<16xi32>
    %add3A_2930 = arith.addi %iota3A, %add3A_2929 : vector<16xi32>
    %jit3A_2931 = arith.constant 128 : i32
    %div3A_2932 = vector.broadcast %jit3A_2931 : i32 to vector<16xi32>
    %div3A_2933 = arith.divsi %get3A_2927, %div3A_2932 : vector<16xi32>
    %sign3A_2934 = arith.constant 0 : i32
    %sign3A_2935 = vector.broadcast %sign3A_2934 : i32 to vector<16xi32>
    %sign3A_2936 = arith.cmpi sgt, %get3A_2927, %sign3A_2935 : vector<16xi32>
    %sign3A_2937 = arith.extui %sign3A_2936 : vector<16xi1> to vector<16xi32>
    %sign3A_2938 = arith.constant 0 : i32
    %sign3A_2939 = vector.broadcast %sign3A_2938 : i32 to vector<16xi32>
    %sign3A_2940 = arith.cmpi slt, %get3A_2927, %sign3A_2939 : vector<16xi32>
    %sign3A_2941 = arith.extui %sign3A_2940 : vector<16xi1> to vector<16xi32>
    %sign3A_2942 = arith.subi %sign3A_2937, %sign3A_2941 : vector<16xi32>
    %sign3A_2943 = arith.constant 0 : i32
    %sign3A_2944 = arith.cmpi sgt, %jit3A_2931, %sign3A_2943 : i32
    %sign3A_2945 = arith.extui %sign3A_2944 : i1 to i32
    %sign3A_2946 = arith.constant 0 : i32
    %sign3A_2947 = arith.cmpi slt, %jit3A_2931, %sign3A_2946 : i32
    %sign3A_2948 = arith.extui %sign3A_2947 : i1 to i32
    %sign3A_2949 = arith.subi %sign3A_2945, %sign3A_2948 : i32
    %ne3A_2950 = vector.broadcast %sign3A_2949 : i32 to vector<16xi32>
    %ne3A_2951 = arith.cmpi ne, %sign3A_2942, %ne3A_2950 : vector<16xi32>
    %rem3A_2952 = vector.broadcast %jit3A_2931 : i32 to vector<16xi32>
    %rem3A_2953 = arith.remsi %get3A_2927, %rem3A_2952 : vector<16xi32>
    %ne3A_2954 = arith.constant 0 : i32
    %ne3A_2955 = vector.broadcast %ne3A_2954 : i32 to vector<16xi32>
    %ne3A_2956 = arith.cmpi ne, %rem3A_2953, %ne3A_2955 : vector<16xi32>
    %and3A_2957 = arith.andi %ne3A_2951, %ne3A_2956 : vector<16xi1>
    %sub3A_2958 = arith.constant 1 : i32
    %sub3A_2959 = vector.broadcast %sub3A_2958 : i32 to vector<16xi32>
    %sub3A_2960 = arith.subi %div3A_2933, %sub3A_2959 : vector<16xi32>
    %select_n3A_2961 = arith.select %and3A_2957, %sub3A_2960, %div3A_2933 : vector<16xi1>, vector<16xi32>
    tpu.vector_store_idx %arg9[%add3A_2930], %select_n3A_2961 : memref<128xi32, #tpu.memory_space<vmem>>[vector<16xi32>], vector<16xi32>,
    %get3A_2962 = arith.constant 1 : i32
    %get3A_2963 = arith.index_cast %get3A_2962 : i32 to index
    %get3A_2964 = arith.constant 160 : index
    %get3A_2965 = tpu.vector_load %arg6[%get3A_2963, %get3A_2964] {strides = array<i32>} : memref<2x512xi32, #tpu.memory_space<vmem>>, vector<16xi32>,
    %add3A_2966 = arith.constant 32 : i32
    %add3A_2967 = vector.broadcast %add3A_2966 : i32 to vector<16xi32>
    %add3A_2968 = arith.addi %iota3A, %add3A_2967 : vector<16xi32>
    %jit3A_2969 = arith.constant 128 : i32
    %div3A_2970 = vector.broadcast %jit3A_2969 : i32 to vector<16xi32>
    %div3A_2971 = arith.divsi %get3A_2965, %div3A_2970 : vector<16xi32>
    %sign3A_2972 = arith.constant 0 : i32
    %sign3A_2973 = vector.broadcast %sign3A_2972 : i32 to vector<16xi32>
    %sign3A_2974 = arith.cmpi sgt, %get3A_2965, %sign3A_2973 : vector<16xi32>
    %sign3A_2975 = arith.extui %sign3A_2974 : vector<16xi1> to vector<16xi32>
    %sign3A_2976 = arith.constant 0 : i32
    %sign3A_2977 = vector.broadcast %sign3A_2976 : i32 to vector<16xi32>
    %sign3A_2978 = arith.cmpi slt, %get3A_2965, %sign3A_2977 : vector<16xi32>
    %sign3A_2979 = arith.extui %sign3A_2978 : vector<16xi1> to vector<16xi32>
    %sign3A_2980 = arith.subi %sign3A_2975, %sign3A_2979 : vector<16xi32>
    %sign3A_2981 = arith.constant 0 : i32
    %sign3A_2982 = arith.cmpi sgt, %jit3A_2969, %sign3A_2981 : i32
    %sign3A_2983 = arith.extui %sign3A_2982 : i1 to i32
    %sign3A_2984 = arith.constant 0 : i32
    %sign3A_2985 = arith.cmpi slt, %jit3A_2969, %sign3A_2984 : i32
    %sign3A_2986 = arith.extui %sign3A_2985 : i1 to i32
    %sign3A_2987 = arith.subi %sign3A_2983, %sign3A_2986 : i32
    %ne3A_2988 = vector.broadcast %sign3A_2987 : i32 to vector<16xi32>
    %ne3A_2989 = arith.cmpi ne, %sign3A_2980, %ne3A_2988 : vector<16xi32>
    %rem3A_2990 = vector.broadcast %jit3A_2969 : i32 to vector<16xi32>
    %rem3A_2991 = arith.remsi %get3A_2965, %rem3A_2990 : vector<16xi32>
    %ne3A_2992 = arith.constant 0 : i32
    %ne3A_2993 = vector.broadcast %ne3A_2992 : i32 to vector<16xi32>
    %ne3A_2994 = arith.cmpi ne, %rem3A_2991, %ne3A_2993 : vector<16xi32>
    %and3A_2995 = arith.andi %ne3A_2989, %ne3A_2994 : vector<16xi1>
    %sub3A_2996 = arith.constant 1 : i32
    %sub3A_2997 = vector.broadcast %sub3A_2996 : i32 to vector<16xi32>
    %sub3A_2998 = arith.subi %div3A_2971, %sub3A_2997 : vector<16xi32>
    %select_n3A_2999 = arith.select %and3A_2995, %sub3A_2998, %div3A_2971 : vector<16xi1>, vector<16xi32>
    tpu.vector_store_idx %arg9[%add3A_2968], %select_n3A_2999 : memref<128xi32, #tpu.memory_space<vmem>>[vector<16xi32>], vector<16xi32>,
    %get3A_3000 = arith.constant 1 : i32
    %get3A_3001 = arith.index_cast %get3A_3000 : i32 to index
    %get3A_3002 = arith.constant 176 : index
    %get3A_3003 = tpu.vector_load %arg6[%get3A_3001, %get3A_3002] {strides = array<i32>} : memref<2x512xi32, #tpu.memory_space<vmem>>, vector<16xi32>,
    %add3A_3004 = arith.constant 48 : i32
    %add3A_3005 = vector.broadcast %add3A_3004 : i32 to vector<16xi32>
    %add3A_3006 = arith.addi %iota3A, %add3A_3005 : vector<16xi32>
    %jit3A_3007 = arith.constant 128 : i32
    %div3A_3008 = vector.broadcast %jit3A_3007 : i32 to vector<16xi32>
    %div3A_3009 = arith.divsi %get3A_3003, %div3A_3008 : vector<16xi32>
    %sign3A_3010 = arith.constant 0 : i32
    %sign3A_3011 = vector.broadcast %sign3A_3010 : i32 to vector<16xi32>
    %sign3A_3012 = arith.cmpi sgt, %get3A_3003, %sign3A_3011 : vector<16xi32>
    %sign3A_3013 = arith.extui %sign3A_3012 : vector<16xi1> to vector<16xi32>
    %sign3A_3014 = arith.constant 0 : i32
    %sign3A_3015 = vector.broadcast %sign3A_3014 : i32 to vector<16xi32>
    %sign3A_3016 = arith.cmpi slt, %get3A_3003, %sign3A_3015 : vector<16xi32>
    %sign3A_3017 = arith.extui %sign3A_3016 : vector<16xi1> to vector<16xi32>
    %sign3A_3018 = arith.subi %sign3A_3013, %sign3A_3017 : vector<16xi32>
    %sign3A_3019 = arith.constant 0 : i32
    %sign3A_3020 = arith.cmpi sgt, %jit3A_3007, %sign3A_3019 : i32
    %sign3A_3021 = arith.extui %sign3A_3020 : i1 to i32
    %sign3A_3022 = arith.constant 0 : i32
    %sign3A_3023 = arith.cmpi slt, %jit3A_3007, %sign3A_3022 : i32
    %sign3A_3024 = arith.extui %sign3A_3023 : i1 to i32
    %sign3A_3025 = arith.subi %sign3A_3021, %sign3A_3024 : i32
    %ne3A_3026 = vector.broadcast %sign3A_3025 : i32 to vector<16xi32>
    %ne3A_3027 = arith.cmpi ne, %sign3A_3018, %ne3A_3026 : vector<16xi32>
    %rem3A_3028 = vector.broadcast %jit3A_3007 : i32 to vector<16xi32>
    %rem3A_3029 = arith.remsi %get3A_3003, %rem3A_3028 : vector<16xi32>
    %ne3A_3030 = arith.constant 0 : i32
    %ne3A_3031 = vector.broadcast %ne3A_3030 : i32 to vector<16xi32>
    %ne3A_3032 = arith.cmpi ne, %rem3A_3029, %ne3A_3031 : vector<16xi32>
    %and3A_3033 = arith.andi %ne3A_3027, %ne3A_3032 : vector<16xi1>
    %sub3A_3034 = arith.constant 1 : i32
    %sub3A_3035 = vector.broadcast %sub3A_3034 : i32 to vector<16xi32>
    %sub3A_3036 = arith.subi %div3A_3009, %sub3A_3035 : vector<16xi32>
    %select_n3A_3037 = arith.select %and3A_3033, %sub3A_3036, %div3A_3009 : vector<16xi1>, vector<16xi32>
    tpu.vector_store_idx %arg9[%add3A_3006], %select_n3A_3037 : memref<128xi32, #tpu.memory_space<vmem>>[vector<16xi32>], vector<16xi32>,
    %get3A_3038 = arith.constant 1 : i32
    %get3A_3039 = arith.index_cast %get3A_3038 : i32 to index
    %get3A_3040 = arith.constant 192 : index
    %get3A_3041 = tpu.vector_load %arg6[%get3A_3039, %get3A_3040] {strides = array<i32>} : memref<2x512xi32, #tpu.memory_space<vmem>>, vector<16xi32>,
    %add3A_3042 = arith.constant 64 : i32
    %add3A_3043 = vector.broadcast %add3A_3042 : i32 to vector<16xi32>
    %add3A_3044 = arith.addi %iota3A, %add3A_3043 : vector<16xi32>
    %jit3A_3045 = arith.constant 128 : i32
    %div3A_3046 = vector.broadcast %jit3A_3045 : i32 to vector<16xi32>
    %div3A_3047 = arith.divsi %get3A_3041, %div3A_3046 : vector<16xi32>
    %sign3A_3048 = arith.constant 0 : i32
    %sign3A_3049 = vector.broadcast %sign3A_3048 : i32 to vector<16xi32>
    %sign3A_3050 = arith.cmpi sgt, %get3A_3041, %sign3A_3049 : vector<16xi32>
    %sign3A_3051 = arith.extui %sign3A_3050 : vector<16xi1> to vector<16xi32>
    %sign3A_3052 = arith.constant 0 : i32
    %sign3A_3053 = vector.broadcast %sign3A_3052 : i32 to vector<16xi32>
    %sign3A_3054 = arith.cmpi slt, %get3A_3041, %sign3A_3053 : vector<16xi32>
    %sign3A_3055 = arith.extui %sign3A_3054 : vector<16xi1> to vector<16xi32>
    %sign3A_3056 = arith.subi %sign3A_3051, %sign3A_3055 : vector<16xi32>
    %sign3A_3057 = arith.constant 0 : i32
    %sign3A_3058 = arith.cmpi sgt, %jit3A_3045, %sign3A_3057 : i32
    %sign3A_3059 = arith.extui %sign3A_3058 : i1 to i32
    %sign3A_3060 = arith.constant 0 : i32
    %sign3A_3061 = arith.cmpi slt, %jit3A_3045, %sign3A_3060 : i32
    %sign3A_3062 = arith.extui %sign3A_3061 : i1 to i32
    %sign3A_3063 = arith.subi %sign3A_3059, %sign3A_3062 : i32
    %ne3A_3064 = vector.broadcast %sign3A_3063 : i32 to vector<16xi32>
    %ne3A_3065 = arith.cmpi ne, %sign3A_3056, %ne3A_3064 : vector<16xi32>
    %rem3A_3066 = vector.broadcast %jit3A_3045 : i32 to vector<16xi32>
    %rem3A_3067 = arith.remsi %get3A_3041, %rem3A_3066 : vector<16xi32>
    %ne3A_3068 = arith.constant 0 : i32
    %ne3A_3069 = vector.broadcast %ne3A_3068 : i32 to vector<16xi32>
    %ne3A_3070 = arith.cmpi ne, %rem3A_3067, %ne3A_3069 : vector<16xi32>
    %and3A_3071 = arith.andi %ne3A_3065, %ne3A_3070 : vector<16xi1>
    %sub3A_3072 = arith.constant 1 : i32
    %sub3A_3073 = vector.broadcast %sub3A_3072 : i32 to vector<16xi32>
    %sub3A_3074 = arith.subi %div3A_3047, %sub3A_3073 : vector<16xi32>
    %select_n3A_3075 = arith.select %and3A_3071, %sub3A_3074, %div3A_3047 : vector<16xi1>, vector<16xi32>
    tpu.vector_store_idx %arg9[%add3A_3044], %select_n3A_3075 : memref<128xi32, #tpu.memory_space<vmem>>[vector<16xi32>], vector<16xi32>,
    %get3A_3076 = arith.constant 1 : i32
    %get3A_3077 = arith.index_cast %get3A_3076 : i32 to index
    %get3A_3078 = arith.constant 208 : index
    %get3A_3079 = tpu.vector_load %arg6[%get3A_3077, %get3A_3078] {strides = array<i32>} : memref<2x512xi32, #tpu.memory_space<vmem>>, vector<16xi32>,
    %add3A_3080 = arith.constant 80 : i32
    %add3A_3081 = vector.broadcast %add3A_3080 : i32 to vector<16xi32>
    %add3A_3082 = arith.addi %iota3A, %add3A_3081 : vector<16xi32>
    %jit3A_3083 = arith.constant 128 : i32
    %div3A_3084 = vector.broadcast %jit3A_3083 : i32 to vector<16xi32>
    %div3A_3085 = arith.divsi %get3A_3079, %div3A_3084 : vector<16xi32>
    %sign3A_3086 = arith.constant 0 : i32
    %sign3A_3087 = vector.broadcast %sign3A_3086 : i32 to vector<16xi32>
    %sign3A_3088 = arith.cmpi sgt, %get3A_3079, %sign3A_3087 : vector<16xi32>
    %sign3A_3089 = arith.extui %sign3A_3088 : vector<16xi1> to vector<16xi32>
    %sign3A_3090 = arith.constant 0 : i32
    %sign3A_3091 = vector.broadcast %sign3A_3090 : i32 to vector<16xi32>
    %sign3A_3092 = arith.cmpi slt, %get3A_3079, %sign3A_3091 : vector<16xi32>
    %sign3A_3093 = arith.extui %sign3A_3092 : vector<16xi1> to vector<16xi32>
    %sign3A_3094 = arith.subi %sign3A_3089, %sign3A_3093 : vector<16xi32>
    %sign3A_3095 = arith.constant 0 : i32
    %sign3A_3096 = arith.cmpi sgt, %jit3A_3083, %sign3A_3095 : i32
    %sign3A_3097 = arith.extui %sign3A_3096 : i1 to i32
    %sign3A_3098 = arith.constant 0 : i32
    %sign3A_3099 = arith.cmpi slt, %jit3A_3083, %sign3A_3098 : i32
    %sign3A_3100 = arith.extui %sign3A_3099 : i1 to i32
    %sign3A_3101 = arith.subi %sign3A_3097, %sign3A_3100 : i32
    %ne3A_3102 = vector.broadcast %sign3A_3101 : i32 to vector<16xi32>
    %ne3A_3103 = arith.cmpi ne, %sign3A_3094, %ne3A_3102 : vector<16xi32>
    %rem3A_3104 = vector.broadcast %jit3A_3083 : i32 to vector<16xi32>
    %rem3A_3105 = arith.remsi %get3A_3079, %rem3A_3104 : vector<16xi32>
    %ne3A_3106 = arith.constant 0 : i32
    %ne3A_3107 = vector.broadcast %ne3A_3106 : i32 to vector<16xi32>
    %ne3A_3108 = arith.cmpi ne, %rem3A_3105, %ne3A_3107 : vector<16xi32>
    %and3A_3109 = arith.andi %ne3A_3103, %ne3A_3108 : vector<16xi1>
    %sub3A_3110 = arith.constant 1 : i32
    %sub3A_3111 = vector.broadcast %sub3A_3110 : i32 to vector<16xi32>
    %sub3A_3112 = arith.subi %div3A_3085, %sub3A_3111 : vector<16xi32>
    %select_n3A_3113 = arith.select %and3A_3109, %sub3A_3112, %div3A_3085 : vector<16xi1>, vector<16xi32>
    tpu.vector_store_idx %arg9[%add3A_3082], %select_n3A_3113 : memref<128xi32, #tpu.memory_space<vmem>>[vector<16xi32>], vector<16xi32>,
    %get3A_3114 = arith.constant 1 : i32
    %get3A_3115 = arith.index_cast %get3A_3114 : i32 to index
    %get3A_3116 = arith.constant 224 : index
    %get3A_3117 = tpu.vector_load %arg6[%get3A_3115, %get3A_3116] {strides = array<i32>} : memref<2x512xi32, #tpu.memory_space<vmem>>, vector<16xi32>,
    %add3A_3118 = arith.constant 96 : i32
    %add3A_3119 = vector.broadcast %add3A_3118 : i32 to vector<16xi32>
    %add3A_3120 = arith.addi %iota3A, %add3A_3119 : vector<16xi32>
    %jit3A_3121 = arith.constant 128 : i32
    %div3A_3122 = vector.broadcast %jit3A_3121 : i32 to vector<16xi32>
    %div3A_3123 = arith.divsi %get3A_3117, %div3A_3122 : vector<16xi32>
    %sign3A_3124 = arith.constant 0 : i32
    %sign3A_3125 = vector.broadcast %sign3A_3124 : i32 to vector<16xi32>
    %sign3A_3126 = arith.cmpi sgt, %get3A_3117, %sign3A_3125 : vector<16xi32>
    %sign3A_3127 = arith.extui %sign3A_3126 : vector<16xi1> to vector<16xi32>
    %sign3A_3128 = arith.constant 0 : i32
    %sign3A_3129 = vector.broadcast %sign3A_3128 : i32 to vector<16xi32>
    %sign3A_3130 = arith.cmpi slt, %get3A_3117, %sign3A_3129 : vector<16xi32>
    %sign3A_3131 = arith.extui %sign3A_3130 : vector<16xi1> to vector<16xi32>
    %sign3A_3132 = arith.subi %sign3A_3127, %sign3A_3131 : vector<16xi32>
    %sign3A_3133 = arith.constant 0 : i32
    %sign3A_3134 = arith.cmpi sgt, %jit3A_3121, %sign3A_3133 : i32
    %sign3A_3135 = arith.extui %sign3A_3134 : i1 to i32
    %sign3A_3136 = arith.constant 0 : i32
    %sign3A_3137 = arith.cmpi slt, %jit3A_3121, %sign3A_3136 : i32
    %sign3A_3138 = arith.extui %sign3A_3137 : i1 to i32
    %sign3A_3139 = arith.subi %sign3A_3135, %sign3A_3138 : i32
    %ne3A_3140 = vector.broadcast %sign3A_3139 : i32 to vector<16xi32>
    %ne3A_3141 = arith.cmpi ne, %sign3A_3132, %ne3A_3140 : vector<16xi32>
    %rem3A_3142 = vector.broadcast %jit3A_3121 : i32 to vector<16xi32>
    %rem3A_3143 = arith.remsi %get3A_3117, %rem3A_3142 : vector<16xi32>
    %ne3A_3144 = arith.constant 0 : i32
    %ne3A_3145 = vector.broadcast %ne3A_3144 : i32 to vector<16xi32>
    %ne3A_3146 = arith.cmpi ne, %rem3A_3143, %ne3A_3145 : vector<16xi32>
    %and3A_3147 = arith.andi %ne3A_3141, %ne3A_3146 : vector<16xi1>
    %sub3A_3148 = arith.constant 1 : i32
    %sub3A_3149 = vector.broadcast %sub3A_3148 : i32 to vector<16xi32>
    %sub3A_3150 = arith.subi %div3A_3123, %sub3A_3149 : vector<16xi32>
    %select_n3A_3151 = arith.select %and3A_3147, %sub3A_3150, %div3A_3123 : vector<16xi1>, vector<16xi32>
    tpu.vector_store_idx %arg9[%add3A_3120], %select_n3A_3151 : memref<128xi32, #tpu.memory_space<vmem>>[vector<16xi32>], vector<16xi32>,
    %get3A_3152 = arith.constant 1 : i32
    %get3A_3153 = arith.index_cast %get3A_3152 : i32 to index
    %get3A_3154 = arith.constant 240 : index
    %get3A_3155 = tpu.vector_load %arg6[%get3A_3153, %get3A_3154] {strides = array<i32>} : memref<2x512xi32, #tpu.memory_space<vmem>>, vector<16xi32>,
    %add3A_3156 = arith.constant 112 : i32
    %add3A_3157 = vector.broadcast %add3A_3156 : i32 to vector<16xi32>
    %add3A_3158 = arith.addi %iota3A, %add3A_3157 : vector<16xi32>
    %jit3A_3159 = arith.constant 128 : i32
    %div3A_3160 = vector.broadcast %jit3A_3159 : i32 to vector<16xi32>
    %div3A_3161 = arith.divsi %get3A_3155, %div3A_3160 : vector<16xi32>
    %sign3A_3162 = arith.constant 0 : i32
    %sign3A_3163 = vector.broadcast %sign3A_3162 : i32 to vector<16xi32>
    %sign3A_3164 = arith.cmpi sgt, %get3A_3155, %sign3A_3163 : vector<16xi32>
    %sign3A_3165 = arith.extui %sign3A_3164 : vector<16xi1> to vector<16xi32>
    %sign3A_3166 = arith.constant 0 : i32
    %sign3A_3167 = vector.broadcast %sign3A_3166 : i32 to vector<16xi32>
    %sign3A_3168 = arith.cmpi slt, %get3A_3155, %sign3A_3167 : vector<16xi32>
    %sign3A_3169 = arith.extui %sign3A_3168 : vector<16xi1> to vector<16xi32>
    %sign3A_3170 = arith.subi %sign3A_3165, %sign3A_3169 : vector<16xi32>
    %sign3A_3171 = arith.constant 0 : i32
    %sign3A_3172 = arith.cmpi sgt, %jit3A_3159, %sign3A_3171 : i32
    %sign3A_3173 = arith.extui %sign3A_3172 : i1 to i32
    %sign3A_3174 = arith.constant 0 : i32
    %sign3A_3175 = arith.cmpi slt, %jit3A_3159, %sign3A_3174 : i32
    %sign3A_3176 = arith.extui %sign3A_3175 : i1 to i32
    %sign3A_3177 = arith.subi %sign3A_3173, %sign3A_3176 : i32
    %ne3A_3178 = vector.broadcast %sign3A_3177 : i32 to vector<16xi32>
    %ne3A_3179 = arith.cmpi ne, %sign3A_3170, %ne3A_3178 : vector<16xi32>
    %rem3A_3180 = vector.broadcast %jit3A_3159 : i32 to vector<16xi32>
    %rem3A_3181 = arith.remsi %get3A_3155, %rem3A_3180 : vector<16xi32>
    %ne3A_3182 = arith.constant 0 : i32
    %ne3A_3183 = vector.broadcast %ne3A_3182 : i32 to vector<16xi32>
    %ne3A_3184 = arith.cmpi ne, %rem3A_3181, %ne3A_3183 : vector<16xi32>
    %and3A_3185 = arith.andi %ne3A_3179, %ne3A_3184 : vector<16xi1>
    %sub3A_3186 = arith.constant 1 : i32
    %sub3A_3187 = vector.broadcast %sub3A_3186 : i32 to vector<16xi32>
    %sub3A_3188 = arith.subi %div3A_3161, %sub3A_3187 : vector<16xi32>
    %select_n3A_3189 = arith.select %and3A_3185, %sub3A_3188, %div3A_3161 : vector<16xi1>, vector<16xi32>
    tpu.vector_store_idx %arg9[%add3A_3158], %select_n3A_3189 : memref<128xi32, #tpu.memory_space<vmem>>[vector<16xi32>], vector<16xi32>,
    %dma_start3A_3190 = arith.constant 0 : i32
    %dma_start3A_3191 = arith.constant 0 : i32
    %dma_start3A_3192 = tpu.memref_slice %arg4[%dma_start3A_3190, %dma_start3A_3191] : memref<15625x128xf32, #tpu.memory_space<hbm>> -> memref<15625x128xf32, #tpu.memory_space<hbm>>
    tpu.enqueue_indirect_dma source(%dma_start3A_3192 : memref<15625x128xf32, #tpu.memory_space<hbm>>) target(%arg10 : memref<128x128xf32, #tpu.memory_space<vmem>>) offsets(%arg9 : memref<128xi32, #tpu.memory_space<vmem>>) semaphore(%arg13 : memref<!tpu.dma_semaphore, #tpu.memory_space<semaphore_mem>>)
    %dma_wait3A_3193 = arith.constant 0 : i32
    %dma_wait3A_3194 = arith.constant 0 : i32
    %dma_wait3A_3195 = tpu.memref_slice %arg4[%dma_wait3A_3193, %dma_wait3A_3194] : memref<15625x128xf32, #tpu.memory_space<hbm>> -> memref<15625x128xf32, #tpu.memory_space<hbm>>
    tpu.wait_indirect_dma semaphore(%arg13 : memref<!tpu.dma_semaphore, #tpu.memory_space<semaphore_mem>>) src(%dma_wait3A_3195 : memref<15625x128xf32, #tpu.memory_space<hbm>>) dst(%arg10 : memref<128x128xf32, #tpu.memory_space<vmem>>)
    %get3A_3196 = arith.constant 1 : i32
    %get3A_3197 = arith.index_cast %get3A_3196 : i32 to index
    %get3A_3198 = arith.constant 128 : index
    %get3A_3199 = tpu.vector_load %arg6[%get3A_3197, %get3A_3198] {strides = array<i32>} : memref<2x512xi32, #tpu.memory_space<vmem>>, vector<16xi32>,
    %add3A_3200 = arith.constant 0 : i32
    %add3A_3201 = vector.broadcast %add3A_3200 : i32 to vector<16xi32>
    %add3A_3202 = arith.addi %iota3A, %add3A_3201 : vector<16xi32>
    %jit3A_3203 = arith.constant 128 : i32
    %eq3A_3204 = arith.constant 0 : i32
    %eq3A_3205 = arith.cmpi eq, %jit3A_3203, %eq3A_3204 : i32
    %jit3A_3206 = arith.constant 1 : i32
    %select_n3A_3207 = arith.select %eq3A_3205, %jit3A_3206, %jit3A_3203 : i32
    %rem3A_3208 = vector.broadcast %select_n3A_3207 : i32 to vector<16xi32>
    %rem3A_3209 = arith.remsi %get3A_3199, %rem3A_3208 : vector<16xi32>
    %ne3A_3210 = arith.constant 0 : i32
    %ne3A_3211 = vector.broadcast %ne3A_3210 : i32 to vector<16xi32>
    %ne3A_3212 = arith.cmpi ne, %rem3A_3209, %ne3A_3211 : vector<16xi32>
    %lt3A_3213 = arith.constant 0 : i32
    %lt3A_3214 = vector.broadcast %lt3A_3213 : i32 to vector<16xi32>
    %lt3A_3215 = arith.cmpi slt, %rem3A_3209, %lt3A_3214 : vector<16xi32>
    %lt3A_3216 = arith.constant 0 : i32
    %lt3A_3217 = arith.cmpi slt, %select_n3A_3207, %lt3A_3216 : i32
    %ne3A_3218 = vector.broadcast %lt3A_3217 : i1 to vector<16xi1>
    %ne3A_3219 = vector.broadcast %ne3A_3218 : vector<16xi1> to vector<16xi1>
    %ne3A_3220 = arith.xori %lt3A_3215, %ne3A_3219 : vector<16xi1>
    %and3A_3221 = arith.andi %ne3A_3220, %ne3A_3212 : vector<16xi1>
    %add3A_3222 = vector.broadcast %select_n3A_3207 : i32 to vector<16xi32>
    %add3A_3223 = arith.addi %rem3A_3209, %add3A_3222 : vector<16xi32>
    %select_n3A_3224 = arith.select %and3A_3221, %add3A_3223, %rem3A_3209 : vector<16xi1>, vector<16xi32>
    %gather3A_3225 = tpu.vector_load_idx %arg10[%add3A_3202, %select_n3A_3224] : memref<128x128xf32, #tpu.memory_space<vmem>>[vector<16xi32>, vector<16xi32>], vector<16xf32>,
    %add3A_3226 = arith.constant 128 : i32
    %add3A_3227 = vector.broadcast %add3A_3226 : i32 to vector<16xi32>
    %add3A_3228 = arith.addi %iota3A, %add3A_3227 : vector<16xi32>
    tpu.vector_store_idx %arg11[%add3A_3228, %broadcast_in_dim3A_28], %gather3A_3225 {add = true} : memref<512x128xf32, #tpu.memory_space<vmem>>[vector<16xi32>, vector<16xi32>], vector<16xf32>,
    %get3A_3229 = arith.constant 1 : i32
    %get3A_3230 = arith.index_cast %get3A_3229 : i32 to index
    %get3A_3231 = arith.constant 144 : index
    %get3A_3232 = tpu.vector_load %arg6[%get3A_3230, %get3A_3231] {strides = array<i32>} : memref<2x512xi32, #tpu.memory_space<vmem>>, vector<16xi32>,
    %add3A_3233 = arith.constant 16 : i32
    %add3A_3234 = vector.broadcast %add3A_3233 : i32 to vector<16xi32>
    %add3A_3235 = arith.addi %iota3A, %add3A_3234 : vector<16xi32>
    %jit3A_3236 = arith.constant 128 : i32
    %eq3A_3237 = arith.constant 0 : i32
    %eq3A_3238 = arith.cmpi eq, %jit3A_3236, %eq3A_3237 : i32
    %jit3A_3239 = arith.constant 1 : i32
    %select_n3A_3240 = arith.select %eq3A_3238, %jit3A_3239, %jit3A_3236 : i32
    %rem3A_3241 = vector.broadcast %select_n3A_3240 : i32 to vector<16xi32>
    %rem3A_3242 = arith.remsi %get3A_3232, %rem3A_3241 : vector<16xi32>
    %ne3A_3243 = arith.constant 0 : i32
    %ne3A_3244 = vector.broadcast %ne3A_3243 : i32 to vector<16xi32>
    %ne3A_3245 = arith.cmpi ne, %rem3A_3242, %ne3A_3244 : vector<16xi32>
    %lt3A_3246 = arith.constant 0 : i32
    %lt3A_3247 = vector.broadcast %lt3A_3246 : i32 to vector<16xi32>
    %lt3A_3248 = arith.cmpi slt, %rem3A_3242, %lt3A_3247 : vector<16xi32>
    %lt3A_3249 = arith.constant 0 : i32
    %lt3A_3250 = arith.cmpi slt, %select_n3A_3240, %lt3A_3249 : i32
    %ne3A_3251 = vector.broadcast %lt3A_3250 : i1 to vector<16xi1>
    %ne3A_3252 = vector.broadcast %ne3A_3251 : vector<16xi1> to vector<16xi1>
    %ne3A_3253 = arith.xori %lt3A_3248, %ne3A_3252 : vector<16xi1>
    %and3A_3254 = arith.andi %ne3A_3253, %ne3A_3245 : vector<16xi1>
    %add3A_3255 = vector.broadcast %select_n3A_3240 : i32 to vector<16xi32>
    %add3A_3256 = arith.addi %rem3A_3242, %add3A_3255 : vector<16xi32>
    %select_n3A_3257 = arith.select %and3A_3254, %add3A_3256, %rem3A_3242 : vector<16xi1>, vector<16xi32>
    %gather3A_3258 = tpu.vector_load_idx %arg10[%add3A_3235, %select_n3A_3257] : memref<128x128xf32, #tpu.memory_space<vmem>>[vector<16xi32>, vector<16xi32>], vector<16xf32>,
    %add3A_3259 = arith.constant 144 : i32
    %add3A_3260 = vector.broadcast %add3A_3259 : i32 to vector<16xi32>
    %add3A_3261 = arith.addi %iota3A, %add3A_3260 : vector<16xi32>
    tpu.vector_store_idx %arg11[%add3A_3261, %broadcast_in_dim3A_28], %gather3A_3258 {add = true} : memref<512x128xf32, #tpu.memory_space<vmem>>[vector<16xi32>, vector<16xi32>], vector<16xf32>,
    %get3A_3262 = arith.constant 1 : i32
    %get3A_3263 = arith.index_cast %get3A_3262 : i32 to index
    %get3A_3264 = arith.constant 160 : index
    %get3A_3265 = tpu.vector_load %arg6[%get3A_3263, %get3A_3264] {strides = array<i32>} : memref<2x512xi32, #tpu.memory_space<vmem>>, vector<16xi32>,
    %add3A_3266 = arith.constant 32 : i32
    %add3A_3267 = vector.broadcast %add3A_3266 : i32 to vector<16xi32>
    %add3A_3268 = arith.addi %iota3A, %add3A_3267 : vector<16xi32>
    %jit3A_3269 = arith.constant 128 : i32
    %eq3A_3270 = arith.constant 0 : i32
    %eq3A_3271 = arith.cmpi eq, %jit3A_3269, %eq3A_3270 : i32
    %jit3A_3272 = arith.constant 1 : i32
    %select_n3A_3273 = arith.select %eq3A_3271, %jit3A_3272, %jit3A_3269 : i32
    %rem3A_3274 = vector.broadcast %select_n3A_3273 : i32 to vector<16xi32>
    %rem3A_3275 = arith.remsi %get3A_3265, %rem3A_3274 : vector<16xi32>
    %ne3A_3276 = arith.constant 0 : i32
    %ne3A_3277 = vector.broadcast %ne3A_3276 : i32 to vector<16xi32>
    %ne3A_3278 = arith.cmpi ne, %rem3A_3275, %ne3A_3277 : vector<16xi32>
    %lt3A_3279 = arith.constant 0 : i32
    %lt3A_3280 = vector.broadcast %lt3A_3279 : i32 to vector<16xi32>
    %lt3A_3281 = arith.cmpi slt, %rem3A_3275, %lt3A_3280 : vector<16xi32>
    %lt3A_3282 = arith.constant 0 : i32
    %lt3A_3283 = arith.cmpi slt, %select_n3A_3273, %lt3A_3282 : i32
    %ne3A_3284 = vector.broadcast %lt3A_3283 : i1 to vector<16xi1>
    %ne3A_3285 = vector.broadcast %ne3A_3284 : vector<16xi1> to vector<16xi1>
    %ne3A_3286 = arith.xori %lt3A_3281, %ne3A_3285 : vector<16xi1>
    %and3A_3287 = arith.andi %ne3A_3286, %ne3A_3278 : vector<16xi1>
    %add3A_3288 = vector.broadcast %select_n3A_3273 : i32 to vector<16xi32>
    %add3A_3289 = arith.addi %rem3A_3275, %add3A_3288 : vector<16xi32>
    %select_n3A_3290 = arith.select %and3A_3287, %add3A_3289, %rem3A_3275 : vector<16xi1>, vector<16xi32>
    %gather3A_3291 = tpu.vector_load_idx %arg10[%add3A_3268, %select_n3A_3290] : memref<128x128xf32, #tpu.memory_space<vmem>>[vector<16xi32>, vector<16xi32>], vector<16xf32>,
    %add3A_3292 = arith.constant 160 : i32
    %add3A_3293 = vector.broadcast %add3A_3292 : i32 to vector<16xi32>
    %add3A_3294 = arith.addi %iota3A, %add3A_3293 : vector<16xi32>
    tpu.vector_store_idx %arg11[%add3A_3294, %broadcast_in_dim3A_28], %gather3A_3291 {add = true} : memref<512x128xf32, #tpu.memory_space<vmem>>[vector<16xi32>, vector<16xi32>], vector<16xf32>,
    %get3A_3295 = arith.constant 1 : i32
    %get3A_3296 = arith.index_cast %get3A_3295 : i32 to index
    %get3A_3297 = arith.constant 176 : index
    %get3A_3298 = tpu.vector_load %arg6[%get3A_3296, %get3A_3297] {strides = array<i32>} : memref<2x512xi32, #tpu.memory_space<vmem>>, vector<16xi32>,
    %add3A_3299 = arith.constant 48 : i32
    %add3A_3300 = vector.broadcast %add3A_3299 : i32 to vector<16xi32>
    %add3A_3301 = arith.addi %iota3A, %add3A_3300 : vector<16xi32>
    %jit3A_3302 = arith.constant 128 : i32
    %eq3A_3303 = arith.constant 0 : i32
    %eq3A_3304 = arith.cmpi eq, %jit3A_3302, %eq3A_3303 : i32
    %jit3A_3305 = arith.constant 1 : i32
    %select_n3A_3306 = arith.select %eq3A_3304, %jit3A_3305, %jit3A_3302 : i32
    %rem3A_3307 = vector.broadcast %select_n3A_3306 : i32 to vector<16xi32>
    %rem3A_3308 = arith.remsi %get3A_3298, %rem3A_3307 : vector<16xi32>
    %ne3A_3309 = arith.constant 0 : i32
    %ne3A_3310 = vector.broadcast %ne3A_3309 : i32 to vector<16xi32>
    %ne3A_3311 = arith.cmpi ne, %rem3A_3308, %ne3A_3310 : vector<16xi32>
    %lt3A_3312 = arith.constant 0 : i32
    %lt3A_3313 = vector.broadcast %lt3A_3312 : i32 to vector<16xi32>
    %lt3A_3314 = arith.cmpi slt, %rem3A_3308, %lt3A_3313 : vector<16xi32>
    %lt3A_3315 = arith.constant 0 : i32
    %lt3A_3316 = arith.cmpi slt, %select_n3A_3306, %lt3A_3315 : i32
    %ne3A_3317 = vector.broadcast %lt3A_3316 : i1 to vector<16xi1>
    %ne3A_3318 = vector.broadcast %ne3A_3317 : vector<16xi1> to vector<16xi1>
    %ne3A_3319 = arith.xori %lt3A_3314, %ne3A_3318 : vector<16xi1>
    %and3A_3320 = arith.andi %ne3A_3319, %ne3A_3311 : vector<16xi1>
    %add3A_3321 = vector.broadcast %select_n3A_3306 : i32 to vector<16xi32>
    %add3A_3322 = arith.addi %rem3A_3308, %add3A_3321 : vector<16xi32>
    %select_n3A_3323 = arith.select %and3A_3320, %add3A_3322, %rem3A_3308 : vector<16xi1>, vector<16xi32>
    %gather3A_3324 = tpu.vector_load_idx %arg10[%add3A_3301, %select_n3A_3323] : memref<128x128xf32, #tpu.memory_space<vmem>>[vector<16xi32>, vector<16xi32>], vector<16xf32>,
    %add3A_3325 = arith.constant 176 : i32
    %add3A_3326 = vector.broadcast %add3A_3325 : i32 to vector<16xi32>
    %add3A_3327 = arith.addi %iota3A, %add3A_3326 : vector<16xi32>
    tpu.vector_store_idx %arg11[%add3A_3327, %broadcast_in_dim3A_28], %gather3A_3324 {add = true} : memref<512x128xf32, #tpu.memory_space<vmem>>[vector<16xi32>, vector<16xi32>], vector<16xf32>,
    %get3A_3328 = arith.constant 1 : i32
    %get3A_3329 = arith.index_cast %get3A_3328 : i32 to index
    %get3A_3330 = arith.constant 192 : index
    %get3A_3331 = tpu.vector_load %arg6[%get3A_3329, %get3A_3330] {strides = array<i32>} : memref<2x512xi32, #tpu.memory_space<vmem>>, vector<16xi32>,
    %add3A_3332 = arith.constant 64 : i32
    %add3A_3333 = vector.broadcast %add3A_3332 : i32 to vector<16xi32>
    %add3A_3334 = arith.addi %iota3A, %add3A_3333 : vector<16xi32>
    %jit3A_3335 = arith.constant 128 : i32
    %eq3A_3336 = arith.constant 0 : i32
    %eq3A_3337 = arith.cmpi eq, %jit3A_3335, %eq3A_3336 : i32
    %jit3A_3338 = arith.constant 1 : i32
    %select_n3A_3339 = arith.select %eq3A_3337, %jit3A_3338, %jit3A_3335 : i32
    %rem3A_3340 = vector.broadcast %select_n3A_3339 : i32 to vector<16xi32>
    %rem3A_3341 = arith.remsi %get3A_3331, %rem3A_3340 : vector<16xi32>
    %ne3A_3342 = arith.constant 0 : i32
    %ne3A_3343 = vector.broadcast %ne3A_3342 : i32 to vector<16xi32>
    %ne3A_3344 = arith.cmpi ne, %rem3A_3341, %ne3A_3343 : vector<16xi32>
    %lt3A_3345 = arith.constant 0 : i32
    %lt3A_3346 = vector.broadcast %lt3A_3345 : i32 to vector<16xi32>
    %lt3A_3347 = arith.cmpi slt, %rem3A_3341, %lt3A_3346 : vector<16xi32>
    %lt3A_3348 = arith.constant 0 : i32
    %lt3A_3349 = arith.cmpi slt, %select_n3A_3339, %lt3A_3348 : i32
    %ne3A_3350 = vector.broadcast %lt3A_3349 : i1 to vector<16xi1>
    %ne3A_3351 = vector.broadcast %ne3A_3350 : vector<16xi1> to vector<16xi1>
    %ne3A_3352 = arith.xori %lt3A_3347, %ne3A_3351 : vector<16xi1>
    %and3A_3353 = arith.andi %ne3A_3352, %ne3A_3344 : vector<16xi1>
    %add3A_3354 = vector.broadcast %select_n3A_3339 : i32 to vector<16xi32>
    %add3A_3355 = arith.addi %rem3A_3341, %add3A_3354 : vector<16xi32>
    %select_n3A_3356 = arith.select %and3A_3353, %add3A_3355, %rem3A_3341 : vector<16xi1>, vector<16xi32>
    %gather3A_3357 = tpu.vector_load_idx %arg10[%add3A_3334, %select_n3A_3356] : memref<128x128xf32, #tpu.memory_space<vmem>>[vector<16xi32>, vector<16xi32>], vector<16xf32>,
    %add3A_3358 = arith.constant 192 : i32
    %add3A_3359 = vector.broadcast %add3A_3358 : i32 to vector<16xi32>
    %add3A_3360 = arith.addi %iota3A, %add3A_3359 : vector<16xi32>
    tpu.vector_store_idx %arg11[%add3A_3360, %broadcast_in_dim3A_28], %gather3A_3357 {add = true} : memref<512x128xf32, #tpu.memory_space<vmem>>[vector<16xi32>, vector<16xi32>], vector<16xf32>,
    %get3A_3361 = arith.constant 1 : i32
    %get3A_3362 = arith.index_cast %get3A_3361 : i32 to index
    %get3A_3363 = arith.constant 208 : index
    %get3A_3364 = tpu.vector_load %arg6[%get3A_3362, %get3A_3363] {strides = array<i32>} : memref<2x512xi32, #tpu.memory_space<vmem>>, vector<16xi32>,
    %add3A_3365 = arith.constant 80 : i32
    %add3A_3366 = vector.broadcast %add3A_3365 : i32 to vector<16xi32>
    %add3A_3367 = arith.addi %iota3A, %add3A_3366 : vector<16xi32>
    %jit3A_3368 = arith.constant 128 : i32
    %eq3A_3369 = arith.constant 0 : i32
    %eq3A_3370 = arith.cmpi eq, %jit3A_3368, %eq3A_3369 : i32
    %jit3A_3371 = arith.constant 1 : i32
    %select_n3A_3372 = arith.select %eq3A_3370, %jit3A_3371, %jit3A_3368 : i32
    %rem3A_3373 = vector.broadcast %select_n3A_3372 : i32 to vector<16xi32>
    %rem3A_3374 = arith.remsi %get3A_3364, %rem3A_3373 : vector<16xi32>
    %ne3A_3375 = arith.constant 0 : i32
    %ne3A_3376 = vector.broadcast %ne3A_3375 : i32 to vector<16xi32>
    %ne3A_3377 = arith.cmpi ne, %rem3A_3374, %ne3A_3376 : vector<16xi32>
    %lt3A_3378 = arith.constant 0 : i32
    %lt3A_3379 = vector.broadcast %lt3A_3378 : i32 to vector<16xi32>
    %lt3A_3380 = arith.cmpi slt, %rem3A_3374, %lt3A_3379 : vector<16xi32>
    %lt3A_3381 = arith.constant 0 : i32
    %lt3A_3382 = arith.cmpi slt, %select_n3A_3372, %lt3A_3381 : i32
    %ne3A_3383 = vector.broadcast %lt3A_3382 : i1 to vector<16xi1>
    %ne3A_3384 = vector.broadcast %ne3A_3383 : vector<16xi1> to vector<16xi1>
    %ne3A_3385 = arith.xori %lt3A_3380, %ne3A_3384 : vector<16xi1>
    %and3A_3386 = arith.andi %ne3A_3385, %ne3A_3377 : vector<16xi1>
    %add3A_3387 = vector.broadcast %select_n3A_3372 : i32 to vector<16xi32>
    %add3A_3388 = arith.addi %rem3A_3374, %add3A_3387 : vector<16xi32>
    %select_n3A_3389 = arith.select %and3A_3386, %add3A_3388, %rem3A_3374 : vector<16xi1>, vector<16xi32>
    %gather3A_3390 = tpu.vector_load_idx %arg10[%add3A_3367, %select_n3A_3389] : memref<128x128xf32, #tpu.memory_space<vmem>>[vector<16xi32>, vector<16xi32>], vector<16xf32>,
    %add3A_3391 = arith.constant 208 : i32
    %add3A_3392 = vector.broadcast %add3A_3391 : i32 to vector<16xi32>
    %add3A_3393 = arith.addi %iota3A, %add3A_3392 : vector<16xi32>
    tpu.vector_store_idx %arg11[%add3A_3393, %broadcast_in_dim3A_28], %gather3A_3390 {add = true} : memref<512x128xf32, #tpu.memory_space<vmem>>[vector<16xi32>, vector<16xi32>], vector<16xf32>,
    %get3A_3394 = arith.constant 1 : i32
    %get3A_3395 = arith.index_cast %get3A_3394 : i32 to index
    %get3A_3396 = arith.constant 224 : index
    %get3A_3397 = tpu.vector_load %arg6[%get3A_3395, %get3A_3396] {strides = array<i32>} : memref<2x512xi32, #tpu.memory_space<vmem>>, vector<16xi32>,
    %add3A_3398 = arith.constant 96 : i32
    %add3A_3399 = vector.broadcast %add3A_3398 : i32 to vector<16xi32>
    %add3A_3400 = arith.addi %iota3A, %add3A_3399 : vector<16xi32>
    %jit3A_3401 = arith.constant 128 : i32
    %eq3A_3402 = arith.constant 0 : i32
    %eq3A_3403 = arith.cmpi eq, %jit3A_3401, %eq3A_3402 : i32
    %jit3A_3404 = arith.constant 1 : i32
    %select_n3A_3405 = arith.select %eq3A_3403, %jit3A_3404, %jit3A_3401 : i32
    %rem3A_3406 = vector.broadcast %select_n3A_3405 : i32 to vector<16xi32>
    %rem3A_3407 = arith.remsi %get3A_3397, %rem3A_3406 : vector<16xi32>
    %ne3A_3408 = arith.constant 0 : i32
    %ne3A_3409 = vector.broadcast %ne3A_3408 : i32 to vector<16xi32>
    %ne3A_3410 = arith.cmpi ne, %rem3A_3407, %ne3A_3409 : vector<16xi32>
    %lt3A_3411 = arith.constant 0 : i32
    %lt3A_3412 = vector.broadcast %lt3A_3411 : i32 to vector<16xi32>
    %lt3A_3413 = arith.cmpi slt, %rem3A_3407, %lt3A_3412 : vector<16xi32>
    %lt3A_3414 = arith.constant 0 : i32
    %lt3A_3415 = arith.cmpi slt, %select_n3A_3405, %lt3A_3414 : i32
    %ne3A_3416 = vector.broadcast %lt3A_3415 : i1 to vector<16xi1>
    %ne3A_3417 = vector.broadcast %ne3A_3416 : vector<16xi1> to vector<16xi1>
    %ne3A_3418 = arith.xori %lt3A_3413, %ne3A_3417 : vector<16xi1>
    %and3A_3419 = arith.andi %ne3A_3418, %ne3A_3410 : vector<16xi1>
    %add3A_3420 = vector.broadcast %select_n3A_3405 : i32 to vector<16xi32>
    %add3A_3421 = arith.addi %rem3A_3407, %add3A_3420 : vector<16xi32>
    %select_n3A_3422 = arith.select %and3A_3419, %add3A_3421, %rem3A_3407 : vector<16xi1>, vector<16xi32>
    %gather3A_3423 = tpu.vector_load_idx %arg10[%add3A_3400, %select_n3A_3422] : memref<128x128xf32, #tpu.memory_space<vmem>>[vector<16xi32>, vector<16xi32>], vector<16xf32>,
    %add3A_3424 = arith.constant 224 : i32
    %add3A_3425 = vector.broadcast %add3A_3424 : i32 to vector<16xi32>
    %add3A_3426 = arith.addi %iota3A, %add3A_3425 : vector<16xi32>
    tpu.vector_store_idx %arg11[%add3A_3426, %broadcast_in_dim3A_28], %gather3A_3423 {add = true} : memref<512x128xf32, #tpu.memory_space<vmem>>[vector<16xi32>, vector<16xi32>], vector<16xf32>,
    %get3A_3427 = arith.constant 1 : i32
    %get3A_3428 = arith.index_cast %get3A_3427 : i32 to index
    %get3A_3429 = arith.constant 240 : index
    %get3A_3430 = tpu.vector_load %arg6[%get3A_3428, %get3A_3429] {strides = array<i32>} : memref<2x512xi32, #tpu.memory_space<vmem>>, vector<16xi32>,
    %add3A_3431 = arith.constant 112 : i32
    %add3A_3432 = vector.broadcast %add3A_3431 : i32 to vector<16xi32>
    %add3A_3433 = arith.addi %iota3A, %add3A_3432 : vector<16xi32>
    %jit3A_3434 = arith.constant 128 : i32
    %eq3A_3435 = arith.constant 0 : i32
    %eq3A_3436 = arith.cmpi eq, %jit3A_3434, %eq3A_3435 : i32
    %jit3A_3437 = arith.constant 1 : i32
    %select_n3A_3438 = arith.select %eq3A_3436, %jit3A_3437, %jit3A_3434 : i32
    %rem3A_3439 = vector.broadcast %select_n3A_3438 : i32 to vector<16xi32>
    %rem3A_3440 = arith.remsi %get3A_3430, %rem3A_3439 : vector<16xi32>
    %ne3A_3441 = arith.constant 0 : i32
    %ne3A_3442 = vector.broadcast %ne3A_3441 : i32 to vector<16xi32>
    %ne3A_3443 = arith.cmpi ne, %rem3A_3440, %ne3A_3442 : vector<16xi32>
    %lt3A_3444 = arith.constant 0 : i32
    %lt3A_3445 = vector.broadcast %lt3A_3444 : i32 to vector<16xi32>
    %lt3A_3446 = arith.cmpi slt, %rem3A_3440, %lt3A_3445 : vector<16xi32>
    %lt3A_3447 = arith.constant 0 : i32
    %lt3A_3448 = arith.cmpi slt, %select_n3A_3438, %lt3A_3447 : i32
    %ne3A_3449 = vector.broadcast %lt3A_3448 : i1 to vector<16xi1>
    %ne3A_3450 = vector.broadcast %ne3A_3449 : vector<16xi1> to vector<16xi1>
    %ne3A_3451 = arith.xori %lt3A_3446, %ne3A_3450 : vector<16xi1>
    %and3A_3452 = arith.andi %ne3A_3451, %ne3A_3443 : vector<16xi1>
    %add3A_3453 = vector.broadcast %select_n3A_3438 : i32 to vector<16xi32>
    %add3A_3454 = arith.addi %rem3A_3440, %add3A_3453 : vector<16xi32>
    %select_n3A_3455 = arith.select %and3A_3452, %add3A_3454, %rem3A_3440 : vector<16xi1>, vector<16xi32>
    %gather3A_3456 = tpu.vector_load_idx %arg10[%add3A_3433, %select_n3A_3455] : memref<128x128xf32, #tpu.memory_space<vmem>>[vector<16xi32>, vector<16xi32>], vector<16xf32>,
    %add3A_3457 = arith.constant 240 : i32
    %add3A_3458 = vector.broadcast %add3A_3457 : i32 to vector<16xi32>
    %add3A_3459 = arith.addi %iota3A, %add3A_3458 : vector<16xi32>
    tpu.vector_store_idx %arg11[%add3A_3459, %broadcast_in_dim3A_28], %gather3A_3456 {add = true} : memref<512x128xf32, #tpu.memory_space<vmem>>[vector<16xi32>, vector<16xi32>], vector<16xf32>,
    %get3A_3460 = arith.constant 1 : i32
    %get3A_3461 = arith.index_cast %get3A_3460 : i32 to index
    %get3A_3462 = arith.constant 256 : index
    %get3A_3463 = tpu.vector_load %arg6[%get3A_3461, %get3A_3462] {strides = array<i32>} : memref<2x512xi32, #tpu.memory_space<vmem>>, vector<16xi32>,
    %add3A_3464 = arith.constant 0 : i32
    %add3A_3465 = vector.broadcast %add3A_3464 : i32 to vector<16xi32>
    %add3A_3466 = arith.addi %iota3A, %add3A_3465 : vector<16xi32>
    %jit3A_3467 = arith.constant 128 : i32
    %div3A_3468 = vector.broadcast %jit3A_3467 : i32 to vector<16xi32>
    %div3A_3469 = arith.divsi %get3A_3463, %div3A_3468 : vector<16xi32>
    %sign3A_3470 = arith.constant 0 : i32
    %sign3A_3471 = vector.broadcast %sign3A_3470 : i32 to vector<16xi32>
    %sign3A_3472 = arith.cmpi sgt, %get3A_3463, %sign3A_3471 : vector<16xi32>
    %sign3A_3473 = arith.extui %sign3A_3472 : vector<16xi1> to vector<16xi32>
    %sign3A_3474 = arith.constant 0 : i32
    %sign3A_3475 = vector.broadcast %sign3A_3474 : i32 to vector<16xi32>
    %sign3A_3476 = arith.cmpi slt, %get3A_3463, %sign3A_3475 : vector<16xi32>
    %sign3A_3477 = arith.extui %sign3A_3476 : vector<16xi1> to vector<16xi32>
    %sign3A_3478 = arith.subi %sign3A_3473, %sign3A_3477 : vector<16xi32>
    %sign3A_3479 = arith.constant 0 : i32
    %sign3A_3480 = arith.cmpi sgt, %jit3A_3467, %sign3A_3479 : i32
    %sign3A_3481 = arith.extui %sign3A_3480 : i1 to i32
    %sign3A_3482 = arith.constant 0 : i32
    %sign3A_3483 = arith.cmpi slt, %jit3A_3467, %sign3A_3482 : i32
    %sign3A_3484 = arith.extui %sign3A_3483 : i1 to i32
    %sign3A_3485 = arith.subi %sign3A_3481, %sign3A_3484 : i32
    %ne3A_3486 = vector.broadcast %sign3A_3485 : i32 to vector<16xi32>
    %ne3A_3487 = arith.cmpi ne, %sign3A_3478, %ne3A_3486 : vector<16xi32>
    %rem3A_3488 = vector.broadcast %jit3A_3467 : i32 to vector<16xi32>
    %rem3A_3489 = arith.remsi %get3A_3463, %rem3A_3488 : vector<16xi32>
    %ne3A_3490 = arith.constant 0 : i32
    %ne3A_3491 = vector.broadcast %ne3A_3490 : i32 to vector<16xi32>
    %ne3A_3492 = arith.cmpi ne, %rem3A_3489, %ne3A_3491 : vector<16xi32>
    %and3A_3493 = arith.andi %ne3A_3487, %ne3A_3492 : vector<16xi1>
    %sub3A_3494 = arith.constant 1 : i32
    %sub3A_3495 = vector.broadcast %sub3A_3494 : i32 to vector<16xi32>
    %sub3A_3496 = arith.subi %div3A_3469, %sub3A_3495 : vector<16xi32>
    %select_n3A_3497 = arith.select %and3A_3493, %sub3A_3496, %div3A_3469 : vector<16xi1>, vector<16xi32>
    tpu.vector_store_idx %arg9[%add3A_3466], %select_n3A_3497 : memref<128xi32, #tpu.memory_space<vmem>>[vector<16xi32>], vector<16xi32>,
    %get3A_3498 = arith.constant 1 : i32
    %get3A_3499 = arith.index_cast %get3A_3498 : i32 to index
    %get3A_3500 = arith.constant 272 : index
    %get3A_3501 = tpu.vector_load %arg6[%get3A_3499, %get3A_3500] {strides = array<i32>} : memref<2x512xi32, #tpu.memory_space<vmem>>, vector<16xi32>,
    %add3A_3502 = arith.constant 16 : i32
    %add3A_3503 = vector.broadcast %add3A_3502 : i32 to vector<16xi32>
    %add3A_3504 = arith.addi %iota3A, %add3A_3503 : vector<16xi32>
    %jit3A_3505 = arith.constant 128 : i32
    %div3A_3506 = vector.broadcast %jit3A_3505 : i32 to vector<16xi32>
    %div3A_3507 = arith.divsi %get3A_3501, %div3A_3506 : vector<16xi32>
    %sign3A_3508 = arith.constant 0 : i32
    %sign3A_3509 = vector.broadcast %sign3A_3508 : i32 to vector<16xi32>
    %sign3A_3510 = arith.cmpi sgt, %get3A_3501, %sign3A_3509 : vector<16xi32>
    %sign3A_3511 = arith.extui %sign3A_3510 : vector<16xi1> to vector<16xi32>
    %sign3A_3512 = arith.constant 0 : i32
    %sign3A_3513 = vector.broadcast %sign3A_3512 : i32 to vector<16xi32>
    %sign3A_3514 = arith.cmpi slt, %get3A_3501, %sign3A_3513 : vector<16xi32>
    %sign3A_3515 = arith.extui %sign3A_3514 : vector<16xi1> to vector<16xi32>
    %sign3A_3516 = arith.subi %sign3A_3511, %sign3A_3515 : vector<16xi32>
    %sign3A_3517 = arith.constant 0 : i32
    %sign3A_3518 = arith.cmpi sgt, %jit3A_3505, %sign3A_3517 : i32
    %sign3A_3519 = arith.extui %sign3A_3518 : i1 to i32
    %sign3A_3520 = arith.constant 0 : i32
    %sign3A_3521 = arith.cmpi slt, %jit3A_3505, %sign3A_3520 : i32
    %sign3A_3522 = arith.extui %sign3A_3521 : i1 to i32
    %sign3A_3523 = arith.subi %sign3A_3519, %sign3A_3522 : i32
    %ne3A_3524 = vector.broadcast %sign3A_3523 : i32 to vector<16xi32>
    %ne3A_3525 = arith.cmpi ne, %sign3A_3516, %ne3A_3524 : vector<16xi32>
    %rem3A_3526 = vector.broadcast %jit3A_3505 : i32 to vector<16xi32>
    %rem3A_3527 = arith.remsi %get3A_3501, %rem3A_3526 : vector<16xi32>
    %ne3A_3528 = arith.constant 0 : i32
    %ne3A_3529 = vector.broadcast %ne3A_3528 : i32 to vector<16xi32>
    %ne3A_3530 = arith.cmpi ne, %rem3A_3527, %ne3A_3529 : vector<16xi32>
    %and3A_3531 = arith.andi %ne3A_3525, %ne3A_3530 : vector<16xi1>
    %sub3A_3532 = arith.constant 1 : i32
    %sub3A_3533 = vector.broadcast %sub3A_3532 : i32 to vector<16xi32>
    %sub3A_3534 = arith.subi %div3A_3507, %sub3A_3533 : vector<16xi32>
    %select_n3A_3535 = arith.select %and3A_3531, %sub3A_3534, %div3A_3507 : vector<16xi1>, vector<16xi32>
    tpu.vector_store_idx %arg9[%add3A_3504], %select_n3A_3535 : memref<128xi32, #tpu.memory_space<vmem>>[vector<16xi32>], vector<16xi32>,
    %get3A_3536 = arith.constant 1 : i32
    %get3A_3537 = arith.index_cast %get3A_3536 : i32 to index
    %get3A_3538 = arith.constant 288 : index
    %get3A_3539 = tpu.vector_load %arg6[%get3A_3537, %get3A_3538] {strides = array<i32>} : memref<2x512xi32, #tpu.memory_space<vmem>>, vector<16xi32>,
    %add3A_3540 = arith.constant 32 : i32
    %add3A_3541 = vector.broadcast %add3A_3540 : i32 to vector<16xi32>
    %add3A_3542 = arith.addi %iota3A, %add3A_3541 : vector<16xi32>
    %jit3A_3543 = arith.constant 128 : i32
    %div3A_3544 = vector.broadcast %jit3A_3543 : i32 to vector<16xi32>
    %div3A_3545 = arith.divsi %get3A_3539, %div3A_3544 : vector<16xi32>
    %sign3A_3546 = arith.constant 0 : i32
    %sign3A_3547 = vector.broadcast %sign3A_3546 : i32 to vector<16xi32>
    %sign3A_3548 = arith.cmpi sgt, %get3A_3539, %sign3A_3547 : vector<16xi32>
    %sign3A_3549 = arith.extui %sign3A_3548 : vector<16xi1> to vector<16xi32>
    %sign3A_3550 = arith.constant 0 : i32
    %sign3A_3551 = vector.broadcast %sign3A_3550 : i32 to vector<16xi32>
    %sign3A_3552 = arith.cmpi slt, %get3A_3539, %sign3A_3551 : vector<16xi32>
    %sign3A_3553 = arith.extui %sign3A_3552 : vector<16xi1> to vector<16xi32>
    %sign3A_3554 = arith.subi %sign3A_3549, %sign3A_3553 : vector<16xi32>
    %sign3A_3555 = arith.constant 0 : i32
    %sign3A_3556 = arith.cmpi sgt, %jit3A_3543, %sign3A_3555 : i32
    %sign3A_3557 = arith.extui %sign3A_3556 : i1 to i32
    %sign3A_3558 = arith.constant 0 : i32
    %sign3A_3559 = arith.cmpi slt, %jit3A_3543, %sign3A_3558 : i32
    %sign3A_3560 = arith.extui %sign3A_3559 : i1 to i32
    %sign3A_3561 = arith.subi %sign3A_3557, %sign3A_3560 : i32
    %ne3A_3562 = vector.broadcast %sign3A_3561 : i32 to vector<16xi32>
    %ne3A_3563 = arith.cmpi ne, %sign3A_3554, %ne3A_3562 : vector<16xi32>
    %rem3A_3564 = vector.broadcast %jit3A_3543 : i32 to vector<16xi32>
    %rem3A_3565 = arith.remsi %get3A_3539, %rem3A_3564 : vector<16xi32>
    %ne3A_3566 = arith.constant 0 : i32
    %ne3A_3567 = vector.broadcast %ne3A_3566 : i32 to vector<16xi32>
    %ne3A_3568 = arith.cmpi ne, %rem3A_3565, %ne3A_3567 : vector<16xi32>
    %and3A_3569 = arith.andi %ne3A_3563, %ne3A_3568 : vector<16xi1>
    %sub3A_3570 = arith.constant 1 : i32
    %sub3A_3571 = vector.broadcast %sub3A_3570 : i32 to vector<16xi32>
    %sub3A_3572 = arith.subi %div3A_3545, %sub3A_3571 : vector<16xi32>
    %select_n3A_3573 = arith.select %and3A_3569, %sub3A_3572, %div3A_3545 : vector<16xi1>, vector<16xi32>
    tpu.vector_store_idx %arg9[%add3A_3542], %select_n3A_3573 : memref<128xi32, #tpu.memory_space<vmem>>[vector<16xi32>], vector<16xi32>,
    %get3A_3574 = arith.constant 1 : i32
    %get3A_3575 = arith.index_cast %get3A_3574 : i32 to index
    %get3A_3576 = arith.constant 304 : index
    %get3A_3577 = tpu.vector_load %arg6[%get3A_3575, %get3A_3576] {strides = array<i32>} : memref<2x512xi32, #tpu.memory_space<vmem>>, vector<16xi32>,
    %add3A_3578 = arith.constant 48 : i32
    %add3A_3579 = vector.broadcast %add3A_3578 : i32 to vector<16xi32>
    %add3A_3580 = arith.addi %iota3A, %add3A_3579 : vector<16xi32>
    %jit3A_3581 = arith.constant 128 : i32
    %div3A_3582 = vector.broadcast %jit3A_3581 : i32 to vector<16xi32>
    %div3A_3583 = arith.divsi %get3A_3577, %div3A_3582 : vector<16xi32>
    %sign3A_3584 = arith.constant 0 : i32
    %sign3A_3585 = vector.broadcast %sign3A_3584 : i32 to vector<16xi32>
    %sign3A_3586 = arith.cmpi sgt, %get3A_3577, %sign3A_3585 : vector<16xi32>
    %sign3A_3587 = arith.extui %sign3A_3586 : vector<16xi1> to vector<16xi32>
    %sign3A_3588 = arith.constant 0 : i32
    %sign3A_3589 = vector.broadcast %sign3A_3588 : i32 to vector<16xi32>
    %sign3A_3590 = arith.cmpi slt, %get3A_3577, %sign3A_3589 : vector<16xi32>
    %sign3A_3591 = arith.extui %sign3A_3590 : vector<16xi1> to vector<16xi32>
    %sign3A_3592 = arith.subi %sign3A_3587, %sign3A_3591 : vector<16xi32>
    %sign3A_3593 = arith.constant 0 : i32
    %sign3A_3594 = arith.cmpi sgt, %jit3A_3581, %sign3A_3593 : i32
    %sign3A_3595 = arith.extui %sign3A_3594 : i1 to i32
    %sign3A_3596 = arith.constant 0 : i32
    %sign3A_3597 = arith.cmpi slt, %jit3A_3581, %sign3A_3596 : i32
    %sign3A_3598 = arith.extui %sign3A_3597 : i1 to i32
    %sign3A_3599 = arith.subi %sign3A_3595, %sign3A_3598 : i32
    %ne3A_3600 = vector.broadcast %sign3A_3599 : i32 to vector<16xi32>
    %ne3A_3601 = arith.cmpi ne, %sign3A_3592, %ne3A_3600 : vector<16xi32>
    %rem3A_3602 = vector.broadcast %jit3A_3581 : i32 to vector<16xi32>
    %rem3A_3603 = arith.remsi %get3A_3577, %rem3A_3602 : vector<16xi32>
    %ne3A_3604 = arith.constant 0 : i32
    %ne3A_3605 = vector.broadcast %ne3A_3604 : i32 to vector<16xi32>
    %ne3A_3606 = arith.cmpi ne, %rem3A_3603, %ne3A_3605 : vector<16xi32>
    %and3A_3607 = arith.andi %ne3A_3601, %ne3A_3606 : vector<16xi1>
    %sub3A_3608 = arith.constant 1 : i32
    %sub3A_3609 = vector.broadcast %sub3A_3608 : i32 to vector<16xi32>
    %sub3A_3610 = arith.subi %div3A_3583, %sub3A_3609 : vector<16xi32>
    %select_n3A_3611 = arith.select %and3A_3607, %sub3A_3610, %div3A_3583 : vector<16xi1>, vector<16xi32>
    tpu.vector_store_idx %arg9[%add3A_3580], %select_n3A_3611 : memref<128xi32, #tpu.memory_space<vmem>>[vector<16xi32>], vector<16xi32>,
    %get3A_3612 = arith.constant 1 : i32
    %get3A_3613 = arith.index_cast %get3A_3612 : i32 to index
    %get3A_3614 = arith.constant 320 : index
    %get3A_3615 = tpu.vector_load %arg6[%get3A_3613, %get3A_3614] {strides = array<i32>} : memref<2x512xi32, #tpu.memory_space<vmem>>, vector<16xi32>,
    %add3A_3616 = arith.constant 64 : i32
    %add3A_3617 = vector.broadcast %add3A_3616 : i32 to vector<16xi32>
    %add3A_3618 = arith.addi %iota3A, %add3A_3617 : vector<16xi32>
    %jit3A_3619 = arith.constant 128 : i32
    %div3A_3620 = vector.broadcast %jit3A_3619 : i32 to vector<16xi32>
    %div3A_3621 = arith.divsi %get3A_3615, %div3A_3620 : vector<16xi32>
    %sign3A_3622 = arith.constant 0 : i32
    %sign3A_3623 = vector.broadcast %sign3A_3622 : i32 to vector<16xi32>
    %sign3A_3624 = arith.cmpi sgt, %get3A_3615, %sign3A_3623 : vector<16xi32>
    %sign3A_3625 = arith.extui %sign3A_3624 : vector<16xi1> to vector<16xi32>
    %sign3A_3626 = arith.constant 0 : i32
    %sign3A_3627 = vector.broadcast %sign3A_3626 : i32 to vector<16xi32>
    %sign3A_3628 = arith.cmpi slt, %get3A_3615, %sign3A_3627 : vector<16xi32>
    %sign3A_3629 = arith.extui %sign3A_3628 : vector<16xi1> to vector<16xi32>
    %sign3A_3630 = arith.subi %sign3A_3625, %sign3A_3629 : vector<16xi32>
    %sign3A_3631 = arith.constant 0 : i32
    %sign3A_3632 = arith.cmpi sgt, %jit3A_3619, %sign3A_3631 : i32
    %sign3A_3633 = arith.extui %sign3A_3632 : i1 to i32
    %sign3A_3634 = arith.constant 0 : i32
    %sign3A_3635 = arith.cmpi slt, %jit3A_3619, %sign3A_3634 : i32
    %sign3A_3636 = arith.extui %sign3A_3635 : i1 to i32
    %sign3A_3637 = arith.subi %sign3A_3633, %sign3A_3636 : i32
    %ne3A_3638 = vector.broadcast %sign3A_3637 : i32 to vector<16xi32>
    %ne3A_3639 = arith.cmpi ne, %sign3A_3630, %ne3A_3638 : vector<16xi32>
    %rem3A_3640 = vector.broadcast %jit3A_3619 : i32 to vector<16xi32>
    %rem3A_3641 = arith.remsi %get3A_3615, %rem3A_3640 : vector<16xi32>
    %ne3A_3642 = arith.constant 0 : i32
    %ne3A_3643 = vector.broadcast %ne3A_3642 : i32 to vector<16xi32>
    %ne3A_3644 = arith.cmpi ne, %rem3A_3641, %ne3A_3643 : vector<16xi32>
    %and3A_3645 = arith.andi %ne3A_3639, %ne3A_3644 : vector<16xi1>
    %sub3A_3646 = arith.constant 1 : i32
    %sub3A_3647 = vector.broadcast %sub3A_3646 : i32 to vector<16xi32>
    %sub3A_3648 = arith.subi %div3A_3621, %sub3A_3647 : vector<16xi32>
    %select_n3A_3649 = arith.select %and3A_3645, %sub3A_3648, %div3A_3621 : vector<16xi1>, vector<16xi32>
    tpu.vector_store_idx %arg9[%add3A_3618], %select_n3A_3649 : memref<128xi32, #tpu.memory_space<vmem>>[vector<16xi32>], vector<16xi32>,
    %get3A_3650 = arith.constant 1 : i32
    %get3A_3651 = arith.index_cast %get3A_3650 : i32 to index
    %get3A_3652 = arith.constant 336 : index
    %get3A_3653 = tpu.vector_load %arg6[%get3A_3651, %get3A_3652] {strides = array<i32>} : memref<2x512xi32, #tpu.memory_space<vmem>>, vector<16xi32>,
    %add3A_3654 = arith.constant 80 : i32
    %add3A_3655 = vector.broadcast %add3A_3654 : i32 to vector<16xi32>
    %add3A_3656 = arith.addi %iota3A, %add3A_3655 : vector<16xi32>
    %jit3A_3657 = arith.constant 128 : i32
    %div3A_3658 = vector.broadcast %jit3A_3657 : i32 to vector<16xi32>
    %div3A_3659 = arith.divsi %get3A_3653, %div3A_3658 : vector<16xi32>
    %sign3A_3660 = arith.constant 0 : i32
    %sign3A_3661 = vector.broadcast %sign3A_3660 : i32 to vector<16xi32>
    %sign3A_3662 = arith.cmpi sgt, %get3A_3653, %sign3A_3661 : vector<16xi32>
    %sign3A_3663 = arith.extui %sign3A_3662 : vector<16xi1> to vector<16xi32>
    %sign3A_3664 = arith.constant 0 : i32
    %sign3A_3665 = vector.broadcast %sign3A_3664 : i32 to vector<16xi32>
    %sign3A_3666 = arith.cmpi slt, %get3A_3653, %sign3A_3665 : vector<16xi32>
    %sign3A_3667 = arith.extui %sign3A_3666 : vector<16xi1> to vector<16xi32>
    %sign3A_3668 = arith.subi %sign3A_3663, %sign3A_3667 : vector<16xi32>
    %sign3A_3669 = arith.constant 0 : i32
    %sign3A_3670 = arith.cmpi sgt, %jit3A_3657, %sign3A_3669 : i32
    %sign3A_3671 = arith.extui %sign3A_3670 : i1 to i32
    %sign3A_3672 = arith.constant 0 : i32
    %sign3A_3673 = arith.cmpi slt, %jit3A_3657, %sign3A_3672 : i32
    %sign3A_3674 = arith.extui %sign3A_3673 : i1 to i32
    %sign3A_3675 = arith.subi %sign3A_3671, %sign3A_3674 : i32
    %ne3A_3676 = vector.broadcast %sign3A_3675 : i32 to vector<16xi32>
    %ne3A_3677 = arith.cmpi ne, %sign3A_3668, %ne3A_3676 : vector<16xi32>
    %rem3A_3678 = vector.broadcast %jit3A_3657 : i32 to vector<16xi32>
    %rem3A_3679 = arith.remsi %get3A_3653, %rem3A_3678 : vector<16xi32>
    %ne3A_3680 = arith.constant 0 : i32
    %ne3A_3681 = vector.broadcast %ne3A_3680 : i32 to vector<16xi32>
    %ne3A_3682 = arith.cmpi ne, %rem3A_3679, %ne3A_3681 : vector<16xi32>
    %and3A_3683 = arith.andi %ne3A_3677, %ne3A_3682 : vector<16xi1>
    %sub3A_3684 = arith.constant 1 : i32
    %sub3A_3685 = vector.broadcast %sub3A_3684 : i32 to vector<16xi32>
    %sub3A_3686 = arith.subi %div3A_3659, %sub3A_3685 : vector<16xi32>
    %select_n3A_3687 = arith.select %and3A_3683, %sub3A_3686, %div3A_3659 : vector<16xi1>, vector<16xi32>
    tpu.vector_store_idx %arg9[%add3A_3656], %select_n3A_3687 : memref<128xi32, #tpu.memory_space<vmem>>[vector<16xi32>], vector<16xi32>,
    %get3A_3688 = arith.constant 1 : i32
    %get3A_3689 = arith.index_cast %get3A_3688 : i32 to index
    %get3A_3690 = arith.constant 352 : index
    %get3A_3691 = tpu.vector_load %arg6[%get3A_3689, %get3A_3690] {strides = array<i32>} : memref<2x512xi32, #tpu.memory_space<vmem>>, vector<16xi32>,
    %add3A_3692 = arith.constant 96 : i32
    %add3A_3693 = vector.broadcast %add3A_3692 : i32 to vector<16xi32>
    %add3A_3694 = arith.addi %iota3A, %add3A_3693 : vector<16xi32>
    %jit3A_3695 = arith.constant 128 : i32
    %div3A_3696 = vector.broadcast %jit3A_3695 : i32 to vector<16xi32>
    %div3A_3697 = arith.divsi %get3A_3691, %div3A_3696 : vector<16xi32>
    %sign3A_3698 = arith.constant 0 : i32
    %sign3A_3699 = vector.broadcast %sign3A_3698 : i32 to vector<16xi32>
    %sign3A_3700 = arith.cmpi sgt, %get3A_3691, %sign3A_3699 : vector<16xi32>
    %sign3A_3701 = arith.extui %sign3A_3700 : vector<16xi1> to vector<16xi32>
    %sign3A_3702 = arith.constant 0 : i32
    %sign3A_3703 = vector.broadcast %sign3A_3702 : i32 to vector<16xi32>
    %sign3A_3704 = arith.cmpi slt, %get3A_3691, %sign3A_3703 : vector<16xi32>
    %sign3A_3705 = arith.extui %sign3A_3704 : vector<16xi1> to vector<16xi32>
    %sign3A_3706 = arith.subi %sign3A_3701, %sign3A_3705 : vector<16xi32>
    %sign3A_3707 = arith.constant 0 : i32
    %sign3A_3708 = arith.cmpi sgt, %jit3A_3695, %sign3A_3707 : i32
    %sign3A_3709 = arith.extui %sign3A_3708 : i1 to i32
    %sign3A_3710 = arith.constant 0 : i32
    %sign3A_3711 = arith.cmpi slt, %jit3A_3695, %sign3A_3710 : i32
    %sign3A_3712 = arith.extui %sign3A_3711 : i1 to i32
    %sign3A_3713 = arith.subi %sign3A_3709, %sign3A_3712 : i32
    %ne3A_3714 = vector.broadcast %sign3A_3713 : i32 to vector<16xi32>
    %ne3A_3715 = arith.cmpi ne, %sign3A_3706, %ne3A_3714 : vector<16xi32>
    %rem3A_3716 = vector.broadcast %jit3A_3695 : i32 to vector<16xi32>
    %rem3A_3717 = arith.remsi %get3A_3691, %rem3A_3716 : vector<16xi32>
    %ne3A_3718 = arith.constant 0 : i32
    %ne3A_3719 = vector.broadcast %ne3A_3718 : i32 to vector<16xi32>
    %ne3A_3720 = arith.cmpi ne, %rem3A_3717, %ne3A_3719 : vector<16xi32>
    %and3A_3721 = arith.andi %ne3A_3715, %ne3A_3720 : vector<16xi1>
    %sub3A_3722 = arith.constant 1 : i32
    %sub3A_3723 = vector.broadcast %sub3A_3722 : i32 to vector<16xi32>
    %sub3A_3724 = arith.subi %div3A_3697, %sub3A_3723 : vector<16xi32>
    %select_n3A_3725 = arith.select %and3A_3721, %sub3A_3724, %div3A_3697 : vector<16xi1>, vector<16xi32>
    tpu.vector_store_idx %arg9[%add3A_3694], %select_n3A_3725 : memref<128xi32, #tpu.memory_space<vmem>>[vector<16xi32>], vector<16xi32>,
    %get3A_3726 = arith.constant 1 : i32
    %get3A_3727 = arith.index_cast %get3A_3726 : i32 to index
    %get3A_3728 = arith.constant 368 : index
    %get3A_3729 = tpu.vector_load %arg6[%get3A_3727, %get3A_3728] {strides = array<i32>} : memref<2x512xi32, #tpu.memory_space<vmem>>, vector<16xi32>,
    %add3A_3730 = arith.constant 112 : i32
    %add3A_3731 = vector.broadcast %add3A_3730 : i32 to vector<16xi32>
    %add3A_3732 = arith.addi %iota3A, %add3A_3731 : vector<16xi32>
    %jit3A_3733 = arith.constant 128 : i32
    %div3A_3734 = vector.broadcast %jit3A_3733 : i32 to vector<16xi32>
    %div3A_3735 = arith.divsi %get3A_3729, %div3A_3734 : vector<16xi32>
    %sign3A_3736 = arith.constant 0 : i32
    %sign3A_3737 = vector.broadcast %sign3A_3736 : i32 to vector<16xi32>
    %sign3A_3738 = arith.cmpi sgt, %get3A_3729, %sign3A_3737 : vector<16xi32>
    %sign3A_3739 = arith.extui %sign3A_3738 : vector<16xi1> to vector<16xi32>
    %sign3A_3740 = arith.constant 0 : i32
    %sign3A_3741 = vector.broadcast %sign3A_3740 : i32 to vector<16xi32>
    %sign3A_3742 = arith.cmpi slt, %get3A_3729, %sign3A_3741 : vector<16xi32>
    %sign3A_3743 = arith.extui %sign3A_3742 : vector<16xi1> to vector<16xi32>
    %sign3A_3744 = arith.subi %sign3A_3739, %sign3A_3743 : vector<16xi32>
    %sign3A_3745 = arith.constant 0 : i32
    %sign3A_3746 = arith.cmpi sgt, %jit3A_3733, %sign3A_3745 : i32
    %sign3A_3747 = arith.extui %sign3A_3746 : i1 to i32
    %sign3A_3748 = arith.constant 0 : i32
    %sign3A_3749 = arith.cmpi slt, %jit3A_3733, %sign3A_3748 : i32
    %sign3A_3750 = arith.extui %sign3A_3749 : i1 to i32
    %sign3A_3751 = arith.subi %sign3A_3747, %sign3A_3750 : i32
    %ne3A_3752 = vector.broadcast %sign3A_3751 : i32 to vector<16xi32>
    %ne3A_3753 = arith.cmpi ne, %sign3A_3744, %ne3A_3752 : vector<16xi32>
    %rem3A_3754 = vector.broadcast %jit3A_3733 : i32 to vector<16xi32>
    %rem3A_3755 = arith.remsi %get3A_3729, %rem3A_3754 : vector<16xi32>
    %ne3A_3756 = arith.constant 0 : i32
    %ne3A_3757 = vector.broadcast %ne3A_3756 : i32 to vector<16xi32>
    %ne3A_3758 = arith.cmpi ne, %rem3A_3755, %ne3A_3757 : vector<16xi32>
    %and3A_3759 = arith.andi %ne3A_3753, %ne3A_3758 : vector<16xi1>
    %sub3A_3760 = arith.constant 1 : i32
    %sub3A_3761 = vector.broadcast %sub3A_3760 : i32 to vector<16xi32>
    %sub3A_3762 = arith.subi %div3A_3735, %sub3A_3761 : vector<16xi32>
    %select_n3A_3763 = arith.select %and3A_3759, %sub3A_3762, %div3A_3735 : vector<16xi1>, vector<16xi32>
    tpu.vector_store_idx %arg9[%add3A_3732], %select_n3A_3763 : memref<128xi32, #tpu.memory_space<vmem>>[vector<16xi32>], vector<16xi32>,
    %dma_start3A_3764 = arith.constant 0 : i32
    %dma_start3A_3765 = arith.constant 0 : i32
    %dma_start3A_3766 = tpu.memref_slice %arg4[%dma_start3A_3764, %dma_start3A_3765] : memref<15625x128xf32, #tpu.memory_space<hbm>> -> memref<15625x128xf32, #tpu.memory_space<hbm>>
    tpu.enqueue_indirect_dma source(%dma_start3A_3766 : memref<15625x128xf32, #tpu.memory_space<hbm>>) target(%arg10 : memref<128x128xf32, #tpu.memory_space<vmem>>) offsets(%arg9 : memref<128xi32, #tpu.memory_space<vmem>>) semaphore(%arg13 : memref<!tpu.dma_semaphore, #tpu.memory_space<semaphore_mem>>)
    %dma_wait3A_3767 = arith.constant 0 : i32
    %dma_wait3A_3768 = arith.constant 0 : i32
    %dma_wait3A_3769 = tpu.memref_slice %arg4[%dma_wait3A_3767, %dma_wait3A_3768] : memref<15625x128xf32, #tpu.memory_space<hbm>> -> memref<15625x128xf32, #tpu.memory_space<hbm>>
    tpu.wait_indirect_dma semaphore(%arg13 : memref<!tpu.dma_semaphore, #tpu.memory_space<semaphore_mem>>) src(%dma_wait3A_3769 : memref<15625x128xf32, #tpu.memory_space<hbm>>) dst(%arg10 : memref<128x128xf32, #tpu.memory_space<vmem>>)
    %get3A_3770 = arith.constant 1 : i32
    %get3A_3771 = arith.index_cast %get3A_3770 : i32 to index
    %get3A_3772 = arith.constant 256 : index
    %get3A_3773 = tpu.vector_load %arg6[%get3A_3771, %get3A_3772] {strides = array<i32>} : memref<2x512xi32, #tpu.memory_space<vmem>>, vector<16xi32>,
    %add3A_3774 = arith.constant 0 : i32
    %add3A_3775 = vector.broadcast %add3A_3774 : i32 to vector<16xi32>
    %add3A_3776 = arith.addi %iota3A, %add3A_3775 : vector<16xi32>
    %jit3A_3777 = arith.constant 128 : i32
    %eq3A_3778 = arith.constant 0 : i32
    %eq3A_3779 = arith.cmpi eq, %jit3A_3777, %eq3A_3778 : i32
    %jit3A_3780 = arith.constant 1 : i32
    %select_n3A_3781 = arith.select %eq3A_3779, %jit3A_3780, %jit3A_3777 : i32
    %rem3A_3782 = vector.broadcast %select_n3A_3781 : i32 to vector<16xi32>
    %rem3A_3783 = arith.remsi %get3A_3773, %rem3A_3782 : vector<16xi32>
    %ne3A_3784 = arith.constant 0 : i32
    %ne3A_3785 = vector.broadcast %ne3A_3784 : i32 to vector<16xi32>
    %ne3A_3786 = arith.cmpi ne, %rem3A_3783, %ne3A_3785 : vector<16xi32>
    %lt3A_3787 = arith.constant 0 : i32
    %lt3A_3788 = vector.broadcast %lt3A_3787 : i32 to vector<16xi32>
    %lt3A_3789 = arith.cmpi slt, %rem3A_3783, %lt3A_3788 : vector<16xi32>
    %lt3A_3790 = arith.constant 0 : i32
    %lt3A_3791 = arith.cmpi slt, %select_n3A_3781, %lt3A_3790 : i32
    %ne3A_3792 = vector.broadcast %lt3A_3791 : i1 to vector<16xi1>
    %ne3A_3793 = vector.broadcast %ne3A_3792 : vector<16xi1> to vector<16xi1>
    %ne3A_3794 = arith.xori %lt3A_3789, %ne3A_3793 : vector<16xi1>
    %and3A_3795 = arith.andi %ne3A_3794, %ne3A_3786 : vector<16xi1>
    %add3A_3796 = vector.broadcast %select_n3A_3781 : i32 to vector<16xi32>
    %add3A_3797 = arith.addi %rem3A_3783, %add3A_3796 : vector<16xi32>
    %select_n3A_3798 = arith.select %and3A_3795, %add3A_3797, %rem3A_3783 : vector<16xi1>, vector<16xi32>
    %gather3A_3799 = tpu.vector_load_idx %arg10[%add3A_3776, %select_n3A_3798] : memref<128x128xf32, #tpu.memory_space<vmem>>[vector<16xi32>, vector<16xi32>], vector<16xf32>,
    %add3A_3800 = arith.constant 256 : i32
    %add3A_3801 = vector.broadcast %add3A_3800 : i32 to vector<16xi32>
    %add3A_3802 = arith.addi %iota3A, %add3A_3801 : vector<16xi32>
    tpu.vector_store_idx %arg11[%add3A_3802, %broadcast_in_dim3A_28], %gather3A_3799 {add = true} : memref<512x128xf32, #tpu.memory_space<vmem>>[vector<16xi32>, vector<16xi32>], vector<16xf32>,
    %get3A_3803 = arith.constant 1 : i32
    %get3A_3804 = arith.index_cast %get3A_3803 : i32 to index
    %get3A_3805 = arith.constant 272 : index
    %get3A_3806 = tpu.vector_load %arg6[%get3A_3804, %get3A_3805] {strides = array<i32>} : memref<2x512xi32, #tpu.memory_space<vmem>>, vector<16xi32>,
    %add3A_3807 = arith.constant 16 : i32
    %add3A_3808 = vector.broadcast %add3A_3807 : i32 to vector<16xi32>
    %add3A_3809 = arith.addi %iota3A, %add3A_3808 : vector<16xi32>
    %jit3A_3810 = arith.constant 128 : i32
    %eq3A_3811 = arith.constant 0 : i32
    %eq3A_3812 = arith.cmpi eq, %jit3A_3810, %eq3A_3811 : i32
    %jit3A_3813 = arith.constant 1 : i32
    %select_n3A_3814 = arith.select %eq3A_3812, %jit3A_3813, %jit3A_3810 : i32
    %rem3A_3815 = vector.broadcast %select_n3A_3814 : i32 to vector<16xi32>
    %rem3A_3816 = arith.remsi %get3A_3806, %rem3A_3815 : vector<16xi32>
    %ne3A_3817 = arith.constant 0 : i32
    %ne3A_3818 = vector.broadcast %ne3A_3817 : i32 to vector<16xi32>
    %ne3A_3819 = arith.cmpi ne, %rem3A_3816, %ne3A_3818 : vector<16xi32>
    %lt3A_3820 = arith.constant 0 : i32
    %lt3A_3821 = vector.broadcast %lt3A_3820 : i32 to vector<16xi32>
    %lt3A_3822 = arith.cmpi slt, %rem3A_3816, %lt3A_3821 : vector<16xi32>
    %lt3A_3823 = arith.constant 0 : i32
    %lt3A_3824 = arith.cmpi slt, %select_n3A_3814, %lt3A_3823 : i32
    %ne3A_3825 = vector.broadcast %lt3A_3824 : i1 to vector<16xi1>
    %ne3A_3826 = vector.broadcast %ne3A_3825 : vector<16xi1> to vector<16xi1>
    %ne3A_3827 = arith.xori %lt3A_3822, %ne3A_3826 : vector<16xi1>
    %and3A_3828 = arith.andi %ne3A_3827, %ne3A_3819 : vector<16xi1>
    %add3A_3829 = vector.broadcast %select_n3A_3814 : i32 to vector<16xi32>
    %add3A_3830 = arith.addi %rem3A_3816, %add3A_3829 : vector<16xi32>
    %select_n3A_3831 = arith.select %and3A_3828, %add3A_3830, %rem3A_3816 : vector<16xi1>, vector<16xi32>
    %gather3A_3832 = tpu.vector_load_idx %arg10[%add3A_3809, %select_n3A_3831] : memref<128x128xf32, #tpu.memory_space<vmem>>[vector<16xi32>, vector<16xi32>], vector<16xf32>,
    %add3A_3833 = arith.constant 272 : i32
    %add3A_3834 = vector.broadcast %add3A_3833 : i32 to vector<16xi32>
    %add3A_3835 = arith.addi %iota3A, %add3A_3834 : vector<16xi32>
    tpu.vector_store_idx %arg11[%add3A_3835, %broadcast_in_dim3A_28], %gather3A_3832 {add = true} : memref<512x128xf32, #tpu.memory_space<vmem>>[vector<16xi32>, vector<16xi32>], vector<16xf32>,
    %get3A_3836 = arith.constant 1 : i32
    %get3A_3837 = arith.index_cast %get3A_3836 : i32 to index
    %get3A_3838 = arith.constant 288 : index
    %get3A_3839 = tpu.vector_load %arg6[%get3A_3837, %get3A_3838] {strides = array<i32>} : memref<2x512xi32, #tpu.memory_space<vmem>>, vector<16xi32>,
    %add3A_3840 = arith.constant 32 : i32
    %add3A_3841 = vector.broadcast %add3A_3840 : i32 to vector<16xi32>
    %add3A_3842 = arith.addi %iota3A, %add3A_3841 : vector<16xi32>
    %jit3A_3843 = arith.constant 128 : i32
    %eq3A_3844 = arith.constant 0 : i32
    %eq3A_3845 = arith.cmpi eq, %jit3A_3843, %eq3A_3844 : i32
    %jit3A_3846 = arith.constant 1 : i32
    %select_n3A_3847 = arith.select %eq3A_3845, %jit3A_3846, %jit3A_3843 : i32
    %rem3A_3848 = vector.broadcast %select_n3A_3847 : i32 to vector<16xi32>
    %rem3A_3849 = arith.remsi %get3A_3839, %rem3A_3848 : vector<16xi32>
    %ne3A_3850 = arith.constant 0 : i32
    %ne3A_3851 = vector.broadcast %ne3A_3850 : i32 to vector<16xi32>
    %ne3A_3852 = arith.cmpi ne, %rem3A_3849, %ne3A_3851 : vector<16xi32>
    %lt3A_3853 = arith.constant 0 : i32
    %lt3A_3854 = vector.broadcast %lt3A_3853 : i32 to vector<16xi32>
    %lt3A_3855 = arith.cmpi slt, %rem3A_3849, %lt3A_3854 : vector<16xi32>
    %lt3A_3856 = arith.constant 0 : i32
    %lt3A_3857 = arith.cmpi slt, %select_n3A_3847, %lt3A_3856 : i32
    %ne3A_3858 = vector.broadcast %lt3A_3857 : i1 to vector<16xi1>
    %ne3A_3859 = vector.broadcast %ne3A_3858 : vector<16xi1> to vector<16xi1>
    %ne3A_3860 = arith.xori %lt3A_3855, %ne3A_3859 : vector<16xi1>
    %and3A_3861 = arith.andi %ne3A_3860, %ne3A_3852 : vector<16xi1>
    %add3A_3862 = vector.broadcast %select_n3A_3847 : i32 to vector<16xi32>
    %add3A_3863 = arith.addi %rem3A_3849, %add3A_3862 : vector<16xi32>
    %select_n3A_3864 = arith.select %and3A_3861, %add3A_3863, %rem3A_3849 : vector<16xi1>, vector<16xi32>
    %gather3A_3865 = tpu.vector_load_idx %arg10[%add3A_3842, %select_n3A_3864] : memref<128x128xf32, #tpu.memory_space<vmem>>[vector<16xi32>, vector<16xi32>], vector<16xf32>,
    %add3A_3866 = arith.constant 288 : i32
    %add3A_3867 = vector.broadcast %add3A_3866 : i32 to vector<16xi32>
    %add3A_3868 = arith.addi %iota3A, %add3A_3867 : vector<16xi32>
    tpu.vector_store_idx %arg11[%add3A_3868, %broadcast_in_dim3A_28], %gather3A_3865 {add = true} : memref<512x128xf32, #tpu.memory_space<vmem>>[vector<16xi32>, vector<16xi32>], vector<16xf32>,
    %get3A_3869 = arith.constant 1 : i32
    %get3A_3870 = arith.index_cast %get3A_3869 : i32 to index
    %get3A_3871 = arith.constant 304 : index
    %get3A_3872 = tpu.vector_load %arg6[%get3A_3870, %get3A_3871] {strides = array<i32>} : memref<2x512xi32, #tpu.memory_space<vmem>>, vector<16xi32>,
    %add3A_3873 = arith.constant 48 : i32
    %add3A_3874 = vector.broadcast %add3A_3873 : i32 to vector<16xi32>
    %add3A_3875 = arith.addi %iota3A, %add3A_3874 : vector<16xi32>
    %jit3A_3876 = arith.constant 128 : i32
    %eq3A_3877 = arith.constant 0 : i32
    %eq3A_3878 = arith.cmpi eq, %jit3A_3876, %eq3A_3877 : i32
    %jit3A_3879 = arith.constant 1 : i32
    %select_n3A_3880 = arith.select %eq3A_3878, %jit3A_3879, %jit3A_3876 : i32
    %rem3A_3881 = vector.broadcast %select_n3A_3880 : i32 to vector<16xi32>
    %rem3A_3882 = arith.remsi %get3A_3872, %rem3A_3881 : vector<16xi32>
    %ne3A_3883 = arith.constant 0 : i32
    %ne3A_3884 = vector.broadcast %ne3A_3883 : i32 to vector<16xi32>
    %ne3A_3885 = arith.cmpi ne, %rem3A_3882, %ne3A_3884 : vector<16xi32>
    %lt3A_3886 = arith.constant 0 : i32
    %lt3A_3887 = vector.broadcast %lt3A_3886 : i32 to vector<16xi32>
    %lt3A_3888 = arith.cmpi slt, %rem3A_3882, %lt3A_3887 : vector<16xi32>
    %lt3A_3889 = arith.constant 0 : i32
    %lt3A_3890 = arith.cmpi slt, %select_n3A_3880, %lt3A_3889 : i32
    %ne3A_3891 = vector.broadcast %lt3A_3890 : i1 to vector<16xi1>
    %ne3A_3892 = vector.broadcast %ne3A_3891 : vector<16xi1> to vector<16xi1>
    %ne3A_3893 = arith.xori %lt3A_3888, %ne3A_3892 : vector<16xi1>
    %and3A_3894 = arith.andi %ne3A_3893, %ne3A_3885 : vector<16xi1>
    %add3A_3895 = vector.broadcast %select_n3A_3880 : i32 to vector<16xi32>
    %add3A_3896 = arith.addi %rem3A_3882, %add3A_3895 : vector<16xi32>
    %select_n3A_3897 = arith.select %and3A_3894, %add3A_3896, %rem3A_3882 : vector<16xi1>, vector<16xi32>
    %gather3A_3898 = tpu.vector_load_idx %arg10[%add3A_3875, %select_n3A_3897] : memref<128x128xf32, #tpu.memory_space<vmem>>[vector<16xi32>, vector<16xi32>], vector<16xf32>,
    %add3A_3899 = arith.constant 304 : i32
    %add3A_3900 = vector.broadcast %add3A_3899 : i32 to vector<16xi32>
    %add3A_3901 = arith.addi %iota3A, %add3A_3900 : vector<16xi32>
    tpu.vector_store_idx %arg11[%add3A_3901, %broadcast_in_dim3A_28], %gather3A_3898 {add = true} : memref<512x128xf32, #tpu.memory_space<vmem>>[vector<16xi32>, vector<16xi32>], vector<16xf32>,
    %get3A_3902 = arith.constant 1 : i32
    %get3A_3903 = arith.index_cast %get3A_3902 : i32 to index
    %get3A_3904 = arith.constant 320 : index
    %get3A_3905 = tpu.vector_load %arg6[%get3A_3903, %get3A_3904] {strides = array<i32>} : memref<2x512xi32, #tpu.memory_space<vmem>>, vector<16xi32>,
    %add3A_3906 = arith.constant 64 : i32
    %add3A_3907 = vector.broadcast %add3A_3906 : i32 to vector<16xi32>
    %add3A_3908 = arith.addi %iota3A, %add3A_3907 : vector<16xi32>
    %jit3A_3909 = arith.constant 128 : i32
    %eq3A_3910 = arith.constant 0 : i32
    %eq3A_3911 = arith.cmpi eq, %jit3A_3909, %eq3A_3910 : i32
    %jit3A_3912 = arith.constant 1 : i32
    %select_n3A_3913 = arith.select %eq3A_3911, %jit3A_3912, %jit3A_3909 : i32
    %rem3A_3914 = vector.broadcast %select_n3A_3913 : i32 to vector<16xi32>
    %rem3A_3915 = arith.remsi %get3A_3905, %rem3A_3914 : vector<16xi32>
    %ne3A_3916 = arith.constant 0 : i32
    %ne3A_3917 = vector.broadcast %ne3A_3916 : i32 to vector<16xi32>
    %ne3A_3918 = arith.cmpi ne, %rem3A_3915, %ne3A_3917 : vector<16xi32>
    %lt3A_3919 = arith.constant 0 : i32
    %lt3A_3920 = vector.broadcast %lt3A_3919 : i32 to vector<16xi32>
    %lt3A_3921 = arith.cmpi slt, %rem3A_3915, %lt3A_3920 : vector<16xi32>
    %lt3A_3922 = arith.constant 0 : i32
    %lt3A_3923 = arith.cmpi slt, %select_n3A_3913, %lt3A_3922 : i32
    %ne3A_3924 = vector.broadcast %lt3A_3923 : i1 to vector<16xi1>
    %ne3A_3925 = vector.broadcast %ne3A_3924 : vector<16xi1> to vector<16xi1>
    %ne3A_3926 = arith.xori %lt3A_3921, %ne3A_3925 : vector<16xi1>
    %and3A_3927 = arith.andi %ne3A_3926, %ne3A_3918 : vector<16xi1>
    %add3A_3928 = vector.broadcast %select_n3A_3913 : i32 to vector<16xi32>
    %add3A_3929 = arith.addi %rem3A_3915, %add3A_3928 : vector<16xi32>
    %select_n3A_3930 = arith.select %and3A_3927, %add3A_3929, %rem3A_3915 : vector<16xi1>, vector<16xi32>
    %gather3A_3931 = tpu.vector_load_idx %arg10[%add3A_3908, %select_n3A_3930] : memref<128x128xf32, #tpu.memory_space<vmem>>[vector<16xi32>, vector<16xi32>], vector<16xf32>,
    %add3A_3932 = arith.constant 320 : i32
    %add3A_3933 = vector.broadcast %add3A_3932 : i32 to vector<16xi32>
    %add3A_3934 = arith.addi %iota3A, %add3A_3933 : vector<16xi32>
    tpu.vector_store_idx %arg11[%add3A_3934, %broadcast_in_dim3A_28], %gather3A_3931 {add = true} : memref<512x128xf32, #tpu.memory_space<vmem>>[vector<16xi32>, vector<16xi32>], vector<16xf32>,
    %get3A_3935 = arith.constant 1 : i32
    %get3A_3936 = arith.index_cast %get3A_3935 : i32 to index
    %get3A_3937 = arith.constant 336 : index
    %get3A_3938 = tpu.vector_load %arg6[%get3A_3936, %get3A_3937] {strides = array<i32>} : memref<2x512xi32, #tpu.memory_space<vmem>>, vector<16xi32>,
    %add3A_3939 = arith.constant 80 : i32
    %add3A_3940 = vector.broadcast %add3A_3939 : i32 to vector<16xi32>
    %add3A_3941 = arith.addi %iota3A, %add3A_3940 : vector<16xi32>
    %jit3A_3942 = arith.constant 128 : i32
    %eq3A_3943 = arith.constant 0 : i32
    %eq3A_3944 = arith.cmpi eq, %jit3A_3942, %eq3A_3943 : i32
    %jit3A_3945 = arith.constant 1 : i32
    %select_n3A_3946 = arith.select %eq3A_3944, %jit3A_3945, %jit3A_3942 : i32
    %rem3A_3947 = vector.broadcast %select_n3A_3946 : i32 to vector<16xi32>
    %rem3A_3948 = arith.remsi %get3A_3938, %rem3A_3947 : vector<16xi32>
    %ne3A_3949 = arith.constant 0 : i32
    %ne3A_3950 = vector.broadcast %ne3A_3949 : i32 to vector<16xi32>
    %ne3A_3951 = arith.cmpi ne, %rem3A_3948, %ne3A_3950 : vector<16xi32>
    %lt3A_3952 = arith.constant 0 : i32
    %lt3A_3953 = vector.broadcast %lt3A_3952 : i32 to vector<16xi32>
    %lt3A_3954 = arith.cmpi slt, %rem3A_3948, %lt3A_3953 : vector<16xi32>
    %lt3A_3955 = arith.constant 0 : i32
    %lt3A_3956 = arith.cmpi slt, %select_n3A_3946, %lt3A_3955 : i32
    %ne3A_3957 = vector.broadcast %lt3A_3956 : i1 to vector<16xi1>
    %ne3A_3958 = vector.broadcast %ne3A_3957 : vector<16xi1> to vector<16xi1>
    %ne3A_3959 = arith.xori %lt3A_3954, %ne3A_3958 : vector<16xi1>
    %and3A_3960 = arith.andi %ne3A_3959, %ne3A_3951 : vector<16xi1>
    %add3A_3961 = vector.broadcast %select_n3A_3946 : i32 to vector<16xi32>
    %add3A_3962 = arith.addi %rem3A_3948, %add3A_3961 : vector<16xi32>
    %select_n3A_3963 = arith.select %and3A_3960, %add3A_3962, %rem3A_3948 : vector<16xi1>, vector<16xi32>
    %gather3A_3964 = tpu.vector_load_idx %arg10[%add3A_3941, %select_n3A_3963] : memref<128x128xf32, #tpu.memory_space<vmem>>[vector<16xi32>, vector<16xi32>], vector<16xf32>,
    %add3A_3965 = arith.constant 336 : i32
    %add3A_3966 = vector.broadcast %add3A_3965 : i32 to vector<16xi32>
    %add3A_3967 = arith.addi %iota3A, %add3A_3966 : vector<16xi32>
    tpu.vector_store_idx %arg11[%add3A_3967, %broadcast_in_dim3A_28], %gather3A_3964 {add = true} : memref<512x128xf32, #tpu.memory_space<vmem>>[vector<16xi32>, vector<16xi32>], vector<16xf32>,
    %get3A_3968 = arith.constant 1 : i32
    %get3A_3969 = arith.index_cast %get3A_3968 : i32 to index
    %get3A_3970 = arith.constant 352 : index
    %get3A_3971 = tpu.vector_load %arg6[%get3A_3969, %get3A_3970] {strides = array<i32>} : memref<2x512xi32, #tpu.memory_space<vmem>>, vector<16xi32>,
    %add3A_3972 = arith.constant 96 : i32
    %add3A_3973 = vector.broadcast %add3A_3972 : i32 to vector<16xi32>
    %add3A_3974 = arith.addi %iota3A, %add3A_3973 : vector<16xi32>
    %jit3A_3975 = arith.constant 128 : i32
    %eq3A_3976 = arith.constant 0 : i32
    %eq3A_3977 = arith.cmpi eq, %jit3A_3975, %eq3A_3976 : i32
    %jit3A_3978 = arith.constant 1 : i32
    %select_n3A_3979 = arith.select %eq3A_3977, %jit3A_3978, %jit3A_3975 : i32
    %rem3A_3980 = vector.broadcast %select_n3A_3979 : i32 to vector<16xi32>
    %rem3A_3981 = arith.remsi %get3A_3971, %rem3A_3980 : vector<16xi32>
    %ne3A_3982 = arith.constant 0 : i32
    %ne3A_3983 = vector.broadcast %ne3A_3982 : i32 to vector<16xi32>
    %ne3A_3984 = arith.cmpi ne, %rem3A_3981, %ne3A_3983 : vector<16xi32>
    %lt3A_3985 = arith.constant 0 : i32
    %lt3A_3986 = vector.broadcast %lt3A_3985 : i32 to vector<16xi32>
    %lt3A_3987 = arith.cmpi slt, %rem3A_3981, %lt3A_3986 : vector<16xi32>
    %lt3A_3988 = arith.constant 0 : i32
    %lt3A_3989 = arith.cmpi slt, %select_n3A_3979, %lt3A_3988 : i32
    %ne3A_3990 = vector.broadcast %lt3A_3989 : i1 to vector<16xi1>
    %ne3A_3991 = vector.broadcast %ne3A_3990 : vector<16xi1> to vector<16xi1>
    %ne3A_3992 = arith.xori %lt3A_3987, %ne3A_3991 : vector<16xi1>
    %and3A_3993 = arith.andi %ne3A_3992, %ne3A_3984 : vector<16xi1>
    %add3A_3994 = vector.broadcast %select_n3A_3979 : i32 to vector<16xi32>
    %add3A_3995 = arith.addi %rem3A_3981, %add3A_3994 : vector<16xi32>
    %select_n3A_3996 = arith.select %and3A_3993, %add3A_3995, %rem3A_3981 : vector<16xi1>, vector<16xi32>
    %gather3A_3997 = tpu.vector_load_idx %arg10[%add3A_3974, %select_n3A_3996] : memref<128x128xf32, #tpu.memory_space<vmem>>[vector<16xi32>, vector<16xi32>], vector<16xf32>,
    %add3A_3998 = arith.constant 352 : i32
    %add3A_3999 = vector.broadcast %add3A_3998 : i32 to vector<16xi32>
    %add3A_4000 = arith.addi %iota3A, %add3A_3999 : vector<16xi32>
    tpu.vector_store_idx %arg11[%add3A_4000, %broadcast_in_dim3A_28], %gather3A_3997 {add = true} : memref<512x128xf32, #tpu.memory_space<vmem>>[vector<16xi32>, vector<16xi32>], vector<16xf32>,
    %get3A_4001 = arith.constant 1 : i32
    %get3A_4002 = arith.index_cast %get3A_4001 : i32 to index
    %get3A_4003 = arith.constant 368 : index
    %get3A_4004 = tpu.vector_load %arg6[%get3A_4002, %get3A_4003] {strides = array<i32>} : memref<2x512xi32, #tpu.memory_space<vmem>>, vector<16xi32>,
    %add3A_4005 = arith.constant 112 : i32
    %add3A_4006 = vector.broadcast %add3A_4005 : i32 to vector<16xi32>
    %add3A_4007 = arith.addi %iota3A, %add3A_4006 : vector<16xi32>
    %jit3A_4008 = arith.constant 128 : i32
    %eq3A_4009 = arith.constant 0 : i32
    %eq3A_4010 = arith.cmpi eq, %jit3A_4008, %eq3A_4009 : i32
    %jit3A_4011 = arith.constant 1 : i32
    %select_n3A_4012 = arith.select %eq3A_4010, %jit3A_4011, %jit3A_4008 : i32
    %rem3A_4013 = vector.broadcast %select_n3A_4012 : i32 to vector<16xi32>
    %rem3A_4014 = arith.remsi %get3A_4004, %rem3A_4013 : vector<16xi32>
    %ne3A_4015 = arith.constant 0 : i32
    %ne3A_4016 = vector.broadcast %ne3A_4015 : i32 to vector<16xi32>
    %ne3A_4017 = arith.cmpi ne, %rem3A_4014, %ne3A_4016 : vector<16xi32>
    %lt3A_4018 = arith.constant 0 : i32
    %lt3A_4019 = vector.broadcast %lt3A_4018 : i32 to vector<16xi32>
    %lt3A_4020 = arith.cmpi slt, %rem3A_4014, %lt3A_4019 : vector<16xi32>
    %lt3A_4021 = arith.constant 0 : i32
    %lt3A_4022 = arith.cmpi slt, %select_n3A_4012, %lt3A_4021 : i32
    %ne3A_4023 = vector.broadcast %lt3A_4022 : i1 to vector<16xi1>
    %ne3A_4024 = vector.broadcast %ne3A_4023 : vector<16xi1> to vector<16xi1>
    %ne3A_4025 = arith.xori %lt3A_4020, %ne3A_4024 : vector<16xi1>
    %and3A_4026 = arith.andi %ne3A_4025, %ne3A_4017 : vector<16xi1>
    %add3A_4027 = vector.broadcast %select_n3A_4012 : i32 to vector<16xi32>
    %add3A_4028 = arith.addi %rem3A_4014, %add3A_4027 : vector<16xi32>
    %select_n3A_4029 = arith.select %and3A_4026, %add3A_4028, %rem3A_4014 : vector<16xi1>, vector<16xi32>
    %gather3A_4030 = tpu.vector_load_idx %arg10[%add3A_4007, %select_n3A_4029] : memref<128x128xf32, #tpu.memory_space<vmem>>[vector<16xi32>, vector<16xi32>], vector<16xf32>,
    %add3A_4031 = arith.constant 368 : i32
    %add3A_4032 = vector.broadcast %add3A_4031 : i32 to vector<16xi32>
    %add3A_4033 = arith.addi %iota3A, %add3A_4032 : vector<16xi32>
    tpu.vector_store_idx %arg11[%add3A_4033, %broadcast_in_dim3A_28], %gather3A_4030 {add = true} : memref<512x128xf32, #tpu.memory_space<vmem>>[vector<16xi32>, vector<16xi32>], vector<16xf32>,
    %get3A_4034 = arith.constant 1 : i32
    %get3A_4035 = arith.index_cast %get3A_4034 : i32 to index
    %get3A_4036 = arith.constant 384 : index
    %get3A_4037 = tpu.vector_load %arg6[%get3A_4035, %get3A_4036] {strides = array<i32>} : memref<2x512xi32, #tpu.memory_space<vmem>>, vector<16xi32>,
    %add3A_4038 = arith.constant 0 : i32
    %add3A_4039 = vector.broadcast %add3A_4038 : i32 to vector<16xi32>
    %add3A_4040 = arith.addi %iota3A, %add3A_4039 : vector<16xi32>
    %jit3A_4041 = arith.constant 128 : i32
    %div3A_4042 = vector.broadcast %jit3A_4041 : i32 to vector<16xi32>
    %div3A_4043 = arith.divsi %get3A_4037, %div3A_4042 : vector<16xi32>
    %sign3A_4044 = arith.constant 0 : i32
    %sign3A_4045 = vector.broadcast %sign3A_4044 : i32 to vector<16xi32>
    %sign3A_4046 = arith.cmpi sgt, %get3A_4037, %sign3A_4045 : vector<16xi32>
    %sign3A_4047 = arith.extui %sign3A_4046 : vector<16xi1> to vector<16xi32>
    %sign3A_4048 = arith.constant 0 : i32
    %sign3A_4049 = vector.broadcast %sign3A_4048 : i32 to vector<16xi32>
    %sign3A_4050 = arith.cmpi slt, %get3A_4037, %sign3A_4049 : vector<16xi32>
    %sign3A_4051 = arith.extui %sign3A_4050 : vector<16xi1> to vector<16xi32>
    %sign3A_4052 = arith.subi %sign3A_4047, %sign3A_4051 : vector<16xi32>
    %sign3A_4053 = arith.constant 0 : i32
    %sign3A_4054 = arith.cmpi sgt, %jit3A_4041, %sign3A_4053 : i32
    %sign3A_4055 = arith.extui %sign3A_4054 : i1 to i32
    %sign3A_4056 = arith.constant 0 : i32
    %sign3A_4057 = arith.cmpi slt, %jit3A_4041, %sign3A_4056 : i32
    %sign3A_4058 = arith.extui %sign3A_4057 : i1 to i32
    %sign3A_4059 = arith.subi %sign3A_4055, %sign3A_4058 : i32
    %ne3A_4060 = vector.broadcast %sign3A_4059 : i32 to vector<16xi32>
    %ne3A_4061 = arith.cmpi ne, %sign3A_4052, %ne3A_4060 : vector<16xi32>
    %rem3A_4062 = vector.broadcast %jit3A_4041 : i32 to vector<16xi32>
    %rem3A_4063 = arith.remsi %get3A_4037, %rem3A_4062 : vector<16xi32>
    %ne3A_4064 = arith.constant 0 : i32
    %ne3A_4065 = vector.broadcast %ne3A_4064 : i32 to vector<16xi32>
    %ne3A_4066 = arith.cmpi ne, %rem3A_4063, %ne3A_4065 : vector<16xi32>
    %and3A_4067 = arith.andi %ne3A_4061, %ne3A_4066 : vector<16xi1>
    %sub3A_4068 = arith.constant 1 : i32
    %sub3A_4069 = vector.broadcast %sub3A_4068 : i32 to vector<16xi32>
    %sub3A_4070 = arith.subi %div3A_4043, %sub3A_4069 : vector<16xi32>
    %select_n3A_4071 = arith.select %and3A_4067, %sub3A_4070, %div3A_4043 : vector<16xi1>, vector<16xi32>
    tpu.vector_store_idx %arg9[%add3A_4040], %select_n3A_4071 : memref<128xi32, #tpu.memory_space<vmem>>[vector<16xi32>], vector<16xi32>,
    %get3A_4072 = arith.constant 1 : i32
    %get3A_4073 = arith.index_cast %get3A_4072 : i32 to index
    %get3A_4074 = arith.constant 400 : index
    %get3A_4075 = tpu.vector_load %arg6[%get3A_4073, %get3A_4074] {strides = array<i32>} : memref<2x512xi32, #tpu.memory_space<vmem>>, vector<16xi32>,
    %add3A_4076 = arith.constant 16 : i32
    %add3A_4077 = vector.broadcast %add3A_4076 : i32 to vector<16xi32>
    %add3A_4078 = arith.addi %iota3A, %add3A_4077 : vector<16xi32>
    %jit3A_4079 = arith.constant 128 : i32
    %div3A_4080 = vector.broadcast %jit3A_4079 : i32 to vector<16xi32>
    %div3A_4081 = arith.divsi %get3A_4075, %div3A_4080 : vector<16xi32>
    %sign3A_4082 = arith.constant 0 : i32
    %sign3A_4083 = vector.broadcast %sign3A_4082 : i32 to vector<16xi32>
    %sign3A_4084 = arith.cmpi sgt, %get3A_4075, %sign3A_4083 : vector<16xi32>
    %sign3A_4085 = arith.extui %sign3A_4084 : vector<16xi1> to vector<16xi32>
    %sign3A_4086 = arith.constant 0 : i32
    %sign3A_4087 = vector.broadcast %sign3A_4086 : i32 to vector<16xi32>
    %sign3A_4088 = arith.cmpi slt, %get3A_4075, %sign3A_4087 : vector<16xi32>
    %sign3A_4089 = arith.extui %sign3A_4088 : vector<16xi1> to vector<16xi32>
    %sign3A_4090 = arith.subi %sign3A_4085, %sign3A_4089 : vector<16xi32>
    %sign3A_4091 = arith.constant 0 : i32
    %sign3A_4092 = arith.cmpi sgt, %jit3A_4079, %sign3A_4091 : i32
    %sign3A_4093 = arith.extui %sign3A_4092 : i1 to i32
    %sign3A_4094 = arith.constant 0 : i32
    %sign3A_4095 = arith.cmpi slt, %jit3A_4079, %sign3A_4094 : i32
    %sign3A_4096 = arith.extui %sign3A_4095 : i1 to i32
    %sign3A_4097 = arith.subi %sign3A_4093, %sign3A_4096 : i32
    %ne3A_4098 = vector.broadcast %sign3A_4097 : i32 to vector<16xi32>
    %ne3A_4099 = arith.cmpi ne, %sign3A_4090, %ne3A_4098 : vector<16xi32>
    %rem3A_4100 = vector.broadcast %jit3A_4079 : i32 to vector<16xi32>
    %rem3A_4101 = arith.remsi %get3A_4075, %rem3A_4100 : vector<16xi32>
    %ne3A_4102 = arith.constant 0 : i32
    %ne3A_4103 = vector.broadcast %ne3A_4102 : i32 to vector<16xi32>
    %ne3A_4104 = arith.cmpi ne, %rem3A_4101, %ne3A_4103 : vector<16xi32>
    %and3A_4105 = arith.andi %ne3A_4099, %ne3A_4104 : vector<16xi1>
    %sub3A_4106 = arith.constant 1 : i32
    %sub3A_4107 = vector.broadcast %sub3A_4106 : i32 to vector<16xi32>
    %sub3A_4108 = arith.subi %div3A_4081, %sub3A_4107 : vector<16xi32>
    %select_n3A_4109 = arith.select %and3A_4105, %sub3A_4108, %div3A_4081 : vector<16xi1>, vector<16xi32>
    tpu.vector_store_idx %arg9[%add3A_4078], %select_n3A_4109 : memref<128xi32, #tpu.memory_space<vmem>>[vector<16xi32>], vector<16xi32>,
    %get3A_4110 = arith.constant 1 : i32
    %get3A_4111 = arith.index_cast %get3A_4110 : i32 to index
    %get3A_4112 = arith.constant 416 : index
    %get3A_4113 = tpu.vector_load %arg6[%get3A_4111, %get3A_4112] {strides = array<i32>} : memref<2x512xi32, #tpu.memory_space<vmem>>, vector<16xi32>,
    %add3A_4114 = arith.constant 32 : i32
    %add3A_4115 = vector.broadcast %add3A_4114 : i32 to vector<16xi32>
    %add3A_4116 = arith.addi %iota3A, %add3A_4115 : vector<16xi32>
    %jit3A_4117 = arith.constant 128 : i32
    %div3A_4118 = vector.broadcast %jit3A_4117 : i32 to vector<16xi32>
    %div3A_4119 = arith.divsi %get3A_4113, %div3A_4118 : vector<16xi32>
    %sign3A_4120 = arith.constant 0 : i32
    %sign3A_4121 = vector.broadcast %sign3A_4120 : i32 to vector<16xi32>
    %sign3A_4122 = arith.cmpi sgt, %get3A_4113, %sign3A_4121 : vector<16xi32>
    %sign3A_4123 = arith.extui %sign3A_4122 : vector<16xi1> to vector<16xi32>
    %sign3A_4124 = arith.constant 0 : i32
    %sign3A_4125 = vector.broadcast %sign3A_4124 : i32 to vector<16xi32>
    %sign3A_4126 = arith.cmpi slt, %get3A_4113, %sign3A_4125 : vector<16xi32>
    %sign3A_4127 = arith.extui %sign3A_4126 : vector<16xi1> to vector<16xi32>
    %sign3A_4128 = arith.subi %sign3A_4123, %sign3A_4127 : vector<16xi32>
    %sign3A_4129 = arith.constant 0 : i32
    %sign3A_4130 = arith.cmpi sgt, %jit3A_4117, %sign3A_4129 : i32
    %sign3A_4131 = arith.extui %sign3A_4130 : i1 to i32
    %sign3A_4132 = arith.constant 0 : i32
    %sign3A_4133 = arith.cmpi slt, %jit3A_4117, %sign3A_4132 : i32
    %sign3A_4134 = arith.extui %sign3A_4133 : i1 to i32
    %sign3A_4135 = arith.subi %sign3A_4131, %sign3A_4134 : i32
    %ne3A_4136 = vector.broadcast %sign3A_4135 : i32 to vector<16xi32>
    %ne3A_4137 = arith.cmpi ne, %sign3A_4128, %ne3A_4136 : vector<16xi32>
    %rem3A_4138 = vector.broadcast %jit3A_4117 : i32 to vector<16xi32>
    %rem3A_4139 = arith.remsi %get3A_4113, %rem3A_4138 : vector<16xi32>
    %ne3A_4140 = arith.constant 0 : i32
    %ne3A_4141 = vector.broadcast %ne3A_4140 : i32 to vector<16xi32>
    %ne3A_4142 = arith.cmpi ne, %rem3A_4139, %ne3A_4141 : vector<16xi32>
    %and3A_4143 = arith.andi %ne3A_4137, %ne3A_4142 : vector<16xi1>
    %sub3A_4144 = arith.constant 1 : i32
    %sub3A_4145 = vector.broadcast %sub3A_4144 : i32 to vector<16xi32>
    %sub3A_4146 = arith.subi %div3A_4119, %sub3A_4145 : vector<16xi32>
    %select_n3A_4147 = arith.select %and3A_4143, %sub3A_4146, %div3A_4119 : vector<16xi1>, vector<16xi32>
    tpu.vector_store_idx %arg9[%add3A_4116], %select_n3A_4147 : memref<128xi32, #tpu.memory_space<vmem>>[vector<16xi32>], vector<16xi32>,
    %get3A_4148 = arith.constant 1 : i32
    %get3A_4149 = arith.index_cast %get3A_4148 : i32 to index
    %get3A_4150 = arith.constant 432 : index
    %get3A_4151 = tpu.vector_load %arg6[%get3A_4149, %get3A_4150] {strides = array<i32>} : memref<2x512xi32, #tpu.memory_space<vmem>>, vector<16xi32>,
    %add3A_4152 = arith.constant 48 : i32
    %add3A_4153 = vector.broadcast %add3A_4152 : i32 to vector<16xi32>
    %add3A_4154 = arith.addi %iota3A, %add3A_4153 : vector<16xi32>
    %jit3A_4155 = arith.constant 128 : i32
    %div3A_4156 = vector.broadcast %jit3A_4155 : i32 to vector<16xi32>
    %div3A_4157 = arith.divsi %get3A_4151, %div3A_4156 : vector<16xi32>
    %sign3A_4158 = arith.constant 0 : i32
    %sign3A_4159 = vector.broadcast %sign3A_4158 : i32 to vector<16xi32>
    %sign3A_4160 = arith.cmpi sgt, %get3A_4151, %sign3A_4159 : vector<16xi32>
    %sign3A_4161 = arith.extui %sign3A_4160 : vector<16xi1> to vector<16xi32>
    %sign3A_4162 = arith.constant 0 : i32
    %sign3A_4163 = vector.broadcast %sign3A_4162 : i32 to vector<16xi32>
    %sign3A_4164 = arith.cmpi slt, %get3A_4151, %sign3A_4163 : vector<16xi32>
    %sign3A_4165 = arith.extui %sign3A_4164 : vector<16xi1> to vector<16xi32>
    %sign3A_4166 = arith.subi %sign3A_4161, %sign3A_4165 : vector<16xi32>
    %sign3A_4167 = arith.constant 0 : i32
    %sign3A_4168 = arith.cmpi sgt, %jit3A_4155, %sign3A_4167 : i32
    %sign3A_4169 = arith.extui %sign3A_4168 : i1 to i32
    %sign3A_4170 = arith.constant 0 : i32
    %sign3A_4171 = arith.cmpi slt, %jit3A_4155, %sign3A_4170 : i32
    %sign3A_4172 = arith.extui %sign3A_4171 : i1 to i32
    %sign3A_4173 = arith.subi %sign3A_4169, %sign3A_4172 : i32
    %ne3A_4174 = vector.broadcast %sign3A_4173 : i32 to vector<16xi32>
    %ne3A_4175 = arith.cmpi ne, %sign3A_4166, %ne3A_4174 : vector<16xi32>
    %rem3A_4176 = vector.broadcast %jit3A_4155 : i32 to vector<16xi32>
    %rem3A_4177 = arith.remsi %get3A_4151, %rem3A_4176 : vector<16xi32>
    %ne3A_4178 = arith.constant 0 : i32
    %ne3A_4179 = vector.broadcast %ne3A_4178 : i32 to vector<16xi32>
    %ne3A_4180 = arith.cmpi ne, %rem3A_4177, %ne3A_4179 : vector<16xi32>
    %and3A_4181 = arith.andi %ne3A_4175, %ne3A_4180 : vector<16xi1>
    %sub3A_4182 = arith.constant 1 : i32
    %sub3A_4183 = vector.broadcast %sub3A_4182 : i32 to vector<16xi32>
    %sub3A_4184 = arith.subi %div3A_4157, %sub3A_4183 : vector<16xi32>
    %select_n3A_4185 = arith.select %and3A_4181, %sub3A_4184, %div3A_4157 : vector<16xi1>, vector<16xi32>
    tpu.vector_store_idx %arg9[%add3A_4154], %select_n3A_4185 : memref<128xi32, #tpu.memory_space<vmem>>[vector<16xi32>], vector<16xi32>,
    %get3A_4186 = arith.constant 1 : i32
    %get3A_4187 = arith.index_cast %get3A_4186 : i32 to index
    %get3A_4188 = arith.constant 448 : index
    %get3A_4189 = tpu.vector_load %arg6[%get3A_4187, %get3A_4188] {strides = array<i32>} : memref<2x512xi32, #tpu.memory_space<vmem>>, vector<16xi32>,
    %add3A_4190 = arith.constant 64 : i32
    %add3A_4191 = vector.broadcast %add3A_4190 : i32 to vector<16xi32>
    %add3A_4192 = arith.addi %iota3A, %add3A_4191 : vector<16xi32>
    %jit3A_4193 = arith.constant 128 : i32
    %div3A_4194 = vector.broadcast %jit3A_4193 : i32 to vector<16xi32>
    %div3A_4195 = arith.divsi %get3A_4189, %div3A_4194 : vector<16xi32>
    %sign3A_4196 = arith.constant 0 : i32
    %sign3A_4197 = vector.broadcast %sign3A_4196 : i32 to vector<16xi32>
    %sign3A_4198 = arith.cmpi sgt, %get3A_4189, %sign3A_4197 : vector<16xi32>
    %sign3A_4199 = arith.extui %sign3A_4198 : vector<16xi1> to vector<16xi32>
    %sign3A_4200 = arith.constant 0 : i32
    %sign3A_4201 = vector.broadcast %sign3A_4200 : i32 to vector<16xi32>
    %sign3A_4202 = arith.cmpi slt, %get3A_4189, %sign3A_4201 : vector<16xi32>
    %sign3A_4203 = arith.extui %sign3A_4202 : vector<16xi1> to vector<16xi32>
    %sign3A_4204 = arith.subi %sign3A_4199, %sign3A_4203 : vector<16xi32>
    %sign3A_4205 = arith.constant 0 : i32
    %sign3A_4206 = arith.cmpi sgt, %jit3A_4193, %sign3A_4205 : i32
    %sign3A_4207 = arith.extui %sign3A_4206 : i1 to i32
    %sign3A_4208 = arith.constant 0 : i32
    %sign3A_4209 = arith.cmpi slt, %jit3A_4193, %sign3A_4208 : i32
    %sign3A_4210 = arith.extui %sign3A_4209 : i1 to i32
    %sign3A_4211 = arith.subi %sign3A_4207, %sign3A_4210 : i32
    %ne3A_4212 = vector.broadcast %sign3A_4211 : i32 to vector<16xi32>
    %ne3A_4213 = arith.cmpi ne, %sign3A_4204, %ne3A_4212 : vector<16xi32>
    %rem3A_4214 = vector.broadcast %jit3A_4193 : i32 to vector<16xi32>
    %rem3A_4215 = arith.remsi %get3A_4189, %rem3A_4214 : vector<16xi32>
    %ne3A_4216 = arith.constant 0 : i32
    %ne3A_4217 = vector.broadcast %ne3A_4216 : i32 to vector<16xi32>
    %ne3A_4218 = arith.cmpi ne, %rem3A_4215, %ne3A_4217 : vector<16xi32>
    %and3A_4219 = arith.andi %ne3A_4213, %ne3A_4218 : vector<16xi1>
    %sub3A_4220 = arith.constant 1 : i32
    %sub3A_4221 = vector.broadcast %sub3A_4220 : i32 to vector<16xi32>
    %sub3A_4222 = arith.subi %div3A_4195, %sub3A_4221 : vector<16xi32>
    %select_n3A_4223 = arith.select %and3A_4219, %sub3A_4222, %div3A_4195 : vector<16xi1>, vector<16xi32>
    tpu.vector_store_idx %arg9[%add3A_4192], %select_n3A_4223 : memref<128xi32, #tpu.memory_space<vmem>>[vector<16xi32>], vector<16xi32>,
    %get3A_4224 = arith.constant 1 : i32
    %get3A_4225 = arith.index_cast %get3A_4224 : i32 to index
    %get3A_4226 = arith.constant 464 : index
    %get3A_4227 = tpu.vector_load %arg6[%get3A_4225, %get3A_4226] {strides = array<i32>} : memref<2x512xi32, #tpu.memory_space<vmem>>, vector<16xi32>,
    %add3A_4228 = arith.constant 80 : i32
    %add3A_4229 = vector.broadcast %add3A_4228 : i32 to vector<16xi32>
    %add3A_4230 = arith.addi %iota3A, %add3A_4229 : vector<16xi32>
    %jit3A_4231 = arith.constant 128 : i32
    %div3A_4232 = vector.broadcast %jit3A_4231 : i32 to vector<16xi32>
    %div3A_4233 = arith.divsi %get3A_4227, %div3A_4232 : vector<16xi32>
    %sign3A_4234 = arith.constant 0 : i32
    %sign3A_4235 = vector.broadcast %sign3A_4234 : i32 to vector<16xi32>
    %sign3A_4236 = arith.cmpi sgt, %get3A_4227, %sign3A_4235 : vector<16xi32>
    %sign3A_4237 = arith.extui %sign3A_4236 : vector<16xi1> to vector<16xi32>
    %sign3A_4238 = arith.constant 0 : i32
    %sign3A_4239 = vector.broadcast %sign3A_4238 : i32 to vector<16xi32>
    %sign3A_4240 = arith.cmpi slt, %get3A_4227, %sign3A_4239 : vector<16xi32>
    %sign3A_4241 = arith.extui %sign3A_4240 : vector<16xi1> to vector<16xi32>
    %sign3A_4242 = arith.subi %sign3A_4237, %sign3A_4241 : vector<16xi32>
    %sign3A_4243 = arith.constant 0 : i32
    %sign3A_4244 = arith.cmpi sgt, %jit3A_4231, %sign3A_4243 : i32
    %sign3A_4245 = arith.extui %sign3A_4244 : i1 to i32
    %sign3A_4246 = arith.constant 0 : i32
    %sign3A_4247 = arith.cmpi slt, %jit3A_4231, %sign3A_4246 : i32
    %sign3A_4248 = arith.extui %sign3A_4247 : i1 to i32
    %sign3A_4249 = arith.subi %sign3A_4245, %sign3A_4248 : i32
    %ne3A_4250 = vector.broadcast %sign3A_4249 : i32 to vector<16xi32>
    %ne3A_4251 = arith.cmpi ne, %sign3A_4242, %ne3A_4250 : vector<16xi32>
    %rem3A_4252 = vector.broadcast %jit3A_4231 : i32 to vector<16xi32>
    %rem3A_4253 = arith.remsi %get3A_4227, %rem3A_4252 : vector<16xi32>
    %ne3A_4254 = arith.constant 0 : i32
    %ne3A_4255 = vector.broadcast %ne3A_4254 : i32 to vector<16xi32>
    %ne3A_4256 = arith.cmpi ne, %rem3A_4253, %ne3A_4255 : vector<16xi32>
    %and3A_4257 = arith.andi %ne3A_4251, %ne3A_4256 : vector<16xi1>
    %sub3A_4258 = arith.constant 1 : i32
    %sub3A_4259 = vector.broadcast %sub3A_4258 : i32 to vector<16xi32>
    %sub3A_4260 = arith.subi %div3A_4233, %sub3A_4259 : vector<16xi32>
    %select_n3A_4261 = arith.select %and3A_4257, %sub3A_4260, %div3A_4233 : vector<16xi1>, vector<16xi32>
    tpu.vector_store_idx %arg9[%add3A_4230], %select_n3A_4261 : memref<128xi32, #tpu.memory_space<vmem>>[vector<16xi32>], vector<16xi32>,
    %get3A_4262 = arith.constant 1 : i32
    %get3A_4263 = arith.index_cast %get3A_4262 : i32 to index
    %get3A_4264 = arith.constant 480 : index
    %get3A_4265 = tpu.vector_load %arg6[%get3A_4263, %get3A_4264] {strides = array<i32>} : memref<2x512xi32, #tpu.memory_space<vmem>>, vector<16xi32>,
    %add3A_4266 = arith.constant 96 : i32
    %add3A_4267 = vector.broadcast %add3A_4266 : i32 to vector<16xi32>
    %add3A_4268 = arith.addi %iota3A, %add3A_4267 : vector<16xi32>
    %jit3A_4269 = arith.constant 128 : i32
    %div3A_4270 = vector.broadcast %jit3A_4269 : i32 to vector<16xi32>
    %div3A_4271 = arith.divsi %get3A_4265, %div3A_4270 : vector<16xi32>
    %sign3A_4272 = arith.constant 0 : i32
    %sign3A_4273 = vector.broadcast %sign3A_4272 : i32 to vector<16xi32>
    %sign3A_4274 = arith.cmpi sgt, %get3A_4265, %sign3A_4273 : vector<16xi32>
    %sign3A_4275 = arith.extui %sign3A_4274 : vector<16xi1> to vector<16xi32>
    %sign3A_4276 = arith.constant 0 : i32
    %sign3A_4277 = vector.broadcast %sign3A_4276 : i32 to vector<16xi32>
    %sign3A_4278 = arith.cmpi slt, %get3A_4265, %sign3A_4277 : vector<16xi32>
    %sign3A_4279 = arith.extui %sign3A_4278 : vector<16xi1> to vector<16xi32>
    %sign3A_4280 = arith.subi %sign3A_4275, %sign3A_4279 : vector<16xi32>
    %sign3A_4281 = arith.constant 0 : i32
    %sign3A_4282 = arith.cmpi sgt, %jit3A_4269, %sign3A_4281 : i32
    %sign3A_4283 = arith.extui %sign3A_4282 : i1 to i32
    %sign3A_4284 = arith.constant 0 : i32
    %sign3A_4285 = arith.cmpi slt, %jit3A_4269, %sign3A_4284 : i32
    %sign3A_4286 = arith.extui %sign3A_4285 : i1 to i32
    %sign3A_4287 = arith.subi %sign3A_4283, %sign3A_4286 : i32
    %ne3A_4288 = vector.broadcast %sign3A_4287 : i32 to vector<16xi32>
    %ne3A_4289 = arith.cmpi ne, %sign3A_4280, %ne3A_4288 : vector<16xi32>
    %rem3A_4290 = vector.broadcast %jit3A_4269 : i32 to vector<16xi32>
    %rem3A_4291 = arith.remsi %get3A_4265, %rem3A_4290 : vector<16xi32>
    %ne3A_4292 = arith.constant 0 : i32
    %ne3A_4293 = vector.broadcast %ne3A_4292 : i32 to vector<16xi32>
    %ne3A_4294 = arith.cmpi ne, %rem3A_4291, %ne3A_4293 : vector<16xi32>
    %and3A_4295 = arith.andi %ne3A_4289, %ne3A_4294 : vector<16xi1>
    %sub3A_4296 = arith.constant 1 : i32
    %sub3A_4297 = vector.broadcast %sub3A_4296 : i32 to vector<16xi32>
    %sub3A_4298 = arith.subi %div3A_4271, %sub3A_4297 : vector<16xi32>
    %select_n3A_4299 = arith.select %and3A_4295, %sub3A_4298, %div3A_4271 : vector<16xi1>, vector<16xi32>
    tpu.vector_store_idx %arg9[%add3A_4268], %select_n3A_4299 : memref<128xi32, #tpu.memory_space<vmem>>[vector<16xi32>], vector<16xi32>,
    %get3A_4300 = arith.constant 1 : i32
    %get3A_4301 = arith.index_cast %get3A_4300 : i32 to index
    %get3A_4302 = arith.constant 496 : index
    %get3A_4303 = tpu.vector_load %arg6[%get3A_4301, %get3A_4302] {strides = array<i32>} : memref<2x512xi32, #tpu.memory_space<vmem>>, vector<16xi32>,
    %add3A_4304 = arith.constant 112 : i32
    %add3A_4305 = vector.broadcast %add3A_4304 : i32 to vector<16xi32>
    %add3A_4306 = arith.addi %iota3A, %add3A_4305 : vector<16xi32>
    %jit3A_4307 = arith.constant 128 : i32
    %div3A_4308 = vector.broadcast %jit3A_4307 : i32 to vector<16xi32>
    %div3A_4309 = arith.divsi %get3A_4303, %div3A_4308 : vector<16xi32>
    %sign3A_4310 = arith.constant 0 : i32
    %sign3A_4311 = vector.broadcast %sign3A_4310 : i32 to vector<16xi32>
    %sign3A_4312 = arith.cmpi sgt, %get3A_4303, %sign3A_4311 : vector<16xi32>
    %sign3A_4313 = arith.extui %sign3A_4312 : vector<16xi1> to vector<16xi32>
    %sign3A_4314 = arith.constant 0 : i32
    %sign3A_4315 = vector.broadcast %sign3A_4314 : i32 to vector<16xi32>
    %sign3A_4316 = arith.cmpi slt, %get3A_4303, %sign3A_4315 : vector<16xi32>
    %sign3A_4317 = arith.extui %sign3A_4316 : vector<16xi1> to vector<16xi32>
    %sign3A_4318 = arith.subi %sign3A_4313, %sign3A_4317 : vector<16xi32>
    %sign3A_4319 = arith.constant 0 : i32
    %sign3A_4320 = arith.cmpi sgt, %jit3A_4307, %sign3A_4319 : i32
    %sign3A_4321 = arith.extui %sign3A_4320 : i1 to i32
    %sign3A_4322 = arith.constant 0 : i32
    %sign3A_4323 = arith.cmpi slt, %jit3A_4307, %sign3A_4322 : i32
    %sign3A_4324 = arith.extui %sign3A_4323 : i1 to i32
    %sign3A_4325 = arith.subi %sign3A_4321, %sign3A_4324 : i32
    %ne3A_4326 = vector.broadcast %sign3A_4325 : i32 to vector<16xi32>
    %ne3A_4327 = arith.cmpi ne, %sign3A_4318, %ne3A_4326 : vector<16xi32>
    %rem3A_4328 = vector.broadcast %jit3A_4307 : i32 to vector<16xi32>
    %rem3A_4329 = arith.remsi %get3A_4303, %rem3A_4328 : vector<16xi32>
    %ne3A_4330 = arith.constant 0 : i32
    %ne3A_4331 = vector.broadcast %ne3A_4330 : i32 to vector<16xi32>
    %ne3A_4332 = arith.cmpi ne, %rem3A_4329, %ne3A_4331 : vector<16xi32>
    %and3A_4333 = arith.andi %ne3A_4327, %ne3A_4332 : vector<16xi1>
    %sub3A_4334 = arith.constant 1 : i32
    %sub3A_4335 = vector.broadcast %sub3A_4334 : i32 to vector<16xi32>
    %sub3A_4336 = arith.subi %div3A_4309, %sub3A_4335 : vector<16xi32>
    %select_n3A_4337 = arith.select %and3A_4333, %sub3A_4336, %div3A_4309 : vector<16xi1>, vector<16xi32>
    tpu.vector_store_idx %arg9[%add3A_4306], %select_n3A_4337 : memref<128xi32, #tpu.memory_space<vmem>>[vector<16xi32>], vector<16xi32>,
    %dma_start3A_4338 = arith.constant 0 : i32
    %dma_start3A_4339 = arith.constant 0 : i32
    %dma_start3A_4340 = tpu.memref_slice %arg4[%dma_start3A_4338, %dma_start3A_4339] : memref<15625x128xf32, #tpu.memory_space<hbm>> -> memref<15625x128xf32, #tpu.memory_space<hbm>>
    tpu.enqueue_indirect_dma source(%dma_start3A_4340 : memref<15625x128xf32, #tpu.memory_space<hbm>>) target(%arg10 : memref<128x128xf32, #tpu.memory_space<vmem>>) offsets(%arg9 : memref<128xi32, #tpu.memory_space<vmem>>) semaphore(%arg13 : memref<!tpu.dma_semaphore, #tpu.memory_space<semaphore_mem>>)
    %dma_wait3A_4341 = arith.constant 0 : i32
    %dma_wait3A_4342 = arith.constant 0 : i32
    %dma_wait3A_4343 = tpu.memref_slice %arg4[%dma_wait3A_4341, %dma_wait3A_4342] : memref<15625x128xf32, #tpu.memory_space<hbm>> -> memref<15625x128xf32, #tpu.memory_space<hbm>>
    tpu.wait_indirect_dma semaphore(%arg13 : memref<!tpu.dma_semaphore, #tpu.memory_space<semaphore_mem>>) src(%dma_wait3A_4343 : memref<15625x128xf32, #tpu.memory_space<hbm>>) dst(%arg10 : memref<128x128xf32, #tpu.memory_space<vmem>>)
    %get3A_4344 = arith.constant 1 : i32
    %get3A_4345 = arith.index_cast %get3A_4344 : i32 to index
    %get3A_4346 = arith.constant 384 : index
    %get3A_4347 = tpu.vector_load %arg6[%get3A_4345, %get3A_4346] {strides = array<i32>} : memref<2x512xi32, #tpu.memory_space<vmem>>, vector<16xi32>,
    %add3A_4348 = arith.constant 0 : i32
    %add3A_4349 = vector.broadcast %add3A_4348 : i32 to vector<16xi32>
    %add3A_4350 = arith.addi %iota3A, %add3A_4349 : vector<16xi32>
    %jit3A_4351 = arith.constant 128 : i32
    %eq3A_4352 = arith.constant 0 : i32
    %eq3A_4353 = arith.cmpi eq, %jit3A_4351, %eq3A_4352 : i32
    %jit3A_4354 = arith.constant 1 : i32
    %select_n3A_4355 = arith.select %eq3A_4353, %jit3A_4354, %jit3A_4351 : i32
    %rem3A_4356 = vector.broadcast %select_n3A_4355 : i32 to vector<16xi32>
    %rem3A_4357 = arith.remsi %get3A_4347, %rem3A_4356 : vector<16xi32>
    %ne3A_4358 = arith.constant 0 : i32
    %ne3A_4359 = vector.broadcast %ne3A_4358 : i32 to vector<16xi32>
    %ne3A_4360 = arith.cmpi ne, %rem3A_4357, %ne3A_4359 : vector<16xi32>
    %lt3A_4361 = arith.constant 0 : i32
    %lt3A_4362 = vector.broadcast %lt3A_4361 : i32 to vector<16xi32>
    %lt3A_4363 = arith.cmpi slt, %rem3A_4357, %lt3A_4362 : vector<16xi32>
    %lt3A_4364 = arith.constant 0 : i32
    %lt3A_4365 = arith.cmpi slt, %select_n3A_4355, %lt3A_4364 : i32
    %ne3A_4366 = vector.broadcast %lt3A_4365 : i1 to vector<16xi1>
    %ne3A_4367 = vector.broadcast %ne3A_4366 : vector<16xi1> to vector<16xi1>
    %ne3A_4368 = arith.xori %lt3A_4363, %ne3A_4367 : vector<16xi1>
    %and3A_4369 = arith.andi %ne3A_4368, %ne3A_4360 : vector<16xi1>
    %add3A_4370 = vector.broadcast %select_n3A_4355 : i32 to vector<16xi32>
    %add3A_4371 = arith.addi %rem3A_4357, %add3A_4370 : vector<16xi32>
    %select_n3A_4372 = arith.select %and3A_4369, %add3A_4371, %rem3A_4357 : vector<16xi1>, vector<16xi32>
    %gather3A_4373 = tpu.vector_load_idx %arg10[%add3A_4350, %select_n3A_4372] : memref<128x128xf32, #tpu.memory_space<vmem>>[vector<16xi32>, vector<16xi32>], vector<16xf32>,
    %add3A_4374 = arith.constant 384 : i32
    %add3A_4375 = vector.broadcast %add3A_4374 : i32 to vector<16xi32>
    %add3A_4376 = arith.addi %iota3A, %add3A_4375 : vector<16xi32>
    tpu.vector_store_idx %arg11[%add3A_4376, %broadcast_in_dim3A_28], %gather3A_4373 {add = true} : memref<512x128xf32, #tpu.memory_space<vmem>>[vector<16xi32>, vector<16xi32>], vector<16xf32>,
    %get3A_4377 = arith.constant 1 : i32
    %get3A_4378 = arith.index_cast %get3A_4377 : i32 to index
    %get3A_4379 = arith.constant 400 : index
    %get3A_4380 = tpu.vector_load %arg6[%get3A_4378, %get3A_4379] {strides = array<i32>} : memref<2x512xi32, #tpu.memory_space<vmem>>, vector<16xi32>,
    %add3A_4381 = arith.constant 16 : i32
    %add3A_4382 = vector.broadcast %add3A_4381 : i32 to vector<16xi32>
    %add3A_4383 = arith.addi %iota3A, %add3A_4382 : vector<16xi32>
    %jit3A_4384 = arith.constant 128 : i32
    %eq3A_4385 = arith.constant 0 : i32
    %eq3A_4386 = arith.cmpi eq, %jit3A_4384, %eq3A_4385 : i32
    %jit3A_4387 = arith.constant 1 : i32
    %select_n3A_4388 = arith.select %eq3A_4386, %jit3A_4387, %jit3A_4384 : i32
    %rem3A_4389 = vector.broadcast %select_n3A_4388 : i32 to vector<16xi32>
    %rem3A_4390 = arith.remsi %get3A_4380, %rem3A_4389 : vector<16xi32>
    %ne3A_4391 = arith.constant 0 : i32
    %ne3A_4392 = vector.broadcast %ne3A_4391 : i32 to vector<16xi32>
    %ne3A_4393 = arith.cmpi ne, %rem3A_4390, %ne3A_4392 : vector<16xi32>
    %lt3A_4394 = arith.constant 0 : i32
    %lt3A_4395 = vector.broadcast %lt3A_4394 : i32 to vector<16xi32>
    %lt3A_4396 = arith.cmpi slt, %rem3A_4390, %lt3A_4395 : vector<16xi32>
    %lt3A_4397 = arith.constant 0 : i32
    %lt3A_4398 = arith.cmpi slt, %select_n3A_4388, %lt3A_4397 : i32
    %ne3A_4399 = vector.broadcast %lt3A_4398 : i1 to vector<16xi1>
    %ne3A_4400 = vector.broadcast %ne3A_4399 : vector<16xi1> to vector<16xi1>
    %ne3A_4401 = arith.xori %lt3A_4396, %ne3A_4400 : vector<16xi1>
    %and3A_4402 = arith.andi %ne3A_4401, %ne3A_4393 : vector<16xi1>
    %add3A_4403 = vector.broadcast %select_n3A_4388 : i32 to vector<16xi32>
    %add3A_4404 = arith.addi %rem3A_4390, %add3A_4403 : vector<16xi32>
    %select_n3A_4405 = arith.select %and3A_4402, %add3A_4404, %rem3A_4390 : vector<16xi1>, vector<16xi32>
    %gather3A_4406 = tpu.vector_load_idx %arg10[%add3A_4383, %select_n3A_4405] : memref<128x128xf32, #tpu.memory_space<vmem>>[vector<16xi32>, vector<16xi32>], vector<16xf32>,
    %add3A_4407 = arith.constant 400 : i32
    %add3A_4408 = vector.broadcast %add3A_4407 : i32 to vector<16xi32>
    %add3A_4409 = arith.addi %iota3A, %add3A_4408 : vector<16xi32>
    tpu.vector_store_idx %arg11[%add3A_4409, %broadcast_in_dim3A_28], %gather3A_4406 {add = true} : memref<512x128xf32, #tpu.memory_space<vmem>>[vector<16xi32>, vector<16xi32>], vector<16xf32>,
    %get3A_4410 = arith.constant 1 : i32
    %get3A_4411 = arith.index_cast %get3A_4410 : i32 to index
    %get3A_4412 = arith.constant 416 : index
    %get3A_4413 = tpu.vector_load %arg6[%get3A_4411, %get3A_4412] {strides = array<i32>} : memref<2x512xi32, #tpu.memory_space<vmem>>, vector<16xi32>,
    %add3A_4414 = arith.constant 32 : i32
    %add3A_4415 = vector.broadcast %add3A_4414 : i32 to vector<16xi32>
    %add3A_4416 = arith.addi %iota3A, %add3A_4415 : vector<16xi32>
    %jit3A_4417 = arith.constant 128 : i32
    %eq3A_4418 = arith.constant 0 : i32
    %eq3A_4419 = arith.cmpi eq, %jit3A_4417, %eq3A_4418 : i32
    %jit3A_4420 = arith.constant 1 : i32
    %select_n3A_4421 = arith.select %eq3A_4419, %jit3A_4420, %jit3A_4417 : i32
    %rem3A_4422 = vector.broadcast %select_n3A_4421 : i32 to vector<16xi32>
    %rem3A_4423 = arith.remsi %get3A_4413, %rem3A_4422 : vector<16xi32>
    %ne3A_4424 = arith.constant 0 : i32
    %ne3A_4425 = vector.broadcast %ne3A_4424 : i32 to vector<16xi32>
    %ne3A_4426 = arith.cmpi ne, %rem3A_4423, %ne3A_4425 : vector<16xi32>
    %lt3A_4427 = arith.constant 0 : i32
    %lt3A_4428 = vector.broadcast %lt3A_4427 : i32 to vector<16xi32>
    %lt3A_4429 = arith.cmpi slt, %rem3A_4423, %lt3A_4428 : vector<16xi32>
    %lt3A_4430 = arith.constant 0 : i32
    %lt3A_4431 = arith.cmpi slt, %select_n3A_4421, %lt3A_4430 : i32
    %ne3A_4432 = vector.broadcast %lt3A_4431 : i1 to vector<16xi1>
    %ne3A_4433 = vector.broadcast %ne3A_4432 : vector<16xi1> to vector<16xi1>
    %ne3A_4434 = arith.xori %lt3A_4429, %ne3A_4433 : vector<16xi1>
    %and3A_4435 = arith.andi %ne3A_4434, %ne3A_4426 : vector<16xi1>
    %add3A_4436 = vector.broadcast %select_n3A_4421 : i32 to vector<16xi32>
    %add3A_4437 = arith.addi %rem3A_4423, %add3A_4436 : vector<16xi32>
    %select_n3A_4438 = arith.select %and3A_4435, %add3A_4437, %rem3A_4423 : vector<16xi1>, vector<16xi32>
    %gather3A_4439 = tpu.vector_load_idx %arg10[%add3A_4416, %select_n3A_4438] : memref<128x128xf32, #tpu.memory_space<vmem>>[vector<16xi32>, vector<16xi32>], vector<16xf32>,
    %add3A_4440 = arith.constant 416 : i32
    %add3A_4441 = vector.broadcast %add3A_4440 : i32 to vector<16xi32>
    %add3A_4442 = arith.addi %iota3A, %add3A_4441 : vector<16xi32>
    tpu.vector_store_idx %arg11[%add3A_4442, %broadcast_in_dim3A_28], %gather3A_4439 {add = true} : memref<512x128xf32, #tpu.memory_space<vmem>>[vector<16xi32>, vector<16xi32>], vector<16xf32>,
    %get3A_4443 = arith.constant 1 : i32
    %get3A_4444 = arith.index_cast %get3A_4443 : i32 to index
    %get3A_4445 = arith.constant 432 : index
    %get3A_4446 = tpu.vector_load %arg6[%get3A_4444, %get3A_4445] {strides = array<i32>} : memref<2x512xi32, #tpu.memory_space<vmem>>, vector<16xi32>,
    %add3A_4447 = arith.constant 48 : i32
    %add3A_4448 = vector.broadcast %add3A_4447 : i32 to vector<16xi32>
    %add3A_4449 = arith.addi %iota3A, %add3A_4448 : vector<16xi32>
    %jit3A_4450 = arith.constant 128 : i32
    %eq3A_4451 = arith.constant 0 : i32
    %eq3A_4452 = arith.cmpi eq, %jit3A_4450, %eq3A_4451 : i32
    %jit3A_4453 = arith.constant 1 : i32
    %select_n3A_4454 = arith.select %eq3A_4452, %jit3A_4453, %jit3A_4450 : i32
    %rem3A_4455 = vector.broadcast %select_n3A_4454 : i32 to vector<16xi32>
    %rem3A_4456 = arith.remsi %get3A_4446, %rem3A_4455 : vector<16xi32>
    %ne3A_4457 = arith.constant 0 : i32
    %ne3A_4458 = vector.broadcast %ne3A_4457 : i32 to vector<16xi32>
    %ne3A_4459 = arith.cmpi ne, %rem3A_4456, %ne3A_4458 : vector<16xi32>
    %lt3A_4460 = arith.constant 0 : i32
    %lt3A_4461 = vector.broadcast %lt3A_4460 : i32 to vector<16xi32>
    %lt3A_4462 = arith.cmpi slt, %rem3A_4456, %lt3A_4461 : vector<16xi32>
    %lt3A_4463 = arith.constant 0 : i32
    %lt3A_4464 = arith.cmpi slt, %select_n3A_4454, %lt3A_4463 : i32
    %ne3A_4465 = vector.broadcast %lt3A_4464 : i1 to vector<16xi1>
    %ne3A_4466 = vector.broadcast %ne3A_4465 : vector<16xi1> to vector<16xi1>
    %ne3A_4467 = arith.xori %lt3A_4462, %ne3A_4466 : vector<16xi1>
    %and3A_4468 = arith.andi %ne3A_4467, %ne3A_4459 : vector<16xi1>
    %add3A_4469 = vector.broadcast %select_n3A_4454 : i32 to vector<16xi32>
    %add3A_4470 = arith.addi %rem3A_4456, %add3A_4469 : vector<16xi32>
    %select_n3A_4471 = arith.select %and3A_4468, %add3A_4470, %rem3A_4456 : vector<16xi1>, vector<16xi32>
    %gather3A_4472 = tpu.vector_load_idx %arg10[%add3A_4449, %select_n3A_4471] : memref<128x128xf32, #tpu.memory_space<vmem>>[vector<16xi32>, vector<16xi32>], vector<16xf32>,
    %add3A_4473 = arith.constant 432 : i32
    %add3A_4474 = vector.broadcast %add3A_4473 : i32 to vector<16xi32>
    %add3A_4475 = arith.addi %iota3A, %add3A_4474 : vector<16xi32>
    tpu.vector_store_idx %arg11[%add3A_4475, %broadcast_in_dim3A_28], %gather3A_4472 {add = true} : memref<512x128xf32, #tpu.memory_space<vmem>>[vector<16xi32>, vector<16xi32>], vector<16xf32>,
    %get3A_4476 = arith.constant 1 : i32
    %get3A_4477 = arith.index_cast %get3A_4476 : i32 to index
    %get3A_4478 = arith.constant 448 : index
    %get3A_4479 = tpu.vector_load %arg6[%get3A_4477, %get3A_4478] {strides = array<i32>} : memref<2x512xi32, #tpu.memory_space<vmem>>, vector<16xi32>,
    %add3A_4480 = arith.constant 64 : i32
    %add3A_4481 = vector.broadcast %add3A_4480 : i32 to vector<16xi32>
    %add3A_4482 = arith.addi %iota3A, %add3A_4481 : vector<16xi32>
    %jit3A_4483 = arith.constant 128 : i32
    %eq3A_4484 = arith.constant 0 : i32
    %eq3A_4485 = arith.cmpi eq, %jit3A_4483, %eq3A_4484 : i32
    %jit3A_4486 = arith.constant 1 : i32
    %select_n3A_4487 = arith.select %eq3A_4485, %jit3A_4486, %jit3A_4483 : i32
    %rem3A_4488 = vector.broadcast %select_n3A_4487 : i32 to vector<16xi32>
    %rem3A_4489 = arith.remsi %get3A_4479, %rem3A_4488 : vector<16xi32>
    %ne3A_4490 = arith.constant 0 : i32
    %ne3A_4491 = vector.broadcast %ne3A_4490 : i32 to vector<16xi32>
    %ne3A_4492 = arith.cmpi ne, %rem3A_4489, %ne3A_4491 : vector<16xi32>
    %lt3A_4493 = arith.constant 0 : i32
    %lt3A_4494 = vector.broadcast %lt3A_4493 : i32 to vector<16xi32>
    %lt3A_4495 = arith.cmpi slt, %rem3A_4489, %lt3A_4494 : vector<16xi32>
    %lt3A_4496 = arith.constant 0 : i32
    %lt3A_4497 = arith.cmpi slt, %select_n3A_4487, %lt3A_4496 : i32
    %ne3A_4498 = vector.broadcast %lt3A_4497 : i1 to vector<16xi1>
    %ne3A_4499 = vector.broadcast %ne3A_4498 : vector<16xi1> to vector<16xi1>
    %ne3A_4500 = arith.xori %lt3A_4495, %ne3A_4499 : vector<16xi1>
    %and3A_4501 = arith.andi %ne3A_4500, %ne3A_4492 : vector<16xi1>
    %add3A_4502 = vector.broadcast %select_n3A_4487 : i32 to vector<16xi32>
    %add3A_4503 = arith.addi %rem3A_4489, %add3A_4502 : vector<16xi32>
    %select_n3A_4504 = arith.select %and3A_4501, %add3A_4503, %rem3A_4489 : vector<16xi1>, vector<16xi32>
    %gather3A_4505 = tpu.vector_load_idx %arg10[%add3A_4482, %select_n3A_4504] : memref<128x128xf32, #tpu.memory_space<vmem>>[vector<16xi32>, vector<16xi32>], vector<16xf32>,
    %add3A_4506 = arith.constant 448 : i32
    %add3A_4507 = vector.broadcast %add3A_4506 : i32 to vector<16xi32>
    %add3A_4508 = arith.addi %iota3A, %add3A_4507 : vector<16xi32>
    tpu.vector_store_idx %arg11[%add3A_4508, %broadcast_in_dim3A_28], %gather3A_4505 {add = true} : memref<512x128xf32, #tpu.memory_space<vmem>>[vector<16xi32>, vector<16xi32>], vector<16xf32>,
    %get3A_4509 = arith.constant 1 : i32
    %get3A_4510 = arith.index_cast %get3A_4509 : i32 to index
    %get3A_4511 = arith.constant 464 : index
    %get3A_4512 = tpu.vector_load %arg6[%get3A_4510, %get3A_4511] {strides = array<i32>} : memref<2x512xi32, #tpu.memory_space<vmem>>, vector<16xi32>,
    %add3A_4513 = arith.constant 80 : i32
    %add3A_4514 = vector.broadcast %add3A_4513 : i32 to vector<16xi32>
    %add3A_4515 = arith.addi %iota3A, %add3A_4514 : vector<16xi32>
    %jit3A_4516 = arith.constant 128 : i32
    %eq3A_4517 = arith.constant 0 : i32
    %eq3A_4518 = arith.cmpi eq, %jit3A_4516, %eq3A_4517 : i32
    %jit3A_4519 = arith.constant 1 : i32
    %select_n3A_4520 = arith.select %eq3A_4518, %jit3A_4519, %jit3A_4516 : i32
    %rem3A_4521 = vector.broadcast %select_n3A_4520 : i32 to vector<16xi32>
    %rem3A_4522 = arith.remsi %get3A_4512, %rem3A_4521 : vector<16xi32>
    %ne3A_4523 = arith.constant 0 : i32
    %ne3A_4524 = vector.broadcast %ne3A_4523 : i32 to vector<16xi32>
    %ne3A_4525 = arith.cmpi ne, %rem3A_4522, %ne3A_4524 : vector<16xi32>
    %lt3A_4526 = arith.constant 0 : i32
    %lt3A_4527 = vector.broadcast %lt3A_4526 : i32 to vector<16xi32>
    %lt3A_4528 = arith.cmpi slt, %rem3A_4522, %lt3A_4527 : vector<16xi32>
    %lt3A_4529 = arith.constant 0 : i32
    %lt3A_4530 = arith.cmpi slt, %select_n3A_4520, %lt3A_4529 : i32
    %ne3A_4531 = vector.broadcast %lt3A_4530 : i1 to vector<16xi1>
    %ne3A_4532 = vector.broadcast %ne3A_4531 : vector<16xi1> to vector<16xi1>
    %ne3A_4533 = arith.xori %lt3A_4528, %ne3A_4532 : vector<16xi1>
    %and3A_4534 = arith.andi %ne3A_4533, %ne3A_4525 : vector<16xi1>
    %add3A_4535 = vector.broadcast %select_n3A_4520 : i32 to vector<16xi32>
    %add3A_4536 = arith.addi %rem3A_4522, %add3A_4535 : vector<16xi32>
    %select_n3A_4537 = arith.select %and3A_4534, %add3A_4536, %rem3A_4522 : vector<16xi1>, vector<16xi32>
    %gather3A_4538 = tpu.vector_load_idx %arg10[%add3A_4515, %select_n3A_4537] : memref<128x128xf32, #tpu.memory_space<vmem>>[vector<16xi32>, vector<16xi32>], vector<16xf32>,
    %add3A_4539 = arith.constant 464 : i32
    %add3A_4540 = vector.broadcast %add3A_4539 : i32 to vector<16xi32>
    %add3A_4541 = arith.addi %iota3A, %add3A_4540 : vector<16xi32>
    tpu.vector_store_idx %arg11[%add3A_4541, %broadcast_in_dim3A_28], %gather3A_4538 {add = true} : memref<512x128xf32, #tpu.memory_space<vmem>>[vector<16xi32>, vector<16xi32>], vector<16xf32>,
    %get3A_4542 = arith.constant 1 : i32
    %get3A_4543 = arith.index_cast %get3A_4542 : i32 to index
    %get3A_4544 = arith.constant 480 : index
    %get3A_4545 = tpu.vector_load %arg6[%get3A_4543, %get3A_4544] {strides = array<i32>} : memref<2x512xi32, #tpu.memory_space<vmem>>, vector<16xi32>,
    %add3A_4546 = arith.constant 96 : i32
    %add3A_4547 = vector.broadcast %add3A_4546 : i32 to vector<16xi32>
    %add3A_4548 = arith.addi %iota3A, %add3A_4547 : vector<16xi32>
    %jit3A_4549 = arith.constant 128 : i32
    %eq3A_4550 = arith.constant 0 : i32
    %eq3A_4551 = arith.cmpi eq, %jit3A_4549, %eq3A_4550 : i32
    %jit3A_4552 = arith.constant 1 : i32
    %select_n3A_4553 = arith.select %eq3A_4551, %jit3A_4552, %jit3A_4549 : i32
    %rem3A_4554 = vector.broadcast %select_n3A_4553 : i32 to vector<16xi32>
    %rem3A_4555 = arith.remsi %get3A_4545, %rem3A_4554 : vector<16xi32>
    %ne3A_4556 = arith.constant 0 : i32
    %ne3A_4557 = vector.broadcast %ne3A_4556 : i32 to vector<16xi32>
    %ne3A_4558 = arith.cmpi ne, %rem3A_4555, %ne3A_4557 : vector<16xi32>
    %lt3A_4559 = arith.constant 0 : i32
    %lt3A_4560 = vector.broadcast %lt3A_4559 : i32 to vector<16xi32>
    %lt3A_4561 = arith.cmpi slt, %rem3A_4555, %lt3A_4560 : vector<16xi32>
    %lt3A_4562 = arith.constant 0 : i32
    %lt3A_4563 = arith.cmpi slt, %select_n3A_4553, %lt3A_4562 : i32
    %ne3A_4564 = vector.broadcast %lt3A_4563 : i1 to vector<16xi1>
    %ne3A_4565 = vector.broadcast %ne3A_4564 : vector<16xi1> to vector<16xi1>
    %ne3A_4566 = arith.xori %lt3A_4561, %ne3A_4565 : vector<16xi1>
    %and3A_4567 = arith.andi %ne3A_4566, %ne3A_4558 : vector<16xi1>
    %add3A_4568 = vector.broadcast %select_n3A_4553 : i32 to vector<16xi32>
    %add3A_4569 = arith.addi %rem3A_4555, %add3A_4568 : vector<16xi32>
    %select_n3A_4570 = arith.select %and3A_4567, %add3A_4569, %rem3A_4555 : vector<16xi1>, vector<16xi32>
    %gather3A_4571 = tpu.vector_load_idx %arg10[%add3A_4548, %select_n3A_4570] : memref<128x128xf32, #tpu.memory_space<vmem>>[vector<16xi32>, vector<16xi32>], vector<16xf32>,
    %add3A_4572 = arith.constant 480 : i32
    %add3A_4573 = vector.broadcast %add3A_4572 : i32 to vector<16xi32>
    %add3A_4574 = arith.addi %iota3A, %add3A_4573 : vector<16xi32>
    tpu.vector_store_idx %arg11[%add3A_4574, %broadcast_in_dim3A_28], %gather3A_4571 {add = true} : memref<512x128xf32, #tpu.memory_space<vmem>>[vector<16xi32>, vector<16xi32>], vector<16xf32>,
    %get3A_4575 = arith.constant 1 : i32
    %get3A_4576 = arith.index_cast %get3A_4575 : i32 to index
    %get3A_4577 = arith.constant 496 : index
    %get3A_4578 = tpu.vector_load %arg6[%get3A_4576, %get3A_4577] {strides = array<i32>} : memref<2x512xi32, #tpu.memory_space<vmem>>, vector<16xi32>,
    %add3A_4579 = arith.constant 112 : i32
    %add3A_4580 = vector.broadcast %add3A_4579 : i32 to vector<16xi32>
    %add3A_4581 = arith.addi %iota3A, %add3A_4580 : vector<16xi32>
    %jit3A_4582 = arith.constant 128 : i32
    %eq3A_4583 = arith.constant 0 : i32
    %eq3A_4584 = arith.cmpi eq, %jit3A_4582, %eq3A_4583 : i32
    %jit3A_4585 = arith.constant 1 : i32
    %select_n3A_4586 = arith.select %eq3A_4584, %jit3A_4585, %jit3A_4582 : i32
    %rem3A_4587 = vector.broadcast %select_n3A_4586 : i32 to vector<16xi32>
    %rem3A_4588 = arith.remsi %get3A_4578, %rem3A_4587 : vector<16xi32>
    %ne3A_4589 = arith.constant 0 : i32
    %ne3A_4590 = vector.broadcast %ne3A_4589 : i32 to vector<16xi32>
    %ne3A_4591 = arith.cmpi ne, %rem3A_4588, %ne3A_4590 : vector<16xi32>
    %lt3A_4592 = arith.constant 0 : i32
    %lt3A_4593 = vector.broadcast %lt3A_4592 : i32 to vector<16xi32>
    %lt3A_4594 = arith.cmpi slt, %rem3A_4588, %lt3A_4593 : vector<16xi32>
    %lt3A_4595 = arith.constant 0 : i32
    %lt3A_4596 = arith.cmpi slt, %select_n3A_4586, %lt3A_4595 : i32
    %ne3A_4597 = vector.broadcast %lt3A_4596 : i1 to vector<16xi1>
    %ne3A_4598 = vector.broadcast %ne3A_4597 : vector<16xi1> to vector<16xi1>
    %ne3A_4599 = arith.xori %lt3A_4594, %ne3A_4598 : vector<16xi1>
    %and3A_4600 = arith.andi %ne3A_4599, %ne3A_4591 : vector<16xi1>
    %add3A_4601 = vector.broadcast %select_n3A_4586 : i32 to vector<16xi32>
    %add3A_4602 = arith.addi %rem3A_4588, %add3A_4601 : vector<16xi32>
    %select_n3A_4603 = arith.select %and3A_4600, %add3A_4602, %rem3A_4588 : vector<16xi1>, vector<16xi32>
    %gather3A_4604 = tpu.vector_load_idx %arg10[%add3A_4581, %select_n3A_4603] : memref<128x128xf32, #tpu.memory_space<vmem>>[vector<16xi32>, vector<16xi32>], vector<16xf32>,
    %add3A_4605 = arith.constant 496 : i32
    %add3A_4606 = vector.broadcast %add3A_4605 : i32 to vector<16xi32>
    %add3A_4607 = arith.addi %iota3A, %add3A_4606 : vector<16xi32>
    tpu.vector_store_idx %arg11[%add3A_4607, %broadcast_in_dim3A_28], %gather3A_4604 {add = true} : memref<512x128xf32, #tpu.memory_space<vmem>>[vector<16xi32>, vector<16xi32>], vector<16xf32>,
    %dma_wait3A_4608 = arith.constant 0 : i32
    %dma_wait3A_4609 = arith.constant 0 : i32
    %dma_wait3A_4610 = arith.constant 0 : i32
    %dma_wait3A_4611 = tpu.memref_slice %arg8[%dma_wait3A_4609, %dma_wait3A_4610] : memref<2x8192xf32, #tpu.memory_space<vmem>> -> memref<1x8192xf32, #tpu.memory_space<vmem>>
    %dma_wait3A_4612 = tpu.memref_squeeze %dma_wait3A_4611 : memref<1x8192xf32, #tpu.memory_space<vmem>> -> memref<8192xf32, #tpu.memory_space<vmem>>
    %dma_wait3A_4613 = arith.constant 0 : i32
    %dma_wait3A_4614 = tpu.memref_slice %arg7[%dma_wait3A_4608, %dma_wait3A_4613] : memref<2x8192xi32, #tpu.memory_space<vmem>> -> memref<1x8192xi32, #tpu.memory_space<vmem>>
    %dma_wait3A_4615 = tpu.memref_squeeze %dma_wait3A_4614 : memref<1x8192xi32, #tpu.memory_space<vmem>> -> memref<8192xi32, #tpu.memory_space<vmem>>
    %dma_wait3A_4616 = arith.constant 0 : i32
    %dma_wait3A_4617 = tpu.memref_slice %arg3[%dma_wait3A_4616] : memref<32000000xf32, #tpu.memory_space<hbm>> -> memref<32000000xf32, #tpu.memory_space<hbm>>
    tpu.wait_indirect_dma semaphore(%arg12 : memref<!tpu.dma_semaphore, #tpu.memory_space<semaphore_mem>>) src(%dma_wait3A_4617 : memref<32000000xf32, #tpu.memory_space<hbm>>) dst(%dma_wait3A_4612 : memref<8192xf32, #tpu.memory_space<vmem>>)
    %dma_wait3A_4618 = arith.constant 1 : i32
    %dma_wait3A_4619 = arith.constant 1 : i32
    %dma_wait3A_4620 = arith.constant 0 : i32
    %dma_wait3A_4621 = tpu.memref_slice %arg8[%dma_wait3A_4619, %dma_wait3A_4620] : memref<2x8192xf32, #tpu.memory_space<vmem>> -> memref<1x8192xf32, #tpu.memory_space<vmem>>
    %dma_wait3A_4622 = tpu.memref_squeeze %dma_wait3A_4621 : memref<1x8192xf32, #tpu.memory_space<vmem>> -> memref<8192xf32, #tpu.memory_space<vmem>>
    %dma_wait3A_4623 = arith.constant 0 : i32
    %dma_wait3A_4624 = tpu.memref_slice %arg7[%dma_wait3A_4618, %dma_wait3A_4623] : memref<2x8192xi32, #tpu.memory_space<vmem>> -> memref<1x8192xi32, #tpu.memory_space<vmem>>
    %dma_wait3A_4625 = tpu.memref_squeeze %dma_wait3A_4624 : memref<1x8192xi32, #tpu.memory_space<vmem>> -> memref<8192xi32, #tpu.memory_space<vmem>>
    %dma_wait3A_4626 = arith.constant 0 : i32
    %dma_wait3A_4627 = tpu.memref_slice %arg3[%dma_wait3A_4626] : memref<32000000xf32, #tpu.memory_space<hbm>> -> memref<32000000xf32, #tpu.memory_space<hbm>>
    tpu.wait_indirect_dma semaphore(%arg12 : memref<!tpu.dma_semaphore, #tpu.memory_space<semaphore_mem>>) src(%dma_wait3A_4627 : memref<32000000xf32, #tpu.memory_space<hbm>>) dst(%dma_wait3A_4622 : memref<8192xf32, #tpu.memory_space<vmem>>)
    %scan3A_4628 = arith.constant 0 : i32
    %scan3A_4629 = arith.constant 0 : i32
    %scan3A_4630 = arith.constant 512 : i32
    %scan3A_4631 = arith.addi %scan3A_4629, %scan3A_4630 : i32
    %scan3A_4632 = arith.constant 1 : i32
    scf.for %scan3A_4636 = %scan3A_4629 to %scan3A_4631 step %scan3A_4632  : i32 {
      %mul3A_4637 = arith.constant 16 : i32
      %mul3A_4638 = arith.muli %scan3A_4636, %mul3A_4637 : i32
      %get3A_4639 = arith.constant 0 : i32
      %get3A_4640 = arith.index_cast %get3A_4639 : i32 to index
      %get3A_4641 = arith.index_cast %mul3A_4638 : i32 to index
      %get3A_4642 = tpu.vector_load %arg8[%get3A_4640, %get3A_4641] {strides = array<i32>} : memref<2x8192xf32, #tpu.memory_space<vmem>>, vector<16xf32>,
      %mul3A_4643 = arith.constant 16 : i32
      %mul3A_4644 = arith.muli %scan3A_4636, %mul3A_4643 : i32
      %get3A_4645 = arith.constant 1 : i32
      %get3A_4646 = arith.index_cast %get3A_4645 : i32 to index
      %get3A_4647 = arith.index_cast %mul3A_4644 : i32 to index
      %get3A_4648 = tpu.vector_load %arg8[%get3A_4646, %get3A_4647] {strides = array<i32>} : memref<2x8192xf32, #tpu.memory_space<vmem>>, vector<16xf32>,
      %add3A_4649 = arith.addf %get3A_4642, %get3A_4648 : vector<16xf32>
      %swap3A = arith.index_cast %scan3A_4636 : i32 to index
      %swap3A_4650 = arith.constant 0 : index
      %swap3A_4651 = tpu.vector_load %arg11[%swap3A, %swap3A_4650] {strides = array<i32>} : memref<512x128xf32, #tpu.memory_space<vmem>>, vector<16xf32>,
      tpu.vector_store %arg11[%swap3A, %swap3A_4650], %add3A_4649 {strides = array<i32>} : memref<512x128xf32, #tpu.memory_space<vmem>>, vector<16xf32>,
      %mul3A_4652 = arith.mulf %get3A_4642, %get3A_4642 : vector<16xf32>
      %mul3A_4653 = arith.mulf %get3A_4648, %get3A_4648 : vector<16xf32>
      %add3A_4654 = arith.addf %mul3A_4652, %mul3A_4653 : vector<16xf32>
      %swap3A_4655 = arith.index_cast %scan3A_4636 : i32 to index
      %swap3A_4656 = arith.constant 16 : index
      %swap3A_4657 = tpu.vector_load %arg11[%swap3A_4655, %swap3A_4656] {strides = array<i32>} : memref<512x128xf32, #tpu.memory_space<vmem>>, vector<16xf32>,
      tpu.vector_store %arg11[%swap3A_4655, %swap3A_4656], %add3A_4654 {strides = array<i32>} : memref<512x128xf32, #tpu.memory_space<vmem>>, vector<16xf32>,
    }
    %scan3A_4633 = arith.constant 512 : i32
    %mul3A_4634 = arith.constant 512 : i32
    %mul3A_4635 = arith.muli %add3A, %mul3A_4634 : i32
    "tpu.region"() ({
      %run_scoped3A_4636 = tpu.sem_alloc : memref<!tpu.dma_semaphore, #tpu.memory_space<semaphore_mem>>
      %dma_start3A_4637 = arith.constant 0 : i32
      %dma_start3A_4638 = tpu.memref_slice %arg5[%mul3A_4635, %dma_start3A_4637] : memref<16384x128xf32, #tpu.memory_space<hbm>> -> memref<512x128xf32, #tpu.memory_space<hbm>>
      %dma_start3A_4639 = arith.constant 0 : i32
      %dma_start3A_4640 = tpu.memref_slice %arg5[%mul3A_4635, %dma_start3A_4639] : memref<16384x128xf32, #tpu.memory_space<hbm>> -> memref<512x128xf32, #tpu.memory_space<hbm>>
      tpu.enqueue_dma source(%arg11 : memref<512x128xf32, #tpu.memory_space<vmem>>) target(%dma_start3A_4640 : memref<512x128xf32, #tpu.memory_space<hbm>>) target_semaphore(%run_scoped3A_4636 : memref<!tpu.dma_semaphore, #tpu.memory_space<semaphore_mem>>)
      %dma_wait3A_4641 = arith.constant 0 : i32
      %dma_wait3A_4642 = tpu.memref_slice %arg5[%mul3A_4635, %dma_wait3A_4641] : memref<16384x128xf32, #tpu.memory_space<hbm>> -> memref<512x128xf32, #tpu.memory_space<hbm>>
      %dma_wait3A_4643 = arith.constant 0 : i32
      %dma_wait3A_4644 = tpu.memref_slice %arg5[%mul3A_4635, %dma_wait3A_4643] : memref<16384x128xf32, #tpu.memory_space<hbm>> -> memref<512x128xf32, #tpu.memory_space<hbm>>
      tpu.wait_dma2 semaphore(%run_scoped3A_4636 : memref<!tpu.dma_semaphore, #tpu.memory_space<semaphore_mem>>) src(%arg11 : memref<512x128xf32, #tpu.memory_space<vmem>>) dst(%dma_wait3A_4644 : memref<512x128xf32, #tpu.memory_space<hbm>>)
      tpu.yield
    }) : () -> ()
    return
  }
}

module attributes {stable_mosaic.version = 14 : i64} {
  func.func @_tc_text_body(%arg0: i32, %arg1: memref<2048x768xf32, #tpu.memory_space<vmem>>, %arg2: memref<2048x768xf32, #tpu.memory_space<vmem>>, %arg3: memref<16x768xf32, #tpu.memory_space<vmem>>, %arg4: memref<1x16xf32, #tpu.memory_space<vmem>>, %arg5: memref<2048x128xf32, #tpu.memory_space<vmem>>) attributes {dimension_semantics = [#tpu.dimension_semantics<arbitrary>], iteration_bounds = array<i64: 8>, scalar_prefetch = 0 : i64, scratch_operands = 0 : i64, tpu.core_type = #tpu.core_type<tc>, window_params = [{transform_indices = @transform_0, window_bounds = array<i64: 2048, 768>}, {transform_indices = @transform_1, window_bounds = array<i64: 2048, 768>}, {pipeline_mode = #tpu.pipeline_mode<synchronous>, transform_indices = @transform_2, window_bounds = array<i64: 16, 768>}, {pipeline_mode = #tpu.pipeline_mode<synchronous>, transform_indices = @transform_3, window_bounds = array<i64: 1, 16>}, {transform_indices = @transform_4, window_bounds = array<i64: 2048, 128>}]} {
    %get3A = arith.constant 0 : index
    %get3A_0 = arith.constant 0 : index
    %get3A_1 = vector.load %arg3[%get3A, %get3A_0] : memref<16x768xf32, #tpu.memory_space<vmem>>, vector<16x768xf32>
    %get3A_2 = arith.constant 0 : index
    %get3A_3 = arith.constant 0 : index
    %get3A_4 = vector.load %arg1[%get3A_2, %get3A_3] : memref<2048x768xf32, #tpu.memory_space<vmem>>, vector<2048x768xf32>
    %dot_general3A = arith.constant dense<0.000000e+00> : vector<2048x16xf32>
    %dot_general3A_5 = tpu.matmul %get3A_4, %get3A_1, %dot_general3A {dimension_numbers = #tpu.dot_dimension_numbers<[1], [1], [0], [0], [0, 0, 1, 0], [], []>, transpose_lhs_hint = false} : vector<2048x768xf32>, vector<16x768xf32>, vector<2048x16xf32> -> vector<2048x16xf32>
    %get3A_6 = arith.constant 0 : index
    %get3A_7 = arith.constant 0 : index
    %get3A_8 = vector.load %arg4[%get3A_6, %get3A_7] : memref<1x16xf32, #tpu.memory_space<vmem>>, vector<1x16xf32>
    %add3A = vector.broadcast %get3A_8 : vector<1x16xf32> to vector<2048x16xf32>
    %add3A_9 = arith.addf %dot_general3A_5, %add3A : vector<2048x16xf32>
    %get3A_10 = arith.constant 0 : index
    %get3A_11 = arith.constant 0 : index
    %get3A_12 = vector.load %arg2[%get3A_10, %get3A_11] : memref<2048x768xf32, #tpu.memory_space<vmem>>, vector<2048x768xf32>
    %dot_general3A_13 = arith.constant dense<0.000000e+00> : vector<2048x16xf32>
    %dot_general3A_14 = tpu.matmul %get3A_12, %get3A_1, %dot_general3A_13 {dimension_numbers = #tpu.dot_dimension_numbers<[1], [1], [0], [0], [0, 0, 1, 0], [], []>, transpose_lhs_hint = false} : vector<2048x768xf32>, vector<16x768xf32>, vector<2048x16xf32> -> vector<2048x16xf32>
    %get3A_15 = arith.constant 0 : index
    %get3A_16 = arith.constant 0 : index
    %get3A_17 = vector.load %arg4[%get3A_15, %get3A_16] : memref<1x16xf32, #tpu.memory_space<vmem>>, vector<1x16xf32>
    %add3A_18 = vector.broadcast %get3A_17 : vector<1x16xf32> to vector<2048x16xf32>
    %add3A_19 = arith.addf %dot_general3A_14, %add3A_18 : vector<2048x16xf32>
    %add3A_20 = arith.addf %add3A_9, %add3A_19 : vector<2048x16xf32>
    %swap3A = arith.constant 0 : index
    %swap3A_21 = arith.constant 0 : index
    %swap3A_22 = vector.load %arg5[%swap3A, %swap3A_21] : memref<2048x128xf32, #tpu.memory_space<vmem>>, vector<2048x16xf32>
    tpu.vector_store %arg5[%swap3A, %swap3A_21], %add3A_20 {strides = array<i32>} : memref<2048x128xf32, #tpu.memory_space<vmem>>, vector<2048x16xf32>,
    %mul3A = arith.mulf %add3A_9, %add3A_9 : vector<2048x16xf32>
    %mul3A_23 = arith.mulf %add3A_19, %add3A_19 : vector<2048x16xf32>
    %add3A_24 = arith.addf %mul3A, %mul3A_23 : vector<2048x16xf32>
    %swap3A_25 = arith.constant 0 : index
    %swap3A_26 = arith.constant 16 : index
    %swap3A_27 = vector.load %arg5[%swap3A_25, %swap3A_26] : memref<2048x128xf32, #tpu.memory_space<vmem>>, vector<2048x16xf32>
    tpu.vector_store %arg5[%swap3A_25, %swap3A_26], %add3A_24 {strides = array<i32>} : memref<2048x128xf32, #tpu.memory_space<vmem>>, vector<2048x16xf32>,
    return
  }
  func.func @transform_0(%arg0: i32) -> (i32, i32) {
    %c0_i32 = arith.constant 0 : i32
    %c0_i32_0 = arith.constant 0 : i32
    return %arg0, %c0_i32 : i32, i32
  }
  func.func @transform_1(%arg0: i32) -> (i32, i32) {
    %c0_i32 = arith.constant 0 : i32
    %c0_i32_0 = arith.constant 0 : i32
    return %arg0, %c0_i32 : i32, i32
  }
  func.func @transform_2(%arg0: i32) -> (i32, i32) {
    %c0_i32 = arith.constant 0 : i32
    %c0_i32_0 = arith.constant 0 : i32
    %c0_i32_1 = arith.constant 0 : i32
    return %c0_i32, %c0_i32_0 : i32, i32
  }
  func.func @transform_3(%arg0: i32) -> (i32, i32) {
    %c0_i32 = arith.constant 0 : i32
    %c0_i32_0 = arith.constant 0 : i32
    %c0_i32_1 = arith.constant 0 : i32
    return %c0_i32, %c0_i32_0 : i32, i32
  }
  func.func @transform_4(%arg0: i32) -> (i32, i32) {
    %c0_i32 = arith.constant 0 : i32
    %c0_i32_0 = arith.constant 0 : i32
    return %arg0, %c0_i32 : i32, i32
  }
}

module attributes {stable_mosaic.version = 14 : i64} {
  func.func @_tc_combine_body(%arg0: i32, %arg1: memref<2048x128xf32, #tpu.memory_space<vmem>>, %arg2: memref<2048x128xf32, #tpu.memory_space<vmem>>, %arg3: memref<1x1xf32, #tpu.memory_space<vmem>>, %arg4: memref<2048x1xf32, #tpu.memory_space<vmem>>) attributes {dimension_semantics = [#tpu.dimension_semantics<arbitrary>], iteration_bounds = array<i64: 8>, scalar_prefetch = 0 : i64, scratch_operands = 0 : i64, tpu.core_type = #tpu.core_type<tc>, window_params = [{transform_indices = @transform_0, window_bounds = array<i64: 2048, 128>}, {transform_indices = @transform_1, window_bounds = array<i64: 2048, 128>}, {pipeline_mode = #tpu.pipeline_mode<synchronous>, transform_indices = @transform_2, window_bounds = array<i64: 1, 1>}, {transform_indices = @transform_3, window_bounds = array<i64: 2048, 1>}]} {
    %get3A = arith.constant 0 : index
    %get3A_0 = arith.constant 0 : index
    %get3A_1 = vector.load %arg1[%get3A, %get3A_0] : memref<2048x128xf32, #tpu.memory_space<vmem>>, vector<2048x16xf32>
    %get3A_2 = arith.constant 0 : index
    %get3A_3 = arith.constant 0 : index
    %get3A_4 = vector.load %arg2[%get3A_2, %get3A_3] : memref<2048x128xf32, #tpu.memory_space<vmem>>, vector<2048x16xf32>
    %add3A = arith.addf %get3A_1, %get3A_4 : vector<2048x16xf32>
    %get3A_5 = arith.constant 0 : index
    %get3A_6 = arith.constant 16 : index
    %get3A_7 = vector.load %arg1[%get3A_5, %get3A_6] : memref<2048x128xf32, #tpu.memory_space<vmem>>, vector<2048x16xf32>
    %get3A_8 = arith.constant 0 : index
    %get3A_9 = arith.constant 16 : index
    %get3A_10 = vector.load %arg2[%get3A_8, %get3A_9] : memref<2048x128xf32, #tpu.memory_space<vmem>>, vector<2048x16xf32>
    %add3A_11 = arith.addf %get3A_7, %get3A_10 : vector<2048x16xf32>
    %mul3A = arith.mulf %add3A, %add3A : vector<2048x16xf32>
    %sub3A = arith.subf %mul3A, %add3A_11 : vector<2048x16xf32>
    %reduce_sum3A = arith.constant dense<0.000000e+00> : vector<2048xf32>
    %reduce_sum3A_12 = vector.multi_reduction <add>, %sub3A, %reduce_sum3A [1] : vector<2048x16xf32> to vector<2048xf32>
    %broadcast_in_dim3A = vector.shape_cast %reduce_sum3A_12 : vector<2048xf32> to vector<2048x1xf32>
    %mul3A_13 = arith.constant 5.000000e-01 : f32
    %mul3A_14 = vector.broadcast %mul3A_13 : f32 to vector<2048x1xf32>
    %mul3A_15 = arith.mulf %mul3A_14, %broadcast_in_dim3A : vector<2048x1xf32>
    %get3A_16 = arith.constant 0 : index
    %get3A_17 = arith.constant 32 : index
    %get3A_18 = vector.load %arg1[%get3A_16, %get3A_17] : memref<2048x128xf32, #tpu.memory_space<vmem>>, vector<2048x1xf32>
    %add3A_19 = arith.addf %mul3A_15, %get3A_18 : vector<2048x1xf32>
    %get3A_20 = arith.constant 0 : index
    %get3A_21 = arith.constant 0 : index
    %get3A_22 = vector.load %arg3[%get3A_20, %get3A_21] : memref<1x1xf32, #tpu.memory_space<vmem>>, vector<1x1xf32>
    %add3A_23 = vector.broadcast %get3A_22 : vector<1x1xf32> to vector<2048x1xf32>
    %add3A_24 = arith.addf %add3A_19, %add3A_23 : vector<2048x1xf32>
    %swap3A = arith.constant 0 : index
    %swap3A_25 = arith.constant 0 : index
    %swap3A_26 = vector.load %arg4[%swap3A, %swap3A_25] : memref<2048x1xf32, #tpu.memory_space<vmem>>, vector<2048x1xf32>
    tpu.vector_store %arg4[%swap3A, %swap3A_25], %add3A_24 {strides = array<i32>} : memref<2048x1xf32, #tpu.memory_space<vmem>>, vector<2048x1xf32>,
    return
  }
  func.func @transform_0(%arg0: i32) -> (i32, i32) {
    %c0_i32 = arith.constant 0 : i32
    %c0_i32_0 = arith.constant 0 : i32
    return %arg0, %c0_i32 : i32, i32
  }
  func.func @transform_1(%arg0: i32) -> (i32, i32) {
    %c0_i32 = arith.constant 0 : i32
    %c0_i32_0 = arith.constant 0 : i32
    return %arg0, %c0_i32 : i32, i32
  }
  func.func @transform_2(%arg0: i32) -> (i32, i32) {
    %c0_i32 = arith.constant 0 : i32
    %c0_i32_0 = arith.constant 0 : i32
    %c0_i32_1 = arith.constant 0 : i32
    return %c0_i32, %c0_i32_0 : i32, i32
  }
  func.func @transform_3(%arg0: i32) -> (i32, i32) {
    %c0_i32 = arith.constant 0 : i32
    %c0_i32_0 = arith.constant 0 : i32
    return %arg0, %c0_i32 : i32, i32
  }
}

</mosaic_0001>

<sc_bundles>
// kernel: kernel.5.cloned.1.call-start
scs
__scs_entry_jumppad:
0x0: {  	(pc) =	sbr.rel $0x88, $3  }
0x1: {  	(tag) =	ssettag $0x0;
	lr =	simm.s32 $0x1  }
0x2: {  	[smem:$0x3F99] =	sst lr;
	_ =	strace $0xD0000000  }
0x3: {  	_ = 	snop  }
0x4: {  	_ = 	snop  }
0x5: {  	_ = 	snop  }
0x6: {  	_ = 	snop  }
0x7: {  	_ = 	snop  }
__scs_overlays_trampoline_lowered:
0x8: {  	[smem:$0x3FA8] =	sst s0  }
0x9: {  	[smem:$0x3FA9] =	sst s1  }
0xa: {  	[smem:$0x3FAA] =	sst s2  }
0xb: {  	[smem:$0x3FAB] =	sst s3  }
0xc: {  	[smem:$0x3FAC] =	sst s4  }
0xd: {  	[smem:$0x3FAD] =	sst s5  }
0xe: {  	[smem:$0x3FAE] =	sst s6  }
0xf: {  	[smem:$0x3FAF] =	sst s7  }
0x10: {  	[smem:$0x3FB0] =	sst s8  }
0x11: {  	[smem:$0x3FB1] =	sst s9;
	s0 =	simm.s32 @!p0 $0x0  }
0x12: {  	s1 =	sld [smem:$0x3F97];
	s0 =	simm.s32 @p0 $0x1  }
0x13: {  	[smem:$0x3FB2] =	sst s0;
	s0 =	simm.s32 @!p1 $0x0  }
0x14: {  	s2 =	sld [smem:$0x3F96];
	s0 =	simm.s32 @p1 $0x1  }
0x15: {  	[smem:$0x3FB3] =	sst s0;
	s0 =	simm.s32 @!p2 $0x0  }
0x16: {  	s3 =	sld [smem:$0x3FDB];
	s0 =	simm.s32 @p2 $0x1  }
0x17: {  	s4 =	simm.s32 $0x1BF5;
	[smem:$0x3FB5] =	sst s0  }
0x18: {  	s0 =	sld [smem:$0x3F98];
	_ =	swait.ge [sflag:s4], $0x0  }
0x19: {  	s7 =	sld [smem:$0x3F99]  }
0x1a: {  	s8 =	sadd.s32 $0xFFFFE003, lr  }
0x1b: {  	s9 =	sadd.s32 $0xFFFFFEF7, lr;
	s5 =	simm.s32 $0xFFFFFFFF;
	p2 =	slt.u32 s8, $0xFFFFF086  }
0x1c: {  	p1 =	slt.u32 s9, $0xF7A;
	s5 =	simm.s32 @!p2 $0x0  }
0x1d: {  	s5 =	simm.s32 @p1 $0x1;
	p0 =	seq.s32 s7, s2  }
0x1e: {  	s7 =	smul.u32 @!p0 $0xF7A, s2;
	p2 =	seq.s32 @!p0 s5, $0x0  }
0x1f: {  	s9 =	smul.u32 $0xF7A, s1;
	s8 =	simm.s32 @!p0 $0x1BF5;
	p2 =	por !p2, p0  }
0x20: {  	[sflag:s8] =	ssyncset.s32 @!p0 $0xFFFFF086;
	s6 =	sadd.s32 @!p0 s3, s7;
	s7 =	simm.s32 @!p0 $0x108  }
0x21: {  	s3 =	sadd.s32 s3, s9;
	s6 =	sadd.s32 @!p0 $0x88, s6;
	s7 =	simm.s32 @p2 $0x1082  }
0x22: {  	[simem:s7], [sflag:s8] =	dma.local @!p0 [hbm:s6], $0xF7A  }
0x23: {  	s9 =	sor.u32 $0xD0000000, s2;
	s6 =	simm.s32 $0x108;
	_ =	swait.ge @!p0 [sflag:s8], $0x0  }
0x24: {  	s3 =	sadd.s32 $0x88, s3;
	s6 =	simm.s32 @!p1 $0x1082;
	[sflag:s4] =	ssyncset.s32 $0xFFFFF086  }
0x25: {  	[simem:s6], [sflag:s4] =	dma.local [hbm:s3], $0xF7A  }
0x26: {  	[smem:$0x3F99] =	sst s1;
	(tag) =	ssettag s2;
	_ =	strace s9  }
0x27: {  	s1 =	sld [smem:$0x3FA9]  }
0x28: {  	s2 =	sld [smem:$0x3FAA]  }
0x29: {  	s4 =	sld [smem:$0x3FAC]  }
0x2a: {  	p0 =	seq.s32 s5, $0x0;
	s5 =	sld [smem:$0x3FAD]  }
0x2b: {  	s6 =	sld [smem:$0x3FAE]  }
0x2c: {  	s7 =	sld [smem:$0x3FAF]  }
0x2d: {  	s3 =	simm.s32 $0x108;
	s8 =	sld [smem:$0x3FB0]  }
0x2e: {  	s3 =	simm.s32 @!p0 $0x1082;
	s9 =	sld [smem:$0x3FB1]  }
0x2f: {  	lr =	sadd.s32 s0, s3;
	s0 =	sld [smem:$0x3FA8]  }
0x30: {  	s3 =	sld [smem:$0x3FAB]  }
0x31: {  	[smem:$0x3FB4] =	sst s10  }
0x32: {  	s10 =	sld [smem:$0x3FB2];
	_ =	sdelay $0x3  }
0x33: {  	p0 =	seq.s32 s10, $0x1;
	s10 =	sld [smem:$0x3FB4];
	_ =	sdelay $0x3  }
0x34: {  	[smem:$0x3FB4] =	sst s10  }
0x35: {  	s10 =	sld [smem:$0x3FB3];
	_ =	sdelay $0x3  }
0x36: {  	p1 =	seq.s32 s10, $0x1;
	s10 =	sld [smem:$0x3FB4];
	_ =	sdelay $0x3  }
0x37: {  	[smem:$0x3FB4] =	sst s10  }
0x38: {  	s10 =	sld [smem:$0x3FB5]  }
0x39: {  	_ = 	snop;
	(pc) =	sbr.ind lr, $3  }
0x3a: {  	_ = 	snop  }
0x3b: {  	_ = 	snop  }
0x3c: {  	p2 =	seq.s32 s10, $0x1;
	s10 =	sld [smem:$0x3FB4]  }
0x3d: {  	_ =	shalt  }
0x3e: {  	_ =	shalt  }
0x3f: {  	_ =	shalt  }
0x40: {  	_ =	shalt  }
0x41: {  	_ =	shalt  }
0x42: {  	_ =	shalt  }
0x43: {  	_ =	shalt  }
0x44: {  	_ =	shalt  }
0x45: {  	_ =	shalt  }
0x46: {  	_ =	shalt  }
0x47: {  	_ =	shalt  }
0x48: {  	_ =	shalt  }
0x49: {  	_ =	shalt  }
0x4a: {  	_ =	shalt  }
0x4b: {  	_ =	shalt  }
0x4c: {  	_ =	shalt  }
0x4d: {  	_ =	shalt  }
0x4e: {  	_ =	shalt  }
0x4f: {  	_ =	shalt  }
0x50: {  	_ =	shalt  }
0x51: {  	_ =	shalt  }
0x52: {  	_ =	shalt  }
0x53: {  	_ =	shalt  }
0x54: {  	_ =	shalt  }
0x55: {  	_ =	shalt  }
0x56: {  	_ =	shalt  }
0x57: {  	_ =	shalt  }
0x58: {  	_ =	shalt  }
0x59: {  	_ =	shalt  }
0x5a: {  	_ =	shalt  }
0x5b: {  	_ =	shalt  }
0x5c: {  	_ =	shalt  }
0x5d: {  	_ =	shalt  }
0x5e: {  	_ =	shalt  }
0x5f: {  	_ =	shalt  }
0x60: {  	_ =	shalt  }
0x61: {  	_ =	shalt  }
0x62: {  	_ =	shalt  }
0x63: {  	_ =	shalt  }
0x64: {  	_ =	shalt  }
0x65: {  	_ =	shalt  }
0x66: {  	_ =	shalt  }
0x67: {  	_ =	shalt  }
0x68: {  	_ =	shalt  }
0x69: {  	_ =	shalt  }
0x6a: {  	_ =	shalt  }
0x6b: {  	_ =	shalt  }
0x6c: {  	_ =	shalt  }
0x6d: {  	_ =	shalt  }
0x6e: {  	_ =	shalt  }
0x6f: {  	_ =	shalt  }
0x70: {  	_ =	shalt  }
0x71: {  	_ =	shalt  }
0x72: {  	_ =	shalt  }
0x73: {  	_ =	shalt  }
0x74: {  	_ =	shalt  }
0x75: {  	_ =	shalt  }
0x76: {  	_ =	shalt  }
0x77: {  	_ =	shalt  }
0x78: {  	_ =	shalt  }
0x79: {  	_ =	shalt  }
0x7a: {  	_ =	shalt  }
0x7b: {  	_ =	shalt  }
0x7c: {  	_ =	shalt  }
0x7d: {  	_ =	shalt  }
0x7e: {  	_ =	shalt  }
0x7f: {  	_ =	shalt  }
0x80: {  	_ =	shalt  }
0x81: {  	_ =	shalt  }
0x82: {  	_ =	shalt  }
0x83: {  	_ =	shalt  }
0x84: {  	_ =	shalt  }
0x85: {  	_ =	shalt  }
0x86: {  	_ =	shalt  }
0x87: {  	_ =	shalt  }
.Lfunc_end0:
.L_simem_size_0:
called_computation_lowered:
.L_overlay_start_0:
0x88: {  	s2 =	sld [smem:$0x3FD9]  }
0x89: {  	s3 =	sld [smem:$0x3FFE];
	_ =	sdelay $0x1  }
0x8a: {  	s1 =	srdreg.scid  }
0x8b: {  	s0 =	sand.u32 $0x1, s1  }
0x8c: {  	s17 =	sshll.u32 s0, $0xA;
	s2 =	sadd.s32 s3, s2  }
0x8d: {  	s2 =	sadd.s32 s2, s17  }
0x8e: {  	[smem:$0x3FC0] =	sst s2  }
0x8f: {  	_ = 	snop  }
0x90: {  	s2 =	sld [smem:$0x3FC6];
	(tm) =	ssettm $0x1  }
0x91: {  	s18 =	sld [smem:$0x3FFB];
	_ =	sdelay $0x3  }
0x92: {  	_ =	strace s18  }
0x93: {  	s3 =	sld [smem:$0x3FFC];
	_ =	sdelay $0x3  }
0x94: {  	_ =	strace s3  }
0x95: {  	s3 =	sld [smem:$0x3FFD];
	_ =	sdelay $0x3  }
0x96: {  	_ =	strace s3  }
0x97: {  	_ =	strace $0x8FFFFFFF  }
0x98: {  	s19 =	sld [smem:$0x3FDB];
	_ =	sdelay $0x1  }
0x99: {  	s4 =	simm.s32 $_scs_section_size  }
0x9a: {  	s5 =	simm.s32 $_size__tile_overlayer_lowered;
	s6 =	simm.s32 $_tile_overlayer_lowered  }
0x9b: {  	s22 =	simm.s32 $0x1BFF;
	s21 =	sshll.u32 s6, $0x1;
	s3 =	sadd.s32 s4, s19  }
0x9c: {  	s7 =	simm.s32 $0x0;
	s20 =	sshll.u32 s5, $0x1;
	s5 =	sadd.s32 s21, s3  }
0x9d: {  	[timem:s7], [sflag:s22] =	dma.local [hbm:s5], s20  }
0x9e: {  	_ =	swait.ge [sflag:s22], s20  }
0x9f: {  	s4 =	ssub.s32 $0x0, s20;
	[sflag:s22] =	ssyncset.done $0x0  }
0xa0: {  	[sflag:s22] =	ssyncadd.s32 s4;
	_ =	sdelay $0x1  }
0xa1: {  	s23 =	simm.s32 $0x1B8B  }
0xa2: {  	_ =	swait.ge [sflag:s23], $0x1  }
0xa3: {  	[sflag:s23] =	ssyncset.done $0x0  }
0xa4: {  	s25 =	simm.s32 $0x1B8E;
	s24 =	sld [smem:$0x3FFE];
	[sflag:s23] =	ssyncadd.s32 $0xFFFFFFFF  }
0xa5: {  	s26 =	simm.s32 $execute0_lowered;
	[smem:$0x3FD2] =	sst s25  }
0xa6: {  	s5 =	sshll.u32 s26, $0x1;
	_ =	strace $0x80000046;
	[dreg:$0x1] =	wrdreg $0xFFFFFFFF  }
0xa7: {  	s28 =	simm.s32 $_size_execute0_lowered;
	s3 =	sadd.s32 s3, s5;
	[dreg:$0x0] =	wrdreg $0x0  }
0xa8: {  	s5 =	sshll.u32 s28, $0x1;
	[dreg:$0x2] =	wrdreg s3  }
0xa9: {  	[dreg:$0x3] =	wrdreg s5  }
0xaa: {  	[dreg:$0x4] =	wrdreg $0xC0  }
0xab: {  	_ =	task [dreg:s7], $0x5FFFF  }
0xac: {  	[dreg:$0x1] =	wrdreg $0xFFFFFFFF  }
0xad: {  	[dreg:$0x0] =	wrdreg $0x60  }
0xae: {  	[dreg:$0x2] =	wrdreg s24  }
0xaf: {  	[dreg:$0x3] =	wrdreg s2  }
0xb0: {  	[dreg:$0x4] =	wrdreg $0x9  }
0xb1: {  	_ =	task.clear_ibuf [dreg:s7], $0x5FFFF;
	_ =	strace $0x90000046  }
0xb2: {  	s29 =	simm.s32 $0x9;
	_ =	strace $0x80000048  }
0xb3: {  	_ =	swait.ge [sflag:s29], $0x1  }
0xb4: {  	[sflag:s29] =	ssyncadd.s32 $0xFFFFFFFF  }
0xb5: {  	_ =	strace $0x90000048  }
0xb6: {  	_ =	sfence  }
0xb7: {  	s30 =	sld [smem:$0x0];
	_ =	sdelay $0x2  }
0xb8: {  	s31 =	sshll.u32 s1, $0xD;
	s1 =	sshrl.u32 s1, $0x2  }
0xb9: {  	s3 =	sand.u32 $0x4000, s31;
	s1 =	sadd.s32 s1, s30  }
0xba: {  	s0 =	sor.u32 s3, s0;
	s1 =	sshll.u32 s1, $0x11  }
0xbb: {  	s0 =	sor.u32 s1, s0  }
0xbc: {  	s0 =	sadd.s32 $0x8F2B, s0  }
0xbd: {  	[sflag:s0] =	ssyncadd.remote.s32 $0x1  }
0xbe: {  	_ =	sfence.sel $0xFFFF  }
0xbf: {  	[dreg:$0x0] =	wrdreg $0xFFFFFFFF;
	(pc) =	sbr.abs _section_cstart, $3  }
0xc0: {  	[dreg:$0x1] =	wrdreg $0xFFFFFFFF  }
0xc1: {  	_ =	task.clear_ibuf [dreg:s7], $0x2FFFF;
	_ =	strace $0x9FFFFFFF  }
0xc2: {  	(tm) =	ssettm $0x7FFFFFFF  }
0xc3: {  	_ =	shalt  }
tec
execute0_lowered:
.L_overlay_start_1:
0x0: {  	(tag) =	ssettag $0x1  }
0x1: {  	v0 =	vlaneseq.u32  }
0x2: {  	v18 =	vor.u32 $0x10, v0  }
0x3: {  	v21 =	vmul.u32 $0x80, v0;
	[tilespmem:$0x1FE00] =	vst v18;
	v18 =	vor.u32 $0x20, v0  }
0x4: {  	[tilespmem:$0x1FE10] =	vst v18;
	v18 =	vor.u32 $0x30, v0  }
0x5: {  	v26 =	vor.u32 $0x20, v21;
	[tilespmem:$0x1FE20] =	vst v18  }
0x6: {  	v44 =	vor.u32 $0x820, v21;
	[tilespmem:$0x1FE70] =	vst v26  }
0x7: {  	v45 =	vor.u32 $0x1020, v21;
	[tilespmem:$0x1FE80] =	vst v44  }
0x8: {  	v18 =	vor.u32 $0x40, v0;
	[tilespmem:$0x1FE90] =	vst v45  }
0x9: {  	[tilespmem:$0x1FE30] =	vst v18;
	v18 =	vor.u32 $0x50, v0  }
0xa: {  	s5 =	rddreg [dreg:$0x0];
	s3 =	srdreg.scid;
	[tilespmem:$0x1FE40] =	vst v18;
	v18 =	vor.u32 $0x60, v0  }
0xb: {  	s1 =	rddreg [dreg:$0x1];
	v1 =	vmul.u32 $0x10, v0;
	s4 =	sand.u32 $0x1, s3;
	s3 =	simm.s32 $0x0;
	v0 =	vor.u32 $0x70, v0;
	[tilespmem:$0x1FE50] =	vst v18  }
0xc: {  	[smem:$0x7FF] =	sst s3;
	v46 =	vor.u32 $0x1820, v21;
	[tilespmem:$0x1FE60] =	vst v0  }
0xd: {  	s0 =	rddreg [dreg:$0x2];
	v47 =	vor.u32 $0x2020, v21;
	_ =	strace $0x80000047;
	[tilespmem:$0x1FEA0] =	vst v46  }
0xe: {  	v48 =	vor.u32 $0x2820, v21;
	[tilespmem:$0x1FEB0] =	vst v47  }
0xf: {  	v49 =	vor.u32 $0x3020, v21;
	[tilespmem:$0x1FEC0] =	vst v48  }
0x10: {  	v50 =	vor.u32 $0x3820, v21;
	[tilespmem:$0x1FED0] =	vst v49  }
0x11: {  	v51 =	vor.u32 $0x4020, v21;
	[tilespmem:$0x1FEE0] =	vst v50  }
0x12: {  	v52 =	vor.u32 $0x4820, v21;
	[tilespmem:$0x1FEF0] =	vst v51  }
0x13: {  	v53 =	vor.u32 $0x5020, v21;
	[tilespmem:$0x1FF00] =	vst v52  }
0x14: {  	v54 =	vor.u32 $0x5820, v21;
	[tilespmem:$0x1FF10] =	vst v53  }
0x15: {  	v55 =	vor.u32 $0x6020, v21;
	[tilespmem:$0x1FF20] =	vst v54  }
0x16: {  	v56 =	vor.u32 $0x6820, v21;
	[tilespmem:$0x1FF30] =	vst v55  }
0x17: {  	v57 =	vor.u32 $0x7020, v21;
	[tilespmem:$0x1FF40] =	vst v56  }
0x18: {  	v2 =	vimm.s32 $0x0;
	v3 =	vor.u32 $0x1, v1;
	v58 =	vor.u32 $0x7820, v21;
	[tilespmem:$0x1FF50] =	vst v57  }
0x19: {  	s2 =	stileid.u32;
	s10 =	simm.s32 $0x400;
	v4 =	vor.u32 $0x2, v1;
	v5 =	vor.u32 $0x3, v1;
	v59 =	vor.u32 $0x8020, v21;
	[tilespmem:$0x1FF60] =	vst v58  }
0x1a: {  	s11 =	simm.s32 $0x2400;
	s12 =	simm.s32 $0x2000;
	s13 =	simm.s32 $0x4400;
	v6 =	vor.u32 $0x4, v1;
	v7 =	vor.u32 $0x5, v1;
	v60 =	vor.u32 $0x8820, v21;
	[tilespmem:$0x1FF70] =	vst v59  }
0x1b: {  	s14 =	simm.s32 $0x6400;
	s15 =	simm.s32 $0x8400;
	s16 =	simm.s32 $0x80;
	v8 =	vor.u32 $0x6, v1;
	v9 =	vor.u32 $0x7, v1;
	v61 =	vor.u32 $0x9020, v21;
	[tilespmem:$0x1FF80] =	vst v60  }
0x1c: {  	s17 =	simm.s32 $0x8480;
	s18 =	simm.s32 $0x2;
	s19 =	simm.s32 $0xC480;
	v10 =	vor.u32 $0x8, v1;
	v11 =	vor.u32 $0x9, v1;
	v62 =	vor.u32 $0x9820, v21;
	[tilespmem:$0x1FF90] =	vst v61  }
0x1d: {  	s20 =	simm.s32 $0x1;
	s6 =	sshll.u32 s2, $0xA;
	s7 =	sshll.u32 s4, $0x9;
	v12 =	vor.u32 $0xA, v1;
	v13 =	vor.u32 $0xB, v1;
	v63 =	vor.u32 $0xA020, v21;
	[tilespmem:$0x1FFA0] =	vst v62  }
0x1e: {  	s21 =	simm.s32 $0x0;
	s8 =	ssub.s32 $0x2, s4;
	v14 =	vor.u32 $0xC, v1;
	v15 =	vor.u32 $0xD, v1;
	s6 =	sor.u32 s7, s6;
	v0 =	vor.u32 $0xA820, v21;
	[tilespmem:$0x1FFB0] =	vst v63  }
0x1f: {  	s4 =	sadd.s32 $0x1200, s5;
	v16 =	vor.u32 $0xE, v1;
	v17 =	vor.u32 $0xF, v1;
	s31 =	sshrl.u32 s8, $0x1;
	s7 =	sshrl.u32 s6, $0x3;
	[tilespmem:$0x1FFC0] =	vst v0;
	v0 =	vor.u32 $0xB020, v21  }
0x20: {  	v29 =	vor.u32 $0x1000, v21;
	v31 =	vor.u32 $0x1800, v21;
	s6 =	sshll.u32 s6, $0x4;
	s8 =	ssub.s32 s8, s31;
	s7 =	sadd.s32 s7, s5;
	[tilespmem:$0x1FFD0] =	vst v0;
	v0 =	vor.u32 $0xB820, v21  }
0x21: {  	v33 =	vor.u32 $0x2000, v21;
	v35 =	vor.u32 $0x2800, v21;
	s9 =	sadd.s32 s6, s5;
	s8 =	smax.u32 s8, $0x1;
	s5 =	sadd.s32 $0x200, s7;
	[tilespmem:$0x1FFE0] =	vst v0;
	v0 =	vor.u32 $0xC020, v21  }
0x22: {  	v37 =	vor.u32 $0x3000, v21;
	v39 =	vor.u32 $0x3800, v21;
	s6 =	sadd.s32 $0xA00, s7;
	s7 =	sadd.s32 $0x3E400, s9;
	s9 =	simm.s32 $0x3;
	v18 =	vor.u32 $0x800, v21;
	[tilespmem:$0x1FFF0] =	vst v0  }
.LBB2_1:
0x23: {  	[tilespmem:s3], [sflag:$0x3] =	stream.linear.gather [hbm4b:s5+s3], $0x200, $0x38;
	[tilespmem:$0x1C480] =	vst v63  }
0x24: {  	_ =	swait.ge [sflag:s9], $0x200  }
0x25: {  	[sflag:s9] =	ssyncset.done $0x0  }
0x26: {  	s22 =	simm.s32 $0x200;
	[sflag:s9] =	ssyncadd.s32 $0xFFFFFE00  }
0x27: {  	[tilespmem:s22], [sflag:$0x3] =	stream.linear.gather [hbm4b:s6+s3], $0x200, $0x38;
	[tilespmem:$0x1C480] =	vst v63  }
0x28: {  	_ =	swait.ge [sflag:s9], $0x200  }
0x29: {  	[sflag:s9] =	ssyncset.done $0x0  }
0x2a: {  	[sflag:s9] =	ssyncadd.s32 $0xFFFFFE00  }
0x2b: {  	v26 =	vld [tilespmem:s22+$0xFFFFFE00];
	_ =	sdelay $0x4  }
0x2c: {  	v58 =	vshra.s32 v26, $0x1F  }
0x2d: {  	v58 =	vshrl.u32 v58, $0x19  }
0x2e: {  	v58 =	vadd.s32 v58, v26  }
0x2f: {  	v58 =	vshra.s32 v58, $0x7  }
0x30: {  	v59 =	vshll.u32 v58, $0x7  }
0x31: {  	vm0 =	vlt.s32 v26, $0x1;
	vm1 =	vne.s32 v26, v59  }
0x32: {  	v59 =	vor.u32 s3, v1;
	vm0 =	vmand vm0, vm1  }
0x33: {  	v61 =	vor.u32 s3, v3;
	v60 =	vsel vm0, $0xFFFFFFFF, v2  }
0x34: {  	v48 =	vor.u32 s3, v4;
	v58 =	vadd.s32 v60, v58  }
0x35: {  	v62 =	vor.u32 s3, v5;
	v26 =	vand.u32 $0x7F, v26;
	v58 =	vshll.u32 v58, $0xA  }
0x36: {  	v63 =	vor.u32 s3, v6;
	v58 =	vor.u32 v26, v58  }
0x37: {  	v28 =	vor.u32 s3, v7;
	[tilespmem:v59+s10+$0x0] =	vst.idx.msk $0xffff, v58;
	v26 =	vor.u32 $0x80, v58  }
0x38: {  	v30 =	vor.u32 s3, v8;
	[tilespmem:v61+s10+$0x0] =	vst.idx.msk $0xffff, v26;
	v26 =	vor.u32 $0x100, v58  }
0x39: {  	v32 =	vor.u32 s3, v9;
	[tilespmem:v48+s10+$0x0] =	vst.idx.msk $0xffff, v26;
	v26 =	vor.u32 $0x180, v58  }
0x3a: {  	v34 =	vor.u32 s3, v10;
	[tilespmem:v62+s10+$0x0] =	vst.idx.msk $0xffff, v26;
	v26 =	vor.u32 $0x200, v58  }
0x3b: {  	v36 =	vor.u32 s3, v11;
	[tilespmem:v63+s10+$0x0] =	vst.idx.msk $0xffff, v26;
	v26 =	vor.u32 $0x280, v58  }
0x3c: {  	v38 =	vor.u32 s3, v12;
	[tilespmem:v28+s10+$0x0] =	vst.idx.msk $0xffff, v26;
	v26 =	vor.u32 $0x300, v58  }
0x3d: {  	v40 =	vor.u32 s3, v13;
	[tilespmem:v30+s10+$0x0] =	vst.idx.msk $0xffff, v26;
	v26 =	vor.u32 $0x380, v58  }
0x3e: {  	v41 =	vor.u32 s3, v14;
	[tilespmem:v32+s10+$0x0] =	vst.idx.msk $0xffff, v26;
	v26 =	vadd.s32 $0xF42400, v58  }
0x3f: {  	v42 =	vor.u32 s3, v15;
	[tilespmem:v34+s10+$0x0] =	vst.idx.msk $0xffff, v26;
	v26 =	vadd.s32 $0xF42480, v58  }
0x40: {  	v43 =	vor.u32 s3, v16;
	[tilespmem:v36+s10+$0x0] =	vst.idx.msk $0xffff, v26;
	v26 =	vadd.s32 $0xF42500, v58  }
0x41: {  	v44 =	vadd.s32 $0xF42580, v58;
	[tilespmem:v38+s10+$0x0] =	vst.idx.msk $0xffff, v26;
	v26 =	vor.u32 s3, v17  }
0x42: {  	v49 =	vadd.s32 $0xF42600, v58;
	[tilespmem:v40+s10+$0x0] =	vst.idx.msk $0xffff, v44  }
0x43: {  	v50 =	vadd.s32 $0xF42680, v58;
	[tilespmem:v41+s10+$0x0] =	vst.idx.msk $0xffff, v49  }
0x44: {  	v51 =	vadd.s32 $0xF42700, v58;
	[tilespmem:v42+s10+$0x0] =	vst.idx.msk $0xffff, v50  }
0x45: {  	v52 =	vadd.s32 $0xF42780, v58;
	[tilespmem:v43+s10+$0x0] =	vst.idx.msk $0xffff, v51  }
0x46: {  	[tilespmem:v26+s10+$0x0] =	vst.idx.msk $0xffff, v52  }
0x47: {  	v44 =	vld [tilespmem:s22+$0x0];
	_ =	sdelay $0x4  }
0x48: {  	v53 =	vshra.s32 v44, $0x1F  }
0x49: {  	v58 =	vshrl.u32 v53, $0x19  }
0x4a: {  	v58 =	vadd.s32 v58, v44  }
0x4b: {  	v45 =	vand.u32 $0xFFFFFF80, v58  }
0x4c: {  	vm14 =	vlt.s32 v44, $0x1;
	vm15 =	vne.s32 v44, v45  }
0x4d: {  	vm0 =	vmand vm14, vm15  }
0x4e: {  	v54 =	vshrl.u32 v58, $0x7;
	v55 =	vsel vm0, $0xFFFFFFFF, v2  }
0x4f: {  	v45 =	vadd.s32 v55, v54  }
0x50: {  	v44 =	vand.u32 $0x7F, v44;
	v45 =	vshll.u32 v45, $0xA  }
0x51: {  	v44 =	vor.u32 v44, v45  }
0x52: {  	[tilespmem:v59+s11+$0x0] =	vst.idx.msk $0xffff, v44;
	v45 =	vor.u32 $0x80, v44  }
0x53: {  	v59 =	vor.u32 $0x100, v44;
	[tilespmem:v61+s11+$0x0] =	vst.idx.msk $0xffff, v45  }
0x54: {  	v61 =	vor.u32 $0x180, v44;
	[tilespmem:v48+s11+$0x0] =	vst.idx.msk $0xffff, v59  }
0x55: {  	[tilespmem:v62+s11+$0x0] =	vst.idx.msk $0xffff, v61;
	v62 =	vor.u32 $0x200, v44  }
0x56: {  	[tilespmem:v63+s11+$0x0] =	vst.idx.msk $0xffff, v62;
	v63 =	vor.u32 $0x280, v44  }
0x57: {  	[tilespmem:v28+s11+$0x0] =	vst.idx.msk $0xffff, v63;
	v28 =	vor.u32 $0x300, v44  }
0x58: {  	[tilespmem:v30+s11+$0x0] =	vst.idx.msk $0xffff, v28;
	v28 =	vor.u32 $0x380, v44  }
0x59: {  	[tilespmem:v32+s11+$0x0] =	vst.idx.msk $0xffff, v28;
	v28 =	vadd.s32 $0xF42400, v44  }
0x5a: {  	[tilespmem:v34+s11+$0x0] =	vst.idx.msk $0xffff, v28;
	v28 =	vadd.s32 $0xF42480, v44  }
0x5b: {  	[tilespmem:v36+s11+$0x0] =	vst.idx.msk $0xffff, v28;
	v28 =	vadd.s32 $0xF42500, v44  }
0x5c: {  	[tilespmem:v38+s11+$0x0] =	vst.idx.msk $0xffff, v28;
	v28 =	vadd.s32 $0xF42580, v44  }
0x5d: {  	[tilespmem:v40+s11+$0x0] =	vst.idx.msk $0xffff, v28;
	v28 =	vadd.s32 $0xF42600, v44  }
0x5e: {  	[tilespmem:v41+s11+$0x0] =	vst.idx.msk $0xffff, v28;
	v28 =	vadd.s32 $0xF42680, v44  }
0x5f: {  	[tilespmem:v42+s11+$0x0] =	vst.idx.msk $0xffff, v28;
	v28 =	vadd.s32 $0xF42700, v44  }
0x60: {  	s23 =	simm.s32 $0x100;
	v58 =	vadd.s32 $0xF42780, v44;
	[tilespmem:v43+s11+$0x0] =	vst.idx.msk $0xffff, v28  }
.LBB2_2:
0x61: {  	p0 =	sne.s32 s23, $0x1F00  }
0x62: {  	[tilespmem:v26+s11+$0x0] =	vst.idx.msk $0xffff, v58;
	s22 =	sadd.s32 $0x10, s22;
	s24 =	smov.u32 s23;
	s23 =	sadd.s32 $0x100, s23  }
0x63: {  	v26 =	vld [tilespmem:s22+$0xFFFFFE00];
	_ =	sdelay $0x4  }
0x64: {  	v28 =	vshra.s32 v26, $0x1F  }
0x65: {  	v28 =	vshrl.u32 v28, $0x19  }
0x66: {  	v28 =	vadd.s32 v28, v26  }
0x67: {  	v28 =	vshra.s32 v28, $0x7  }
0x68: {  	v30 =	vshll.u32 v28, $0x7  }
0x69: {  	vm0 =	vlt.s32 v26, $0x1;
	vm1 =	vne.s32 v26, v30  }
0x6a: {  	v30 =	vor.u32 s24, v1;
	vm0 =	vmand vm0, vm1  }
0x6b: {  	v34 =	vor.u32 s24, v3;
	v32 =	vsel vm0, $0xFFFFFFFF, v2  }
0x6c: {  	v28 =	vadd.s32 v32, v28;
	v32 =	vor.u32 s24, v4  }
0x6d: {  	v36 =	vor.u32 s24, v5;
	v26 =	vand.u32 $0x7F, v26;
	v28 =	vshll.u32 v28, $0xA  }
0x6e: {  	v38 =	vor.u32 s24, v6;
	v28 =	vor.u32 v26, v28  }
0x6f: {  	v40 =	vor.u32 s24, v7;
	[tilespmem:v30+s10+$0x0] =	vst.idx.msk $0xffff, v28;
	v26 =	vor.u32 $0x80, v28  }
0x70: {  	v41 =	vor.u32 s24, v8;
	[tilespmem:v34+s10+$0x0] =	vst.idx.msk $0xffff, v26;
	v26 =	vor.u32 $0x100, v28  }
0x71: {  	v42 =	vor.u32 s24, v9;
	[tilespmem:v32+s10+$0x0] =	vst.idx.msk $0xffff, v26;
	v26 =	vor.u32 $0x180, v28  }
0x72: {  	v43 =	vor.u32 s24, v10;
	[tilespmem:v36+s10+$0x0] =	vst.idx.msk $0xffff, v26;
	v26 =	vor.u32 $0x200, v28  }
0x73: {  	v44 =	vor.u32 s24, v11;
	[tilespmem:v38+s10+$0x0] =	vst.idx.msk $0xffff, v26;
	v26 =	vor.u32 $0x280, v28  }
0x74: {  	v45 =	vor.u32 s24, v12;
	[tilespmem:v40+s10+$0x0] =	vst.idx.msk $0xffff, v26;
	v26 =	vor.u32 $0x300, v28  }
0x75: {  	v58 =	vor.u32 s24, v13;
	[tilespmem:v41+s10+$0x0] =	vst.idx.msk $0xffff, v26;
	v26 =	vor.u32 $0x380, v28  }
0x76: {  	v59 =	vor.u32 s24, v14;
	[tilespmem:v42+s10+$0x0] =	vst.idx.msk $0xffff, v26;
	v26 =	vadd.s32 $0xF42400, v28  }
0x77: {  	v60 =	vor.u32 s24, v15;
	[tilespmem:v43+s10+$0x0] =	vst.idx.msk $0xffff, v26;
	v26 =	vadd.s32 $0xF42480, v28  }
0x78: {  	v61 =	vor.u32 s24, v16;
	[tilespmem:v44+s10+$0x0] =	vst.idx.msk $0xffff, v26;
	v26 =	vadd.s32 $0xF42500, v28  }
0x79: {  	v62 =	vadd.s32 $0xF42580, v28;
	[tilespmem:v45+s10+$0x0] =	vst.idx.msk $0xffff, v26;
	v26 =	vor.u32 s24, v17  }
0x7a: {  	[tilespmem:v58+s10+$0x0] =	vst.idx.msk $0xffff, v62;
	v62 =	vadd.s32 $0xF42600, v28  }
0x7b: {  	[tilespmem:v59+s10+$0x0] =	vst.idx.msk $0xffff, v62;
	v62 =	vadd.s32 $0xF42680, v28  }
0x7c: {  	[tilespmem:v60+s10+$0x0] =	vst.idx.msk $0xffff, v62;
	v62 =	vadd.s32 $0xF42700, v28  }
0x7d: {  	v28 =	vadd.s32 $0xF42780, v28;
	[tilespmem:v61+s10+$0x0] =	vst.idx.msk $0xffff, v62  }
0x7e: {  	[tilespmem:v26+s10+$0x0] =	vst.idx.msk $0xffff, v28  }
0x7f: {  	v28 =	vld [tilespmem:s22+$0x0];
	_ =	sdelay $0x4  }
0x80: {  	v62 =	vshra.s32 v28, $0x1F  }
0x81: {  	v62 =	vshrl.u32 v62, $0x19  }
0x82: {  	v62 =	vadd.s32 v62, v28  }
0x83: {  	v63 =	vand.u32 $0xFFFFFF80, v62  }
0x84: {  	vm0 =	vlt.s32 v28, $0x1;
	vm1 =	vne.s32 v28, v63  }
0x85: {  	vm0 =	vmand vm0, vm1  }
0x86: {  	v62 =	vshrl.u32 v62, $0x7;
	v63 =	vsel vm0, $0xFFFFFFFF, v2  }
0x87: {  	v62 =	vadd.s32 v63, v62  }
0x88: {  	v28 =	vand.u32 $0x7F, v28;
	v62 =	vshll.u32 v62, $0xA  }
0x89: {  	v28 =	vor.u32 v28, v62  }
0x8a: {  	[tilespmem:v30+s11+$0x0] =	vst.idx.msk $0xffff, v28;
	v30 =	vor.u32 $0x80, v28  }
0x8b: {  	[tilespmem:v34+s11+$0x0] =	vst.idx.msk $0xffff, v30;
	v30 =	vor.u32 $0x100, v28  }
0x8c: {  	[tilespmem:v32+s11+$0x0] =	vst.idx.msk $0xffff, v30;
	v30 =	vor.u32 $0x180, v28  }
0x8d: {  	[tilespmem:v36+s11+$0x0] =	vst.idx.msk $0xffff, v30;
	v30 =	vor.u32 $0x200, v28  }
0x8e: {  	[tilespmem:v38+s11+$0x0] =	vst.idx.msk $0xffff, v30;
	v30 =	vor.u32 $0x280, v28  }
0x8f: {  	[tilespmem:v40+s11+$0x0] =	vst.idx.msk $0xffff, v30;
	v30 =	vor.u32 $0x300, v28  }
0x90: {  	[tilespmem:v41+s11+$0x0] =	vst.idx.msk $0xffff, v30;
	v30 =	vor.u32 $0x380, v28  }
0x91: {  	[tilespmem:v42+s11+$0x0] =	vst.idx.msk $0xffff, v30;
	v30 =	vadd.s32 $0xF42400, v28  }
0x92: {  	[tilespmem:v43+s11+$0x0] =	vst.idx.msk $0xffff, v30;
	v30 =	vadd.s32 $0xF42480, v28  }
0x93: {  	[tilespmem:v44+s11+$0x0] =	vst.idx.msk $0xffff, v30;
	v30 =	vadd.s32 $0xF42500, v28  }
.Ltmp0:
0x94: {  	[tilespmem:v45+s11+$0x0] =	vst.idx.msk $0xffff, v30;
	v30 =	vadd.s32 $0xF42580, v28;
	(pc) =	sbr.rel @p0 .LBB2_2-.Ltmp0, $4  }
0x95: {  	[tilespmem:v58+s11+$0x0] =	vst.idx.msk $0xffff, v30;
	v30 =	vadd.s32 $0xF42600, v28  }
0x96: {  	[tilespmem:v59+s11+$0x0] =	vst.idx.msk $0xffff, v30;
	v30 =	vadd.s32 $0xF42680, v28  }
0x97: {  	[tilespmem:v60+s11+$0x0] =	vst.idx.msk $0xffff, v30;
	v30 =	vadd.s32 $0xF42700, v28  }
0x98: {  	v58 =	vadd.s32 $0xF42780, v28;
	[tilespmem:v61+s11+$0x0] =	vst.idx.msk $0xffff, v30  }
0x99: {  	_ =	sdelay $0x3  }
0x9a: {  	[tilespmem:v26+s11+$0x0] =	vst.idx.msk $0xffff, v58  }
0x9b: {  	[tilespmem:s13], [sflag:$0x1] =	stream.indirect.gather [hbm4b:s1+s12], $0x1, s10, s12, $0xb8;
	[tilespmem:$0x1C480] =	vst v63  }
0x9c: {  	_ = 	snop  }
0x9d: {  	[tilespmem:s14], [sflag:$0x1] =	stream.indirect.gather [hbm4b:s1+s12], $0x1, s11, s12, $0xb8;
	[tilespmem:$0x1C480] =	vst v63  }
0x9e: {  	v26 =	vld [tilespmem:$0x0];
	_ =	sdelay $0x4  }
0x9f: {  	v0 =	vlaneseq.u32;
	v28 =	vshra.s32 v26, $0x1F;
	v30 =	vand.u32 $0x7F, v26  }
0xa0: {  	vm0 =	vlt.s32 v26, $0x1;
	v28 =	vshrl.u32 v28, $0x19;
	vm1 =	vne.s32 v30, $0x0  }
0xa1: {  	v26 =	vadd.s32 v28, v26;
	vm0 =	vmand vm0, vm1  }
0xa2: {  	v26 =	vshra.s32 v26, $0x7;
	v28 =	vsel vm0, $0xFFFFFFFF, v2  }
0xa3: {  	v26 =	vadd.s32 v28, v26  }
0xa4: {  	[tilespmem:v0+s15+$0x0] =	vst.idx.msk $0xffff, v26  }
0xa5: {  	v26 =	vld [tilespmem:$0x10];
	_ =	sdelay $0x1  }
0xa6: {  	v19 =	vld [tilespmem:$0x1FE00];
	_ =	sdelay $0x2  }
0xa7: {  	v28 =	vshra.s32 v26, $0x1F;
	v30 =	vand.u32 $0x7F, v26  }
0xa8: {  	vm10 =	vlt.s32 v26, $0x1;
	v28 =	vshrl.u32 v28, $0x19;
	vm11 =	vne.s32 v30, $0x0  }
0xa9: {  	v26 =	vadd.s32 v28, v26;
	vm0 =	vmand vm10, vm11  }
0xaa: {  	v26 =	vshra.s32 v26, $0x7;
	v28 =	vsel vm0, $0xFFFFFFFF, v2  }
0xab: {  	v26 =	vadd.s32 v28, v26  }
0xac: {  	[tilespmem:v19+s15+$0x0] =	vst.idx.msk $0xffff, v26  }
0xad: {  	v26 =	vld [tilespmem:$0x20];
	_ =	sdelay $0x1  }
0xae: {  	v20 =	vld [tilespmem:$0x1FE10];
	_ =	sdelay $0x2  }
0xaf: {  	v28 =	vshra.s32 v26, $0x1F;
	v30 =	vand.u32 $0x7F, v26  }
0xb0: {  	vm12 =	vlt.s32 v26, $0x1;
	v28 =	vshrl.u32 v28, $0x19;
	vm13 =	vne.s32 v30, $0x0  }
0xb1: {  	v26 =	vadd.s32 v28, v26;
	vm0 =	vmand vm12, vm13  }
0xb2: {  	v26 =	vshra.s32 v26, $0x7;
	v28 =	vsel vm0, $0xFFFFFFFF, v2  }
0xb3: {  	v26 =	vadd.s32 v28, v26  }
0xb4: {  	[tilespmem:v20+s15+$0x0] =	vst.idx.msk $0xffff, v26  }
0xb5: {  	v26 =	vld [tilespmem:$0x30];
	_ =	sdelay $0x1  }
0xb6: {  	v22 =	vld [tilespmem:$0x1FE20];
	_ =	sdelay $0x2  }
0xb7: {  	v28 =	vshra.s32 v26, $0x1F;
	v30 =	vand.u32 $0x7F, v26  }
0xb8: {  	vm14 =	vlt.s32 v26, $0x1;
	v28 =	vshrl.u32 v28, $0x19;
	vm15 =	vne.s32 v30, $0x0  }
0xb9: {  	v26 =	vadd.s32 v28, v26;
	vm0 =	vmand vm14, vm15  }
0xba: {  	v26 =	vshra.s32 v26, $0x7;
	v28 =	vsel vm0, $0xFFFFFFFF, v2  }
0xbb: {  	v26 =	vadd.s32 v28, v26  }
0xbc: {  	[tilespmem:v22+s15+$0x0] =	vst.idx.msk $0xffff, v26  }
0xbd: {  	v26 =	vld [tilespmem:$0x40];
	_ =	sdelay $0x1  }
0xbe: {  	v23 =	vld [tilespmem:$0x1FE30];
	_ =	sdelay $0x2  }
0xbf: {  	v28 =	vshra.s32 v26, $0x1F;
	v30 =	vand.u32 $0x7F, v26  }
0xc0: {  	vm4 =	vlt.s32 v26, $0x1;
	v28 =	vshrl.u32 v28, $0x19;
	vm5 =	vne.s32 v30, $0x0  }
0xc1: {  	v26 =	vadd.s32 v28, v26;
	vm0 =	vmand vm4, vm5  }
0xc2: {  	v26 =	vshra.s32 v26, $0x7;
	v28 =	vsel vm0, $0xFFFFFFFF, v2  }
0xc3: {  	v26 =	vadd.s32 v28, v26  }
0xc4: {  	[tilespmem:v23+s15+$0x0] =	vst.idx.msk $0xffff, v26  }
0xc5: {  	v26 =	vld [tilespmem:$0x50];
	_ =	sdelay $0x1  }
0xc6: {  	v24 =	vld [tilespmem:$0x1FE40];
	_ =	sdelay $0x2  }
0xc7: {  	v28 =	vshra.s32 v26, $0x1F;
	v30 =	vand.u32 $0x7F, v26  }
0xc8: {  	vm6 =	vlt.s32 v26, $0x1;
	v28 =	vshrl.u32 v28, $0x19;
	vm7 =	vne.s32 v30, $0x0  }
0xc9: {  	v26 =	vadd.s32 v28, v26;
	vm0 =	vmand vm6, vm7  }
0xca: {  	v26 =	vshra.s32 v26, $0x7;
	v28 =	vsel vm0, $0xFFFFFFFF, v2  }
0xcb: {  	v26 =	vadd.s32 v28, v26  }
0xcc: {  	[tilespmem:v24+s15+$0x0] =	vst.idx.msk $0xffff, v26  }
0xcd: {  	v26 =	vld [tilespmem:$0x60];
	_ =	sdelay $0x1  }
0xce: {  	v25 =	vld [tilespmem:$0x1FE50];
	_ =	sdelay $0x2  }
0xcf: {  	v28 =	vshra.s32 v26, $0x1F;
	v30 =	vand.u32 $0x7F, v26  }
0xd0: {  	vm8 =	vlt.s32 v26, $0x1;
	v28 =	vshrl.u32 v28, $0x19;
	vm9 =	vne.s32 v30, $0x0  }
0xd1: {  	v26 =	vadd.s32 v28, v26;
	vm0 =	vmand vm8, vm9  }
0xd2: {  	v26 =	vshra.s32 v26, $0x7;
	v28 =	vsel vm0, $0xFFFFFFFF, v2  }
0xd3: {  	v26 =	vadd.s32 v28, v26  }
0xd4: {  	[tilespmem:v25+s15+$0x0] =	vst.idx.msk $0xffff, v26  }
0xd5: {  	v26 =	vld [tilespmem:$0x70];
	_ =	sdelay $0x1  }
0xd6: {  	v0 =	vld [tilespmem:$0x1FE60];
	_ =	sdelay $0x2  }
0xd7: {  	v28 =	vshra.s32 v26, $0x1F;
	v30 =	vand.u32 $0x7F, v26  }
0xd8: {  	vm10 =	vlt.s32 v26, $0x1;
	v28 =	vshrl.u32 v28, $0x19;
	vm11 =	vne.s32 v30, $0x0  }
0xd9: {  	v26 =	vadd.s32 v28, v26;
	vm0 =	vmand vm10, vm11  }
0xda: {  	v26 =	vshra.s32 v26, $0x7;
	v28 =	vsel vm0, $0xFFFFFFFF, v2  }
0xdb: {  	v26 =	vadd.s32 v28, v26  }
0xdc: {  	[tilespmem:v0+s15+$0x0] =	vst.idx.msk $0xffff, v26  }
0xdd: {  	[tilespmem:s17], [sflag:$0x2] =	stream.indirect.gather [hbm4b:s4+s16], $0x80, s15, s16, $0xb8;
	[tilespmem:$0x1C480] =	vst v63  }
0xde: {  	_ =	swait.ge [sflag:s18], $0x4000  }
0xdf: {  	[sflag:s18] =	ssyncset.done $0x0  }
0xe0: {  	[sflag:s18] =	ssyncadd.s32 $0xFFFFC000  }
0xe1: {  	v26 =	vld [tilespmem:$0x0];
	_ =	sdelay $0x4  }
0xe2: {  	v26 =	vand.u32 $0x7F, v26  }
0xe3: {  	v26 =	vor.u32 v21, v26;
	_ =	sdelay $0x1  }
0xe4: {  	v34 =	vld [tilespmem:$0x1FE70];
	_ =	sdelay $0x2  }
0xe5: {  	v26 =	vld.idx.msk [tilespmem:v26+s17+$0x0], $0xffff;
	_ =	sdelay $0x4  }
0xe6: {  	[tilespmem:v34+s19+$0x0] =	vst.idx.msk $0xffff, v26  }
0xe7: {  	v26 =	vld [tilespmem:$0x10];
	_ =	sdelay $0x4  }
0xe8: {  	v26 =	vand.u32 $0x7F, v26  }
0xe9: {  	v26 =	vor.u32 v18, v26;
	_ =	sdelay $0x1  }
0xea: {  	v36 =	vld [tilespmem:$0x1FE80];
	_ =	sdelay $0x2  }
0xeb: {  	v26 =	vld.idx.msk [tilespmem:v26+s17+$0x0], $0xffff;
	_ =	sdelay $0x4  }
0xec: {  	[tilespmem:v36+s19+$0x0] =	vst.idx.msk $0xffff, v26  }
0xed: {  	v26 =	vld [tilespmem:$0x20];
	_ =	sdelay $0x4  }
0xee: {  	v26 =	vand.u32 $0x7F, v26  }
0xef: {  	v26 =	vor.u32 v29, v26;
	_ =	sdelay $0x1  }
0xf0: {  	v38 =	vld [tilespmem:$0x1FE90];
	_ =	sdelay $0x2  }
0xf1: {  	v26 =	vld.idx.msk [tilespmem:v26+s17+$0x0], $0xffff;
	_ =	sdelay $0x4  }
0xf2: {  	[tilespmem:v38+s19+$0x0] =	vst.idx.msk $0xffff, v26  }
0xf3: {  	v26 =	vld [tilespmem:$0x30];
	_ =	sdelay $0x4  }
0xf4: {  	v26 =	vand.u32 $0x7F, v26  }
0xf5: {  	v26 =	vor.u32 v31, v26;
	_ =	sdelay $0x1  }
0xf6: {  	v40 =	vld [tilespmem:$0x1FEA0];
	_ =	sdelay $0x2  }
0xf7: {  	v26 =	vld.idx.msk [tilespmem:v26+s17+$0x0], $0xffff;
	_ =	sdelay $0x4  }
0xf8: {  	[tilespmem:v40+s19+$0x0] =	vst.idx.msk $0xffff, v26  }
0xf9: {  	v26 =	vld [tilespmem:$0x40];
	_ =	sdelay $0x4  }
0xfa: {  	v26 =	vand.u32 $0x7F, v26  }
0xfb: {  	v26 =	vor.u32 v33, v26;
	_ =	sdelay $0x1  }
0xfc: {  	v41 =	vld [tilespmem:$0x1FEB0];
	_ =	sdelay $0x2  }
0xfd: {  	v26 =	vld.idx.msk [tilespmem:v26+s17+$0x0], $0xffff;
	_ =	sdelay $0x4  }
0xfe: {  	[tilespmem:v41+s19+$0x0] =	vst.idx.msk $0xffff, v26  }
0xff: {  	v26 =	vld [tilespmem:$0x50];
	_ =	sdelay $0x4  }
0x100: {  	v26 =	vand.u32 $0x7F, v26  }
0x101: {  	v26 =	vor.u32 v35, v26;
	_ =	sdelay $0x1  }
0x102: {  	v42 =	vld [tilespmem:$0x1FEC0];
	_ =	sdelay $0x2  }
0x103: {  	v26 =	vld.idx.msk [tilespmem:v26+s17+$0x0], $0xffff;
	_ =	sdelay $0x4  }
0x104: {  	[tilespmem:v42+s19+$0x0] =	vst.idx.msk $0xffff, v26  }
0x105: {  	v26 =	vld [tilespmem:$0x60];
	_ =	sdelay $0x4  }
0x106: {  	v26 =	vand.u32 $0x7F, v26  }
0x107: {  	v26 =	vor.u32 v37, v26;
	_ =	sdelay $0x1  }
0x108: {  	v43 =	vld [tilespmem:$0x1FED0];
	_ =	sdelay $0x2  }
0x109: {  	v26 =	vld.idx.msk [tilespmem:v26+s17+$0x0], $0xffff;
	_ =	sdelay $0x4  }
0x10a: {  	[tilespmem:v43+s19+$0x0] =	vst.idx.msk $0xffff, v26  }
0x10b: {  	v26 =	vld [tilespmem:$0x70];
	_ =	sdelay $0x4  }
0x10c: {  	v26 =	vand.u32 $0x7F, v26  }
0x10d: {  	v26 =	vor.u32 v39, v26;
	_ =	sdelay $0x1  }
0x10e: {  	v44 =	vld [tilespmem:$0x1FEE0];
	_ =	sdelay $0x2  }
0x10f: {  	v26 =	vld.idx.msk [tilespmem:v26+s17+$0x0], $0xffff;
	_ =	sdelay $0x4  }
0x110: {  	[tilespmem:v44+s19+$0x0] =	vst.idx.msk $0xffff, v26  }
0x111: {  	v26 =	vld [tilespmem:$0x80];
	_ =	sdelay $0x4  }
0x112: {  	v32 =	vlaneseq.u32;
	v28 =	vshra.s32 v26, $0x1F;
	v30 =	vand.u32 $0x7F, v26  }
0x113: {  	vm12 =	vlt.s32 v26, $0x1;
	v28 =	vshrl.u32 v28, $0x19;
	vm13 =	vne.s32 v30, $0x0  }
0x114: {  	v26 =	vadd.s32 v28, v26;
	vm0 =	vmand vm12, vm13  }
0x115: {  	v26 =	vshra.s32 v26, $0x7;
	v28 =	vsel vm0, $0xFFFFFFFF, v2  }
0x116: {  	v26 =	vadd.s32 v28, v26  }
0x117: {  	[tilespmem:v32+s15+$0x0] =	vst.idx.msk $0xffff, v26  }
0x118: {  	v26 =	vld [tilespmem:$0x90];
	_ =	sdelay $0x4  }
0x119: {  	v28 =	vshra.s32 v26, $0x1F;
	v30 =	vand.u32 $0x7F, v26  }
0x11a: {  	vm14 =	vlt.s32 v26, $0x1;
	v28 =	vshrl.u32 v28, $0x19;
	vm15 =	vne.s32 v30, $0x0  }
0x11b: {  	v26 =	vadd.s32 v28, v26;
	vm0 =	vmand vm14, vm15  }
0x11c: {  	v26 =	vshra.s32 v26, $0x7;
	v28 =	vsel vm0, $0xFFFFFFFF, v2  }
0x11d: {  	v26 =	vadd.s32 v28, v26  }
0x11e: {  	[tilespmem:v19+s15+$0x0] =	vst.idx.msk $0xffff, v26  }
0x11f: {  	v26 =	vld [tilespmem:$0xA0];
	_ =	sdelay $0x4  }
0x120: {  	v28 =	vshra.s32 v26, $0x1F;
	v30 =	vand.u32 $0x7F, v26  }
0x121: {  	vm4 =	vlt.s32 v26, $0x1;
	v28 =	vshrl.u32 v28, $0x19;
	vm5 =	vne.s32 v30, $0x0  }
0x122: {  	v26 =	vadd.s32 v28, v26;
	vm0 =	vmand vm4, vm5  }
0x123: {  	v26 =	vshra.s32 v26, $0x7;
	v28 =	vsel vm0, $0xFFFFFFFF, v2  }
0x124: {  	v26 =	vadd.s32 v28, v26  }
0x125: {  	[tilespmem:v20+s15+$0x0] =	vst.idx.msk $0xffff, v26  }
0x126: {  	v26 =	vld [tilespmem:$0xB0];
	_ =	sdelay $0x4  }
0x127: {  	v28 =	vshra.s32 v26, $0x1F;
	v30 =	vand.u32 $0x7F, v26  }
0x128: {  	vm6 =	vlt.s32 v26, $0x1;
	v28 =	vshrl.u32 v28, $0x19;
	vm7 =	vne.s32 v30, $0x0  }
0x129: {  	v26 =	vadd.s32 v28, v26;
	vm0 =	vmand vm6, vm7  }
0x12a: {  	v26 =	vshra.s32 v26, $0x7;
	v28 =	vsel vm0, $0xFFFFFFFF, v2  }
0x12b: {  	v26 =	vadd.s32 v28, v26  }
0x12c: {  	[tilespmem:v22+s15+$0x0] =	vst.idx.msk $0xffff, v26  }
0x12d: {  	v26 =	vld [tilespmem:$0xC0];
	_ =	sdelay $0x4  }
0x12e: {  	v28 =	vshra.s32 v26, $0x1F;
	v30 =	vand.u32 $0x7F, v26  }
0x12f: {  	vm8 =	vlt.s32 v26, $0x1;
	v28 =	vshrl.u32 v28, $0x19;
	vm9 =	vne.s32 v30, $0x0  }
0x130: {  	v26 =	vadd.s32 v28, v26;
	vm0 =	vmand vm8, vm9  }
0x131: {  	v26 =	vshra.s32 v26, $0x7;
	v28 =	vsel vm0, $0xFFFFFFFF, v2  }
0x132: {  	v26 =	vadd.s32 v28, v26  }
0x133: {  	[tilespmem:v23+s15+$0x0] =	vst.idx.msk $0xffff, v26  }
0x134: {  	v26 =	vld [tilespmem:$0xD0];
	_ =	sdelay $0x4  }
0x135: {  	v28 =	vshra.s32 v26, $0x1F;
	v30 =	vand.u32 $0x7F, v26  }
0x136: {  	vm10 =	vlt.s32 v26, $0x1;
	v28 =	vshrl.u32 v28, $0x19;
	vm11 =	vne.s32 v30, $0x0  }
0x137: {  	v26 =	vadd.s32 v28, v26;
	vm0 =	vmand vm10, vm11  }
0x138: {  	v26 =	vshra.s32 v26, $0x7;
	v28 =	vsel vm0, $0xFFFFFFFF, v2  }
0x139: {  	v26 =	vadd.s32 v28, v26  }
0x13a: {  	[tilespmem:v24+s15+$0x0] =	vst.idx.msk $0xffff, v26  }
0x13b: {  	v26 =	vld [tilespmem:$0xE0];
	_ =	sdelay $0x4  }
0x13c: {  	v28 =	vshra.s32 v26, $0x1F;
	v30 =	vand.u32 $0x7F, v26  }
0x13d: {  	vm12 =	vlt.s32 v26, $0x1;
	v28 =	vshrl.u32 v28, $0x19;
	vm13 =	vne.s32 v30, $0x0  }
0x13e: {  	v26 =	vadd.s32 v28, v26;
	vm0 =	vmand vm12, vm13  }
0x13f: {  	v26 =	vshra.s32 v26, $0x7;
	v28 =	vsel vm0, $0xFFFFFFFF, v2  }
0x140: {  	v26 =	vadd.s32 v28, v26  }
0x141: {  	[tilespmem:v25+s15+$0x0] =	vst.idx.msk $0xffff, v26  }
0x142: {  	v26 =	vld [tilespmem:$0xF0];
	_ =	sdelay $0x4  }
0x143: {  	v28 =	vshra.s32 v26, $0x1F;
	v30 =	vand.u32 $0x7F, v26  }
0x144: {  	vm14 =	vlt.s32 v26, $0x1;
	v28 =	vshrl.u32 v28, $0x19;
	vm15 =	vne.s32 v30, $0x0  }
0x145: {  	v26 =	vadd.s32 v28, v26;
	vm0 =	vmand vm14, vm15  }
0x146: {  	v26 =	vshra.s32 v26, $0x7;
	v28 =	vsel vm0, $0xFFFFFFFF, v2  }
0x147: {  	v26 =	vadd.s32 v28, v26  }
0x148: {  	[tilespmem:v0+s15+$0x0] =	vst.idx.msk $0xffff, v26  }
0x149: {  	[tilespmem:s17], [sflag:$0x2] =	stream.indirect.gather [hbm4b:s4+s16], $0x80, s15, s16, $0xb8;
	[tilespmem:$0x1C480] =	vst v63  }
0x14a: {  	_ =	swait.ge [sflag:s18], $0x4000  }
0x14b: {  	[sflag:s18] =	ssyncset.done $0x0  }
0x14c: {  	[sflag:s18] =	ssyncadd.s32 $0xFFFFC000  }
0x14d: {  	v26 =	vld [tilespmem:$0x80];
	_ =	sdelay $0x4  }
0x14e: {  	v26 =	vand.u32 $0x7F, v26  }
0x14f: {  	v26 =	vor.u32 v21, v26;
	_ =	sdelay $0x1  }
0x150: {  	v45 =	vld [tilespmem:$0x1FEF0];
	_ =	sdelay $0x2  }
0x151: {  	v26 =	vld.idx.msk [tilespmem:v26+s17+$0x0], $0xffff;
	_ =	sdelay $0x4  }
0x152: {  	[tilespmem:v45+s19+$0x0] =	vst.idx.msk $0xffff, v26  }
0x153: {  	v26 =	vld [tilespmem:$0x90];
	_ =	sdelay $0x4  }
0x154: {  	v26 =	vand.u32 $0x7F, v26  }
0x155: {  	v26 =	vor.u32 v18, v26;
	_ =	sdelay $0x1  }
0x156: {  	v46 =	vld [tilespmem:$0x1FF00];
	_ =	sdelay $0x2  }
0x157: {  	v26 =	vld.idx.msk [tilespmem:v26+s17+$0x0], $0xffff;
	_ =	sdelay $0x4  }
0x158: {  	[tilespmem:v46+s19+$0x0] =	vst.idx.msk $0xffff, v26  }
0x159: {  	v26 =	vld [tilespmem:$0xA0];
	_ =	sdelay $0x4  }
0x15a: {  	v26 =	vand.u32 $0x7F, v26  }
0x15b: {  	v26 =	vor.u32 v29, v26;
	_ =	sdelay $0x1  }
0x15c: {  	v47 =	vld [tilespmem:$0x1FF10];
	_ =	sdelay $0x2  }
0x15d: {  	v26 =	vld.idx.msk [tilespmem:v26+s17+$0x0], $0xffff;
	_ =	sdelay $0x4  }
0x15e: {  	[tilespmem:v47+s19+$0x0] =	vst.idx.msk $0xffff, v26  }
0x15f: {  	v26 =	vld [tilespmem:$0xB0];
	_ =	sdelay $0x4  }
0x160: {  	v26 =	vand.u32 $0x7F, v26  }
0x161: {  	v26 =	vor.u32 v31, v26;
	_ =	sdelay $0x1  }
0x162: {  	v48 =	vld [tilespmem:$0x1FF20];
	_ =	sdelay $0x2  }
0x163: {  	v26 =	vld.idx.msk [tilespmem:v26+s17+$0x0], $0xffff;
	_ =	sdelay $0x4  }
0x164: {  	[tilespmem:v48+s19+$0x0] =	vst.idx.msk $0xffff, v26  }
0x165: {  	v26 =	vld [tilespmem:$0xC0];
	_ =	sdelay $0x4  }
0x166: {  	v26 =	vand.u32 $0x7F, v26  }
0x167: {  	v26 =	vor.u32 v33, v26;
	_ =	sdelay $0x1  }
0x168: {  	v49 =	vld [tilespmem:$0x1FF30];
	_ =	sdelay $0x2  }
0x169: {  	v26 =	vld.idx.msk [tilespmem:v26+s17+$0x0], $0xffff;
	_ =	sdelay $0x4  }
0x16a: {  	[tilespmem:v49+s19+$0x0] =	vst.idx.msk $0xffff, v26  }
0x16b: {  	v26 =	vld [tilespmem:$0xD0];
	_ =	sdelay $0x4  }
0x16c: {  	v26 =	vand.u32 $0x7F, v26  }
0x16d: {  	v26 =	vor.u32 v35, v26;
	_ =	sdelay $0x1  }
0x16e: {  	v50 =	vld [tilespmem:$0x1FF40];
	_ =	sdelay $0x2  }
0x16f: {  	v26 =	vld.idx.msk [tilespmem:v26+s17+$0x0], $0xffff;
	_ =	sdelay $0x4  }
0x170: {  	[tilespmem:v50+s19+$0x0] =	vst.idx.msk $0xffff, v26  }
0x171: {  	v26 =	vld [tilespmem:$0xE0];
	_ =	sdelay $0x4  }
0x172: {  	v26 =	vand.u32 $0x7F, v26  }
0x173: {  	v26 =	vor.u32 v37, v26;
	_ =	sdelay $0x1  }
0x174: {  	v51 =	vld [tilespmem:$0x1FF50];
	_ =	sdelay $0x2  }
0x175: {  	v26 =	vld.idx.msk [tilespmem:v26+s17+$0x0], $0xffff;
	_ =	sdelay $0x4  }
0x176: {  	[tilespmem:v51+s19+$0x0] =	vst.idx.msk $0xffff, v26  }
0x177: {  	v26 =	vld [tilespmem:$0xF0];
	_ =	sdelay $0x4  }
0x178: {  	v26 =	vand.u32 $0x7F, v26  }
0x179: {  	v26 =	vor.u32 v39, v26;
	_ =	sdelay $0x1  }
0x17a: {  	v52 =	vld [tilespmem:$0x1FF60];
	_ =	sdelay $0x2  }
0x17b: {  	v26 =	vld.idx.msk [tilespmem:v26+s17+$0x0], $0xffff;
	_ =	sdelay $0x4  }
0x17c: {  	[tilespmem:v52+s19+$0x0] =	vst.idx.msk $0xffff, v26  }
0x17d: {  	v26 =	vld [tilespmem:$0x100];
	_ =	sdelay $0x4  }
0x17e: {  	v28 =	vshra.s32 v26, $0x1F;
	v30 =	vand.u32 $0x7F, v26  }
0x17f: {  	vm4 =	vlt.s32 v26, $0x1;
	v28 =	vshrl.u32 v28, $0x19;
	vm5 =	vne.s32 v30, $0x0  }
0x180: {  	v26 =	vadd.s32 v28, v26;
	vm0 =	vmand vm4, vm5  }
0x181: {  	v26 =	vshra.s32 v26, $0x7;
	v28 =	vsel vm0, $0xFFFFFFFF, v2  }
0x182: {  	v26 =	vadd.s32 v28, v26  }
0x183: {  	[tilespmem:v32+s15+$0x0] =	vst.idx.msk $0xffff, v26  }
0x184: {  	v26 =	vld [tilespmem:$0x110];
	_ =	sdelay $0x4  }
0x185: {  	v28 =	vshra.s32 v26, $0x1F;
	v30 =	vand.u32 $0x7F, v26  }
0x186: {  	vm6 =	vlt.s32 v26, $0x1;
	v28 =	vshrl.u32 v28, $0x19;
	vm7 =	vne.s32 v30, $0x0  }
0x187: {  	v26 =	vadd.s32 v28, v26;
	vm0 =	vmand vm6, vm7  }
0x188: {  	v26 =	vshra.s32 v26, $0x7;
	v28 =	vsel vm0, $0xFFFFFFFF, v2  }
0x189: {  	v26 =	vadd.s32 v28, v26  }
0x18a: {  	[tilespmem:v19+s15+$0x0] =	vst.idx.msk $0xffff, v26  }
0x18b: {  	v26 =	vld [tilespmem:$0x120];
	_ =	sdelay $0x4  }
0x18c: {  	v28 =	vshra.s32 v26, $0x1F;
	v30 =	vand.u32 $0x7F, v26  }
0x18d: {  	vm8 =	vlt.s32 v26, $0x1;
	v28 =	vshrl.u32 v28, $0x19;
	vm9 =	vne.s32 v30, $0x0  }
0x18e: {  	v26 =	vadd.s32 v28, v26;
	vm0 =	vmand vm8, vm9  }
0x18f: {  	v26 =	vshra.s32 v26, $0x7;
	v28 =	vsel vm0, $0xFFFFFFFF, v2  }
0x190: {  	v26 =	vadd.s32 v28, v26  }
0x191: {  	[tilespmem:v20+s15+$0x0] =	vst.idx.msk $0xffff, v26  }
0x192: {  	v26 =	vld [tilespmem:$0x130];
	_ =	sdelay $0x4  }
0x193: {  	v28 =	vshra.s32 v26, $0x1F;
	v30 =	vand.u32 $0x7F, v26  }
0x194: {  	vm10 =	vlt.s32 v26, $0x1;
	v28 =	vshrl.u32 v28, $0x19;
	vm11 =	vne.s32 v30, $0x0  }
0x195: {  	v26 =	vadd.s32 v28, v26;
	vm0 =	vmand vm10, vm11  }
0x196: {  	v26 =	vshra.s32 v26, $0x7;
	v28 =	vsel vm0, $0xFFFFFFFF, v2  }
0x197: {  	v26 =	vadd.s32 v28, v26  }
0x198: {  	[tilespmem:v22+s15+$0x0] =	vst.idx.msk $0xffff, v26  }
0x199: {  	v26 =	vld [tilespmem:$0x140];
	_ =	sdelay $0x4  }
0x19a: {  	v28 =	vshra.s32 v26, $0x1F;
	v30 =	vand.u32 $0x7F, v26  }
0x19b: {  	vm12 =	vlt.s32 v26, $0x1;
	v28 =	vshrl.u32 v28, $0x19;
	vm13 =	vne.s32 v30, $0x0  }
0x19c: {  	v26 =	vadd.s32 v28, v26;
	vm0 =	vmand vm12, vm13  }
0x19d: {  	v26 =	vshra.s32 v26, $0x7;
	v28 =	vsel vm0, $0xFFFFFFFF, v2  }
0x19e: {  	v26 =	vadd.s32 v28, v26  }
0x19f: {  	[tilespmem:v23+s15+$0x0] =	vst.idx.msk $0xffff, v26  }
0x1a0: {  	v26 =	vld [tilespmem:$0x150];
	_ =	sdelay $0x4  }
0x1a1: {  	v28 =	vshra.s32 v26, $0x1F;
	v30 =	vand.u32 $0x7F, v26  }
0x1a2: {  	vm14 =	vlt.s32 v26, $0x1;
	v28 =	vshrl.u32 v28, $0x19;
	vm15 =	vne.s32 v30, $0x0  }
0x1a3: {  	v26 =	vadd.s32 v28, v26;
	vm0 =	vmand vm14, vm15  }
0x1a4: {  	v26 =	vshra.s32 v26, $0x7;
	v28 =	vsel vm0, $0xFFFFFFFF, v2  }
0x1a5: {  	v26 =	vadd.s32 v28, v26  }
0x1a6: {  	[tilespmem:v24+s15+$0x0] =	vst.idx.msk $0xffff, v26  }
0x1a7: {  	v26 =	vld [tilespmem:$0x160];
	_ =	sdelay $0x4  }
0x1a8: {  	v28 =	vshra.s32 v26, $0x1F;
	v30 =	vand.u32 $0x7F, v26  }
0x1a9: {  	vm4 =	vlt.s32 v26, $0x1;
	v28 =	vshrl.u32 v28, $0x19;
	vm5 =	vne.s32 v30, $0x0  }
0x1aa: {  	v26 =	vadd.s32 v28, v26;
	vm0 =	vmand vm4, vm5  }
0x1ab: {  	v26 =	vshra.s32 v26, $0x7;
	v28 =	vsel vm0, $0xFFFFFFFF, v2  }
0x1ac: {  	v26 =	vadd.s32 v28, v26  }
0x1ad: {  	[tilespmem:v25+s15+$0x0] =	vst.idx.msk $0xffff, v26  }
0x1ae: {  	v26 =	vld [tilespmem:$0x170];
	_ =	sdelay $0x4  }
0x1af: {  	v28 =	vshra.s32 v26, $0x1F;
	v30 =	vand.u32 $0x7F, v26  }
0x1b0: {  	vm6 =	vlt.s32 v26, $0x1;
	v28 =	vshrl.u32 v28, $0x19;
	vm7 =	vne.s32 v30, $0x0  }
0x1b1: {  	v26 =	vadd.s32 v28, v26;
	vm0 =	vmand vm6, vm7  }
0x1b2: {  	v26 =	vshra.s32 v26, $0x7;
	v28 =	vsel vm0, $0xFFFFFFFF, v2  }
0x1b3: {  	v26 =	vadd.s32 v28, v26  }
0x1b4: {  	[tilespmem:v0+s15+$0x0] =	vst.idx.msk $0xffff, v26  }
0x1b5: {  	[tilespmem:s17], [sflag:$0x2] =	stream.indirect.gather [hbm4b:s4+s16], $0x80, s15, s16, $0xb8;
	[tilespmem:$0x1C480] =	vst v63  }
0x1b6: {  	_ =	swait.ge [sflag:s18], $0x4000  }
0x1b7: {  	[sflag:s18] =	ssyncset.done $0x0  }
0x1b8: {  	[sflag:s18] =	ssyncadd.s32 $0xFFFFC000  }
0x1b9: {  	v26 =	vld [tilespmem:$0x100];
	_ =	sdelay $0x4  }
0x1ba: {  	v26 =	vand.u32 $0x7F, v26  }
0x1bb: {  	v26 =	vor.u32 v21, v26;
	_ =	sdelay $0x1  }
0x1bc: {  	v53 =	vld [tilespmem:$0x1FF70];
	_ =	sdelay $0x2  }
0x1bd: {  	v26 =	vld.idx.msk [tilespmem:v26+s17+$0x0], $0xffff;
	_ =	sdelay $0x4  }
0x1be: {  	[tilespmem:v53+s19+$0x0] =	vst.idx.msk $0xffff, v26  }
0x1bf: {  	v26 =	vld [tilespmem:$0x110];
	_ =	sdelay $0x4  }
0x1c0: {  	v26 =	vand.u32 $0x7F, v26  }
0x1c1: {  	v26 =	vor.u32 v18, v26;
	_ =	sdelay $0x1  }
0x1c2: {  	v54 =	vld [tilespmem:$0x1FF80];
	_ =	sdelay $0x2  }
0x1c3: {  	v26 =	vld.idx.msk [tilespmem:v26+s17+$0x0], $0xffff;
	_ =	sdelay $0x4  }
0x1c4: {  	[tilespmem:v54+s19+$0x0] =	vst.idx.msk $0xffff, v26  }
0x1c5: {  	v26 =	vld [tilespmem:$0x120];
	_ =	sdelay $0x4  }
0x1c6: {  	v26 =	vand.u32 $0x7F, v26  }
0x1c7: {  	v26 =	vor.u32 v29, v26;
	_ =	sdelay $0x1  }
0x1c8: {  	v55 =	vld [tilespmem:$0x1FF90];
	_ =	sdelay $0x2  }
0x1c9: {  	v26 =	vld.idx.msk [tilespmem:v26+s17+$0x0], $0xffff;
	_ =	sdelay $0x4  }
0x1ca: {  	[tilespmem:v55+s19+$0x0] =	vst.idx.msk $0xffff, v26  }
0x1cb: {  	v26 =	vld [tilespmem:$0x130];
	_ =	sdelay $0x4  }
0x1cc: {  	v26 =	vand.u32 $0x7F, v26  }
0x1cd: {  	v26 =	vor.u32 v31, v26;
	_ =	sdelay $0x1  }
0x1ce: {  	v56 =	vld [tilespmem:$0x1FFA0];
	_ =	sdelay $0x2  }
0x1cf: {  	v26 =	vld.idx.msk [tilespmem:v26+s17+$0x0], $0xffff;
	_ =	sdelay $0x4  }
0x1d0: {  	[tilespmem:v56+s19+$0x0] =	vst.idx.msk $0xffff, v26  }
0x1d1: {  	v26 =	vld [tilespmem:$0x140];
	_ =	sdelay $0x4  }
0x1d2: {  	v26 =	vand.u32 $0x7F, v26  }
0x1d3: {  	v26 =	vor.u32 v33, v26;
	_ =	sdelay $0x1  }
0x1d4: {  	v57 =	vld [tilespmem:$0x1FFB0];
	_ =	sdelay $0x2  }
0x1d5: {  	v26 =	vld.idx.msk [tilespmem:v26+s17+$0x0], $0xffff;
	_ =	sdelay $0x4  }
0x1d6: {  	[tilespmem:v57+s19+$0x0] =	vst.idx.msk $0xffff, v26  }
0x1d7: {  	v26 =	vld [tilespmem:$0x150];
	_ =	sdelay $0x4  }
0x1d8: {  	v26 =	vand.u32 $0x7F, v26  }
0x1d9: {  	v26 =	vor.u32 v35, v26;
	_ =	sdelay $0x1  }
0x1da: {  	v58 =	vld [tilespmem:$0x1FFC0];
	_ =	sdelay $0x2  }
0x1db: {  	v26 =	vld.idx.msk [tilespmem:v26+s17+$0x0], $0xffff;
	_ =	sdelay $0x4  }
0x1dc: {  	[tilespmem:v58+s19+$0x0] =	vst.idx.msk $0xffff, v26  }
0x1dd: {  	v26 =	vld [tilespmem:$0x160];
	_ =	sdelay $0x4  }
0x1de: {  	v26 =	vand.u32 $0x7F, v26  }
0x1df: {  	v26 =	vor.u32 v37, v26;
	_ =	sdelay $0x1  }
0x1e0: {  	v61 =	vld [tilespmem:$0x1FFD0];
	_ =	sdelay $0x2  }
0x1e1: {  	v26 =	vld.idx.msk [tilespmem:v26+s17+$0x0], $0xffff;
	_ =	sdelay $0x4  }
0x1e2: {  	[tilespmem:v61+s19+$0x0] =	vst.idx.msk $0xffff, v26  }
0x1e3: {  	v26 =	vld [tilespmem:$0x170];
	_ =	sdelay $0x4  }
0x1e4: {  	v26 =	vand.u32 $0x7F, v26  }
0x1e5: {  	v26 =	vor.u32 v39, v26;
	_ =	sdelay $0x1  }
0x1e6: {  	v59 =	vld [tilespmem:$0x1FFE0];
	_ =	sdelay $0x2  }
0x1e7: {  	v26 =	vld.idx.msk [tilespmem:v26+s17+$0x0], $0xffff;
	_ =	sdelay $0x4  }
0x1e8: {  	[tilespmem:v59+s19+$0x0] =	vst.idx.msk $0xffff, v26  }
0x1e9: {  	v26 =	vld [tilespmem:$0x180];
	_ =	sdelay $0x4  }
0x1ea: {  	v28 =	vshra.s32 v26, $0x1F;
	v30 =	vand.u32 $0x7F, v26  }
0x1eb: {  	vm8 =	vlt.s32 v26, $0x1;
	v28 =	vshrl.u32 v28, $0x19;
	vm9 =	vne.s32 v30, $0x0  }
0x1ec: {  	v26 =	vadd.s32 v28, v26;
	vm0 =	vmand vm8, vm9  }
0x1ed: {  	v26 =	vshra.s32 v26, $0x7;
	v28 =	vsel vm0, $0xFFFFFFFF, v2  }
0x1ee: {  	v26 =	vadd.s32 v28, v26  }
0x1ef: {  	[tilespmem:v32+s15+$0x0] =	vst.idx.msk $0xffff, v26  }
0x1f0: {  	v26 =	vld [tilespmem:$0x190];
	_ =	sdelay $0x4  }
0x1f1: {  	v28 =	vshra.s32 v26, $0x1F;
	v30 =	vand.u32 $0x7F, v26  }
0x1f2: {  	vm10 =	vlt.s32 v26, $0x1;
	v28 =	vshrl.u32 v28, $0x19;
	vm11 =	vne.s32 v30, $0x0  }
0x1f3: {  	v26 =	vadd.s32 v28, v26;
	vm0 =	vmand vm10, vm11  }
0x1f4: {  	v26 =	vshra.s32 v26, $0x7;
	v28 =	vsel vm0, $0xFFFFFFFF, v2  }
0x1f5: {  	v26 =	vadd.s32 v28, v26  }
0x1f6: {  	[tilespmem:v19+s15+$0x0] =	vst.idx.msk $0xffff, v26  }
0x1f7: {  	v26 =	vld [tilespmem:$0x1A0];
	_ =	sdelay $0x4  }
0x1f8: {  	v28 =	vshra.s32 v26, $0x1F;
	v30 =	vand.u32 $0x7F, v26  }
0x1f9: {  	vm12 =	vlt.s32 v26, $0x1;
	v28 =	vshrl.u32 v28, $0x19;
	vm13 =	vne.s32 v30, $0x0  }
0x1fa: {  	v26 =	vadd.s32 v28, v26;
	vm0 =	vmand vm12, vm13  }
0x1fb: {  	v26 =	vshra.s32 v26, $0x7;
	v28 =	vsel vm0, $0xFFFFFFFF, v2  }
0x1fc: {  	v26 =	vadd.s32 v28, v26  }
0x1fd: {  	[tilespmem:v20+s15+$0x0] =	vst.idx.msk $0xffff, v26  }
0x1fe: {  	v26 =	vld [tilespmem:$0x1B0];
	_ =	sdelay $0x4  }
0x1ff: {  	v28 =	vshra.s32 v26, $0x1F;
	v30 =	vand.u32 $0x7F, v26  }
0x200: {  	vm14 =	vlt.s32 v26, $0x1;
	v28 =	vshrl.u32 v28, $0x19;
	vm15 =	vne.s32 v30, $0x0  }
0x201: {  	v26 =	vadd.s32 v28, v26;
	vm0 =	vmand vm14, vm15  }
0x202: {  	v26 =	vshra.s32 v26, $0x7;
	v28 =	vsel vm0, $0xFFFFFFFF, v2  }
0x203: {  	v26 =	vadd.s32 v28, v26  }
0x204: {  	[tilespmem:v22+s15+$0x0] =	vst.idx.msk $0xffff, v26  }
0x205: {  	v26 =	vld [tilespmem:$0x1C0];
	_ =	sdelay $0x4  }
0x206: {  	v28 =	vshra.s32 v26, $0x1F;
	v30 =	vand.u32 $0x7F, v26  }
0x207: {  	vm4 =	vlt.s32 v26, $0x1;
	v28 =	vshrl.u32 v28, $0x19;
	vm5 =	vne.s32 v30, $0x0  }
0x208: {  	v26 =	vadd.s32 v28, v26;
	vm0 =	vmand vm4, vm5  }
0x209: {  	v26 =	vshra.s32 v26, $0x7;
	v28 =	vsel vm0, $0xFFFFFFFF, v2  }
0x20a: {  	v26 =	vadd.s32 v28, v26  }
0x20b: {  	[tilespmem:v23+s15+$0x0] =	vst.idx.msk $0xffff, v26  }
0x20c: {  	v26 =	vld [tilespmem:$0x1D0];
	_ =	sdelay $0x4  }
0x20d: {  	v28 =	vshra.s32 v26, $0x1F;
	v30 =	vand.u32 $0x7F, v26  }
0x20e: {  	vm6 =	vlt.s32 v26, $0x1;
	v28 =	vshrl.u32 v28, $0x19;
	vm7 =	vne.s32 v30, $0x0  }
0x20f: {  	v26 =	vadd.s32 v28, v26;
	vm0 =	vmand vm6, vm7  }
0x210: {  	v26 =	vshra.s32 v26, $0x7;
	v28 =	vsel vm0, $0xFFFFFFFF, v2  }
0x211: {  	v26 =	vadd.s32 v28, v26  }
0x212: {  	[tilespmem:v24+s15+$0x0] =	vst.idx.msk $0xffff, v26  }
0x213: {  	v26 =	vld [tilespmem:$0x1E0];
	_ =	sdelay $0x4  }
0x214: {  	v28 =	vshra.s32 v26, $0x1F;
	v30 =	vand.u32 $0x7F, v26  }
0x215: {  	vm8 =	vlt.s32 v26, $0x1;
	v28 =	vshrl.u32 v28, $0x19;
	vm9 =	vne.s32 v30, $0x0  }
0x216: {  	v26 =	vadd.s32 v28, v26;
	vm0 =	vmand vm8, vm9  }
0x217: {  	v26 =	vshra.s32 v26, $0x7;
	v28 =	vsel vm0, $0xFFFFFFFF, v2  }
0x218: {  	v26 =	vadd.s32 v28, v26  }
0x219: {  	[tilespmem:v25+s15+$0x0] =	vst.idx.msk $0xffff, v26  }
0x21a: {  	v26 =	vld [tilespmem:$0x1F0];
	_ =	sdelay $0x4  }
0x21b: {  	v28 =	vshra.s32 v26, $0x1F;
	v30 =	vand.u32 $0x7F, v26  }
0x21c: {  	vm10 =	vlt.s32 v26, $0x1;
	v28 =	vshrl.u32 v28, $0x19;
	vm11 =	vne.s32 v30, $0x0  }
0x21d: {  	v26 =	vadd.s32 v28, v26;
	vm0 =	vmand vm10, vm11  }
0x21e: {  	v26 =	vshra.s32 v26, $0x7;
	v28 =	vsel vm0, $0xFFFFFFFF, v2  }
0x21f: {  	v26 =	vadd.s32 v28, v26  }
0x220: {  	[tilespmem:v0+s15+$0x0] =	vst.idx.msk $0xffff, v26  }
0x221: {  	[tilespmem:s17], [sflag:$0x2] =	stream.indirect.gather [hbm4b:s4+s16], $0x80, s15, s16, $0xb8;
	[tilespmem:$0x1C480] =	vst v63  }
0x222: {  	_ =	swait.ge [sflag:s18], $0x4000  }
0x223: {  	[sflag:s18] =	ssyncset.done $0x0  }
0x224: {  	[sflag:s18] =	ssyncadd.s32 $0xFFFFC000  }
0x225: {  	v26 =	vld [tilespmem:$0x180];
	_ =	sdelay $0x4  }
0x226: {  	v26 =	vand.u32 $0x7F, v26  }
0x227: {  	v26 =	vor.u32 v21, v26;
	_ =	sdelay $0x1  }
0x228: {  	v60 =	vld [tilespmem:$0x1FFF0];
	_ =	sdelay $0x2  }
0x229: {  	v26 =	vld.idx.msk [tilespmem:v26+s17+$0x0], $0xffff;
	_ =	sdelay $0x4  }
0x22a: {  	[tilespmem:v60+s19+$0x0] =	vst.idx.msk $0xffff, v26  }
0x22b: {  	v26 =	vld [tilespmem:$0x190];
	_ =	sdelay $0x4  }
0x22c: {  	v26 =	vand.u32 $0x7F, v26  }
0x22d: {  	v26 =	vor.u32 v18, v26;
	_ =	sdelay $0x4  }
0x22e: {  	v27 =	vor.u32 $0xC820, v21;
	v26 =	vld.idx.msk [tilespmem:v26+s17+$0x0], $0xffff;
	_ =	sdelay $0x4  }
0x22f: {  	[tilespmem:v27+s19+$0x0] =	vst.idx.msk $0xffff, v26  }
0x230: {  	v26 =	vld [tilespmem:$0x1A0];
	_ =	sdelay $0x4  }
0x231: {  	v26 =	vand.u32 $0x7F, v26  }
0x232: {  	v26 =	vor.u32 v29, v26;
	_ =	sdelay $0x4  }
0x233: {  	[tilespmem:$0x1FDC0] =	vst v27;
	v27 =	vor.u32 $0xD020, v21;
	v26 =	vld.idx.msk [tilespmem:v26+s17+$0x0], $0xffff;
	_ =	sdelay $0x4  }
0x234: {  	[tilespmem:v27+s19+$0x0] =	vst.idx.msk $0xffff, v26  }
0x235: {  	v26 =	vld [tilespmem:$0x1B0];
	_ =	sdelay $0x4  }
0x236: {  	v26 =	vand.u32 $0x7F, v26  }
0x237: {  	v26 =	vor.u32 v31, v26;
	_ =	sdelay $0x4  }
0x238: {  	[tilespmem:$0x1FDD0] =	vst v27;
	v27 =	vor.u32 $0xD820, v21;
	v26 =	vld.idx.msk [tilespmem:v26+s17+$0x0], $0xffff;
	_ =	sdelay $0x4  }
0x239: {  	[tilespmem:v27+s19+$0x0] =	vst.idx.msk $0xffff, v26  }
0x23a: {  	v26 =	vld [tilespmem:$0x1C0];
	_ =	sdelay $0x4  }
0x23b: {  	v26 =	vand.u32 $0x7F, v26  }
0x23c: {  	v26 =	vor.u32 v33, v26;
	_ =	sdelay $0x4  }
0x23d: {  	[tilespmem:$0x1FDE0] =	vst v27;
	v27 =	vor.u32 $0xE020, v21;
	v26 =	vld.idx.msk [tilespmem:v26+s17+$0x0], $0xffff;
	_ =	sdelay $0x4  }
0x23e: {  	[tilespmem:v27+s19+$0x0] =	vst.idx.msk $0xffff, v26  }
0x23f: {  	v26 =	vld [tilespmem:$0x1D0];
	_ =	sdelay $0x4  }
0x240: {  	v26 =	vand.u32 $0x7F, v26  }
0x241: {  	v26 =	vor.u32 v35, v26;
	_ =	sdelay $0x4  }
0x242: {  	v62 =	vor.u32 $0xE820, v21;
	v26 =	vld.idx.msk [tilespmem:v26+s17+$0x0], $0xffff;
	_ =	sdelay $0x4  }
0x243: {  	[tilespmem:v62+s19+$0x0] =	vst.idx.msk $0xffff, v26  }
0x244: {  	v26 =	vld [tilespmem:$0x1E0];
	_ =	sdelay $0x4  }
0x245: {  	v26 =	vand.u32 $0x7F, v26  }
0x246: {  	v26 =	vor.u32 v37, v26;
	_ =	sdelay $0x4  }
0x247: {  	v63 =	vor.u32 $0xF020, v21;
	v26 =	vld.idx.msk [tilespmem:v26+s17+$0x0], $0xffff;
	_ =	sdelay $0x4  }
0x248: {  	[tilespmem:v63+s19+$0x0] =	vst.idx.msk $0xffff, v26  }
0x249: {  	v26 =	vld [tilespmem:$0x1F0];
	_ =	sdelay $0x4  }
0x24a: {  	v26 =	vand.u32 $0x7F, v26  }
0x24b: {  	v26 =	vor.u32 v39, v26;
	_ =	sdelay $0x4  }
0x24c: {  	v28 =	vld.idx.msk [tilespmem:v26+s17+$0x0], $0xffff;
	v26 =	vor.u32 $0xF820, v21;
	_ =	sdelay $0x4  }
0x24d: {  	[tilespmem:v26+s19+$0x0] =	vst.idx.msk $0xffff, v28  }
0x24e: {  	v28 =	vld [tilespmem:$0x200];
	_ =	sdelay $0x4  }
0x24f: {  	[tilespmem:$0x1FDF0] =	vst v27;
	v27 =	vlaneseq.u32;
	v30 =	vshra.s32 v28, $0x1F;
	v32 =	vand.u32 $0x7F, v28  }
0x250: {  	vm12 =	vlt.s32 v28, $0x1;
	v30 =	vshrl.u32 v30, $0x19;
	vm13 =	vne.s32 v32, $0x0  }
0x251: {  	v28 =	vadd.s32 v30, v28;
	vm0 =	vmand vm12, vm13  }
0x252: {  	v28 =	vshra.s32 v28, $0x7;
	v30 =	vsel vm0, $0xFFFFFFFF, v2  }
0x253: {  	v28 =	vadd.s32 v30, v28  }
0x254: {  	[tilespmem:v27+s15+$0x0] =	vst.idx.msk $0xffff, v28  }
0x255: {  	v28 =	vld [tilespmem:$0x210];
	_ =	sdelay $0x4  }
0x256: {  	v30 =	vshra.s32 v28, $0x1F;
	v32 =	vand.u32 $0x7F, v28  }
0x257: {  	vm14 =	vlt.s32 v28, $0x1;
	v30 =	vshrl.u32 v30, $0x19;
	vm15 =	vne.s32 v32, $0x0  }
0x258: {  	v28 =	vadd.s32 v30, v28;
	vm0 =	vmand vm14, vm15  }
0x259: {  	v28 =	vshra.s32 v28, $0x7;
	v30 =	vsel vm0, $0xFFFFFFFF, v2  }
0x25a: {  	v28 =	vadd.s32 v30, v28  }
0x25b: {  	[tilespmem:v19+s15+$0x0] =	vst.idx.msk $0xffff, v28  }
0x25c: {  	v28 =	vld [tilespmem:$0x220];
	_ =	sdelay $0x4  }
0x25d: {  	v30 =	vshra.s32 v28, $0x1F;
	v32 =	vand.u32 $0x7F, v28  }
0x25e: {  	vm4 =	vlt.s32 v28, $0x1;
	v30 =	vshrl.u32 v30, $0x19;
	vm5 =	vne.s32 v32, $0x0  }
0x25f: {  	v28 =	vadd.s32 v30, v28;
	vm0 =	vmand vm4, vm5  }
0x260: {  	v28 =	vshra.s32 v28, $0x7;
	v30 =	vsel vm0, $0xFFFFFFFF, v2  }
0x261: {  	v28 =	vadd.s32 v30, v28  }
0x262: {  	[tilespmem:v20+s15+$0x0] =	vst.idx.msk $0xffff, v28  }
0x263: {  	v28 =	vld [tilespmem:$0x230];
	_ =	sdelay $0x4  }
0x264: {  	v30 =	vshra.s32 v28, $0x1F;
	v32 =	vand.u32 $0x7F, v28  }
0x265: {  	vm6 =	vlt.s32 v28, $0x1;
	v30 =	vshrl.u32 v30, $0x19;
	vm7 =	vne.s32 v32, $0x0  }
0x266: {  	v28 =	vadd.s32 v30, v28;
	vm0 =	vmand vm6, vm7  }
0x267: {  	v28 =	vshra.s32 v28, $0x7;
	v30 =	vsel vm0, $0xFFFFFFFF, v2  }
0x268: {  	v28 =	vadd.s32 v30, v28  }
0x269: {  	[tilespmem:v22+s15+$0x0] =	vst.idx.msk $0xffff, v28  }
0x26a: {  	v28 =	vld [tilespmem:$0x240];
	_ =	sdelay $0x4  }
0x26b: {  	v30 =	vshra.s32 v28, $0x1F;
	v32 =	vand.u32 $0x7F, v28  }
0x26c: {  	vm8 =	vlt.s32 v28, $0x1;
	v30 =	vshrl.u32 v30, $0x19;
	vm9 =	vne.s32 v32, $0x0  }
0x26d: {  	v28 =	vadd.s32 v30, v28;
	vm0 =	vmand vm8, vm9  }
0x26e: {  	v28 =	vshra.s32 v28, $0x7;
	v30 =	vsel vm0, $0xFFFFFFFF, v2  }
0x26f: {  	v28 =	vadd.s32 v30, v28  }
0x270: {  	[tilespmem:v23+s15+$0x0] =	vst.idx.msk $0xffff, v28  }
0x271: {  	v28 =	vld [tilespmem:$0x250];
	_ =	sdelay $0x4  }
0x272: {  	v30 =	vshra.s32 v28, $0x1F;
	v32 =	vand.u32 $0x7F, v28  }
0x273: {  	vm10 =	vlt.s32 v28, $0x1;
	v30 =	vshrl.u32 v30, $0x19;
	vm11 =	vne.s32 v32, $0x0  }
0x274: {  	v28 =	vadd.s32 v30, v28;
	vm0 =	vmand vm10, vm11  }
0x275: {  	v28 =	vshra.s32 v28, $0x7;
	v30 =	vsel vm0, $0xFFFFFFFF, v2  }
0x276: {  	v28 =	vadd.s32 v30, v28  }
0x277: {  	[tilespmem:v24+s15+$0x0] =	vst.idx.msk $0xffff, v28  }
0x278: {  	v28 =	vld [tilespmem:$0x260];
	_ =	sdelay $0x4  }
0x279: {  	v30 =	vshra.s32 v28, $0x1F;
	v32 =	vand.u32 $0x7F, v28  }
0x27a: {  	vm12 =	vlt.s32 v28, $0x1;
	v30 =	vshrl.u32 v30, $0x19;
	vm13 =	vne.s32 v32, $0x0  }
0x27b: {  	v28 =	vadd.s32 v30, v28;
	vm0 =	vmand vm12, vm13  }
0x27c: {  	v28 =	vshra.s32 v28, $0x7;
	v30 =	vsel vm0, $0xFFFFFFFF, v2  }
0x27d: {  	v28 =	vadd.s32 v30, v28  }
0x27e: {  	[tilespmem:v25+s15+$0x0] =	vst.idx.msk $0xffff, v28  }
0x27f: {  	v28 =	vld [tilespmem:$0x270];
	_ =	sdelay $0x4  }
0x280: {  	v30 =	vshra.s32 v28, $0x1F;
	v32 =	vand.u32 $0x7F, v28  }
0x281: {  	vm14 =	vlt.s32 v28, $0x1;
	v30 =	vshrl.u32 v30, $0x19;
	vm15 =	vne.s32 v32, $0x0  }
0x282: {  	v28 =	vadd.s32 v30, v28;
	vm0 =	vmand vm14, vm15  }
0x283: {  	v28 =	vshra.s32 v28, $0x7;
	v30 =	vsel vm0, $0xFFFFFFFF, v2  }
0x284: {  	v28 =	vadd.s32 v30, v28  }
0x285: {  	[tilespmem:v0+s15+$0x0] =	vst.idx.msk $0xffff, v28  }
0x286: {  	[tilespmem:s17], [sflag:$0x2] =	stream.indirect.gather [hbm4b:s4+s16], $0x80, s15, s16, $0xb8;
	[tilespmem:$0x1C480] =	vst v63  }
0x287: {  	_ =	swait.ge [sflag:s18], $0x4000  }
0x288: {  	[sflag:s18] =	ssyncset.done $0x0  }
0x289: {  	[sflag:s18] =	ssyncadd.s32 $0xFFFFC000  }
0x28a: {  	v28 =	vld [tilespmem:$0x200];
	_ =	sdelay $0x4  }
0x28b: {  	v28 =	vand.u32 $0x7F, v28  }
0x28c: {  	v28 =	vor.u32 v21, v28;
	_ =	sdelay $0x4  }
0x28d: {  	v28 =	vld.idx.msk [tilespmem:v28+s17+$0x0], $0xffff;
	_ =	sdelay $0x4  }
0x28e: {  	[tilespmem:v34+s19+$0x0] =	vst.idx.add.f32.msk $0xffff, v28  }
0x28f: {  	v28 =	vld [tilespmem:$0x210];
	_ =	sdelay $0x4  }
0x290: {  	v28 =	vand.u32 $0x7F, v28  }
0x291: {  	v28 =	vor.u32 v18, v28;
	_ =	sdelay $0x4  }
0x292: {  	v28 =	vld.idx.msk [tilespmem:v28+s17+$0x0], $0xffff;
	_ =	sdelay $0x4  }
0x293: {  	[tilespmem:v36+s19+$0x0] =	vst.idx.add.f32.msk $0xffff, v28  }
0x294: {  	v28 =	vld [tilespmem:$0x220];
	_ =	sdelay $0x4  }
0x295: {  	v28 =	vand.u32 $0x7F, v28  }
0x296: {  	v28 =	vor.u32 v29, v28;
	_ =	sdelay $0x4  }
0x297: {  	v28 =	vld.idx.msk [tilespmem:v28+s17+$0x0], $0xffff;
	_ =	sdelay $0x4  }
0x298: {  	[tilespmem:v38+s19+$0x0] =	vst.idx.add.f32.msk $0xffff, v28  }
0x299: {  	v28 =	vld [tilespmem:$0x230];
	_ =	sdelay $0x4  }
0x29a: {  	v28 =	vand.u32 $0x7F, v28  }
0x29b: {  	v28 =	vor.u32 v31, v28;
	_ =	sdelay $0x4  }
0x29c: {  	v28 =	vld.idx.msk [tilespmem:v28+s17+$0x0], $0xffff;
	_ =	sdelay $0x4  }
0x29d: {  	[tilespmem:v40+s19+$0x0] =	vst.idx.add.f32.msk $0xffff, v28  }
0x29e: {  	v28 =	vld [tilespmem:$0x240];
	_ =	sdelay $0x4  }
0x29f: {  	v28 =	vand.u32 $0x7F, v28  }
0x2a0: {  	v28 =	vor.u32 v33, v28;
	_ =	sdelay $0x4  }
0x2a1: {  	v28 =	vld.idx.msk [tilespmem:v28+s17+$0x0], $0xffff;
	_ =	sdelay $0x4  }
0x2a2: {  	[tilespmem:v41+s19+$0x0] =	vst.idx.add.f32.msk $0xffff, v28  }
0x2a3: {  	v28 =	vld [tilespmem:$0x250];
	_ =	sdelay $0x4  }
0x2a4: {  	v28 =	vand.u32 $0x7F, v28  }
0x2a5: {  	v28 =	vor.u32 v35, v28;
	_ =	sdelay $0x4  }
0x2a6: {  	v28 =	vld.idx.msk [tilespmem:v28+s17+$0x0], $0xffff;
	_ =	sdelay $0x4  }
0x2a7: {  	[tilespmem:v42+s19+$0x0] =	vst.idx.add.f32.msk $0xffff, v28  }
0x2a8: {  	v28 =	vld [tilespmem:$0x260];
	_ =	sdelay $0x4  }
0x2a9: {  	v28 =	vand.u32 $0x7F, v28  }
0x2aa: {  	v28 =	vor.u32 v37, v28;
	_ =	sdelay $0x4  }
0x2ab: {  	v28 =	vld.idx.msk [tilespmem:v28+s17+$0x0], $0xffff;
	_ =	sdelay $0x4  }
0x2ac: {  	[tilespmem:v43+s19+$0x0] =	vst.idx.add.f32.msk $0xffff, v28  }
0x2ad: {  	v28 =	vld [tilespmem:$0x270];
	_ =	sdelay $0x4  }
0x2ae: {  	v28 =	vand.u32 $0x7F, v28  }
0x2af: {  	v28 =	vor.u32 v39, v28;
	_ =	sdelay $0x4  }
0x2b0: {  	v28 =	vld.idx.msk [tilespmem:v28+s17+$0x0], $0xffff;
	_ =	sdelay $0x4  }
0x2b1: {  	[tilespmem:v44+s19+$0x0] =	vst.idx.add.f32.msk $0xffff, v28  }
0x2b2: {  	v28 =	vld [tilespmem:$0x280];
	_ =	sdelay $0x4  }
0x2b3: {  	v30 =	vshra.s32 v28, $0x1F;
	v44 =	vand.u32 $0x7F, v28  }
0x2b4: {  	vm4 =	vlt.s32 v28, $0x1;
	v30 =	vshrl.u32 v30, $0x19;
	vm5 =	vne.s32 v44, $0x0  }
0x2b5: {  	v28 =	vadd.s32 v30, v28;
	vm0 =	vmand vm4, vm5  }
0x2b6: {  	v28 =	vshra.s32 v28, $0x7;
	v30 =	vsel vm0, $0xFFFFFFFF, v2  }
0x2b7: {  	v28 =	vadd.s32 v30, v28  }
0x2b8: {  	[tilespmem:v27+s15+$0x0] =	vst.idx.msk $0xffff, v28  }
0x2b9: {  	v28 =	vld [tilespmem:$0x290];
	_ =	sdelay $0x4  }
0x2ba: {  	v30 =	vshra.s32 v28, $0x1F;
	v36 =	vand.u32 $0x7F, v28  }
0x2bb: {  	vm6 =	vlt.s32 v28, $0x1;
	v30 =	vshrl.u32 v30, $0x19;
	vm7 =	vne.s32 v36, $0x0  }
0x2bc: {  	v28 =	vadd.s32 v30, v28;
	vm0 =	vmand vm6, vm7  }
0x2bd: {  	v28 =	vshra.s32 v28, $0x7;
	v30 =	vsel vm0, $0xFFFFFFFF, v2  }
0x2be: {  	v28 =	vadd.s32 v30, v28  }
0x2bf: {  	[tilespmem:v19+s15+$0x0] =	vst.idx.msk $0xffff, v28  }
0x2c0: {  	v28 =	vld [tilespmem:$0x2A0];
	_ =	sdelay $0x4  }
0x2c1: {  	v30 =	vshra.s32 v28, $0x1F;
	v38 =	vand.u32 $0x7F, v28  }
0x2c2: {  	vm8 =	vlt.s32 v28, $0x1;
	v30 =	vshrl.u32 v30, $0x19;
	vm9 =	vne.s32 v38, $0x0  }
0x2c3: {  	v28 =	vadd.s32 v30, v28;
	vm0 =	vmand vm8, vm9  }
0x2c4: {  	v28 =	vshra.s32 v28, $0x7;
	v30 =	vsel vm0, $0xFFFFFFFF, v2  }
0x2c5: {  	v28 =	vadd.s32 v30, v28  }
0x2c6: {  	[tilespmem:v20+s15+$0x0] =	vst.idx.msk $0xffff, v28  }
0x2c7: {  	v28 =	vld [tilespmem:$0x2B0];
	_ =	sdelay $0x4  }
0x2c8: {  	v30 =	vshra.s32 v28, $0x1F;
	v40 =	vand.u32 $0x7F, v28  }
0x2c9: {  	vm10 =	vlt.s32 v28, $0x1;
	v30 =	vshrl.u32 v30, $0x19;
	vm11 =	vne.s32 v40, $0x0  }
0x2ca: {  	v28 =	vadd.s32 v30, v28;
	vm0 =	vmand vm10, vm11  }
0x2cb: {  	v28 =	vshra.s32 v28, $0x7;
	v30 =	vsel vm0, $0xFFFFFFFF, v2  }
0x2cc: {  	v28 =	vadd.s32 v30, v28  }
0x2cd: {  	[tilespmem:v22+s15+$0x0] =	vst.idx.msk $0xffff, v28  }
0x2ce: {  	v28 =	vld [tilespmem:$0x2C0];
	_ =	sdelay $0x4  }
0x2cf: {  	v30 =	vshra.s32 v28, $0x1F;
	v41 =	vand.u32 $0x7F, v28  }
0x2d0: {  	vm12 =	vlt.s32 v28, $0x1;
	v30 =	vshrl.u32 v30, $0x19;
	vm13 =	vne.s32 v41, $0x0  }
0x2d1: {  	v28 =	vadd.s32 v30, v28;
	vm0 =	vmand vm12, vm13  }
0x2d2: {  	v28 =	vshra.s32 v28, $0x7;
	v30 =	vsel vm0, $0xFFFFFFFF, v2  }
0x2d3: {  	v28 =	vadd.s32 v30, v28  }
0x2d4: {  	[tilespmem:v23+s15+$0x0] =	vst.idx.msk $0xffff, v28  }
0x2d5: {  	v28 =	vld [tilespmem:$0x2D0];
	_ =	sdelay $0x4  }
0x2d6: {  	v30 =	vshra.s32 v28, $0x1F;
	v42 =	vand.u32 $0x7F, v28  }
0x2d7: {  	vm14 =	vlt.s32 v28, $0x1;
	v30 =	vshrl.u32 v30, $0x19;
	vm15 =	vne.s32 v42, $0x0  }
0x2d8: {  	v28 =	vadd.s32 v30, v28;
	vm0 =	vmand vm14, vm15  }
0x2d9: {  	v28 =	vshra.s32 v28, $0x7;
	v30 =	vsel vm0, $0xFFFFFFFF, v2  }
0x2da: {  	v28 =	vadd.s32 v30, v28  }
0x2db: {  	[tilespmem:v24+s15+$0x0] =	vst.idx.msk $0xffff, v28  }
0x2dc: {  	v28 =	vld [tilespmem:$0x2E0];
	_ =	sdelay $0x4  }
0x2dd: {  	v30 =	vshra.s32 v28, $0x1F;
	v43 =	vand.u32 $0x7F, v28  }
0x2de: {  	vm4 =	vlt.s32 v28, $0x1;
	v30 =	vshrl.u32 v30, $0x19;
	vm5 =	vne.s32 v43, $0x0  }
0x2df: {  	v28 =	vadd.s32 v30, v28;
	vm0 =	vmand vm4, vm5  }
0x2e0: {  	v28 =	vshra.s32 v28, $0x7;
	v30 =	vsel vm0, $0xFFFFFFFF, v2  }
0x2e1: {  	v28 =	vadd.s32 v30, v28  }
0x2e2: {  	[tilespmem:v25+s15+$0x0] =	vst.idx.msk $0xffff, v28  }
0x2e3: {  	v28 =	vld [tilespmem:$0x2F0];
	_ =	sdelay $0x4  }
0x2e4: {  	v30 =	vshra.s32 v28, $0x1F;
	v44 =	vand.u32 $0x7F, v28  }
0x2e5: {  	vm6 =	vlt.s32 v28, $0x1;
	v30 =	vshrl.u32 v30, $0x19;
	vm7 =	vne.s32 v44, $0x0  }
0x2e6: {  	v28 =	vadd.s32 v30, v28;
	vm0 =	vmand vm6, vm7  }
0x2e7: {  	v28 =	vshra.s32 v28, $0x7;
	v30 =	vsel vm0, $0xFFFFFFFF, v2  }
0x2e8: {  	v28 =	vadd.s32 v30, v28  }
0x2e9: {  	[tilespmem:v0+s15+$0x0] =	vst.idx.msk $0xffff, v28  }
0x2ea: {  	[tilespmem:s17], [sflag:$0x2] =	stream.indirect.gather [hbm4b:s4+s16], $0x80, s15, s16, $0xb8;
	[tilespmem:$0x1C480] =	vst v63  }
0x2eb: {  	_ =	swait.ge [sflag:s18], $0x4000  }
0x2ec: {  	[sflag:s18] =	ssyncset.done $0x0  }
0x2ed: {  	[sflag:s18] =	ssyncadd.s32 $0xFFFFC000  }
0x2ee: {  	v28 =	vld [tilespmem:$0x280];
	_ =	sdelay $0x4  }
0x2ef: {  	v28 =	vand.u32 $0x7F, v28  }
0x2f0: {  	v28 =	vor.u32 v21, v28;
	_ =	sdelay $0x4  }
0x2f1: {  	v28 =	vld.idx.msk [tilespmem:v28+s17+$0x0], $0xffff;
	_ =	sdelay $0x4  }
0x2f2: {  	[tilespmem:v45+s19+$0x0] =	vst.idx.add.f32.msk $0xffff, v28  }
0x2f3: {  	v28 =	vld [tilespmem:$0x290];
	_ =	sdelay $0x4  }
0x2f4: {  	v28 =	vand.u32 $0x7F, v28  }
0x2f5: {  	v28 =	vor.u32 v18, v28;
	_ =	sdelay $0x4  }
0x2f6: {  	v28 =	vld.idx.msk [tilespmem:v28+s17+$0x0], $0xffff;
	_ =	sdelay $0x4  }
0x2f7: {  	[tilespmem:v46+s19+$0x0] =	vst.idx.add.f32.msk $0xffff, v28  }
0x2f8: {  	v28 =	vld [tilespmem:$0x2A0];
	_ =	sdelay $0x4  }
0x2f9: {  	v28 =	vand.u32 $0x7F, v28  }
0x2fa: {  	v28 =	vor.u32 v29, v28;
	_ =	sdelay $0x4  }
0x2fb: {  	v28 =	vld.idx.msk [tilespmem:v28+s17+$0x0], $0xffff;
	_ =	sdelay $0x4  }
0x2fc: {  	[tilespmem:v47+s19+$0x0] =	vst.idx.add.f32.msk $0xffff, v28  }
0x2fd: {  	v28 =	vld [tilespmem:$0x2B0];
	_ =	sdelay $0x4  }
0x2fe: {  	v28 =	vand.u32 $0x7F, v28  }
0x2ff: {  	v28 =	vor.u32 v31, v28;
	_ =	sdelay $0x4  }
0x300: {  	v28 =	vld.idx.msk [tilespmem:v28+s17+$0x0], $0xffff;
	_ =	sdelay $0x4  }
0x301: {  	[tilespmem:v48+s19+$0x0] =	vst.idx.add.f32.msk $0xffff, v28  }
0x302: {  	v28 =	vld [tilespmem:$0x2C0];
	_ =	sdelay $0x4  }
0x303: {  	v28 =	vand.u32 $0x7F, v28  }
0x304: {  	v28 =	vor.u32 v33, v28;
	_ =	sdelay $0x4  }
0x305: {  	v28 =	vld.idx.msk [tilespmem:v28+s17+$0x0], $0xffff;
	_ =	sdelay $0x4  }
0x306: {  	[tilespmem:v49+s19+$0x0] =	vst.idx.add.f32.msk $0xffff, v28  }
0x307: {  	v28 =	vld [tilespmem:$0x2D0];
	_ =	sdelay $0x4  }
0x308: {  	v28 =	vand.u32 $0x7F, v28  }
0x309: {  	v28 =	vor.u32 v35, v28;
	_ =	sdelay $0x4  }
0x30a: {  	v28 =	vld.idx.msk [tilespmem:v28+s17+$0x0], $0xffff;
	_ =	sdelay $0x4  }
0x30b: {  	[tilespmem:v50+s19+$0x0] =	vst.idx.add.f32.msk $0xffff, v28  }
0x30c: {  	v28 =	vld [tilespmem:$0x2E0];
	_ =	sdelay $0x4  }
0x30d: {  	v28 =	vand.u32 $0x7F, v28  }
0x30e: {  	v28 =	vor.u32 v37, v28;
	_ =	sdelay $0x4  }
0x30f: {  	v28 =	vld.idx.msk [tilespmem:v28+s17+$0x0], $0xffff;
	_ =	sdelay $0x4  }
0x310: {  	[tilespmem:v51+s19+$0x0] =	vst.idx.add.f32.msk $0xffff, v28  }
0x311: {  	v28 =	vld [tilespmem:$0x2F0];
	_ =	sdelay $0x4  }
0x312: {  	v28 =	vand.u32 $0x7F, v28  }
0x313: {  	v28 =	vor.u32 v39, v28;
	_ =	sdelay $0x4  }
0x314: {  	v28 =	vld.idx.msk [tilespmem:v28+s17+$0x0], $0xffff;
	_ =	sdelay $0x4  }
0x315: {  	[tilespmem:v52+s19+$0x0] =	vst.idx.add.f32.msk $0xffff, v28  }
0x316: {  	v28 =	vld [tilespmem:$0x300];
	_ =	sdelay $0x4  }
0x317: {  	v34 =	vlaneseq.u32;
	v30 =	vshra.s32 v28, $0x1F;
	v45 =	vand.u32 $0x7F, v28  }
0x318: {  	vm8 =	vlt.s32 v28, $0x1;
	v30 =	vshrl.u32 v30, $0x19;
	vm9 =	vne.s32 v45, $0x0  }
0x319: {  	v28 =	vadd.s32 v30, v28;
	vm0 =	vmand vm8, vm9  }
0x31a: {  	v28 =	vshra.s32 v28, $0x7;
	v30 =	vsel vm0, $0xFFFFFFFF, v2  }
0x31b: {  	v28 =	vadd.s32 v30, v28  }
0x31c: {  	[tilespmem:v34+s15+$0x0] =	vst.idx.msk $0xffff, v28  }
0x31d: {  	v28 =	vld [tilespmem:$0x310];
	_ =	sdelay $0x4  }
0x31e: {  	v30 =	vshra.s32 v28, $0x1F;
	v46 =	vand.u32 $0x7F, v28  }
0x31f: {  	vm10 =	vlt.s32 v28, $0x1;
	v30 =	vshrl.u32 v30, $0x19;
	vm11 =	vne.s32 v46, $0x0  }
0x320: {  	v28 =	vadd.s32 v30, v28;
	vm0 =	vmand vm10, vm11  }
0x321: {  	v28 =	vshra.s32 v28, $0x7;
	v30 =	vsel vm0, $0xFFFFFFFF, v2  }
0x322: {  	v28 =	vadd.s32 v30, v28  }
0x323: {  	[tilespmem:v19+s15+$0x0] =	vst.idx.msk $0xffff, v28  }
0x324: {  	v28 =	vld [tilespmem:$0x320];
	_ =	sdelay $0x4  }
0x325: {  	v30 =	vshra.s32 v28, $0x1F;
	v47 =	vand.u32 $0x7F, v28  }
0x326: {  	vm12 =	vlt.s32 v28, $0x1;
	v30 =	vshrl.u32 v30, $0x19;
	vm13 =	vne.s32 v47, $0x0  }
0x327: {  	v28 =	vadd.s32 v30, v28;
	vm0 =	vmand vm12, vm13  }
0x328: {  	v28 =	vshra.s32 v28, $0x7;
	v30 =	vsel vm0, $0xFFFFFFFF, v2  }
0x329: {  	v28 =	vadd.s32 v30, v28  }
0x32a: {  	[tilespmem:v20+s15+$0x0] =	vst.idx.msk $0xffff, v28  }
0x32b: {  	v28 =	vld [tilespmem:$0x330];
	_ =	sdelay $0x4  }
0x32c: {  	v30 =	vshra.s32 v28, $0x1F;
	v48 =	vand.u32 $0x7F, v28  }
0x32d: {  	vm14 =	vlt.s32 v28, $0x1;
	v30 =	vshrl.u32 v30, $0x19;
	vm15 =	vne.s32 v48, $0x0  }
0x32e: {  	v28 =	vadd.s32 v30, v28;
	vm0 =	vmand vm14, vm15  }
0x32f: {  	v28 =	vshra.s32 v28, $0x7;
	v30 =	vsel vm0, $0xFFFFFFFF, v2  }
0x330: {  	v28 =	vadd.s32 v30, v28  }
0x331: {  	[tilespmem:v22+s15+$0x0] =	vst.idx.msk $0xffff, v28  }
0x332: {  	v28 =	vld [tilespmem:$0x340];
	_ =	sdelay $0x4  }
0x333: {  	v30 =	vshra.s32 v28, $0x1F;
	v49 =	vand.u32 $0x7F, v28  }
0x334: {  	vm4 =	vlt.s32 v28, $0x1;
	v30 =	vshrl.u32 v30, $0x19;
	vm5 =	vne.s32 v49, $0x0  }
0x335: {  	v28 =	vadd.s32 v30, v28;
	vm0 =	vmand vm4, vm5  }
0x336: {  	v28 =	vshra.s32 v28, $0x7;
	v30 =	vsel vm0, $0xFFFFFFFF, v2  }
0x337: {  	v28 =	vadd.s32 v30, v28  }
0x338: {  	[tilespmem:v23+s15+$0x0] =	vst.idx.msk $0xffff, v28  }
0x339: {  	v28 =	vld [tilespmem:$0x350];
	_ =	sdelay $0x4  }
0x33a: {  	v30 =	vshra.s32 v28, $0x1F;
	v50 =	vand.u32 $0x7F, v28  }
0x33b: {  	vm6 =	vlt.s32 v28, $0x1;
	v30 =	vshrl.u32 v30, $0x19;
	vm7 =	vne.s32 v50, $0x0  }
0x33c: {  	v28 =	vadd.s32 v30, v28;
	vm0 =	vmand vm6, vm7  }
0x33d: {  	v28 =	vshra.s32 v28, $0x7;
	v30 =	vsel vm0, $0xFFFFFFFF, v2  }
0x33e: {  	v28 =	vadd.s32 v30, v28  }
0x33f: {  	[tilespmem:v24+s15+$0x0] =	vst.idx.msk $0xffff, v28  }
0x340: {  	v28 =	vld [tilespmem:$0x360];
	_ =	sdelay $0x4  }
0x341: {  	v30 =	vshra.s32 v28, $0x1F;
	v51 =	vand.u32 $0x7F, v28  }
0x342: {  	vm8 =	vlt.s32 v28, $0x1;
	v30 =	vshrl.u32 v30, $0x19;
	vm9 =	vne.s32 v51, $0x0  }
0x343: {  	v28 =	vadd.s32 v30, v28;
	vm0 =	vmand vm8, vm9  }
0x344: {  	v28 =	vshra.s32 v28, $0x7;
	v30 =	vsel vm0, $0xFFFFFFFF, v2  }
0x345: {  	v28 =	vadd.s32 v30, v28  }
0x346: {  	[tilespmem:v25+s15+$0x0] =	vst.idx.msk $0xffff, v28  }
0x347: {  	v28 =	vld [tilespmem:$0x370];
	_ =	sdelay $0x4  }
0x348: {  	v30 =	vshra.s32 v28, $0x1F;
	v52 =	vand.u32 $0x7F, v28  }
0x349: {  	vm10 =	vlt.s32 v28, $0x1;
	v30 =	vshrl.u32 v30, $0x19;
	vm11 =	vne.s32 v52, $0x0  }
0x34a: {  	v28 =	vadd.s32 v30, v28;
	vm0 =	vmand vm10, vm11  }
0x34b: {  	v28 =	vshra.s32 v28, $0x7;
	v30 =	vsel vm0, $0xFFFFFFFF, v2  }
0x34c: {  	v28 =	vadd.s32 v30, v28  }
0x34d: {  	[tilespmem:v0+s15+$0x0] =	vst.idx.msk $0xffff, v28  }
0x34e: {  	[tilespmem:s17], [sflag:$0x2] =	stream.indirect.gather [hbm4b:s4+s16], $0x80, s15, s16, $0xb8;
	[tilespmem:$0x1C480] =	vst v63  }
0x34f: {  	_ =	swait.ge [sflag:s18], $0x4000  }
0x350: {  	[sflag:s18] =	ssyncset.done $0x0  }
0x351: {  	[sflag:s18] =	ssyncadd.s32 $0xFFFFC000  }
0x352: {  	v28 =	vld [tilespmem:$0x300];
	_ =	sdelay $0x4  }
0x353: {  	v28 =	vand.u32 $0x7F, v28  }
0x354: {  	v28 =	vor.u32 v21, v28;
	_ =	sdelay $0x4  }
0x355: {  	v28 =	vld.idx.msk [tilespmem:v28+s17+$0x0], $0xffff;
	_ =	sdelay $0x4  }
0x356: {  	[tilespmem:v53+s19+$0x0] =	vst.idx.add.f32.msk $0xffff, v28  }
0x357: {  	v28 =	vld [tilespmem:$0x310];
	_ =	sdelay $0x4  }
0x358: {  	v28 =	vand.u32 $0x7F, v28  }
0x359: {  	v28 =	vor.u32 v18, v28;
	_ =	sdelay $0x4  }
0x35a: {  	v28 =	vld.idx.msk [tilespmem:v28+s17+$0x0], $0xffff;
	_ =	sdelay $0x4  }
0x35b: {  	[tilespmem:v54+s19+$0x0] =	vst.idx.add.f32.msk $0xffff, v28  }
0x35c: {  	v28 =	vld [tilespmem:$0x320];
	_ =	sdelay $0x4  }
0x35d: {  	v28 =	vand.u32 $0x7F, v28  }
0x35e: {  	v28 =	vor.u32 v29, v28;
	_ =	sdelay $0x4  }
0x35f: {  	v28 =	vld.idx.msk [tilespmem:v28+s17+$0x0], $0xffff;
	_ =	sdelay $0x4  }
0x360: {  	[tilespmem:v55+s19+$0x0] =	vst.idx.add.f32.msk $0xffff, v28  }
0x361: {  	v28 =	vld [tilespmem:$0x330];
	_ =	sdelay $0x4  }
0x362: {  	v28 =	vand.u32 $0x7F, v28  }
0x363: {  	v28 =	vor.u32 v31, v28;
	_ =	sdelay $0x4  }
0x364: {  	v28 =	vld.idx.msk [tilespmem:v28+s17+$0x0], $0xffff;
	_ =	sdelay $0x4  }
0x365: {  	[tilespmem:v56+s19+$0x0] =	vst.idx.add.f32.msk $0xffff, v28  }
0x366: {  	v28 =	vld [tilespmem:$0x340];
	_ =	sdelay $0x4  }
0x367: {  	v28 =	vand.u32 $0x7F, v28  }
0x368: {  	v28 =	vor.u32 v33, v28;
	_ =	sdelay $0x4  }
0x369: {  	v28 =	vld.idx.msk [tilespmem:v28+s17+$0x0], $0xffff;
	_ =	sdelay $0x4  }
0x36a: {  	[tilespmem:v57+s19+$0x0] =	vst.idx.add.f32.msk $0xffff, v28  }
0x36b: {  	v28 =	vld [tilespmem:$0x350];
	_ =	sdelay $0x4  }
0x36c: {  	v28 =	vand.u32 $0x7F, v28  }
0x36d: {  	v28 =	vor.u32 v35, v28;
	_ =	sdelay $0x4  }
0x36e: {  	v28 =	vld.idx.msk [tilespmem:v28+s17+$0x0], $0xffff;
	_ =	sdelay $0x4  }
0x36f: {  	[tilespmem:v58+s19+$0x0] =	vst.idx.add.f32.msk $0xffff, v28  }
0x370: {  	v28 =	vld [tilespmem:$0x360];
	_ =	sdelay $0x4  }
0x371: {  	v28 =	vand.u32 $0x7F, v28  }
0x372: {  	v28 =	vor.u32 v37, v28;
	_ =	sdelay $0x4  }
0x373: {  	v28 =	vld.idx.msk [tilespmem:v28+s17+$0x0], $0xffff;
	_ =	sdelay $0x4  }
0x374: {  	[tilespmem:v61+s19+$0x0] =	vst.idx.add.f32.msk $0xffff, v28  }
0x375: {  	v28 =	vld [tilespmem:$0x370];
	_ =	sdelay $0x4  }
0x376: {  	v28 =	vand.u32 $0x7F, v28  }
0x377: {  	v28 =	vor.u32 v39, v28;
	_ =	sdelay $0x4  }
0x378: {  	v28 =	vld.idx.msk [tilespmem:v28+s17+$0x0], $0xffff;
	_ =	sdelay $0x4  }
0x379: {  	[tilespmem:v59+s19+$0x0] =	vst.idx.add.f32.msk $0xffff, v28  }
0x37a: {  	v28 =	vld [tilespmem:$0x380];
	_ =	sdelay $0x4  }
0x37b: {  	v30 =	vshra.s32 v28, $0x1F;
	v53 =	vand.u32 $0x7F, v28  }
0x37c: {  	vm12 =	vlt.s32 v28, $0x1;
	v30 =	vshrl.u32 v30, $0x19;
	vm13 =	vne.s32 v53, $0x0  }
0x37d: {  	v28 =	vadd.s32 v30, v28;
	vm0 =	vmand vm12, vm13  }
0x37e: {  	v28 =	vshra.s32 v28, $0x7;
	v30 =	vsel vm0, $0xFFFFFFFF, v2  }
0x37f: {  	v28 =	vadd.s32 v30, v28  }
0x380: {  	[tilespmem:v34+s15+$0x0] =	vst.idx.msk $0xffff, v28  }
0x381: {  	v28 =	vld [tilespmem:$0x390];
	_ =	sdelay $0x4  }
0x382: {  	v30 =	vshra.s32 v28, $0x1F;
	v54 =	vand.u32 $0x7F, v28  }
0x383: {  	vm14 =	vlt.s32 v28, $0x1;
	v30 =	vshrl.u32 v30, $0x19;
	vm15 =	vne.s32 v54, $0x0  }
0x384: {  	v28 =	vadd.s32 v30, v28;
	vm0 =	vmand vm14, vm15  }
0x385: {  	v28 =	vshra.s32 v28, $0x7;
	v30 =	vsel vm0, $0xFFFFFFFF, v2  }
0x386: {  	v28 =	vadd.s32 v30, v28  }
0x387: {  	[tilespmem:v19+s15+$0x0] =	vst.idx.msk $0xffff, v28  }
0x388: {  	v28 =	vld [tilespmem:$0x3A0];
	_ =	sdelay $0x4  }
0x389: {  	v30 =	vshra.s32 v28, $0x1F;
	v55 =	vand.u32 $0x7F, v28  }
0x38a: {  	vm4 =	vlt.s32 v28, $0x1;
	v30 =	vshrl.u32 v30, $0x19;
	vm5 =	vne.s32 v55, $0x0  }
0x38b: {  	v28 =	vadd.s32 v30, v28;
	vm0 =	vmand vm4, vm5  }
0x38c: {  	v28 =	vshra.s32 v28, $0x7;
	v30 =	vsel vm0, $0xFFFFFFFF, v2  }
0x38d: {  	v28 =	vadd.s32 v30, v28  }
0x38e: {  	[tilespmem:v20+s15+$0x0] =	vst.idx.msk $0xffff, v28  }
0x38f: {  	v28 =	vld [tilespmem:$0x3B0];
	_ =	sdelay $0x4  }
0x390: {  	v30 =	vshra.s32 v28, $0x1F;
	v56 =	vand.u32 $0x7F, v28  }
0x391: {  	vm6 =	vlt.s32 v28, $0x1;
	v30 =	vshrl.u32 v30, $0x19;
	vm7 =	vne.s32 v56, $0x0  }
0x392: {  	v28 =	vadd.s32 v30, v28;
	vm0 =	vmand vm6, vm7  }
0x393: {  	v28 =	vshra.s32 v28, $0x7;
	v30 =	vsel vm0, $0xFFFFFFFF, v2  }
0x394: {  	v28 =	vadd.s32 v30, v28  }
0x395: {  	[tilespmem:v22+s15+$0x0] =	vst.idx.msk $0xffff, v28  }
0x396: {  	v28 =	vld [tilespmem:$0x3C0];
	_ =	sdelay $0x4  }
0x397: {  	v30 =	vshra.s32 v28, $0x1F;
	v57 =	vand.u32 $0x7F, v28  }
0x398: {  	vm8 =	vlt.s32 v28, $0x1;
	v30 =	vshrl.u32 v30, $0x19;
	vm9 =	vne.s32 v57, $0x0  }
0x399: {  	v28 =	vadd.s32 v30, v28;
	vm0 =	vmand vm8, vm9  }
0x39a: {  	v28 =	vshra.s32 v28, $0x7;
	v30 =	vsel vm0, $0xFFFFFFFF, v2  }
0x39b: {  	v28 =	vadd.s32 v30, v28  }
0x39c: {  	[tilespmem:v23+s15+$0x0] =	vst.idx.msk $0xffff, v28  }
0x39d: {  	v28 =	vld [tilespmem:$0x3D0];
	_ =	sdelay $0x4  }
0x39e: {  	v30 =	vshra.s32 v28, $0x1F;
	v58 =	vand.u32 $0x7F, v28  }
0x39f: {  	vm10 =	vlt.s32 v28, $0x1;
	v30 =	vshrl.u32 v30, $0x19;
	vm11 =	vne.s32 v58, $0x0  }
0x3a0: {  	v28 =	vadd.s32 v30, v28;
	vm0 =	vmand vm10, vm11  }
0x3a1: {  	v28 =	vshra.s32 v28, $0x7;
	v30 =	vsel vm0, $0xFFFFFFFF, v2  }
0x3a2: {  	v28 =	vadd.s32 v30, v28  }
0x3a3: {  	[tilespmem:v24+s15+$0x0] =	vst.idx.msk $0xffff, v28  }
0x3a4: {  	v28 =	vld [tilespmem:$0x3E0];
	_ =	sdelay $0x4  }
0x3a5: {  	v30 =	vshra.s32 v28, $0x1F;
	v59 =	vand.u32 $0x7F, v28  }
0x3a6: {  	vm12 =	vlt.s32 v28, $0x1;
	v30 =	vshrl.u32 v30, $0x19;
	vm13 =	vne.s32 v59, $0x0  }
0x3a7: {  	v28 =	vadd.s32 v30, v28;
	vm0 =	vmand vm12, vm13  }
0x3a8: {  	v28 =	vshra.s32 v28, $0x7;
	v30 =	vsel vm0, $0xFFFFFFFF, v2  }
0x3a9: {  	v28 =	vadd.s32 v30, v28  }
0x3aa: {  	[tilespmem:v25+s15+$0x0] =	vst.idx.msk $0xffff, v28  }
0x3ab: {  	v28 =	vld [tilespmem:$0x3F0];
	_ =	sdelay $0x4  }
0x3ac: {  	v30 =	vshra.s32 v28, $0x1F;
	v61 =	vand.u32 $0x7F, v28  }
0x3ad: {  	vm15 =	vlt.s32 v28, $0x1;
	vm14 =	vne.s32 v61, $0x0;
	v30 =	vshrl.u32 v30, $0x19  }
0x3ae: {  	v28 =	vadd.s32 v30, v28;
	vm0 =	vmand vm15, vm14  }
0x3af: {  	v28 =	vshra.s32 v28, $0x7;
	v30 =	vsel vm0, $0xFFFFFFFF, v2  }
0x3b0: {  	v28 =	vadd.s32 v30, v28  }
0x3b1: {  	[tilespmem:v0+s15+$0x0] =	vst.idx.msk $0xffff, v28  }
0x3b2: {  	[tilespmem:s17], [sflag:$0x2] =	stream.indirect.gather [hbm4b:s4+s16], $0x80, s15, s16, $0xb8;
	[tilespmem:$0x1C480] =	vst v63  }
0x3b3: {  	_ =	swait.ge [sflag:s18], $0x4000  }
0x3b4: {  	[sflag:s18] =	ssyncset.done $0x0  }
0x3b5: {  	[sflag:s18] =	ssyncadd.s32 $0xFFFFC000  }
0x3b6: {  	v28 =	vld [tilespmem:$0x380];
	_ =	sdelay $0x4  }
0x3b7: {  	v28 =	vand.u32 $0x7F, v28  }
0x3b8: {  	v28 =	vor.u32 v21, v28;
	_ =	sdelay $0x4  }
0x3b9: {  	v28 =	vld.idx.msk [tilespmem:v28+s17+$0x0], $0xffff;
	_ =	sdelay $0x4  }
0x3ba: {  	[tilespmem:v60+s19+$0x0] =	vst.idx.add.f32.msk $0xffff, v28  }
0x3bb: {  	v28 =	vld [tilespmem:$0x390];
	_ =	sdelay $0x4  }
0x3bc: {  	v28 =	vand.u32 $0x7F, v28  }
0x3bd: {  	v28 =	vor.u32 v18, v28;
	_ =	sdelay $0x1  }
0x3be: {  	v0 =	vld [tilespmem:$0x1FDC0];
	_ =	sdelay $0x2  }
0x3bf: {  	v28 =	vld.idx.msk [tilespmem:v28+s17+$0x0], $0xffff;
	_ =	sdelay $0x4  }
0x3c0: {  	[tilespmem:v0+s19+$0x0] =	vst.idx.add.f32.msk $0xffff, v28  }
0x3c1: {  	v28 =	vld [tilespmem:$0x3A0];
	_ =	sdelay $0x4  }
0x3c2: {  	v28 =	vand.u32 $0x7F, v28  }
0x3c3: {  	v28 =	vor.u32 v29, v28;
	_ =	sdelay $0x1  }
0x3c4: {  	v0 =	vld [tilespmem:$0x1FDD0];
	_ =	sdelay $0x2  }
0x3c5: {  	v28 =	vld.idx.msk [tilespmem:v28+s17+$0x0], $0xffff;
	_ =	sdelay $0x4  }
0x3c6: {  	[tilespmem:v0+s19+$0x0] =	vst.idx.add.f32.msk $0xffff, v28  }
0x3c7: {  	v28 =	vld [tilespmem:$0x3B0];
	_ =	sdelay $0x4  }
0x3c8: {  	v28 =	vand.u32 $0x7F, v28  }
0x3c9: {  	v28 =	vor.u32 v31, v28;
	_ =	sdelay $0x1  }
0x3ca: {  	v0 =	vld [tilespmem:$0x1FDE0];
	_ =	sdelay $0x2  }
0x3cb: {  	v28 =	vld.idx.msk [tilespmem:v28+s17+$0x0], $0xffff;
	_ =	sdelay $0x4  }
0x3cc: {  	[tilespmem:v0+s19+$0x0] =	vst.idx.add.f32.msk $0xffff, v28  }
0x3cd: {  	v28 =	vld [tilespmem:$0x3C0];
	_ =	sdelay $0x4  }
0x3ce: {  	v28 =	vand.u32 $0x7F, v28  }
0x3cf: {  	v28 =	vor.u32 v33, v28;
	_ =	sdelay $0x1  }
0x3d0: {  	v0 =	vld [tilespmem:$0x1FDF0];
	_ =	sdelay $0x2  }
0x3d1: {  	v28 =	vld.idx.msk [tilespmem:v28+s17+$0x0], $0xffff;
	_ =	sdelay $0x4  }
0x3d2: {  	[tilespmem:v0+s19+$0x0] =	vst.idx.add.f32.msk $0xffff, v28  }
0x3d3: {  	v28 =	vld [tilespmem:$0x3D0];
	_ =	sdelay $0x4  }
0x3d4: {  	v28 =	vand.u32 $0x7F, v28  }
0x3d5: {  	v28 =	vor.u32 v35, v28;
	_ =	sdelay $0x4  }
0x3d6: {  	v28 =	vld.idx.msk [tilespmem:v28+s17+$0x0], $0xffff;
	_ =	sdelay $0x4  }
0x3d7: {  	[tilespmem:v62+s19+$0x0] =	vst.idx.add.f32.msk $0xffff, v28  }
0x3d8: {  	v28 =	vld [tilespmem:$0x3E0];
	_ =	sdelay $0x4  }
0x3d9: {  	v28 =	vand.u32 $0x7F, v28  }
0x3da: {  	v28 =	vor.u32 v37, v28;
	_ =	sdelay $0x4  }
0x3db: {  	v28 =	vld.idx.msk [tilespmem:v28+s17+$0x0], $0xffff;
	_ =	sdelay $0x4  }
0x3dc: {  	[tilespmem:v63+s19+$0x0] =	vst.idx.add.f32.msk $0xffff, v28  }
0x3dd: {  	v28 =	vld [tilespmem:$0x3F0];
	_ =	sdelay $0x4  }
0x3de: {  	v28 =	vand.u32 $0x7F, v28  }
0x3df: {  	v28 =	vor.u32 v39, v28;
	_ =	sdelay $0x4  }
0x3e0: {  	v28 =	vld.idx.msk [tilespmem:v28+s17+$0x0], $0xffff;
	_ =	sdelay $0x4  }
0x3e1: {  	[tilespmem:v26+s19+$0x0] =	vst.idx.add.f32.msk $0xffff, v28  }
0x3e2: {  	_ =	swait.ge [sflag:s20], $0x2000  }
0x3e3: {  	[sflag:s20] =	ssyncset.done $0x0  }
0x3e4: {  	[sflag:s20] =	ssyncadd.s32 $0xFFFFE000  }
0x3e5: {  	_ =	swait.ge [sflag:s20], $0x2000  }
0x3e6: {  	[sflag:s20] =	ssyncset.done $0x0  }
0x3e7: {  	s22 =	simm.s32 $0x0;
	[sflag:s20] =	ssyncadd.s32 $0xFFFFE000  }
0x3e8: {  	v26 =	vld [tilespmem:s22+$0x4400]  }
0x3e9: {  	v28 =	vld [tilespmem:s22+$0x6400];
	_ =	sdelay $0x4  }
0x3ea: {  	v30 =	vmul.f32 v26, v26;
	v63 =	vmul.f32 v28, v28  }
0x3eb: {  	v26 =	vadd.f32 v28, v26  }
0x3ec: {  	s22 =	simm.s32 $0xC490;
	v28 =	vadd.f32 v63, v30  }
0x3ed: {  	[tilespmem:s22+$0xFFFFFFF0] =	vst v26  }
0x3ee: {  	s24 =	simm.s32 $0x10;
	[tilespmem:s22+$0x0] =	vst v28  }
0x3ef: {  	s23 =	simm.s32 $0x80;
	v26 =	vld [tilespmem:s24+$0x4400]  }
.LBB2_4:
0x3f0: {  	p0 =	sne.s32 s23, $0x7FC0;
	v28 =	vld [tilespmem:s24+$0x6400];
	_ =	sdelay $0x4  }
0x3f1: {  	v30 =	vadd.f32 v28, v26;
	v26 =	vmul.f32 v26, v26;
	v28 =	vmul.f32 v28, v28  }
.Ltmp1:
0x3f2: {  	s22 =	sadd.s32 $0x80, s22;
	(pc) =	sbr.rel @p0 .LBB2_4-.Ltmp1, $3  }
0x3f3: {  	[tilespmem:s22+$0xFFFFFFF0] =	vst v30;
	v26 =	vadd.f32 v28, v26;
	_ =	sdelay $0x1  }
0x3f4: {  	s24 =	sshra.s32 s23, $0x2;
	[tilespmem:s22+$0x0] =	vst v26  }
0x3f5: {  	s23 =	sadd.s32 $0x40, s23;
	v26 =	vld [tilespmem:s24+$0x4400]  }
0x3f6: {  	v28 =	vld [tilespmem:s24+$0x6400];
	_ =	sdelay $0x4  }
0x3f7: {  	v30 =	vmul.f32 v26, v26;
	v32 =	vmul.f32 v28, v28  }
0x3f8: {  	v63 =	vadd.f32 v28, v26  }
0x3f9: {  	s22 =	sadd.s32 $0x80, s22;
	s21 =	sadd.s32 $0x1, s21;
	v28 =	vadd.f32 v32, v30  }
0x3fa: {  	p0 =	sne.s32 s21, s8;
	[tilespmem:s22+$0xFFFFFFF0] =	vst v63  }
.Ltmp2:
0x3fb: {  	[tilespmem:s22+$0x0] =	vst v28;
	(pc) =	sbr.rel @p0 .LBB2_1-.Ltmp2, $4  }
0x3fc: {  	[hbm4b:s7+s3] =	stream.linear.scatter [tilespmem:s19], [sflag:$0x3], $0x10000, $0x38;
	[tilespmem:$0x1C480] =	vst v63  }
0x3fd: {  	_ =	swait.ge [sflag:s9], $0x10000  }
0x3fe: {  	[sflag:s9] =	ssyncset.done $0x0  }
0x3ff: {  	[sflag:s9] =	ssyncadd.s32 $0xFFFF0000  }
0x400: {  	_ =	sfence.sel $0x180000  }
0x401: {  	[bflag:$0x0] =	sbarrier.arrive $0xFFFF  }
0x402: {  	p0 =	sne.s32 s2, $0x0;
	_ =	strace $0x90000047  }
0x403: {  	s0 =	sadd.s32 @!p0 $0x100000, s0;
	[bflag:$0x2] =	sbarrier.arrive $0xFFFF  }
0x404: {  	[sflag:s0] =	ssyncadd.tile.s32 @!p0 $0x1;
	_ =	shalt  }
.Lfunc_end2:
_tile_overlayer_lowered:
.L_overlay_start_2:
0x405: {  	(tag) =	ssettag $0x2  }
0x406: {  	s0 =	rddreg [dreg:$0x0];
	s2 =	stileid.u32  }
0x407: {  	s1 =	rddreg [dreg:$0x1];
	p0 =	sne.s32 s2, $0x0  }
0x408: {  	s3 =	rddreg [dreg:$0x2];
	[bflag:$0x3] =	sbarrier.arrive $0xFFFF;
	s2 =	simm.s32 @!p0 $0x1C03  }
0x409: {  	[timem:s3], [sflag:s2] =	dma.local @!p0 [hbm:s0], s1  }
0x40a: {  	s0 =	simm.s32 @!p0 $0x3  }
0x40b: {  	_ =	swait.ge @!p0 [sflag:s0], s1  }
0x40c: {  	s1 =	ssub.s32 @!p0 $0x0, s1;
	[sflag:s0] =	ssyncset.done @!p0 $0x0  }
0x40d: {  	[sflag:s0] =	ssyncadd.s32 @!p0 s1  }
0x40e: {  	[bflag:$0x3] =	sbarrier.arrive $0xFFFF  }
0x40f: {  	_ =	shalt  }

</sc_bundles>
